<compile_context>
chip_gen: v7x
topology: tpu7x:2x2x1
jax: 0.10.2.dev20260603
libtpu: 0.0.44.dev20260713+nightly
codegen_flags: <defaults>
</compile_context>

<pallas_src>
import functools

import jax
import jax.numpy as jnp
from jax import lax
from jax.experimental import pallas as pl
from jax.experimental.pallas import tpu as pltpu
from jax.experimental.pallas import tpu_sc as plsc

N_TOTAL = 64 * 512 * 512
ROWS, COLS = 32768, 512
GRID_L = 32
BLK3 = (2, 512, 512)
BLK_L = 1024
GRID = 32
BLK_ROWS = 1024

NBINS = 65536
HIST_R, HIST_C = 512, 128

NW = 32
ROWS_W = ROWS // NW
CHUNK_R = 32
CHUNKS = ROWS_W // CHUNK_R


def _loss_body(x_ref, t_ref, m_ref, loss_ref, n_ref):
    @pl.when(pl.program_id(0) == 0)
    def _():
        n_ref[0, 0] = 0

    d = x_ref[...] - t_ref[...]
    ad = jnp.abs(d)
    sl1 = jnp.where(ad < 1.0, 0.5 * d * d, ad - 0.5)
    m = m_ref[...] != 0
    bits = lax.bitcast_convert_type(jnp.where(m, sl1, 0.0), jnp.int32)
    loss_ref[...] = bits.reshape(BLK_L, COLS)
    n_ref[0, 0] += jnp.sum(m.astype(jnp.int32))


def _loss_pass(x, t, m):
    return pl.pallas_call(
        _loss_body,
        grid=(GRID_L,),
        in_specs=[
            pl.BlockSpec(BLK3, lambda i: (i, 0, 0)),
            pl.BlockSpec(BLK3, lambda i: (i, 0, 0)),
            pl.BlockSpec(BLK3, lambda i: (i, 0, 0)),
        ],
        out_specs=[
            pl.BlockSpec((BLK_L, COLS), lambda i: (i, 0)),
            pl.BlockSpec((1, 1), lambda i: (0, 0), memory_space=pltpu.SMEM),
        ],
        out_shape=[
            jax.ShapeDtypeStruct((ROWS, COLS), jnp.int32),
            jax.ShapeDtypeStruct((1, 1), jnp.int32),
        ],
    )(x, t, m.view(jnp.int8))


def _hist_sc_body(loss_hbm, out_hbm, hist, buf0, buf1, sem0, sem1):
    wid = lax.axis_index("s") * 2 + lax.axis_index("c")
    row0 = wid * ROWS_W

    zeros16 = jnp.zeros((16,), jnp.int32)

    def zbody(i, carry):
        hist[pl.ds(i * 16, 16)] = zeros16
        return carry

    lax.fori_loop(0, NBINS // 16, zbody, 0)

    ones16 = jnp.ones((16,), jnp.int32)
    shift16 = jnp.full((16,), 16, jnp.int32)
    mask16 = jnp.full((16,), 0xFFF8, jnp.int32)
    lane3 = jnp.bitwise_and(lax.iota(jnp.int32, 16), 7)

    def chunk_at(c):
        return loss_hbm.at[pl.ds(row0 + c * CHUNK_R, CHUNK_R)]

    def process(buf):
        @plsc.parallel_loop(0, CHUNK_R, unroll=4)
        def rbody(r):
            for u in range(COLS // 16):
                bits = buf[r, pl.ds(u * 16, 16)]
                addr = jnp.bitwise_or(
                    jnp.bitwise_and(lax.shift_right_logical(bits, shift16),
                                    mask16),
                    lane3)
                plsc.addupdate_scatter(hist, [addr], ones16)

    pltpu.async_copy(chunk_at(0), buf0, sem0)

    def cbody(i, carry):
        c = 2 * i
        pltpu.async_copy(chunk_at(c + 1), buf1, sem1)
        pltpu.make_async_copy(chunk_at(c), buf0, sem0).wait()
        process(buf0)

        @pl.when(c + 2 < CHUNKS)
        def _():
            pltpu.async_copy(chunk_at(c + 2), buf0, sem0)

        pltpu.make_async_copy(chunk_at(c + 1), buf1, sem1).wait()
        process(buf1)
        return carry

    lax.fori_loop(0, CHUNKS // 2, cbody, 0)

    pltpu.sync_copy(hist, out_hbm.at[wid])


def _hist_pass(loss2d):
    mesh = plsc.VectorSubcoreMesh(core_axis_name="c", subcore_axis_name="s")
    kern = pl.kernel(
        _hist_sc_body,
        out_type=jax.ShapeDtypeStruct((NW, NBINS), jnp.int32),
        mesh=mesh,
        compiler_params=pltpu.CompilerParams(
            needs_layout_passes=False, use_tc_tiling_on_sc=True),
        scratch_types=[
            pltpu.VMEM((NBINS,), jnp.int32),
            pltpu.VMEM((CHUNK_R, COLS), jnp.int32),
            pltpu.VMEM((CHUNK_R, COLS), jnp.int32),
            pltpu.SemaphoreType.DMA,
            pltpu.SemaphoreType.DMA,
        ],
    )
    return kern(loss2d)


def _final_body(hist_ref, n_ref, loss_ref, out_ref, s_ref, f_ref):
    i = pl.program_id(0)

    @pl.when(i == 0)
    def _():
        cnt = jnp.sum(hist_ref[...], axis=0).astype(jnp.int32)
        n = n_ref[0, 0]
        k = (6 * n) // 10

        binid = (lax.broadcasted_iota(jnp.int32, (HIST_R, HIST_C), 0) * HIST_C
                 + lax.broadcasted_iota(jnp.int32, (HIST_R, HIST_C), 1))

        def bs_body(_, lo_hi):
            lo, hi = lo_hi
            mid = (lo + hi) // 2
            s_mid = jnp.sum(jnp.where(binid >= mid * 8, cnt, 0))
            return jnp.where(s_mid >= k, mid, lo), jnp.where(s_mid >= k, hi, mid)

        sel, _ = lax.fori_loop(0, 13, bs_body,
                               (jnp.int32(0), jnp.int32(NBINS // 8)))
        c_hi = jnp.sum(jnp.where(binid >= (sel + 1) * 8, cnt, 0))
        m = jnp.sum(jnp.where(binid >= sel * 8, cnt, 0)) - c_hi

        s_ref[0] = sel
        s_ref[1] = c_hi
        s_ref[2] = m
        s_ref[3] = k
        f_ref[0] = 0.0
        f_ref[1] = 0.0

    sel = s_ref[0]
    bits = loss_ref[...]
    loss = lax.bitcast_convert_type(bits, jnp.float32)
    bins = lax.shift_right_logical(bits, 19)
    f_ref[0] += jnp.sum(jnp.where(bins > sel, loss, 0.0))
    f_ref[1] += jnp.sum(jnp.where(bins == sel, loss, 0.0))

    @pl.when(i == pl.num_programs(0) - 1)
    def _():
        c_hi, m, k = s_ref[1], s_ref[2], s_ref[3]
        r = jnp.clip(k - c_hi, 0, m)
        mean_in = jnp.where(m > 0, f_ref[1] / m.astype(jnp.float32), 0.0)
        out_ref[0, 0] = ((f_ref[0] + r.astype(jnp.float32) * mean_in)
                         / k.astype(jnp.float32))


def _final_pass(hist, n, loss2d):
    hist3 = hist.reshape(NW, HIST_R, HIST_C)
    return pl.pallas_call(
        _final_body,
        grid=(GRID,),
        in_specs=[
            pl.BlockSpec((NW, HIST_R, HIST_C), lambda i: (0, 0, 0)),
            pl.BlockSpec((1, 1), lambda i: (0, 0), memory_space=pltpu.SMEM),
            pl.BlockSpec((BLK_ROWS, COLS), lambda i: (i, 0)),
        ],
        out_specs=pl.BlockSpec((1, 1), lambda i: (0, 0), memory_space=pltpu.SMEM),
        out_shape=jax.ShapeDtypeStruct((1, 1), jnp.float32),
        scratch_shapes=[
            pltpu.SMEM((4,), jnp.int32),
            pltpu.SMEM((2,), jnp.float32),
        ],
    )(hist3, n, loss2d)


def kernel(inputs, targets, mask):
    loss, n = _loss_pass(inputs, targets, mask)
    hist = _hist_pass(loss)
    out = _final_pass(hist, n, loss)
    return out.reshape(())

# --- scband reference (transcript-rebuilt; emitter-appended) ---
"""Pipeline reference for scband-sl1-loss-14611478741188 (READ-ONLY COPY).

The authoritative reference and input builder live on the scoring server;
editing this copy changes nothing except your own understanding.
"""

import jax, jax.numpy as jnp
import numpy as np

TOPK = 0.6

def setup_inputs(seed: int = 0) -> dict:
    key = jax.random.key(seed)
    k1, k2, k3 = jax.random.split(key, 3)
    inputs = jax.random.normal(k1, (64, 512, 512), dtype=jnp.float32)
    targets = jax.random.normal(k2, (64, 512, 512), dtype=jnp.float32)
    mask = jax.random.randint(k3, (64, 512, 512), 0, 2).astype(jnp.bool_)
    return {"inputs": inputs, "targets": targets, "mask": mask}

def _smooth_l1(d):
    ad = jnp.abs(d)
    return jnp.where(ad < 1.0, 0.5 * d * d, ad - 0.5)

def reference(inputs, targets, mask):
    mflat = mask.reshape(-1)
    x = inputs.reshape(-1)
    t = targets.reshape(-1)
    loss = _smooth_l1(x - t)
    loss = jnp.where(mflat, loss, -jnp.inf)
    sorted_loss = jnp.sort(loss)[::-1]
    n = jnp.sum(mflat.astype(jnp.int32))
    # OHEM: keep top-k hardest samples
    num_hard = (int(TOPK * 10) * n) // 10
    keep = jnp.arange(sorted_loss.size, dtype=jnp.int32) < num_hard
    top_sum = jnp.sum(jnp.where(keep, sorted_loss, jnp.zeros_like(sorted_loss)))
    return top_sum / num_hard.astype(sorted_loss.dtype)

if __name__ == "__main__":
    import jax
    _d = setup_inputs()
    print(jax.jit(kernel)(*tuple(_d.values())))

</pallas_src>

<mosaic_0001>
#map = affine_map<(d0, d1) -> (0, 0)>
module attributes {stable_mosaic.version = 14 : i64} {
  func.func @_hist_sc_body(%arg0: i32, %arg1: i32, %arg2: memref<32768x512xi32, #tpu.memory_space<hbm>>, %arg3: memref<32x65536xi32, #tpu.memory_space<hbm>>, %arg4: memref<65536xi32, #tpu.memory_space<vmem>>, %arg5: memref<32x512xi32, #tpu.memory_space<vmem>>, %arg6: memref<32x512xi32, #tpu.memory_space<vmem>>, %arg7: memref<!tpu.dma_semaphore, #tpu.memory_space<semaphore_mem>>, %arg8: memref<!tpu.dma_semaphore, #tpu.memory_space<semaphore_mem>>) attributes {dimension_semantics = [#tpu.dimension_semantics<core_parallel>, #tpu.dimension_semantics<subcore_parallel>], iteration_bounds = array<i64: 2, 16>, scalar_prefetch = 0 : i64, scratch_operands = 5 : i64, tpu.core_type = #tpu.core_type<sc_vector_subcore>, window_params = [{transform_indices = #map}, {transform_indices = #map}]} {
    %mul3A = arith.constant 2 : i32
    %mul3A_0 = arith.muli %arg1, %mul3A : i32
    %add3A = arith.addi %mul3A_0, %arg0 : i32
    %mul3A_1 = arith.constant 1024 : i32
    %mul3A_2 = arith.muli %add3A, %mul3A_1 : i32
    %broadcast_in_dim3A = arith.constant 0 : i32
    %broadcast_in_dim3A_3 = vector.broadcast %broadcast_in_dim3A : i32 to vector<16xi32>
    %scan3A = arith.constant 0 : i32
    %scan3A_4 = arith.constant 0 : i32
    %scan3A_5 = arith.constant 4096 : i32
    %scan3A_6 = arith.addi %scan3A_4, %scan3A_5 : i32
    %scan3A_7 = arith.constant 1 : i32
    scf.for %scan3A_28 = %scan3A_4 to %scan3A_6 step %scan3A_7  : i32 {
      %mul3A_29 = arith.constant 16 : i32
      %mul3A_30 = arith.muli %scan3A_28, %mul3A_29 : i32
      %swap3A = arith.index_cast %mul3A_30 : i32 to index
      %swap3A_31 = tpu.vector_load %arg4[%swap3A] {strides = array<i32>} : memref<65536xi32, #tpu.memory_space<vmem>>, vector<16xi32>,
      tpu.vector_store %arg4[%swap3A], %broadcast_in_dim3A_3 {strides = array<i32>} : memref<65536xi32, #tpu.memory_space<vmem>>, vector<16xi32>,
    }
    %scan3A_8 = arith.constant 4096 : i32
    %broadcast_in_dim3A_9 = arith.constant 1 : i32
    %broadcast_in_dim3A_10 = vector.broadcast %broadcast_in_dim3A_9 : i32 to vector<16xi32>
    %broadcast_in_dim3A_11 = arith.constant 16 : i32
    %broadcast_in_dim3A_12 = vector.broadcast %broadcast_in_dim3A_11 : i32 to vector<16xi32>
    %broadcast_in_dim3A_13 = arith.constant 65528 : i32
    %broadcast_in_dim3A_14 = vector.broadcast %broadcast_in_dim3A_13 : i32 to vector<16xi32>
    %iota3A = tpu.iota {dimensions = array<i32: 0>} : vector<16xi32>
    %and3A = arith.constant 7 : i32
    %and3A_15 = vector.broadcast %and3A : i32 to vector<16xi32>
    %and3A_16 = arith.andi %iota3A, %and3A_15 : vector<16xi32>
    %add3A_17 = arith.constant 0 : i32
    %add3A_18 = arith.addi %mul3A_2, %add3A_17 : i32
    %dma_start3A = arith.constant 0 : i32
    %dma_start3A_19 = tpu.memref_slice %arg2[%add3A_18, %dma_start3A] : memref<32768x512xi32, #tpu.memory_space<hbm>> -> memref<32x512xi32, #tpu.memory_space<hbm>>
    %dma_start3A_20 = arith.constant 0 : i32
    %dma_start3A_21 = tpu.memref_slice %arg2[%add3A_18, %dma_start3A_20] : memref<32768x512xi32, #tpu.memory_space<hbm>> -> memref<32x512xi32, #tpu.memory_space<hbm>>
    tpu.enqueue_dma source(%dma_start3A_21 : memref<32x512xi32, #tpu.memory_space<hbm>>) target(%arg5 : memref<32x512xi32, #tpu.memory_space<vmem>>) target_semaphore(%arg7 : memref<!tpu.dma_semaphore, #tpu.memory_space<semaphore_mem>>)
    %scan3A_22 = arith.constant 0 : i32
    %scan3A_23 = arith.constant 0 : i32
    %scan3A_24 = arith.constant 16 : i32
    %scan3A_25 = arith.addi %scan3A_23, %scan3A_24 : i32
    %scan3A_26 = arith.constant 1 : i32
    scf.for %scan3A_28 = %scan3A_23 to %scan3A_25 step %scan3A_26  : i32 {
      %mul3A_29 = arith.constant 2 : i32
      %mul3A_30 = arith.muli %mul3A_29, %scan3A_28 : i32
      %add3A_31 = arith.constant 1 : i32
      %add3A_32 = arith.addi %mul3A_30, %add3A_31 : i32
      %mul3A_33 = arith.constant 32 : i32
      %mul3A_34 = arith.muli %add3A_32, %mul3A_33 : i32
      %add3A_35 = arith.addi %mul3A_2, %mul3A_34 : i32
      %dma_start3A_36 = arith.constant 0 : i32
      %dma_start3A_37 = tpu.memref_slice %arg2[%add3A_35, %dma_start3A_36] : memref<32768x512xi32, #tpu.memory_space<hbm>> -> memref<32x512xi32, #tpu.memory_space<hbm>>
      %dma_start3A_38 = arith.constant 0 : i32
      %dma_start3A_39 = tpu.memref_slice %arg2[%add3A_35, %dma_start3A_38] : memref<32768x512xi32, #tpu.memory_space<hbm>> -> memref<32x512xi32, #tpu.memory_space<hbm>>
      tpu.enqueue_dma source(%dma_start3A_39 : memref<32x512xi32, #tpu.memory_space<hbm>>) target(%arg6 : memref<32x512xi32, #tpu.memory_space<vmem>>) target_semaphore(%arg8 : memref<!tpu.dma_semaphore, #tpu.memory_space<semaphore_mem>>)
      %mul3A_40 = arith.constant 32 : i32
      %mul3A_41 = arith.muli %mul3A_30, %mul3A_40 : i32
      %add3A_42 = arith.addi %mul3A_2, %mul3A_41 : i32
      %dma_wait3A = arith.constant 0 : i32
      %dma_wait3A_43 = tpu.memref_slice %arg2[%add3A_42, %dma_wait3A] : memref<32768x512xi32, #tpu.memory_space<hbm>> -> memref<32x512xi32, #tpu.memory_space<hbm>>
      %dma_wait3A_44 = arith.constant 0 : i32
      %dma_wait3A_45 = tpu.memref_slice %arg2[%add3A_42, %dma_wait3A_44] : memref<32768x512xi32, #tpu.memory_space<hbm>> -> memref<32x512xi32, #tpu.memory_space<hbm>>
      tpu.wait_dma2 semaphore(%arg7 : memref<!tpu.dma_semaphore, #tpu.memory_space<semaphore_mem>>) src(%dma_wait3A_45 : memref<32x512xi32, #tpu.memory_space<hbm>>) dst(%arg5 : memref<32x512xi32, #tpu.memory_space<vmem>>)
      %parallel_loop3A = arith.constant 0 : i32
      %parallel_loop3A_46 = arith.constant 32 : i32
      %parallel_loop3A_47 = arith.constant 1 : i32
      scf.for %parallel_loop3A_64 = %parallel_loop3A to %parallel_loop3A_46 step %parallel_loop3A_47  : i32 {
        %parallel_loop3A_65 = arith.index_cast %parallel_loop3A_64 : i32 to index
        %parallel_loop3A_66 = arith.constant 0 : index
        %parallel_loop3A_67 = tpu.vector_load %arg5[%parallel_loop3A_65, %parallel_loop3A_66] {strides = array<i32>} : memref<32x512xi32, #tpu.memory_space<vmem>>, vector<16xi32>,
        %parallel_loop3A_68 = arith.shrui %parallel_loop3A_67, %broadcast_in_dim3A_12 : vector<16xi32>
        %parallel_loop3A_69 = arith.andi %parallel_loop3A_68, %broadcast_in_dim3A_14 : vector<16xi32>
        %parallel_loop3A_70 = arith.ori %parallel_loop3A_69, %and3A_16 : vector<16xi32>
        tpu.vector_store_idx %arg4[%parallel_loop3A_70], %broadcast_in_dim3A_10 {add = true} : memref<65536xi32, #tpu.memory_space<vmem>>[vector<16xi32>], vector<16xi32>,
        %parallel_loop3A_71 = arith.index_cast %parallel_loop3A_64 : i32 to index
        %parallel_loop3A_72 = arith.constant 16 : index
        %parallel_loop3A_73 = tpu.vector_load %arg5[%parallel_loop3A_71, %parallel_loop3A_72] {strides = array<i32>} : memref<32x512xi32, #tpu.memory_space<vmem>>, vector<16xi32>,
        %parallel_loop3A_74 = arith.shrui %parallel_loop3A_73, %broadcast_in_dim3A_12 : vector<16xi32>
        %parallel_loop3A_75 = arith.andi %parallel_loop3A_74, %broadcast_in_dim3A_14 : vector<16xi32>
        %parallel_loop3A_76 = arith.ori %parallel_loop3A_75, %and3A_16 : vector<16xi32>
        tpu.vector_store_idx %arg4[%parallel_loop3A_76], %broadcast_in_dim3A_10 {add = true} : memref<65536xi32, #tpu.memory_space<vmem>>[vector<16xi32>], vector<16xi32>,
        %parallel_loop3A_77 = arith.index_cast %parallel_loop3A_64 : i32 to index
        %parallel_loop3A_78 = arith.constant 32 : index
        %parallel_loop3A_79 = tpu.vector_load %arg5[%parallel_loop3A_77, %parallel_loop3A_78] {strides = array<i32>} : memref<32x512xi32, #tpu.memory_space<vmem>>, vector<16xi32>,
        %parallel_loop3A_80 = arith.shrui %parallel_loop3A_79, %broadcast_in_dim3A_12 : vector<16xi32>
        %parallel_loop3A_81 = arith.andi %parallel_loop3A_80, %broadcast_in_dim3A_14 : vector<16xi32>
        %parallel_loop3A_82 = arith.ori %parallel_loop3A_81, %and3A_16 : vector<16xi32>
        tpu.vector_store_idx %arg4[%parallel_loop3A_82], %broadcast_in_dim3A_10 {add = true} : memref<65536xi32, #tpu.memory_space<vmem>>[vector<16xi32>], vector<16xi32>,
        %parallel_loop3A_83 = arith.index_cast %parallel_loop3A_64 : i32 to index
        %parallel_loop3A_84 = arith.constant 48 : index
        %parallel_loop3A_85 = tpu.vector_load %arg5[%parallel_loop3A_83, %parallel_loop3A_84] {strides = array<i32>} : memref<32x512xi32, #tpu.memory_space<vmem>>, vector<16xi32>,
        %parallel_loop3A_86 = arith.shrui %parallel_loop3A_85, %broadcast_in_dim3A_12 : vector<16xi32>
        %parallel_loop3A_87 = arith.andi %parallel_loop3A_86, %broadcast_in_dim3A_14 : vector<16xi32>
        %parallel_loop3A_88 = arith.ori %parallel_loop3A_87, %and3A_16 : vector<16xi32>
        tpu.vector_store_idx %arg4[%parallel_loop3A_88], %broadcast_in_dim3A_10 {add = true} : memref<65536xi32, #tpu.memory_space<vmem>>[vector<16xi32>], vector<16xi32>,
        %parallel_loop3A_89 = arith.index_cast %parallel_loop3A_64 : i32 to index
        %parallel_loop3A_90 = arith.constant 64 : index
        %parallel_loop3A_91 = tpu.vector_load %arg5[%parallel_loop3A_89, %parallel_loop3A_90] {strides = array<i32>} : memref<32x512xi32, #tpu.memory_space<vmem>>, vector<16xi32>,
        %parallel_loop3A_92 = arith.shrui %parallel_loop3A_91, %broadcast_in_dim3A_12 : vector<16xi32>
        %parallel_loop3A_93 = arith.andi %parallel_loop3A_92, %broadcast_in_dim3A_14 : vector<16xi32>
        %parallel_loop3A_94 = arith.ori %parallel_loop3A_93, %and3A_16 : vector<16xi32>
        tpu.vector_store_idx %arg4[%parallel_loop3A_94], %broadcast_in_dim3A_10 {add = true} : memref<65536xi32, #tpu.memory_space<vmem>>[vector<16xi32>], vector<16xi32>,
        %parallel_loop3A_95 = arith.index_cast %parallel_loop3A_64 : i32 to index
        %parallel_loop3A_96 = arith.constant 80 : index
        %parallel_loop3A_97 = tpu.vector_load %arg5[%parallel_loop3A_95, %parallel_loop3A_96] {strides = array<i32>} : memref<32x512xi32, #tpu.memory_space<vmem>>, vector<16xi32>,
        %parallel_loop3A_98 = arith.shrui %parallel_loop3A_97, %broadcast_in_dim3A_12 : vector<16xi32>
        %parallel_loop3A_99 = arith.andi %parallel_loop3A_98, %broadcast_in_dim3A_14 : vector<16xi32>
        %parallel_loop3A_100 = arith.ori %parallel_loop3A_99, %and3A_16 : vector<16xi32>
        tpu.vector_store_idx %arg4[%parallel_loop3A_100], %broadcast_in_dim3A_10 {add = true} : memref<65536xi32, #tpu.memory_space<vmem>>[vector<16xi32>], vector<16xi32>,
        %parallel_loop3A_101 = arith.index_cast %parallel_loop3A_64 : i32 to index
        %parallel_loop3A_102 = arith.constant 96 : index
        %parallel_loop3A_103 = tpu.vector_load %arg5[%parallel_loop3A_101, %parallel_loop3A_102] {strides = array<i32>} : memref<32x512xi32, #tpu.memory_space<vmem>>, vector<16xi32>,
        %parallel_loop3A_104 = arith.shrui %parallel_loop3A_103, %broadcast_in_dim3A_12 : vector<16xi32>
        %parallel_loop3A_105 = arith.andi %parallel_loop3A_104, %broadcast_in_dim3A_14 : vector<16xi32>
        %parallel_loop3A_106 = arith.ori %parallel_loop3A_105, %and3A_16 : vector<16xi32>
        tpu.vector_store_idx %arg4[%parallel_loop3A_106], %broadcast_in_dim3A_10 {add = true} : memref<65536xi32, #tpu.memory_space<vmem>>[vector<16xi32>], vector<16xi32>,
        %parallel_loop3A_107 = arith.index_cast %parallel_loop3A_64 : i32 to index
        %parallel_loop3A_108 = arith.constant 112 : index
        %parallel_loop3A_109 = tpu.vector_load %arg5[%parallel_loop3A_107, %parallel_loop3A_108] {strides = array<i32>} : memref<32x512xi32, #tpu.memory_space<vmem>>, vector<16xi32>,
        %parallel_loop3A_110 = arith.shrui %parallel_loop3A_109, %broadcast_in_dim3A_12 : vector<16xi32>
        %parallel_loop3A_111 = arith.andi %parallel_loop3A_110, %broadcast_in_dim3A_14 : vector<16xi32>
        %parallel_loop3A_112 = arith.ori %parallel_loop3A_111, %and3A_16 : vector<16xi32>
        tpu.vector_store_idx %arg4[%parallel_loop3A_112], %broadcast_in_dim3A_10 {add = true} : memref<65536xi32, #tpu.memory_space<vmem>>[vector<16xi32>], vector<16xi32>,
        %parallel_loop3A_113 = arith.index_cast %parallel_loop3A_64 : i32 to index
        %parallel_loop3A_114 = arith.constant 128 : index
        %parallel_loop3A_115 = tpu.vector_load %arg5[%parallel_loop3A_113, %parallel_loop3A_114] {strides = array<i32>} : memref<32x512xi32, #tpu.memory_space<vmem>>, vector<16xi32>,
        %parallel_loop3A_116 = arith.shrui %parallel_loop3A_115, %broadcast_in_dim3A_12 : vector<16xi32>
        %parallel_loop3A_117 = arith.andi %parallel_loop3A_116, %broadcast_in_dim3A_14 : vector<16xi32>
        %parallel_loop3A_118 = arith.ori %parallel_loop3A_117, %and3A_16 : vector<16xi32>
        tpu.vector_store_idx %arg4[%parallel_loop3A_118], %broadcast_in_dim3A_10 {add = true} : memref<65536xi32, #tpu.memory_space<vmem>>[vector<16xi32>], vector<16xi32>,
        %parallel_loop3A_119 = arith.index_cast %parallel_loop3A_64 : i32 to index
        %parallel_loop3A_120 = arith.constant 144 : index
        %parallel_loop3A_121 = tpu.vector_load %arg5[%parallel_loop3A_119, %parallel_loop3A_120] {strides = array<i32>} : memref<32x512xi32, #tpu.memory_space<vmem>>, vector<16xi32>,
        %parallel_loop3A_122 = arith.shrui %parallel_loop3A_121, %broadcast_in_dim3A_12 : vector<16xi32>
        %parallel_loop3A_123 = arith.andi %parallel_loop3A_122, %broadcast_in_dim3A_14 : vector<16xi32>
        %parallel_loop3A_124 = arith.ori %parallel_loop3A_123, %and3A_16 : vector<16xi32>
        tpu.vector_store_idx %arg4[%parallel_loop3A_124], %broadcast_in_dim3A_10 {add = true} : memref<65536xi32, #tpu.memory_space<vmem>>[vector<16xi32>], vector<16xi32>,
        %parallel_loop3A_125 = arith.index_cast %parallel_loop3A_64 : i32 to index
        %parallel_loop3A_126 = arith.constant 160 : index
        %parallel_loop3A_127 = tpu.vector_load %arg5[%parallel_loop3A_125, %parallel_loop3A_126] {strides = array<i32>} : memref<32x512xi32, #tpu.memory_space<vmem>>, vector<16xi32>,
        %parallel_loop3A_128 = arith.shrui %parallel_loop3A_127, %broadcast_in_dim3A_12 : vector<16xi32>
        %parallel_loop3A_129 = arith.andi %parallel_loop3A_128, %broadcast_in_dim3A_14 : vector<16xi32>
        %parallel_loop3A_130 = arith.ori %parallel_loop3A_129, %and3A_16 : vector<16xi32>
        tpu.vector_store_idx %arg4[%parallel_loop3A_130], %broadcast_in_dim3A_10 {add = true} : memref<65536xi32, #tpu.memory_space<vmem>>[vector<16xi32>], vector<16xi32>,
        %parallel_loop3A_131 = arith.index_cast %parallel_loop3A_64 : i32 to index
        %parallel_loop3A_132 = arith.constant 176 : index
        %parallel_loop3A_133 = tpu.vector_load %arg5[%parallel_loop3A_131, %parallel_loop3A_132] {strides = array<i32>} : memref<32x512xi32, #tpu.memory_space<vmem>>, vector<16xi32>,
        %parallel_loop3A_134 = arith.shrui %parallel_loop3A_133, %broadcast_in_dim3A_12 : vector<16xi32>
        %parallel_loop3A_135 = arith.andi %parallel_loop3A_134, %broadcast_in_dim3A_14 : vector<16xi32>
        %parallel_loop3A_136 = arith.ori %parallel_loop3A_135, %and3A_16 : vector<16xi32>
        tpu.vector_store_idx %arg4[%parallel_loop3A_136], %broadcast_in_dim3A_10 {add = true} : memref<65536xi32, #tpu.memory_space<vmem>>[vector<16xi32>], vector<16xi32>,
        %parallel_loop3A_137 = arith.index_cast %parallel_loop3A_64 : i32 to index
        %parallel_loop3A_138 = arith.constant 192 : index
        %parallel_loop3A_139 = tpu.vector_load %arg5[%parallel_loop3A_137, %parallel_loop3A_138] {strides = array<i32>} : memref<32x512xi32, #tpu.memory_space<vmem>>, vector<16xi32>,
        %parallel_loop3A_140 = arith.shrui %parallel_loop3A_139, %broadcast_in_dim3A_12 : vector<16xi32>
        %parallel_loop3A_141 = arith.andi %parallel_loop3A_140, %broadcast_in_dim3A_14 : vector<16xi32>
        %parallel_loop3A_142 = arith.ori %parallel_loop3A_141, %and3A_16 : vector<16xi32>
        tpu.vector_store_idx %arg4[%parallel_loop3A_142], %broadcast_in_dim3A_10 {add = true} : memref<65536xi32, #tpu.memory_space<vmem>>[vector<16xi32>], vector<16xi32>,
        %parallel_loop3A_143 = arith.index_cast %parallel_loop3A_64 : i32 to index
        %parallel_loop3A_144 = arith.constant 208 : index
        %parallel_loop3A_145 = tpu.vector_load %arg5[%parallel_loop3A_143, %parallel_loop3A_144] {strides = array<i32>} : memref<32x512xi32, #tpu.memory_space<vmem>>, vector<16xi32>,
        %parallel_loop3A_146 = arith.shrui %parallel_loop3A_145, %broadcast_in_dim3A_12 : vector<16xi32>
        %parallel_loop3A_147 = arith.andi %parallel_loop3A_146, %broadcast_in_dim3A_14 : vector<16xi32>
        %parallel_loop3A_148 = arith.ori %parallel_loop3A_147, %and3A_16 : vector<16xi32>
        tpu.vector_store_idx %arg4[%parallel_loop3A_148], %broadcast_in_dim3A_10 {add = true} : memref<65536xi32, #tpu.memory_space<vmem>>[vector<16xi32>], vector<16xi32>,
        %parallel_loop3A_149 = arith.index_cast %parallel_loop3A_64 : i32 to index
        %parallel_loop3A_150 = arith.constant 224 : index
        %parallel_loop3A_151 = tpu.vector_load %arg5[%parallel_loop3A_149, %parallel_loop3A_150] {strides = array<i32>} : memref<32x512xi32, #tpu.memory_space<vmem>>, vector<16xi32>,
        %parallel_loop3A_152 = arith.shrui %parallel_loop3A_151, %broadcast_in_dim3A_12 : vector<16xi32>
        %parallel_loop3A_153 = arith.andi %parallel_loop3A_152, %broadcast_in_dim3A_14 : vector<16xi32>
        %parallel_loop3A_154 = arith.ori %parallel_loop3A_153, %and3A_16 : vector<16xi32>
        tpu.vector_store_idx %arg4[%parallel_loop3A_154], %broadcast_in_dim3A_10 {add = true} : memref<65536xi32, #tpu.memory_space<vmem>>[vector<16xi32>], vector<16xi32>,
        %parallel_loop3A_155 = arith.index_cast %parallel_loop3A_64 : i32 to index
        %parallel_loop3A_156 = arith.constant 240 : index
        %parallel_loop3A_157 = tpu.vector_load %arg5[%parallel_loop3A_155, %parallel_loop3A_156] {strides = array<i32>} : memref<32x512xi32, #tpu.memory_space<vmem>>, vector<16xi32>,
        %parallel_loop3A_158 = arith.shrui %parallel_loop3A_157, %broadcast_in_dim3A_12 : vector<16xi32>
        %parallel_loop3A_159 = arith.andi %parallel_loop3A_158, %broadcast_in_dim3A_14 : vector<16xi32>
        %parallel_loop3A_160 = arith.ori %parallel_loop3A_159, %and3A_16 : vector<16xi32>
        tpu.vector_store_idx %arg4[%parallel_loop3A_160], %broadcast_in_dim3A_10 {add = true} : memref<65536xi32, #tpu.memory_space<vmem>>[vector<16xi32>], vector<16xi32>,
        %parallel_loop3A_161 = arith.index_cast %parallel_loop3A_64 : i32 to index
        %parallel_loop3A_162 = arith.constant 256 : index
        %parallel_loop3A_163 = tpu.vector_load %arg5[%parallel_loop3A_161, %parallel_loop3A_162] {strides = array<i32>} : memref<32x512xi32, #tpu.memory_space<vmem>>, vector<16xi32>,
        %parallel_loop3A_164 = arith.shrui %parallel_loop3A_163, %broadcast_in_dim3A_12 : vector<16xi32>
        %parallel_loop3A_165 = arith.andi %parallel_loop3A_164, %broadcast_in_dim3A_14 : vector<16xi32>
        %parallel_loop3A_166 = arith.ori %parallel_loop3A_165, %and3A_16 : vector<16xi32>
        tpu.vector_store_idx %arg4[%parallel_loop3A_166], %broadcast_in_dim3A_10 {add = true} : memref<65536xi32, #tpu.memory_space<vmem>>[vector<16xi32>], vector<16xi32>,
        %parallel_loop3A_167 = arith.index_cast %parallel_loop3A_64 : i32 to index
        %parallel_loop3A_168 = arith.constant 272 : index
        %parallel_loop3A_169 = tpu.vector_load %arg5[%parallel_loop3A_167, %parallel_loop3A_168] {strides = array<i32>} : memref<32x512xi32, #tpu.memory_space<vmem>>, vector<16xi32>,
        %parallel_loop3A_170 = arith.shrui %parallel_loop3A_169, %broadcast_in_dim3A_12 : vector<16xi32>
        %parallel_loop3A_171 = arith.andi %parallel_loop3A_170, %broadcast_in_dim3A_14 : vector<16xi32>
        %parallel_loop3A_172 = arith.ori %parallel_loop3A_171, %and3A_16 : vector<16xi32>
        tpu.vector_store_idx %arg4[%parallel_loop3A_172], %broadcast_in_dim3A_10 {add = true} : memref<65536xi32, #tpu.memory_space<vmem>>[vector<16xi32>], vector<16xi32>,
        %parallel_loop3A_173 = arith.index_cast %parallel_loop3A_64 : i32 to index
        %parallel_loop3A_174 = arith.constant 288 : index
        %parallel_loop3A_175 = tpu.vector_load %arg5[%parallel_loop3A_173, %parallel_loop3A_174] {strides = array<i32>} : memref<32x512xi32, #tpu.memory_space<vmem>>, vector<16xi32>,
        %parallel_loop3A_176 = arith.shrui %parallel_loop3A_175, %broadcast_in_dim3A_12 : vector<16xi32>
        %parallel_loop3A_177 = arith.andi %parallel_loop3A_176, %broadcast_in_dim3A_14 : vector<16xi32>
        %parallel_loop3A_178 = arith.ori %parallel_loop3A_177, %and3A_16 : vector<16xi32>
        tpu.vector_store_idx %arg4[%parallel_loop3A_178], %broadcast_in_dim3A_10 {add = true} : memref<65536xi32, #tpu.memory_space<vmem>>[vector<16xi32>], vector<16xi32>,
        %parallel_loop3A_179 = arith.index_cast %parallel_loop3A_64 : i32 to index
        %parallel_loop3A_180 = arith.constant 304 : index
        %parallel_loop3A_181 = tpu.vector_load %arg5[%parallel_loop3A_179, %parallel_loop3A_180] {strides = array<i32>} : memref<32x512xi32, #tpu.memory_space<vmem>>, vector<16xi32>,
        %parallel_loop3A_182 = arith.shrui %parallel_loop3A_181, %broadcast_in_dim3A_12 : vector<16xi32>
        %parallel_loop3A_183 = arith.andi %parallel_loop3A_182, %broadcast_in_dim3A_14 : vector<16xi32>
        %parallel_loop3A_184 = arith.ori %parallel_loop3A_183, %and3A_16 : vector<16xi32>
        tpu.vector_store_idx %arg4[%parallel_loop3A_184], %broadcast_in_dim3A_10 {add = true} : memref<65536xi32, #tpu.memory_space<vmem>>[vector<16xi32>], vector<16xi32>,
        %parallel_loop3A_185 = arith.index_cast %parallel_loop3A_64 : i32 to index
        %parallel_loop3A_186 = arith.constant 320 : index
        %parallel_loop3A_187 = tpu.vector_load %arg5[%parallel_loop3A_185, %parallel_loop3A_186] {strides = array<i32>} : memref<32x512xi32, #tpu.memory_space<vmem>>, vector<16xi32>,
        %parallel_loop3A_188 = arith.shrui %parallel_loop3A_187, %broadcast_in_dim3A_12 : vector<16xi32>
        %parallel_loop3A_189 = arith.andi %parallel_loop3A_188, %broadcast_in_dim3A_14 : vector<16xi32>
        %parallel_loop3A_190 = arith.ori %parallel_loop3A_189, %and3A_16 : vector<16xi32>
        tpu.vector_store_idx %arg4[%parallel_loop3A_190], %broadcast_in_dim3A_10 {add = true} : memref<65536xi32, #tpu.memory_space<vmem>>[vector<16xi32>], vector<16xi32>,
        %parallel_loop3A_191 = arith.index_cast %parallel_loop3A_64 : i32 to index
        %parallel_loop3A_192 = arith.constant 336 : index
        %parallel_loop3A_193 = tpu.vector_load %arg5[%parallel_loop3A_191, %parallel_loop3A_192] {strides = array<i32>} : memref<32x512xi32, #tpu.memory_space<vmem>>, vector<16xi32>,
        %parallel_loop3A_194 = arith.shrui %parallel_loop3A_193, %broadcast_in_dim3A_12 : vector<16xi32>
        %parallel_loop3A_195 = arith.andi %parallel_loop3A_194, %broadcast_in_dim3A_14 : vector<16xi32>
        %parallel_loop3A_196 = arith.ori %parallel_loop3A_195, %and3A_16 : vector<16xi32>
        tpu.vector_store_idx %arg4[%parallel_loop3A_196], %broadcast_in_dim3A_10 {add = true} : memref<65536xi32, #tpu.memory_space<vmem>>[vector<16xi32>], vector<16xi32>,
        %parallel_loop3A_197 = arith.index_cast %parallel_loop3A_64 : i32 to index
        %parallel_loop3A_198 = arith.constant 352 : index
        %parallel_loop3A_199 = tpu.vector_load %arg5[%parallel_loop3A_197, %parallel_loop3A_198] {strides = array<i32>} : memref<32x512xi32, #tpu.memory_space<vmem>>, vector<16xi32>,
        %parallel_loop3A_200 = arith.shrui %parallel_loop3A_199, %broadcast_in_dim3A_12 : vector<16xi32>
        %parallel_loop3A_201 = arith.andi %parallel_loop3A_200, %broadcast_in_dim3A_14 : vector<16xi32>
        %parallel_loop3A_202 = arith.ori %parallel_loop3A_201, %and3A_16 : vector<16xi32>
        tpu.vector_store_idx %arg4[%parallel_loop3A_202], %broadcast_in_dim3A_10 {add = true} : memref<65536xi32, #tpu.memory_space<vmem>>[vector<16xi32>], vector<16xi32>,
        %parallel_loop3A_203 = arith.index_cast %parallel_loop3A_64 : i32 to index
        %parallel_loop3A_204 = arith.constant 368 : index
        %parallel_loop3A_205 = tpu.vector_load %arg5[%parallel_loop3A_203, %parallel_loop3A_204] {strides = array<i32>} : memref<32x512xi32, #tpu.memory_space<vmem>>, vector<16xi32>,
        %parallel_loop3A_206 = arith.shrui %parallel_loop3A_205, %broadcast_in_dim3A_12 : vector<16xi32>
        %parallel_loop3A_207 = arith.andi %parallel_loop3A_206, %broadcast_in_dim3A_14 : vector<16xi32>
        %parallel_loop3A_208 = arith.ori %parallel_loop3A_207, %and3A_16 : vector<16xi32>
        tpu.vector_store_idx %arg4[%parallel_loop3A_208], %broadcast_in_dim3A_10 {add = true} : memref<65536xi32, #tpu.memory_space<vmem>>[vector<16xi32>], vector<16xi32>,
        %parallel_loop3A_209 = arith.index_cast %parallel_loop3A_64 : i32 to index
        %parallel_loop3A_210 = arith.constant 384 : index
        %parallel_loop3A_211 = tpu.vector_load %arg5[%parallel_loop3A_209, %parallel_loop3A_210] {strides = array<i32>} : memref<32x512xi32, #tpu.memory_space<vmem>>, vector<16xi32>,
        %parallel_loop3A_212 = arith.shrui %parallel_loop3A_211, %broadcast_in_dim3A_12 : vector<16xi32>
        %parallel_loop3A_213 = arith.andi %parallel_loop3A_212, %broadcast_in_dim3A_14 : vector<16xi32>
        %parallel_loop3A_214 = arith.ori %parallel_loop3A_213, %and3A_16 : vector<16xi32>
        tpu.vector_store_idx %arg4[%parallel_loop3A_214], %broadcast_in_dim3A_10 {add = true} : memref<65536xi32, #tpu.memory_space<vmem>>[vector<16xi32>], vector<16xi32>,
        %parallel_loop3A_215 = arith.index_cast %parallel_loop3A_64 : i32 to index
        %parallel_loop3A_216 = arith.constant 400 : index
        %parallel_loop3A_217 = tpu.vector_load %arg5[%parallel_loop3A_215, %parallel_loop3A_216] {strides = array<i32>} : memref<32x512xi32, #tpu.memory_space<vmem>>, vector<16xi32>,
        %parallel_loop3A_218 = arith.shrui %parallel_loop3A_217, %broadcast_in_dim3A_12 : vector<16xi32>
        %parallel_loop3A_219 = arith.andi %parallel_loop3A_218, %broadcast_in_dim3A_14 : vector<16xi32>
        %parallel_loop3A_220 = arith.ori %parallel_loop3A_219, %and3A_16 : vector<16xi32>
        tpu.vector_store_idx %arg4[%parallel_loop3A_220], %broadcast_in_dim3A_10 {add = true} : memref<65536xi32, #tpu.memory_space<vmem>>[vector<16xi32>], vector<16xi32>,
        %parallel_loop3A_221 = arith.index_cast %parallel_loop3A_64 : i32 to index
        %parallel_loop3A_222 = arith.constant 416 : index
        %parallel_loop3A_223 = tpu.vector_load %arg5[%parallel_loop3A_221, %parallel_loop3A_222] {strides = array<i32>} : memref<32x512xi32, #tpu.memory_space<vmem>>, vector<16xi32>,
        %parallel_loop3A_224 = arith.shrui %parallel_loop3A_223, %broadcast_in_dim3A_12 : vector<16xi32>
        %parallel_loop3A_225 = arith.andi %parallel_loop3A_224, %broadcast_in_dim3A_14 : vector<16xi32>
        %parallel_loop3A_226 = arith.ori %parallel_loop3A_225, %and3A_16 : vector<16xi32>
        tpu.vector_store_idx %arg4[%parallel_loop3A_226], %broadcast_in_dim3A_10 {add = true} : memref<65536xi32, #tpu.memory_space<vmem>>[vector<16xi32>], vector<16xi32>,
        %parallel_loop3A_227 = arith.index_cast %parallel_loop3A_64 : i32 to index
        %parallel_loop3A_228 = arith.constant 432 : index
        %parallel_loop3A_229 = tpu.vector_load %arg5[%parallel_loop3A_227, %parallel_loop3A_228] {strides = array<i32>} : memref<32x512xi32, #tpu.memory_space<vmem>>, vector<16xi32>,
        %parallel_loop3A_230 = arith.shrui %parallel_loop3A_229, %broadcast_in_dim3A_12 : vector<16xi32>
        %parallel_loop3A_231 = arith.andi %parallel_loop3A_230, %broadcast_in_dim3A_14 : vector<16xi32>
        %parallel_loop3A_232 = arith.ori %parallel_loop3A_231, %and3A_16 : vector<16xi32>
        tpu.vector_store_idx %arg4[%parallel_loop3A_232], %broadcast_in_dim3A_10 {add = true} : memref<65536xi32, #tpu.memory_space<vmem>>[vector<16xi32>], vector<16xi32>,
        %parallel_loop3A_233 = arith.index_cast %parallel_loop3A_64 : i32 to index
        %parallel_loop3A_234 = arith.constant 448 : index
        %parallel_loop3A_235 = tpu.vector_load %arg5[%parallel_loop3A_233, %parallel_loop3A_234] {strides = array<i32>} : memref<32x512xi32, #tpu.memory_space<vmem>>, vector<16xi32>,
        %parallel_loop3A_236 = arith.shrui %parallel_loop3A_235, %broadcast_in_dim3A_12 : vector<16xi32>
        %parallel_loop3A_237 = arith.andi %parallel_loop3A_236, %broadcast_in_dim3A_14 : vector<16xi32>
        %parallel_loop3A_238 = arith.ori %parallel_loop3A_237, %and3A_16 : vector<16xi32>
        tpu.vector_store_idx %arg4[%parallel_loop3A_238], %broadcast_in_dim3A_10 {add = true} : memref<65536xi32, #tpu.memory_space<vmem>>[vector<16xi32>], vector<16xi32>,
        %parallel_loop3A_239 = arith.index_cast %parallel_loop3A_64 : i32 to index
        %parallel_loop3A_240 = arith.constant 464 : index
        %parallel_loop3A_241 = tpu.vector_load %arg5[%parallel_loop3A_239, %parallel_loop3A_240] {strides = array<i32>} : memref<32x512xi32, #tpu.memory_space<vmem>>, vector<16xi32>,
        %parallel_loop3A_242 = arith.shrui %parallel_loop3A_241, %broadcast_in_dim3A_12 : vector<16xi32>
        %parallel_loop3A_243 = arith.andi %parallel_loop3A_242, %broadcast_in_dim3A_14 : vector<16xi32>
        %parallel_loop3A_244 = arith.ori %parallel_loop3A_243, %and3A_16 : vector<16xi32>
        tpu.vector_store_idx %arg4[%parallel_loop3A_244], %broadcast_in_dim3A_10 {add = true} : memref<65536xi32, #tpu.memory_space<vmem>>[vector<16xi32>], vector<16xi32>,
        %parallel_loop3A_245 = arith.index_cast %parallel_loop3A_64 : i32 to index
        %parallel_loop3A_246 = arith.constant 480 : index
        %parallel_loop3A_247 = tpu.vector_load %arg5[%parallel_loop3A_245, %parallel_loop3A_246] {strides = array<i32>} : memref<32x512xi32, #tpu.memory_space<vmem>>, vector<16xi32>,
        %parallel_loop3A_248 = arith.shrui %parallel_loop3A_247, %broadcast_in_dim3A_12 : vector<16xi32>
        %parallel_loop3A_249 = arith.andi %parallel_loop3A_248, %broadcast_in_dim3A_14 : vector<16xi32>
        %parallel_loop3A_250 = arith.ori %parallel_loop3A_249, %and3A_16 : vector<16xi32>
        tpu.vector_store_idx %arg4[%parallel_loop3A_250], %broadcast_in_dim3A_10 {add = true} : memref<65536xi32, #tpu.memory_space<vmem>>[vector<16xi32>], vector<16xi32>,
        %parallel_loop3A_251 = arith.index_cast %parallel_loop3A_64 : i32 to index
        %parallel_loop3A_252 = arith.constant 496 : index
        %parallel_loop3A_253 = tpu.vector_load %arg5[%parallel_loop3A_251, %parallel_loop3A_252] {strides = array<i32>} : memref<32x512xi32, #tpu.memory_space<vmem>>, vector<16xi32>,
        %parallel_loop3A_254 = arith.shrui %parallel_loop3A_253, %broadcast_in_dim3A_12 : vector<16xi32>
        %parallel_loop3A_255 = arith.andi %parallel_loop3A_254, %broadcast_in_dim3A_14 : vector<16xi32>
        %parallel_loop3A_256 = arith.ori %parallel_loop3A_255, %and3A_16 : vector<16xi32>
        tpu.vector_store_idx %arg4[%parallel_loop3A_256], %broadcast_in_dim3A_10 {add = true} : memref<65536xi32, #tpu.memory_space<vmem>>[vector<16xi32>], vector<16xi32>,
      } {sc.loop_unroll_factor = 4 : i64, sc.parallel_access}
      %add3A_48 = arith.constant 2 : i32
      %add3A_49 = arith.addi %mul3A_30, %add3A_48 : i32
      %lt3A = arith.constant 32 : i32
      %lt3A_50 = arith.cmpi slt, %add3A_49, %lt3A : i32
      %convert_element_type3A = arith.extui %lt3A_50 : i1 to i32
      %cond3A = arith.constant 0 : i32
      %cond3A_51 = arith.cmpi ne, %convert_element_type3A, %cond3A : i32
      scf.if %cond3A_51 {
        %add3A_64 = arith.constant 2 : i32
        %add3A_65 = arith.addi %mul3A_30, %add3A_64 : i32
        %mul3A_66 = arith.constant 32 : i32
        %mul3A_67 = arith.muli %add3A_65, %mul3A_66 : i32
        %add3A_68 = arith.addi %mul3A_2, %mul3A_67 : i32
        %dma_start3A_69 = arith.constant 0 : i32
        %dma_start3A_70 = tpu.memref_slice %arg2[%add3A_68, %dma_start3A_69] : memref<32768x512xi32, #tpu.memory_space<hbm>> -> memref<32x512xi32, #tpu.memory_space<hbm>>
        %dma_start3A_71 = arith.constant 0 : i32
        %dma_start3A_72 = tpu.memref_slice %arg2[%add3A_68, %dma_start3A_71] : memref<32768x512xi32, #tpu.memory_space<hbm>> -> memref<32x512xi32, #tpu.memory_space<hbm>>
        tpu.enqueue_dma source(%dma_start3A_72 : memref<32x512xi32, #tpu.memory_space<hbm>>) target(%arg5 : memref<32x512xi32, #tpu.memory_space<vmem>>) target_semaphore(%arg7 : memref<!tpu.dma_semaphore, #tpu.memory_space<semaphore_mem>>)
      } else {
      }
      %add3A_52 = arith.constant 1 : i32
      %add3A_53 = arith.addi %mul3A_30, %add3A_52 : i32
      %mul3A_54 = arith.constant 32 : i32
      %mul3A_55 = arith.muli %add3A_53, %mul3A_54 : i32
      %add3A_56 = arith.addi %mul3A_2, %mul3A_55 : i32
      %dma_wait3A_57 = arith.constant 0 : i32
      %dma_wait3A_58 = tpu.memref_slice %arg2[%add3A_56, %dma_wait3A_57] : memref<32768x512xi32, #tpu.memory_space<hbm>> -> memref<32x512xi32, #tpu.memory_space<hbm>>
      %dma_wait3A_59 = arith.constant 0 : i32
      %dma_wait3A_60 = tpu.memref_slice %arg2[%add3A_56, %dma_wait3A_59] : memref<32768x512xi32, #tpu.memory_space<hbm>> -> memref<32x512xi32, #tpu.memory_space<hbm>>
      tpu.wait_dma2 semaphore(%arg8 : memref<!tpu.dma_semaphore, #tpu.memory_space<semaphore_mem>>) src(%dma_wait3A_60 : memref<32x512xi32, #tpu.memory_space<hbm>>) dst(%arg6 : memref<32x512xi32, #tpu.memory_space<vmem>>)
      %parallel_loop3A_61 = arith.constant 0 : i32
      %parallel_loop3A_62 = arith.constant 32 : i32
      %parallel_loop3A_63 = arith.constant 1 : i32
      scf.for %parallel_loop3A_64 = %parallel_loop3A_61 to %parallel_loop3A_62 step %parallel_loop3A_63  : i32 {
        %parallel_loop3A_65 = arith.index_cast %parallel_loop3A_64 : i32 to index
        %parallel_loop3A_66 = arith.constant 0 : index
        %parallel_loop3A_67 = tpu.vector_load %arg6[%parallel_loop3A_65, %parallel_loop3A_66] {strides = array<i32>} : memref<32x512xi32, #tpu.memory_space<vmem>>, vector<16xi32>,
        %parallel_loop3A_68 = arith.shrui %parallel_loop3A_67, %broadcast_in_dim3A_12 : vector<16xi32>
        %parallel_loop3A_69 = arith.andi %parallel_loop3A_68, %broadcast_in_dim3A_14 : vector<16xi32>
        %parallel_loop3A_70 = arith.ori %parallel_loop3A_69, %and3A_16 : vector<16xi32>
        tpu.vector_store_idx %arg4[%parallel_loop3A_70], %broadcast_in_dim3A_10 {add = true} : memref<65536xi32, #tpu.memory_space<vmem>>[vector<16xi32>], vector<16xi32>,
        %parallel_loop3A_71 = arith.index_cast %parallel_loop3A_64 : i32 to index
        %parallel_loop3A_72 = arith.constant 16 : index
        %parallel_loop3A_73 = tpu.vector_load %arg6[%parallel_loop3A_71, %parallel_loop3A_72] {strides = array<i32>} : memref<32x512xi32, #tpu.memory_space<vmem>>, vector<16xi32>,
        %parallel_loop3A_74 = arith.shrui %parallel_loop3A_73, %broadcast_in_dim3A_12 : vector<16xi32>
        %parallel_loop3A_75 = arith.andi %parallel_loop3A_74, %broadcast_in_dim3A_14 : vector<16xi32>
        %parallel_loop3A_76 = arith.ori %parallel_loop3A_75, %and3A_16 : vector<16xi32>
        tpu.vector_store_idx %arg4[%parallel_loop3A_76], %broadcast_in_dim3A_10 {add = true} : memref<65536xi32, #tpu.memory_space<vmem>>[vector<16xi32>], vector<16xi32>,
        %parallel_loop3A_77 = arith.index_cast %parallel_loop3A_64 : i32 to index
        %parallel_loop3A_78 = arith.constant 32 : index
        %parallel_loop3A_79 = tpu.vector_load %arg6[%parallel_loop3A_77, %parallel_loop3A_78] {strides = array<i32>} : memref<32x512xi32, #tpu.memory_space<vmem>>, vector<16xi32>,
        %parallel_loop3A_80 = arith.shrui %parallel_loop3A_79, %broadcast_in_dim3A_12 : vector<16xi32>
        %parallel_loop3A_81 = arith.andi %parallel_loop3A_80, %broadcast_in_dim3A_14 : vector<16xi32>
        %parallel_loop3A_82 = arith.ori %parallel_loop3A_81, %and3A_16 : vector<16xi32>
        tpu.vector_store_idx %arg4[%parallel_loop3A_82], %broadcast_in_dim3A_10 {add = true} : memref<65536xi32, #tpu.memory_space<vmem>>[vector<16xi32>], vector<16xi32>,
        %parallel_loop3A_83 = arith.index_cast %parallel_loop3A_64 : i32 to index
        %parallel_loop3A_84 = arith.constant 48 : index
        %parallel_loop3A_85 = tpu.vector_load %arg6[%parallel_loop3A_83, %parallel_loop3A_84] {strides = array<i32>} : memref<32x512xi32, #tpu.memory_space<vmem>>, vector<16xi32>,
        %parallel_loop3A_86 = arith.shrui %parallel_loop3A_85, %broadcast_in_dim3A_12 : vector<16xi32>
        %parallel_loop3A_87 = arith.andi %parallel_loop3A_86, %broadcast_in_dim3A_14 : vector<16xi32>
        %parallel_loop3A_88 = arith.ori %parallel_loop3A_87, %and3A_16 : vector<16xi32>
        tpu.vector_store_idx %arg4[%parallel_loop3A_88], %broadcast_in_dim3A_10 {add = true} : memref<65536xi32, #tpu.memory_space<vmem>>[vector<16xi32>], vector<16xi32>,
        %parallel_loop3A_89 = arith.index_cast %parallel_loop3A_64 : i32 to index
        %parallel_loop3A_90 = arith.constant 64 : index
        %parallel_loop3A_91 = tpu.vector_load %arg6[%parallel_loop3A_89, %parallel_loop3A_90] {strides = array<i32>} : memref<32x512xi32, #tpu.memory_space<vmem>>, vector<16xi32>,
        %parallel_loop3A_92 = arith.shrui %parallel_loop3A_91, %broadcast_in_dim3A_12 : vector<16xi32>
        %parallel_loop3A_93 = arith.andi %parallel_loop3A_92, %broadcast_in_dim3A_14 : vector<16xi32>
        %parallel_loop3A_94 = arith.ori %parallel_loop3A_93, %and3A_16 : vector<16xi32>
        tpu.vector_store_idx %arg4[%parallel_loop3A_94], %broadcast_in_dim3A_10 {add = true} : memref<65536xi32, #tpu.memory_space<vmem>>[vector<16xi32>], vector<16xi32>,
        %parallel_loop3A_95 = arith.index_cast %parallel_loop3A_64 : i32 to index
        %parallel_loop3A_96 = arith.constant 80 : index
        %parallel_loop3A_97 = tpu.vector_load %arg6[%parallel_loop3A_95, %parallel_loop3A_96] {strides = array<i32>} : memref<32x512xi32, #tpu.memory_space<vmem>>, vector<16xi32>,
        %parallel_loop3A_98 = arith.shrui %parallel_loop3A_97, %broadcast_in_dim3A_12 : vector<16xi32>
        %parallel_loop3A_99 = arith.andi %parallel_loop3A_98, %broadcast_in_dim3A_14 : vector<16xi32>
        %parallel_loop3A_100 = arith.ori %parallel_loop3A_99, %and3A_16 : vector<16xi32>
        tpu.vector_store_idx %arg4[%parallel_loop3A_100], %broadcast_in_dim3A_10 {add = true} : memref<65536xi32, #tpu.memory_space<vmem>>[vector<16xi32>], vector<16xi32>,
        %parallel_loop3A_101 = arith.index_cast %parallel_loop3A_64 : i32 to index
        %parallel_loop3A_102 = arith.constant 96 : index
        %parallel_loop3A_103 = tpu.vector_load %arg6[%parallel_loop3A_101, %parallel_loop3A_102] {strides = array<i32>} : memref<32x512xi32, #tpu.memory_space<vmem>>, vector<16xi32>,
        %parallel_loop3A_104 = arith.shrui %parallel_loop3A_103, %broadcast_in_dim3A_12 : vector<16xi32>
        %parallel_loop3A_105 = arith.andi %parallel_loop3A_104, %broadcast_in_dim3A_14 : vector<16xi32>
        %parallel_loop3A_106 = arith.ori %parallel_loop3A_105, %and3A_16 : vector<16xi32>
        tpu.vector_store_idx %arg4[%parallel_loop3A_106], %broadcast_in_dim3A_10 {add = true} : memref<65536xi32, #tpu.memory_space<vmem>>[vector<16xi32>], vector<16xi32>,
        %parallel_loop3A_107 = arith.index_cast %parallel_loop3A_64 : i32 to index
        %parallel_loop3A_108 = arith.constant 112 : index
        %parallel_loop3A_109 = tpu.vector_load %arg6[%parallel_loop3A_107, %parallel_loop3A_108] {strides = array<i32>} : memref<32x512xi32, #tpu.memory_space<vmem>>, vector<16xi32>,
        %parallel_loop3A_110 = arith.shrui %parallel_loop3A_109, %broadcast_in_dim3A_12 : vector<16xi32>
        %parallel_loop3A_111 = arith.andi %parallel_loop3A_110, %broadcast_in_dim3A_14 : vector<16xi32>
        %parallel_loop3A_112 = arith.ori %parallel_loop3A_111, %and3A_16 : vector<16xi32>
        tpu.vector_store_idx %arg4[%parallel_loop3A_112], %broadcast_in_dim3A_10 {add = true} : memref<65536xi32, #tpu.memory_space<vmem>>[vector<16xi32>], vector<16xi32>,
        %parallel_loop3A_113 = arith.index_cast %parallel_loop3A_64 : i32 to index
        %parallel_loop3A_114 = arith.constant 128 : index
        %parallel_loop3A_115 = tpu.vector_load %arg6[%parallel_loop3A_113, %parallel_loop3A_114] {strides = array<i32>} : memref<32x512xi32, #tpu.memory_space<vmem>>, vector<16xi32>,
        %parallel_loop3A_116 = arith.shrui %parallel_loop3A_115, %broadcast_in_dim3A_12 : vector<16xi32>
        %parallel_loop3A_117 = arith.andi %parallel_loop3A_116, %broadcast_in_dim3A_14 : vector<16xi32>
        %parallel_loop3A_118 = arith.ori %parallel_loop3A_117, %and3A_16 : vector<16xi32>
        tpu.vector_store_idx %arg4[%parallel_loop3A_118], %broadcast_in_dim3A_10 {add = true} : memref<65536xi32, #tpu.memory_space<vmem>>[vector<16xi32>], vector<16xi32>,
        %parallel_loop3A_119 = arith.index_cast %parallel_loop3A_64 : i32 to index
        %parallel_loop3A_120 = arith.constant 144 : index
        %parallel_loop3A_121 = tpu.vector_load %arg6[%parallel_loop3A_119, %parallel_loop3A_120] {strides = array<i32>} : memref<32x512xi32, #tpu.memory_space<vmem>>, vector<16xi32>,
        %parallel_loop3A_122 = arith.shrui %parallel_loop3A_121, %broadcast_in_dim3A_12 : vector<16xi32>
        %parallel_loop3A_123 = arith.andi %parallel_loop3A_122, %broadcast_in_dim3A_14 : vector<16xi32>
        %parallel_loop3A_124 = arith.ori %parallel_loop3A_123, %and3A_16 : vector<16xi32>
        tpu.vector_store_idx %arg4[%parallel_loop3A_124], %broadcast_in_dim3A_10 {add = true} : memref<65536xi32, #tpu.memory_space<vmem>>[vector<16xi32>], vector<16xi32>,
        %parallel_loop3A_125 = arith.index_cast %parallel_loop3A_64 : i32 to index
        %parallel_loop3A_126 = arith.constant 160 : index
        %parallel_loop3A_127 = tpu.vector_load %arg6[%parallel_loop3A_125, %parallel_loop3A_126] {strides = array<i32>} : memref<32x512xi32, #tpu.memory_space<vmem>>, vector<16xi32>,
        %parallel_loop3A_128 = arith.shrui %parallel_loop3A_127, %broadcast_in_dim3A_12 : vector<16xi32>
        %parallel_loop3A_129 = arith.andi %parallel_loop3A_128, %broadcast_in_dim3A_14 : vector<16xi32>
        %parallel_loop3A_130 = arith.ori %parallel_loop3A_129, %and3A_16 : vector<16xi32>
        tpu.vector_store_idx %arg4[%parallel_loop3A_130], %broadcast_in_dim3A_10 {add = true} : memref<65536xi32, #tpu.memory_space<vmem>>[vector<16xi32>], vector<16xi32>,
        %parallel_loop3A_131 = arith.index_cast %parallel_loop3A_64 : i32 to index
        %parallel_loop3A_132 = arith.constant 176 : index
        %parallel_loop3A_133 = tpu.vector_load %arg6[%parallel_loop3A_131, %parallel_loop3A_132] {strides = array<i32>} : memref<32x512xi32, #tpu.memory_space<vmem>>, vector<16xi32>,
        %parallel_loop3A_134 = arith.shrui %parallel_loop3A_133, %broadcast_in_dim3A_12 : vector<16xi32>
        %parallel_loop3A_135 = arith.andi %parallel_loop3A_134, %broadcast_in_dim3A_14 : vector<16xi32>
        %parallel_loop3A_136 = arith.ori %parallel_loop3A_135, %and3A_16 : vector<16xi32>
        tpu.vector_store_idx %arg4[%parallel_loop3A_136], %broadcast_in_dim3A_10 {add = true} : memref<65536xi32, #tpu.memory_space<vmem>>[vector<16xi32>], vector<16xi32>,
        %parallel_loop3A_137 = arith.index_cast %parallel_loop3A_64 : i32 to index
        %parallel_loop3A_138 = arith.constant 192 : index
        %parallel_loop3A_139 = tpu.vector_load %arg6[%parallel_loop3A_137, %parallel_loop3A_138] {strides = array<i32>} : memref<32x512xi32, #tpu.memory_space<vmem>>, vector<16xi32>,
        %parallel_loop3A_140 = arith.shrui %parallel_loop3A_139, %broadcast_in_dim3A_12 : vector<16xi32>
        %parallel_loop3A_141 = arith.andi %parallel_loop3A_140, %broadcast_in_dim3A_14 : vector<16xi32>
        %parallel_loop3A_142 = arith.ori %parallel_loop3A_141, %and3A_16 : vector<16xi32>
        tpu.vector_store_idx %arg4[%parallel_loop3A_142], %broadcast_in_dim3A_10 {add = true} : memref<65536xi32, #tpu.memory_space<vmem>>[vector<16xi32>], vector<16xi32>,
        %parallel_loop3A_143 = arith.index_cast %parallel_loop3A_64 : i32 to index
        %parallel_loop3A_144 = arith.constant 208 : index
        %parallel_loop3A_145 = tpu.vector_load %arg6[%parallel_loop3A_143, %parallel_loop3A_144] {strides = array<i32>} : memref<32x512xi32, #tpu.memory_space<vmem>>, vector<16xi32>,
        %parallel_loop3A_146 = arith.shrui %parallel_loop3A_145, %broadcast_in_dim3A_12 : vector<16xi32>
        %parallel_loop3A_147 = arith.andi %parallel_loop3A_146, %broadcast_in_dim3A_14 : vector<16xi32>
        %parallel_loop3A_148 = arith.ori %parallel_loop3A_147, %and3A_16 : vector<16xi32>
        tpu.vector_store_idx %arg4[%parallel_loop3A_148], %broadcast_in_dim3A_10 {add = true} : memref<65536xi32, #tpu.memory_space<vmem>>[vector<16xi32>], vector<16xi32>,
        %parallel_loop3A_149 = arith.index_cast %parallel_loop3A_64 : i32 to index
        %parallel_loop3A_150 = arith.constant 224 : index
        %parallel_loop3A_151 = tpu.vector_load %arg6[%parallel_loop3A_149, %parallel_loop3A_150] {strides = array<i32>} : memref<32x512xi32, #tpu.memory_space<vmem>>, vector<16xi32>,
        %parallel_loop3A_152 = arith.shrui %parallel_loop3A_151, %broadcast_in_dim3A_12 : vector<16xi32>
        %parallel_loop3A_153 = arith.andi %parallel_loop3A_152, %broadcast_in_dim3A_14 : vector<16xi32>
        %parallel_loop3A_154 = arith.ori %parallel_loop3A_153, %and3A_16 : vector<16xi32>
        tpu.vector_store_idx %arg4[%parallel_loop3A_154], %broadcast_in_dim3A_10 {add = true} : memref<65536xi32, #tpu.memory_space<vmem>>[vector<16xi32>], vector<16xi32>,
        %parallel_loop3A_155 = arith.index_cast %parallel_loop3A_64 : i32 to index
        %parallel_loop3A_156 = arith.constant 240 : index
        %parallel_loop3A_157 = tpu.vector_load %arg6[%parallel_loop3A_155, %parallel_loop3A_156] {strides = array<i32>} : memref<32x512xi32, #tpu.memory_space<vmem>>, vector<16xi32>,
        %parallel_loop3A_158 = arith.shrui %parallel_loop3A_157, %broadcast_in_dim3A_12 : vector<16xi32>
        %parallel_loop3A_159 = arith.andi %parallel_loop3A_158, %broadcast_in_dim3A_14 : vector<16xi32>
        %parallel_loop3A_160 = arith.ori %parallel_loop3A_159, %and3A_16 : vector<16xi32>
        tpu.vector_store_idx %arg4[%parallel_loop3A_160], %broadcast_in_dim3A_10 {add = true} : memref<65536xi32, #tpu.memory_space<vmem>>[vector<16xi32>], vector<16xi32>,
        %parallel_loop3A_161 = arith.index_cast %parallel_loop3A_64 : i32 to index
        %parallel_loop3A_162 = arith.constant 256 : index
        %parallel_loop3A_163 = tpu.vector_load %arg6[%parallel_loop3A_161, %parallel_loop3A_162] {strides = array<i32>} : memref<32x512xi32, #tpu.memory_space<vmem>>, vector<16xi32>,
        %parallel_loop3A_164 = arith.shrui %parallel_loop3A_163, %broadcast_in_dim3A_12 : vector<16xi32>
        %parallel_loop3A_165 = arith.andi %parallel_loop3A_164, %broadcast_in_dim3A_14 : vector<16xi32>
        %parallel_loop3A_166 = arith.ori %parallel_loop3A_165, %and3A_16 : vector<16xi32>
        tpu.vector_store_idx %arg4[%parallel_loop3A_166], %broadcast_in_dim3A_10 {add = true} : memref<65536xi32, #tpu.memory_space<vmem>>[vector<16xi32>], vector<16xi32>,
        %parallel_loop3A_167 = arith.index_cast %parallel_loop3A_64 : i32 to index
        %parallel_loop3A_168 = arith.constant 272 : index
        %parallel_loop3A_169 = tpu.vector_load %arg6[%parallel_loop3A_167, %parallel_loop3A_168] {strides = array<i32>} : memref<32x512xi32, #tpu.memory_space<vmem>>, vector<16xi32>,
        %parallel_loop3A_170 = arith.shrui %parallel_loop3A_169, %broadcast_in_dim3A_12 : vector<16xi32>
        %parallel_loop3A_171 = arith.andi %parallel_loop3A_170, %broadcast_in_dim3A_14 : vector<16xi32>
        %parallel_loop3A_172 = arith.ori %parallel_loop3A_171, %and3A_16 : vector<16xi32>
        tpu.vector_store_idx %arg4[%parallel_loop3A_172], %broadcast_in_dim3A_10 {add = true} : memref<65536xi32, #tpu.memory_space<vmem>>[vector<16xi32>], vector<16xi32>,
        %parallel_loop3A_173 = arith.index_cast %parallel_loop3A_64 : i32 to index
        %parallel_loop3A_174 = arith.constant 288 : index
        %parallel_loop3A_175 = tpu.vector_load %arg6[%parallel_loop3A_173, %parallel_loop3A_174] {strides = array<i32>} : memref<32x512xi32, #tpu.memory_space<vmem>>, vector<16xi32>,
        %parallel_loop3A_176 = arith.shrui %parallel_loop3A_175, %broadcast_in_dim3A_12 : vector<16xi32>
        %parallel_loop3A_177 = arith.andi %parallel_loop3A_176, %broadcast_in_dim3A_14 : vector<16xi32>
        %parallel_loop3A_178 = arith.ori %parallel_loop3A_177, %and3A_16 : vector<16xi32>
        tpu.vector_store_idx %arg4[%parallel_loop3A_178], %broadcast_in_dim3A_10 {add = true} : memref<65536xi32, #tpu.memory_space<vmem>>[vector<16xi32>], vector<16xi32>,
        %parallel_loop3A_179 = arith.index_cast %parallel_loop3A_64 : i32 to index
        %parallel_loop3A_180 = arith.constant 304 : index
        %parallel_loop3A_181 = tpu.vector_load %arg6[%parallel_loop3A_179, %parallel_loop3A_180] {strides = array<i32>} : memref<32x512xi32, #tpu.memory_space<vmem>>, vector<16xi32>,
        %parallel_loop3A_182 = arith.shrui %parallel_loop3A_181, %broadcast_in_dim3A_12 : vector<16xi32>
        %parallel_loop3A_183 = arith.andi %parallel_loop3A_182, %broadcast_in_dim3A_14 : vector<16xi32>
        %parallel_loop3A_184 = arith.ori %parallel_loop3A_183, %and3A_16 : vector<16xi32>
        tpu.vector_store_idx %arg4[%parallel_loop3A_184], %broadcast_in_dim3A_10 {add = true} : memref<65536xi32, #tpu.memory_space<vmem>>[vector<16xi32>], vector<16xi32>,
        %parallel_loop3A_185 = arith.index_cast %parallel_loop3A_64 : i32 to index
        %parallel_loop3A_186 = arith.constant 320 : index
        %parallel_loop3A_187 = tpu.vector_load %arg6[%parallel_loop3A_185, %parallel_loop3A_186] {strides = array<i32>} : memref<32x512xi32, #tpu.memory_space<vmem>>, vector<16xi32>,
        %parallel_loop3A_188 = arith.shrui %parallel_loop3A_187, %broadcast_in_dim3A_12 : vector<16xi32>
        %parallel_loop3A_189 = arith.andi %parallel_loop3A_188, %broadcast_in_dim3A_14 : vector<16xi32>
        %parallel_loop3A_190 = arith.ori %parallel_loop3A_189, %and3A_16 : vector<16xi32>
        tpu.vector_store_idx %arg4[%parallel_loop3A_190], %broadcast_in_dim3A_10 {add = true} : memref<65536xi32, #tpu.memory_space<vmem>>[vector<16xi32>], vector<16xi32>,
        %parallel_loop3A_191 = arith.index_cast %parallel_loop3A_64 : i32 to index
        %parallel_loop3A_192 = arith.constant 336 : index
        %parallel_loop3A_193 = tpu.vector_load %arg6[%parallel_loop3A_191, %parallel_loop3A_192] {strides = array<i32>} : memref<32x512xi32, #tpu.memory_space<vmem>>, vector<16xi32>,
        %parallel_loop3A_194 = arith.shrui %parallel_loop3A_193, %broadcast_in_dim3A_12 : vector<16xi32>
        %parallel_loop3A_195 = arith.andi %parallel_loop3A_194, %broadcast_in_dim3A_14 : vector<16xi32>
        %parallel_loop3A_196 = arith.ori %parallel_loop3A_195, %and3A_16 : vector<16xi32>
        tpu.vector_store_idx %arg4[%parallel_loop3A_196], %broadcast_in_dim3A_10 {add = true} : memref<65536xi32, #tpu.memory_space<vmem>>[vector<16xi32>], vector<16xi32>,
        %parallel_loop3A_197 = arith.index_cast %parallel_loop3A_64 : i32 to index
        %parallel_loop3A_198 = arith.constant 352 : index
        %parallel_loop3A_199 = tpu.vector_load %arg6[%parallel_loop3A_197, %parallel_loop3A_198] {strides = array<i32>} : memref<32x512xi32, #tpu.memory_space<vmem>>, vector<16xi32>,
        %parallel_loop3A_200 = arith.shrui %parallel_loop3A_199, %broadcast_in_dim3A_12 : vector<16xi32>
        %parallel_loop3A_201 = arith.andi %parallel_loop3A_200, %broadcast_in_dim3A_14 : vector<16xi32>
        %parallel_loop3A_202 = arith.ori %parallel_loop3A_201, %and3A_16 : vector<16xi32>
        tpu.vector_store_idx %arg4[%parallel_loop3A_202], %broadcast_in_dim3A_10 {add = true} : memref<65536xi32, #tpu.memory_space<vmem>>[vector<16xi32>], vector<16xi32>,
        %parallel_loop3A_203 = arith.index_cast %parallel_loop3A_64 : i32 to index
        %parallel_loop3A_204 = arith.constant 368 : index
        %parallel_loop3A_205 = tpu.vector_load %arg6[%parallel_loop3A_203, %parallel_loop3A_204] {strides = array<i32>} : memref<32x512xi32, #tpu.memory_space<vmem>>, vector<16xi32>,
        %parallel_loop3A_206 = arith.shrui %parallel_loop3A_205, %broadcast_in_dim3A_12 : vector<16xi32>
        %parallel_loop3A_207 = arith.andi %parallel_loop3A_206, %broadcast_in_dim3A_14 : vector<16xi32>
        %parallel_loop3A_208 = arith.ori %parallel_loop3A_207, %and3A_16 : vector<16xi32>
        tpu.vector_store_idx %arg4[%parallel_loop3A_208], %broadcast_in_dim3A_10 {add = true} : memref<65536xi32, #tpu.memory_space<vmem>>[vector<16xi32>], vector<16xi32>,
        %parallel_loop3A_209 = arith.index_cast %parallel_loop3A_64 : i32 to index
        %parallel_loop3A_210 = arith.constant 384 : index
        %parallel_loop3A_211 = tpu.vector_load %arg6[%parallel_loop3A_209, %parallel_loop3A_210] {strides = array<i32>} : memref<32x512xi32, #tpu.memory_space<vmem>>, vector<16xi32>,
        %parallel_loop3A_212 = arith.shrui %parallel_loop3A_211, %broadcast_in_dim3A_12 : vector<16xi32>
        %parallel_loop3A_213 = arith.andi %parallel_loop3A_212, %broadcast_in_dim3A_14 : vector<16xi32>
        %parallel_loop3A_214 = arith.ori %parallel_loop3A_213, %and3A_16 : vector<16xi32>
        tpu.vector_store_idx %arg4[%parallel_loop3A_214], %broadcast_in_dim3A_10 {add = true} : memref<65536xi32, #tpu.memory_space<vmem>>[vector<16xi32>], vector<16xi32>,
        %parallel_loop3A_215 = arith.index_cast %parallel_loop3A_64 : i32 to index
        %parallel_loop3A_216 = arith.constant 400 : index
        %parallel_loop3A_217 = tpu.vector_load %arg6[%parallel_loop3A_215, %parallel_loop3A_216] {strides = array<i32>} : memref<32x512xi32, #tpu.memory_space<vmem>>, vector<16xi32>,
        %parallel_loop3A_218 = arith.shrui %parallel_loop3A_217, %broadcast_in_dim3A_12 : vector<16xi32>
        %parallel_loop3A_219 = arith.andi %parallel_loop3A_218, %broadcast_in_dim3A_14 : vector<16xi32>
        %parallel_loop3A_220 = arith.ori %parallel_loop3A_219, %and3A_16 : vector<16xi32>
        tpu.vector_store_idx %arg4[%parallel_loop3A_220], %broadcast_in_dim3A_10 {add = true} : memref<65536xi32, #tpu.memory_space<vmem>>[vector<16xi32>], vector<16xi32>,
        %parallel_loop3A_221 = arith.index_cast %parallel_loop3A_64 : i32 to index
        %parallel_loop3A_222 = arith.constant 416 : index
        %parallel_loop3A_223 = tpu.vector_load %arg6[%parallel_loop3A_221, %parallel_loop3A_222] {strides = array<i32>} : memref<32x512xi32, #tpu.memory_space<vmem>>, vector<16xi32>,
        %parallel_loop3A_224 = arith.shrui %parallel_loop3A_223, %broadcast_in_dim3A_12 : vector<16xi32>
        %parallel_loop3A_225 = arith.andi %parallel_loop3A_224, %broadcast_in_dim3A_14 : vector<16xi32>
        %parallel_loop3A_226 = arith.ori %parallel_loop3A_225, %and3A_16 : vector<16xi32>
        tpu.vector_store_idx %arg4[%parallel_loop3A_226], %broadcast_in_dim3A_10 {add = true} : memref<65536xi32, #tpu.memory_space<vmem>>[vector<16xi32>], vector<16xi32>,
        %parallel_loop3A_227 = arith.index_cast %parallel_loop3A_64 : i32 to index
        %parallel_loop3A_228 = arith.constant 432 : index
        %parallel_loop3A_229 = tpu.vector_load %arg6[%parallel_loop3A_227, %parallel_loop3A_228] {strides = array<i32>} : memref<32x512xi32, #tpu.memory_space<vmem>>, vector<16xi32>,
        %parallel_loop3A_230 = arith.shrui %parallel_loop3A_229, %broadcast_in_dim3A_12 : vector<16xi32>
        %parallel_loop3A_231 = arith.andi %parallel_loop3A_230, %broadcast_in_dim3A_14 : vector<16xi32>
        %parallel_loop3A_232 = arith.ori %parallel_loop3A_231, %and3A_16 : vector<16xi32>
        tpu.vector_store_idx %arg4[%parallel_loop3A_232], %broadcast_in_dim3A_10 {add = true} : memref<65536xi32, #tpu.memory_space<vmem>>[vector<16xi32>], vector<16xi32>,
        %parallel_loop3A_233 = arith.index_cast %parallel_loop3A_64 : i32 to index
        %parallel_loop3A_234 = arith.constant 448 : index
        %parallel_loop3A_235 = tpu.vector_load %arg6[%parallel_loop3A_233, %parallel_loop3A_234] {strides = array<i32>} : memref<32x512xi32, #tpu.memory_space<vmem>>, vector<16xi32>,
        %parallel_loop3A_236 = arith.shrui %parallel_loop3A_235, %broadcast_in_dim3A_12 : vector<16xi32>
        %parallel_loop3A_237 = arith.andi %parallel_loop3A_236, %broadcast_in_dim3A_14 : vector<16xi32>
        %parallel_loop3A_238 = arith.ori %parallel_loop3A_237, %and3A_16 : vector<16xi32>
        tpu.vector_store_idx %arg4[%parallel_loop3A_238], %broadcast_in_dim3A_10 {add = true} : memref<65536xi32, #tpu.memory_space<vmem>>[vector<16xi32>], vector<16xi32>,
        %parallel_loop3A_239 = arith.index_cast %parallel_loop3A_64 : i32 to index
        %parallel_loop3A_240 = arith.constant 464 : index
        %parallel_loop3A_241 = tpu.vector_load %arg6[%parallel_loop3A_239, %parallel_loop3A_240] {strides = array<i32>} : memref<32x512xi32, #tpu.memory_space<vmem>>, vector<16xi32>,
        %parallel_loop3A_242 = arith.shrui %parallel_loop3A_241, %broadcast_in_dim3A_12 : vector<16xi32>
        %parallel_loop3A_243 = arith.andi %parallel_loop3A_242, %broadcast_in_dim3A_14 : vector<16xi32>
        %parallel_loop3A_244 = arith.ori %parallel_loop3A_243, %and3A_16 : vector<16xi32>
        tpu.vector_store_idx %arg4[%parallel_loop3A_244], %broadcast_in_dim3A_10 {add = true} : memref<65536xi32, #tpu.memory_space<vmem>>[vector<16xi32>], vector<16xi32>,
        %parallel_loop3A_245 = arith.index_cast %parallel_loop3A_64 : i32 to index
        %parallel_loop3A_246 = arith.constant 480 : index
        %parallel_loop3A_247 = tpu.vector_load %arg6[%parallel_loop3A_245, %parallel_loop3A_246] {strides = array<i32>} : memref<32x512xi32, #tpu.memory_space<vmem>>, vector<16xi32>,
        %parallel_loop3A_248 = arith.shrui %parallel_loop3A_247, %broadcast_in_dim3A_12 : vector<16xi32>
        %parallel_loop3A_249 = arith.andi %parallel_loop3A_248, %broadcast_in_dim3A_14 : vector<16xi32>
        %parallel_loop3A_250 = arith.ori %parallel_loop3A_249, %and3A_16 : vector<16xi32>
        tpu.vector_store_idx %arg4[%parallel_loop3A_250], %broadcast_in_dim3A_10 {add = true} : memref<65536xi32, #tpu.memory_space<vmem>>[vector<16xi32>], vector<16xi32>,
        %parallel_loop3A_251 = arith.index_cast %parallel_loop3A_64 : i32 to index
        %parallel_loop3A_252 = arith.constant 496 : index
        %parallel_loop3A_253 = tpu.vector_load %arg6[%parallel_loop3A_251, %parallel_loop3A_252] {strides = array<i32>} : memref<32x512xi32, #tpu.memory_space<vmem>>, vector<16xi32>,
        %parallel_loop3A_254 = arith.shrui %parallel_loop3A_253, %broadcast_in_dim3A_12 : vector<16xi32>
        %parallel_loop3A_255 = arith.andi %parallel_loop3A_254, %broadcast_in_dim3A_14 : vector<16xi32>
        %parallel_loop3A_256 = arith.ori %parallel_loop3A_255, %and3A_16 : vector<16xi32>
        tpu.vector_store_idx %arg4[%parallel_loop3A_256], %broadcast_in_dim3A_10 {add = true} : memref<65536xi32, #tpu.memory_space<vmem>>[vector<16xi32>], vector<16xi32>,
      } {sc.loop_unroll_factor = 4 : i64, sc.parallel_access}
    }
    %scan3A_27 = arith.constant 16 : i32
    "tpu.region"() ({
      %run_scoped3A = tpu.sem_alloc : memref<!tpu.dma_semaphore, #tpu.memory_space<semaphore_mem>>
      %dma_start3A_28 = arith.constant 0 : i32
      %dma_start3A_29 = tpu.memref_slice %arg3[%add3A, %dma_start3A_28] : memref<32x65536xi32, #tpu.memory_space<hbm>> -> memref<1x65536xi32, #tpu.memory_space<hbm>>
      %dma_start3A_30 = tpu.memref_squeeze %dma_start3A_29 : memref<1x65536xi32, #tpu.memory_space<hbm>> -> memref<65536xi32, #tpu.memory_space<hbm>>
      %dma_start3A_31 = arith.constant 0 : i32
      %dma_start3A_32 = tpu.memref_slice %arg3[%add3A, %dma_start3A_31] : memref<32x65536xi32, #tpu.memory_space<hbm>> -> memref<1x65536xi32, #tpu.memory_space<hbm>>
      %dma_start3A_33 = tpu.memref_squeeze %dma_start3A_32 : memref<1x65536xi32, #tpu.memory_space<hbm>> -> memref<65536xi32, #tpu.memory_space<hbm>>
      tpu.enqueue_dma source(%arg4 : memref<65536xi32, #tpu.memory_space<vmem>>) target(%dma_start3A_33 : memref<65536xi32, #tpu.memory_space<hbm>>) target_semaphore(%run_scoped3A : memref<!tpu.dma_semaphore, #tpu.memory_space<semaphore_mem>>)
      %dma_wait3A = arith.constant 0 : i32
      %dma_wait3A_34 = tpu.memref_slice %arg3[%add3A, %dma_wait3A] : memref<32x65536xi32, #tpu.memory_space<hbm>> -> memref<1x65536xi32, #tpu.memory_space<hbm>>
      %dma_wait3A_35 = tpu.memref_squeeze %dma_wait3A_34 : memref<1x65536xi32, #tpu.memory_space<hbm>> -> memref<65536xi32, #tpu.memory_space<hbm>>
      %dma_wait3A_36 = arith.constant 0 : i32
      %dma_wait3A_37 = tpu.memref_slice %arg3[%add3A, %dma_wait3A_36] : memref<32x65536xi32, #tpu.memory_space<hbm>> -> memref<1x65536xi32, #tpu.memory_space<hbm>>
      %dma_wait3A_38 = tpu.memref_squeeze %dma_wait3A_37 : memref<1x65536xi32, #tpu.memory_space<hbm>> -> memref<65536xi32, #tpu.memory_space<hbm>>
      tpu.wait_dma2 semaphore(%run_scoped3A : memref<!tpu.dma_semaphore, #tpu.memory_space<semaphore_mem>>) src(%arg4 : memref<65536xi32, #tpu.memory_space<vmem>>) dst(%dma_wait3A_38 : memref<65536xi32, #tpu.memory_space<hbm>>)
      tpu.yield
    }) : () -> ()
    return
  }
}

module attributes {stable_mosaic.version = 14 : i64} {
  func.func @_final_body(%arg0: i32, %arg1: memref<32x512x128xi32, #tpu.memory_space<vmem>>, %arg2: memref<1x1xi32, #tpu.memory_space<smem>>, %arg3: memref<1024x512xi32, #tpu.memory_space<vmem>>, %arg4: memref<1x1xf32, #tpu.memory_space<smem>>, %arg5: memref<4xi32, #tpu.memory_space<smem>>, %arg6: memref<2xf32, #tpu.memory_space<smem>>) attributes {dimension_semantics = [#tpu.dimension_semantics<arbitrary>], iteration_bounds = array<i64: 32>, scalar_prefetch = 0 : i64, scratch_operands = 2 : i64, tpu.core_type = #tpu.core_type<tc>, window_params = [{pipeline_mode = #tpu.pipeline_mode<synchronous>, transform_indices = @transform_0, window_bounds = array<i64: 32, 512, 128>}, {transform_indices = @transform_1, window_bounds = array<i64: 1, 1>}, {transform_indices = @transform_2, window_bounds = array<i64: 1024, 512>}, {transform_indices = @transform_3, window_bounds = array<i64: 1, 1>}]} {
    %eq3A = arith.constant 0 : i32
    %eq3A_0 = arith.cmpi eq, %arg0, %eq3A : i32
    %convert_element_type3A = arith.extui %eq3A_0 : i1 to i32
    %cond3A = arith.constant 0 : i32
    %cond3A_1 = arith.cmpi ne, %convert_element_type3A, %cond3A : i32
    scf.if %cond3A_1 {
      %get3A_36 = arith.constant 0 : index
      %get3A_37 = arith.constant 0 : index
      %get3A_38 = arith.constant 0 : index
      %get3A_39 = vector.load %arg1[%get3A_36, %get3A_37, %get3A_38] : memref<32x512x128xi32, #tpu.memory_space<vmem>>, vector<32x512x128xi32>
      %reduce_sum3A_40 = arith.constant dense<0> : vector<512x128xi32>
      %reduce_sum3A_41 = vector.multi_reduction <add>, %get3A_39, %reduce_sum3A_40 [0] : vector<32x512x128xi32> to vector<512x128xi32>
      %get3A_42 = arith.constant 0 : index
      %get3A_43 = arith.constant 0 : index
      %get3A_44 = memref.load %arg2[%get3A_42, %get3A_43] : memref<1x1xi32, #tpu.memory_space<smem>>
      %mul3A = arith.constant 6 : i32
      %mul3A_45 = arith.muli %mul3A, %get3A_44 : i32
      %jit3A_46 = arith.constant 10 : i32
      %div3A = arith.divsi %mul3A_45, %jit3A_46 : i32
      %sign3A = arith.constant 0 : i32
      %sign3A_47 = arith.cmpi sgt, %mul3A_45, %sign3A : i32
      %sign3A_48 = arith.extui %sign3A_47 : i1 to i32
      %sign3A_49 = arith.constant 0 : i32
      %sign3A_50 = arith.cmpi slt, %mul3A_45, %sign3A_49 : i32
      %sign3A_51 = arith.extui %sign3A_50 : i1 to i32
      %sign3A_52 = arith.subi %sign3A_48, %sign3A_51 : i32
      %sign3A_53 = arith.constant 0 : i32
      %sign3A_54 = arith.cmpi sgt, %jit3A_46, %sign3A_53 : i32
      %sign3A_55 = arith.extui %sign3A_54 : i1 to i32
      %sign3A_56 = arith.constant 0 : i32
      %sign3A_57 = arith.cmpi slt, %jit3A_46, %sign3A_56 : i32
      %sign3A_58 = arith.extui %sign3A_57 : i1 to i32
      %sign3A_59 = arith.subi %sign3A_55, %sign3A_58 : i32
      %ne3A = arith.cmpi ne, %sign3A_52, %sign3A_59 : i32
      %rem3A = arith.remsi %mul3A_45, %jit3A_46 : i32
      %ne3A_60 = arith.constant 0 : i32
      %ne3A_61 = arith.cmpi ne, %rem3A, %ne3A_60 : i32
      %and3A = arith.andi %ne3A, %ne3A_61 : i1
      %sub3A = arith.constant 1 : i32
      %sub3A_62 = arith.subi %div3A, %sub3A : i32
      %select_n3A_63 = arith.select %and3A, %sub3A_62, %div3A : i32
      %iota3A = tpu.iota {dimensions = array<i32: 0>} : vector<512x128xi32>
      %mul3A_64 = arith.constant 128 : i32
      %mul3A_65 = vector.broadcast %mul3A_64 : i32 to vector<512x128xi32>
      %mul3A_66 = arith.muli %iota3A, %mul3A_65 : vector<512x128xi32>
      %iota3A_67 = tpu.iota {dimensions = array<i32: 1>} : vector<512x128xi32>
      %add3A_68 = arith.addi %mul3A_66, %iota3A_67 : vector<512x128xi32>
      %scan3A = arith.constant 0 : i32
      %scan3A_69 = arith.constant 8192 : i32
      %scan3A_70 = arith.constant 0 : i32
      %scan3A_71 = arith.constant 13 : i32
      %scan3A_72 = arith.addi %scan3A_70, %scan3A_71 : i32
      %scan3A_73 = arith.constant 1 : i32
      %scan3A_74:2 = scf.for %scan3A_115 = %scan3A_70 to %scan3A_72 step %scan3A_73 iter_args(%scan3A_116 = %scan3A, %scan3A_117 = %scan3A_69) -> (i32, i32)  : i32 {
        %add3A_118 = arith.addi %scan3A_116, %scan3A_117 : i32
        %jit3A_119 = arith.constant 2 : i32
        %div3A_120 = arith.divsi %add3A_118, %jit3A_119 : i32
        %sign3A_121 = arith.constant 0 : i32
        %sign3A_122 = arith.cmpi sgt, %add3A_118, %sign3A_121 : i32
        %sign3A_123 = arith.extui %sign3A_122 : i1 to i32
        %sign3A_124 = arith.constant 0 : i32
        %sign3A_125 = arith.cmpi slt, %add3A_118, %sign3A_124 : i32
        %sign3A_126 = arith.extui %sign3A_125 : i1 to i32
        %sign3A_127 = arith.subi %sign3A_123, %sign3A_126 : i32
        %sign3A_128 = arith.constant 0 : i32
        %sign3A_129 = arith.cmpi sgt, %jit3A_119, %sign3A_128 : i32
        %sign3A_130 = arith.extui %sign3A_129 : i1 to i32
        %sign3A_131 = arith.constant 0 : i32
        %sign3A_132 = arith.cmpi slt, %jit3A_119, %sign3A_131 : i32
        %sign3A_133 = arith.extui %sign3A_132 : i1 to i32
        %sign3A_134 = arith.subi %sign3A_130, %sign3A_133 : i32
        %ne3A_135 = arith.cmpi ne, %sign3A_127, %sign3A_134 : i32
        %rem3A_136 = arith.remsi %add3A_118, %jit3A_119 : i32
        %ne3A_137 = arith.constant 0 : i32
        %ne3A_138 = arith.cmpi ne, %rem3A_136, %ne3A_137 : i32
        %and3A_139 = arith.andi %ne3A_135, %ne3A_138 : i1
        %sub3A_140 = arith.constant 1 : i32
        %sub3A_141 = arith.subi %div3A_120, %sub3A_140 : i32
        %select_n3A_142 = arith.select %and3A_139, %sub3A_141, %div3A_120 : i32
        %mul3A_143 = arith.constant 8 : i32
        %mul3A_144 = arith.muli %select_n3A_142, %mul3A_143 : i32
        %ge3A_145 = vector.broadcast %mul3A_144 : i32 to vector<512x128xi32>
        %ge3A_146 = arith.cmpi sge, %add3A_68, %ge3A_145 : vector<512x128xi32>
        %jit3A_147 = arith.constant 0 : i32
        %broadcast_in_dim3A_148 = vector.broadcast %jit3A_147 : i32 to vector<512x128xi32>
        %select_n3A_149 = arith.select %ge3A_146, %reduce_sum3A_41, %broadcast_in_dim3A_148 : vector<512x128xi1>, vector<512x128xi32>
        %reduce_sum3A_150 = vector.shape_cast %select_n3A_149 : vector<512x128xi32> to vector<1x512x128xi32>
        %reduce_sum3A_151 = arith.constant dense<0> : vector<1xi32>
        %reduce_sum3A_152 = vector.multi_reduction <add>, %reduce_sum3A_150, %reduce_sum3A_151 [1, 2] : vector<1x512x128xi32> to vector<1xi32>
        %reduce_sum3A_153 = vector.shape_cast %reduce_sum3A_152 : vector<1xi32> to vector<1x1x1xi32>
        %reduce_sum3A_154 = vector.extract %reduce_sum3A_153[0, 0, 0] : i32 from vector<1x1x1xi32>
        %ge3A_155 = arith.cmpi sge, %reduce_sum3A_154, %select_n3A_63 : i32
        %select_n3A_156 = arith.select %ge3A_155, %select_n3A_142, %scan3A_116 : i32
        %ge3A_157 = arith.cmpi sge, %reduce_sum3A_154, %select_n3A_63 : i32
        %select_n3A_158 = arith.select %ge3A_157, %scan3A_117, %select_n3A_142 : i32
        scf.yield %select_n3A_156, %select_n3A_158 : i32, i32
      }
      %add3A_75 = arith.constant 1 : i32
      %add3A_76 = arith.addi %scan3A_74#0, %add3A_75 : i32
      %mul3A_77 = arith.constant 8 : i32
      %mul3A_78 = arith.muli %add3A_76, %mul3A_77 : i32
      %ge3A = vector.broadcast %mul3A_78 : i32 to vector<512x128xi32>
      %ge3A_79 = arith.cmpi sge, %add3A_68, %ge3A : vector<512x128xi32>
      %jit3A_80 = arith.constant 0 : i32
      %broadcast_in_dim3A_81 = vector.broadcast %jit3A_80 : i32 to vector<512x128xi32>
      %select_n3A_82 = arith.select %ge3A_79, %reduce_sum3A_41, %broadcast_in_dim3A_81 : vector<512x128xi1>, vector<512x128xi32>
      %reduce_sum3A_83 = vector.shape_cast %select_n3A_82 : vector<512x128xi32> to vector<1x512x128xi32>
      %reduce_sum3A_84 = arith.constant dense<0> : vector<1xi32>
      %reduce_sum3A_85 = vector.multi_reduction <add>, %reduce_sum3A_83, %reduce_sum3A_84 [1, 2] : vector<1x512x128xi32> to vector<1xi32>
      %reduce_sum3A_86 = vector.shape_cast %reduce_sum3A_85 : vector<1xi32> to vector<1x1x1xi32>
      %reduce_sum3A_87 = vector.extract %reduce_sum3A_86[0, 0, 0] : i32 from vector<1x1x1xi32>
      %mul3A_88 = arith.constant 8 : i32
      %mul3A_89 = arith.muli %scan3A_74#0, %mul3A_88 : i32
      %ge3A_90 = vector.broadcast %mul3A_89 : i32 to vector<512x128xi32>
      %ge3A_91 = arith.cmpi sge, %add3A_68, %ge3A_90 : vector<512x128xi32>
      %jit3A_92 = arith.constant 0 : i32
      %broadcast_in_dim3A_93 = vector.broadcast %jit3A_92 : i32 to vector<512x128xi32>
      %select_n3A_94 = arith.select %ge3A_91, %reduce_sum3A_41, %broadcast_in_dim3A_93 : vector<512x128xi1>, vector<512x128xi32>
      %reduce_sum3A_95 = vector.shape_cast %select_n3A_94 : vector<512x128xi32> to vector<1x512x128xi32>
      %reduce_sum3A_96 = arith.constant dense<0> : vector<1xi32>
      %reduce_sum3A_97 = vector.multi_reduction <add>, %reduce_sum3A_95, %reduce_sum3A_96 [1, 2] : vector<1x512x128xi32> to vector<1xi32>
      %reduce_sum3A_98 = vector.shape_cast %reduce_sum3A_97 : vector<1xi32> to vector<1x1x1xi32>
      %reduce_sum3A_99 = vector.extract %reduce_sum3A_98[0, 0, 0] : i32 from vector<1x1x1xi32>
      %sub3A_100 = arith.subi %reduce_sum3A_99, %reduce_sum3A_87 : i32
      %swap3A_101 = arith.constant 0 : index
      %swap3A_102 = memref.load %arg5[%swap3A_101] : memref<4xi32, #tpu.memory_space<smem>>
      memref.store %scan3A_74#0, %arg5[%swap3A_101] : memref<4xi32, #tpu.memory_space<smem>>
      %swap3A_103 = arith.constant 1 : index
      %swap3A_104 = memref.load %arg5[%swap3A_103] : memref<4xi32, #tpu.memory_space<smem>>
      memref.store %reduce_sum3A_87, %arg5[%swap3A_103] : memref<4xi32, #tpu.memory_space<smem>>
      %swap3A_105 = arith.constant 2 : index
      %swap3A_106 = memref.load %arg5[%swap3A_105] : memref<4xi32, #tpu.memory_space<smem>>
      memref.store %sub3A_100, %arg5[%swap3A_105] : memref<4xi32, #tpu.memory_space<smem>>
      %swap3A_107 = arith.constant 3 : index
      %swap3A_108 = memref.load %arg5[%swap3A_107] : memref<4xi32, #tpu.memory_space<smem>>
      memref.store %select_n3A_63, %arg5[%swap3A_107] : memref<4xi32, #tpu.memory_space<smem>>
      %swap3A_109 = arith.constant 0.000000e+00 : f32
      %swap3A_110 = arith.constant 0 : index
      %swap3A_111 = memref.load %arg6[%swap3A_110] : memref<2xf32, #tpu.memory_space<smem>>
      memref.store %swap3A_109, %arg6[%swap3A_110] : memref<2xf32, #tpu.memory_space<smem>>
      %swap3A_112 = arith.constant 0.000000e+00 : f32
      %swap3A_113 = arith.constant 1 : index
      %swap3A_114 = memref.load %arg6[%swap3A_113] : memref<2xf32, #tpu.memory_space<smem>>
      memref.store %swap3A_112, %arg6[%swap3A_113] : memref<2xf32, #tpu.memory_space<smem>>
    } else {
    }
    %get3A = arith.constant 0 : index
    %get3A_2 = memref.load %arg5[%get3A] : memref<4xi32, #tpu.memory_space<smem>>
    %get3A_3 = arith.constant 0 : index
    %get3A_4 = arith.constant 0 : index
    %get3A_5 = vector.load %arg3[%get3A_3, %get3A_4] : memref<1024x512xi32, #tpu.memory_space<vmem>>, vector<1024x512xi32>
    %bitcast_convert_type3A = tpu.bitcast %get3A_5 : vector<1024x512xi32> -> vector<1024x512xf32>
    %shift_right_logical3A = arith.constant 19 : i32
    %shift_right_logical3A_6 = vector.broadcast %shift_right_logical3A : i32 to vector<1024x512xi32>
    %shift_right_logical3A_7 = arith.shrui %get3A_5, %shift_right_logical3A_6 : vector<1024x512xi32>
    %get3A_8 = arith.constant 0 : index
    %get3A_9 = memref.load %arg6[%get3A_8] : memref<2xf32, #tpu.memory_space<smem>>
    %gt3A = vector.broadcast %get3A_2 : i32 to vector<1024x512xi32>
    %gt3A_10 = arith.cmpi sgt, %shift_right_logical3A_7, %gt3A : vector<1024x512xi32>
    %jit3A = arith.constant 0.000000e+00 : f32
    %broadcast_in_dim3A = vector.broadcast %jit3A : f32 to vector<1024x512xf32>
    %select_n3A = arith.select %gt3A_10, %bitcast_convert_type3A, %broadcast_in_dim3A : vector<1024x512xi1>, vector<1024x512xf32>
    %reduce_sum3A = vector.shape_cast %select_n3A : vector<1024x512xf32> to vector<1x1024x512xf32>
    %reduce_sum3A_11 = arith.constant dense<0.000000e+00> : vector<1xf32>
    %reduce_sum3A_12 = vector.multi_reduction <add>, %reduce_sum3A, %reduce_sum3A_11 [1, 2] : vector<1x1024x512xf32> to vector<1xf32>
    %reduce_sum3A_13 = vector.shape_cast %reduce_sum3A_12 : vector<1xf32> to vector<1x1x1xf32>
    %reduce_sum3A_14 = vector.extract %reduce_sum3A_13[0, 0, 0] : f32 from vector<1x1x1xf32>
    %add3A = arith.addf %get3A_9, %reduce_sum3A_14 : f32
    %swap3A = arith.constant 0 : index
    %swap3A_15 = memref.load %arg6[%swap3A] : memref<2xf32, #tpu.memory_space<smem>>
    memref.store %add3A, %arg6[%swap3A] : memref<2xf32, #tpu.memory_space<smem>>
    %get3A_16 = arith.constant 1 : index
    %get3A_17 = memref.load %arg6[%get3A_16] : memref<2xf32, #tpu.memory_space<smem>>
    %eq3A_18 = vector.broadcast %get3A_2 : i32 to vector<1024x512xi32>
    %eq3A_19 = arith.cmpi eq, %shift_right_logical3A_7, %eq3A_18 : vector<1024x512xi32>
    %jit3A_20 = arith.constant 0.000000e+00 : f32
    %broadcast_in_dim3A_21 = vector.broadcast %jit3A_20 : f32 to vector<1024x512xf32>
    %select_n3A_22 = arith.select %eq3A_19, %bitcast_convert_type3A, %broadcast_in_dim3A_21 : vector<1024x512xi1>, vector<1024x512xf32>
    %reduce_sum3A_23 = vector.shape_cast %select_n3A_22 : vector<1024x512xf32> to vector<1x1024x512xf32>
    %reduce_sum3A_24 = arith.constant dense<0.000000e+00> : vector<1xf32>
    %reduce_sum3A_25 = vector.multi_reduction <add>, %reduce_sum3A_23, %reduce_sum3A_24 [1, 2] : vector<1x1024x512xf32> to vector<1xf32>
    %reduce_sum3A_26 = vector.shape_cast %reduce_sum3A_25 : vector<1xf32> to vector<1x1x1xf32>
    %reduce_sum3A_27 = vector.extract %reduce_sum3A_26[0, 0, 0] : f32 from vector<1x1x1xf32>
    %add3A_28 = arith.addf %get3A_17, %reduce_sum3A_27 : f32
    %swap3A_29 = arith.constant 1 : index
    %swap3A_30 = memref.load %arg6[%swap3A_29] : memref<2xf32, #tpu.memory_space<smem>>
    memref.store %add3A_28, %arg6[%swap3A_29] : memref<2xf32, #tpu.memory_space<smem>>
    %eq3A_31 = arith.constant 31 : i32
    %eq3A_32 = arith.cmpi eq, %arg0, %eq3A_31 : i32
    %convert_element_type3A_33 = arith.extui %eq3A_32 : i1 to i32
    %cond3A_34 = arith.constant 0 : i32
    %cond3A_35 = arith.cmpi ne, %convert_element_type3A_33, %cond3A_34 : i32
    scf.if %cond3A_35 {
      %get3A_36 = arith.constant 1 : index
      %get3A_37 = memref.load %arg5[%get3A_36] : memref<4xi32, #tpu.memory_space<smem>>
      %get3A_38 = arith.constant 2 : index
      %get3A_39 = memref.load %arg5[%get3A_38] : memref<4xi32, #tpu.memory_space<smem>>
      %get3A_40 = arith.constant 3 : index
      %get3A_41 = memref.load %arg5[%get3A_40] : memref<4xi32, #tpu.memory_space<smem>>
      %sub3A = arith.subi %get3A_41, %get3A_37 : i32
      %jit3A_42 = arith.constant 0 : i32
      %max3A = arith.maxsi %jit3A_42, %sub3A : i32
      %min3A = arith.minsi %get3A_39, %max3A : i32
      %gt3A_43 = arith.constant 0 : i32
      %gt3A_44 = arith.cmpi sgt, %get3A_39, %gt3A_43 : i32
      %get3A_45 = arith.constant 1 : index
      %get3A_46 = memref.load %arg6[%get3A_45] : memref<2xf32, #tpu.memory_space<smem>>
      %convert_element_type3A_47 = arith.sitofp %get3A_39 : i32 to f32
      %div3A = arith.divf %get3A_46, %convert_element_type3A_47 : f32
      %jit3A_48 = arith.constant 0.000000e+00 : f32
      %select_n3A_49 = arith.select %gt3A_44, %div3A, %jit3A_48 : f32
      %get3A_50 = arith.constant 0 : index
      %get3A_51 = memref.load %arg6[%get3A_50] : memref<2xf32, #tpu.memory_space<smem>>
      %convert_element_type3A_52 = arith.sitofp %min3A : i32 to f32
      %mul3A = arith.mulf %convert_element_type3A_52, %select_n3A_49 : f32
      %add3A_53 = arith.addf %get3A_51, %mul3A : f32
      %convert_element_type3A_54 = arith.sitofp %get3A_41 : i32 to f32
      %div3A_55 = arith.divf %add3A_53, %convert_element_type3A_54 : f32
      %swap3A_56 = arith.constant 0 : index
      %swap3A_57 = arith.constant 0 : index
      %swap3A_58 = memref.load %arg4[%swap3A_56, %swap3A_57] : memref<1x1xf32, #tpu.memory_space<smem>>
      memref.store %div3A_55, %arg4[%swap3A_56, %swap3A_57] : memref<1x1xf32, #tpu.memory_space<smem>>
    } else {
    }
    return
  }
  func.func @transform_0(%arg0: i32) -> (i32, i32, i32) {
    %c0_i32 = arith.constant 0 : i32
    %c0_i32_0 = arith.constant 0 : i32
    %c0_i32_1 = arith.constant 0 : i32
    %c0_i32_2 = arith.constant 0 : i32
    return %c0_i32, %c0_i32_0, %c0_i32_1 : i32, i32, i32
  }
  func.func @transform_1(%arg0: i32) -> (i32, i32) {
    %c0_i32 = arith.constant 0 : i32
    %c0_i32_0 = arith.constant 0 : i32
    %c0_i32_1 = arith.constant 0 : i32
    return %c0_i32, %c0_i32_0 : i32, i32
  }
  func.func @transform_2(%arg0: i32) -> (i32, i32) {
    %c0_i32 = arith.constant 0 : i32
    %c0_i32_0 = arith.constant 0 : i32
    return %arg0, %c0_i32 : i32, i32
  }
  func.func @transform_3(%arg0: i32) -> (i32, i32) {
    %c0_i32 = arith.constant 0 : i32
    %c0_i32_0 = arith.constant 0 : i32
    %c0_i32_1 = arith.constant 0 : i32
    return %c0_i32, %c0_i32_0 : i32, i32
  }
}

module attributes {stable_mosaic.version = 14 : i64} {
  func.func @_loss_body(%arg0: i32, %arg1: memref<2x512x512xf32, #tpu.memory_space<vmem>>, %arg2: memref<2x512x512xf32, #tpu.memory_space<vmem>>, %arg3: memref<2x512x512xi8, #tpu.memory_space<vmem>>, %arg4: memref<1024x512xi32, #tpu.memory_space<vmem>>, %arg5: memref<1x1xi32, #tpu.memory_space<smem>>) attributes {dimension_semantics = [#tpu.dimension_semantics<arbitrary>], iteration_bounds = array<i64: 32>, scalar_prefetch = 0 : i64, scratch_operands = 0 : i64, tpu.core_type = #tpu.core_type<tc>, window_params = [{transform_indices = @transform_0, window_bounds = array<i64: 2, 512, 512>}, {transform_indices = @transform_1, window_bounds = array<i64: 2, 512, 512>}, {transform_indices = @transform_2, window_bounds = array<i64: 2, 512, 512>}, {transform_indices = @transform_3, window_bounds = array<i64: 1024, 512>}, {transform_indices = @transform_4, window_bounds = array<i64: 1, 1>}]} {
    %eq3A = arith.constant 0 : i32
    %eq3A_0 = arith.cmpi eq, %arg0, %eq3A : i32
    %convert_element_type3A = arith.extui %eq3A_0 : i1 to i32
    %cond3A = arith.constant 0 : i32
    %cond3A_1 = arith.cmpi ne, %convert_element_type3A, %cond3A : i32
    scf.if %cond3A_1 {
      %swap3A_37 = arith.constant 0 : i32
      %swap3A_38 = arith.constant 0 : index
      %swap3A_39 = arith.constant 0 : index
      %swap3A_40 = memref.load %arg5[%swap3A_38, %swap3A_39] : memref<1x1xi32, #tpu.memory_space<smem>>
      memref.store %swap3A_37, %arg5[%swap3A_38, %swap3A_39] : memref<1x1xi32, #tpu.memory_space<smem>>
    } else {
    }
    %get3A = arith.constant 0 : index
    %get3A_2 = arith.constant 0 : index
    %get3A_3 = arith.constant 0 : index
    %get3A_4 = vector.load %arg1[%get3A, %get3A_2, %get3A_3] : memref<2x512x512xf32, #tpu.memory_space<vmem>>, vector<2x512x512xf32>
    %get3A_5 = arith.constant 0 : index
    %get3A_6 = arith.constant 0 : index
    %get3A_7 = arith.constant 0 : index
    %get3A_8 = vector.load %arg2[%get3A_5, %get3A_6, %get3A_7] : memref<2x512x512xf32, #tpu.memory_space<vmem>>, vector<2x512x512xf32>
    %sub3A = arith.subf %get3A_4, %get3A_8 : vector<2x512x512xf32>
    %abs3A = math.absf %sub3A : vector<2x512x512xf32>
    %lt3A = arith.constant 1.000000e+00 : f32
    %lt3A_9 = vector.broadcast %lt3A : f32 to vector<2x512x512xf32>
    %lt3A_10 = arith.cmpf olt, %abs3A, %lt3A_9 : vector<2x512x512xf32>
    %mul3A = arith.constant 5.000000e-01 : f32
    %mul3A_11 = vector.broadcast %mul3A : f32 to vector<2x512x512xf32>
    %mul3A_12 = arith.mulf %mul3A_11, %sub3A : vector<2x512x512xf32>
    %mul3A_13 = arith.mulf %mul3A_12, %sub3A : vector<2x512x512xf32>
    %sub3A_14 = arith.constant 5.000000e-01 : f32
    %sub3A_15 = vector.broadcast %sub3A_14 : f32 to vector<2x512x512xf32>
    %sub3A_16 = arith.subf %abs3A, %sub3A_15 : vector<2x512x512xf32>
    %select_n3A = arith.select %lt3A_10, %mul3A_13, %sub3A_16 : vector<2x512x512xi1>, vector<2x512x512xf32>
    %get3A_17 = arith.constant 0 : index
    %get3A_18 = arith.constant 0 : index
    %get3A_19 = arith.constant 0 : index
    %get3A_20 = vector.load %arg3[%get3A_17, %get3A_18, %get3A_19] : memref<2x512x512xi8, #tpu.memory_space<vmem>>, vector<2x512x512xi8>
    %ne3A = arith.constant 0 : i8
    %ne3A_21 = vector.broadcast %ne3A : i8 to vector<2x512x512xi8>
    %ne3A_22 = arith.cmpi ne, %get3A_20, %ne3A_21 : vector<2x512x512xi8>
    %jit3A = arith.constant 0.000000e+00 : f32
    %broadcast_in_dim3A = vector.broadcast %jit3A : f32 to vector<2x512x512xf32>
    %select_n3A_23 = arith.select %ne3A_22, %select_n3A, %broadcast_in_dim3A : vector<2x512x512xi1>, vector<2x512x512xf32>
    %bitcast_convert_type3A = tpu.bitcast %select_n3A_23 : vector<2x512x512xf32> -> vector<2x512x512xi32>
    %reshape3A = vector.shape_cast %bitcast_convert_type3A : vector<2x512x512xi32> to vector<1024x512xi32>
    %swap3A = arith.constant 0 : index
    %swap3A_24 = arith.constant 0 : index
    %swap3A_25 = vector.load %arg4[%swap3A, %swap3A_24] : memref<1024x512xi32, #tpu.memory_space<vmem>>, vector<1024x512xi32>
    tpu.vector_store %arg4[%swap3A, %swap3A_24], %reshape3A {strides = array<i32>} : memref<1024x512xi32, #tpu.memory_space<vmem>>, vector<1024x512xi32>,
    %get3A_26 = arith.constant 0 : index
    %get3A_27 = arith.constant 0 : index
    %get3A_28 = memref.load %arg5[%get3A_26, %get3A_27] : memref<1x1xi32, #tpu.memory_space<smem>>
    %convert_element_type3A_29 = arith.extui %ne3A_22 : vector<2x512x512xi1> to vector<2x512x512xi32>
    %reduce_sum3A = vector.shape_cast %convert_element_type3A_29 : vector<2x512x512xi32> to vector<1x2x512x512xi32>
    %reduce_sum3A_30 = arith.constant dense<0> : vector<1xi32>
    %reduce_sum3A_31 = vector.multi_reduction <add>, %reduce_sum3A, %reduce_sum3A_30 [1, 2, 3] : vector<1x2x512x512xi32> to vector<1xi32>
    %reduce_sum3A_32 = vector.shape_cast %reduce_sum3A_31 : vector<1xi32> to vector<1x1x1x1xi32>
    %reduce_sum3A_33 = vector.extract %reduce_sum3A_32[0, 0, 0, 0] : i32 from vector<1x1x1x1xi32>
    %add3A = arith.addi %get3A_28, %reduce_sum3A_33 : i32
    %swap3A_34 = arith.constant 0 : index
    %swap3A_35 = arith.constant 0 : index
    %swap3A_36 = memref.load %arg5[%swap3A_34, %swap3A_35] : memref<1x1xi32, #tpu.memory_space<smem>>
    memref.store %add3A, %arg5[%swap3A_34, %swap3A_35] : memref<1x1xi32, #tpu.memory_space<smem>>
    return
  }
  func.func @transform_0(%arg0: i32) -> (i32, i32, i32) {
    %c0_i32 = arith.constant 0 : i32
    %c0_i32_0 = arith.constant 0 : i32
    %c0_i32_1 = arith.constant 0 : i32
    return %arg0, %c0_i32, %c0_i32_0 : i32, i32, i32
  }
  func.func @transform_1(%arg0: i32) -> (i32, i32, i32) {
    %c0_i32 = arith.constant 0 : i32
    %c0_i32_0 = arith.constant 0 : i32
    %c0_i32_1 = arith.constant 0 : i32
    return %arg0, %c0_i32, %c0_i32_0 : i32, i32, i32
  }
  func.func @transform_2(%arg0: i32) -> (i32, i32, i32) {
    %c0_i32 = arith.constant 0 : i32
    %c0_i32_0 = arith.constant 0 : i32
    %c0_i32_1 = arith.constant 0 : i32
    return %arg0, %c0_i32, %c0_i32_0 : i32, i32, i32
  }
  func.func @transform_3(%arg0: i32) -> (i32, i32) {
    %c0_i32 = arith.constant 0 : i32
    %c0_i32_0 = arith.constant 0 : i32
    return %arg0, %c0_i32 : i32, i32
  }
  func.func @transform_4(%arg0: i32) -> (i32, i32) {
    %c0_i32 = arith.constant 0 : i32
    %c0_i32_0 = arith.constant 0 : i32
    %c0_i32_1 = arith.constant 0 : i32
    return %c0_i32, %c0_i32_0 : i32, i32
  }
}

</mosaic_0001>

<sc_bundles>
// kernel: kernel.5.cloned.1.call-start
scs
__scs_entry_jumppad:
0x0: {  	(pc) =	sbr.rel $0x88, $3  }
0x1: {  	(tag) =	ssettag $0x0;
	lr =	simm.s32 $0x1  }
0x2: {  	[smem:$0x3F9E] =	sst lr;
	_ =	strace $0xD0000000  }
0x3: {  	_ = 	snop  }
0x4: {  	_ = 	snop  }
0x5: {  	_ = 	snop  }
0x6: {  	_ = 	snop  }
0x7: {  	_ = 	snop  }
__scs_overlays_trampoline_lowered:
0x8: {  	[smem:$0x3FAD] =	sst s0  }
0x9: {  	[smem:$0x3FAE] =	sst s1  }
0xa: {  	[smem:$0x3FAF] =	sst s2  }
0xb: {  	[smem:$0x3FB0] =	sst s3  }
0xc: {  	[smem:$0x3FB1] =	sst s4  }
0xd: {  	[smem:$0x3FB2] =	sst s5  }
0xe: {  	[smem:$0x3FB3] =	sst s6  }
0xf: {  	[smem:$0x3FB4] =	sst s7  }
0x10: {  	[smem:$0x3FB5] =	sst s8  }
0x11: {  	[smem:$0x3FB6] =	sst s9;
	s0 =	simm.s32 @!p0 $0x0  }
0x12: {  	s1 =	sld [smem:$0x3F9C];
	s0 =	simm.s32 @p0 $0x1  }
0x13: {  	[smem:$0x3FB7] =	sst s0;
	s0 =	simm.s32 @!p1 $0x0  }
0x14: {  	s2 =	sld [smem:$0x3F9B];
	s0 =	simm.s32 @p1 $0x1  }
0x15: {  	[smem:$0x3FB8] =	sst s0;
	s0 =	simm.s32 @!p2 $0x0  }
0x16: {  	s3 =	sld [smem:$0x3FDB];
	s0 =	simm.s32 @p2 $0x1  }
0x17: {  	s4 =	simm.s32 $0x1BF5;
	[smem:$0x3FBA] =	sst s0  }
0x18: {  	s0 =	sld [smem:$0x3F9D];
	_ =	swait.ge [sflag:s4], $0x0  }
0x19: {  	s7 =	sld [smem:$0x3F9E]  }
0x1a: {  	s8 =	sadd.s32 $0xFFFFE003, lr  }
0x1b: {  	s9 =	sadd.s32 $0xFFFFFEF7, lr;
	s5 =	simm.s32 $0xFFFFFFFF;
	p2 =	slt.u32 s8, $0xFFFFF086  }
0x1c: {  	p1 =	slt.u32 s9, $0xF7A;
	s5 =	simm.s32 @!p2 $0x0  }
0x1d: {  	s5 =	simm.s32 @p1 $0x1;
	p0 =	seq.s32 s7, s2  }
0x1e: {  	s7 =	smul.u32 @!p0 $0xF7A, s2;
	p2 =	seq.s32 @!p0 s5, $0x0  }
0x1f: {  	s9 =	smul.u32 $0xF7A, s1;
	s8 =	simm.s32 @!p0 $0x1BF5;
	p2 =	por !p2, p0  }
0x20: {  	[sflag:s8] =	ssyncset.s32 @!p0 $0xFFFFF086;
	s6 =	sadd.s32 @!p0 s3, s7;
	s7 =	simm.s32 @!p0 $0x108  }
0x21: {  	s3 =	sadd.s32 s3, s9;
	s6 =	sadd.s32 @!p0 $0x88, s6;
	s7 =	simm.s32 @p2 $0x1082  }
0x22: {  	[simem:s7], [sflag:s8] =	dma.local @!p0 [hbm:s6], $0xF7A  }
0x23: {  	s9 =	sor.u32 $0xD0000000, s2;
	s6 =	simm.s32 $0x108;
	_ =	swait.ge @!p0 [sflag:s8], $0x0  }
0x24: {  	s3 =	sadd.s32 $0x88, s3;
	s6 =	simm.s32 @!p1 $0x1082;
	[sflag:s4] =	ssyncset.s32 $0xFFFFF086  }
0x25: {  	[simem:s6], [sflag:s4] =	dma.local [hbm:s3], $0xF7A  }
0x26: {  	[smem:$0x3F9E] =	sst s1;
	(tag) =	ssettag s2;
	_ =	strace s9  }
0x27: {  	s1 =	sld [smem:$0x3FAE]  }
0x28: {  	s2 =	sld [smem:$0x3FAF]  }
0x29: {  	s4 =	sld [smem:$0x3FB1]  }
0x2a: {  	p0 =	seq.s32 s5, $0x0;
	s5 =	sld [smem:$0x3FB2]  }
0x2b: {  	s6 =	sld [smem:$0x3FB3]  }
0x2c: {  	s7 =	sld [smem:$0x3FB4]  }
0x2d: {  	s3 =	simm.s32 $0x108;
	s8 =	sld [smem:$0x3FB5]  }
0x2e: {  	s3 =	simm.s32 @!p0 $0x1082;
	s9 =	sld [smem:$0x3FB6]  }
0x2f: {  	lr =	sadd.s32 s0, s3;
	s0 =	sld [smem:$0x3FAD]  }
0x30: {  	s3 =	sld [smem:$0x3FB0]  }
0x31: {  	[smem:$0x3FB9] =	sst s10  }
0x32: {  	s10 =	sld [smem:$0x3FB7];
	_ =	sdelay $0x3  }
0x33: {  	p0 =	seq.s32 s10, $0x1;
	s10 =	sld [smem:$0x3FB9];
	_ =	sdelay $0x3  }
0x34: {  	[smem:$0x3FB9] =	sst s10  }
0x35: {  	s10 =	sld [smem:$0x3FB8];
	_ =	sdelay $0x3  }
0x36: {  	p1 =	seq.s32 s10, $0x1;
	s10 =	sld [smem:$0x3FB9];
	_ =	sdelay $0x3  }
0x37: {  	[smem:$0x3FB9] =	sst s10  }
0x38: {  	s10 =	sld [smem:$0x3FBA]  }
0x39: {  	_ = 	snop;
	(pc) =	sbr.ind lr, $3  }
0x3a: {  	_ = 	snop  }
0x3b: {  	_ = 	snop  }
0x3c: {  	p2 =	seq.s32 s10, $0x1;
	s10 =	sld [smem:$0x3FB9]  }
0x3d: {  	_ =	shalt  }
0x3e: {  	_ =	shalt  }
0x3f: {  	_ =	shalt  }
0x40: {  	_ =	shalt  }
0x41: {  	_ =	shalt  }
0x42: {  	_ =	shalt  }
0x43: {  	_ =	shalt  }
0x44: {  	_ =	shalt  }
0x45: {  	_ =	shalt  }
0x46: {  	_ =	shalt  }
0x47: {  	_ =	shalt  }
0x48: {  	_ =	shalt  }
0x49: {  	_ =	shalt  }
0x4a: {  	_ =	shalt  }
0x4b: {  	_ =	shalt  }
0x4c: {  	_ =	shalt  }
0x4d: {  	_ =	shalt  }
0x4e: {  	_ =	shalt  }
0x4f: {  	_ =	shalt  }
0x50: {  	_ =	shalt  }
0x51: {  	_ =	shalt  }
0x52: {  	_ =	shalt  }
0x53: {  	_ =	shalt  }
0x54: {  	_ =	shalt  }
0x55: {  	_ =	shalt  }
0x56: {  	_ =	shalt  }
0x57: {  	_ =	shalt  }
0x58: {  	_ =	shalt  }
0x59: {  	_ =	shalt  }
0x5a: {  	_ =	shalt  }
0x5b: {  	_ =	shalt  }
0x5c: {  	_ =	shalt  }
0x5d: {  	_ =	shalt  }
0x5e: {  	_ =	shalt  }
0x5f: {  	_ =	shalt  }
0x60: {  	_ =	shalt  }
0x61: {  	_ =	shalt  }
0x62: {  	_ =	shalt  }
0x63: {  	_ =	shalt  }
0x64: {  	_ =	shalt  }
0x65: {  	_ =	shalt  }
0x66: {  	_ =	shalt  }
0x67: {  	_ =	shalt  }
0x68: {  	_ =	shalt  }
0x69: {  	_ =	shalt  }
0x6a: {  	_ =	shalt  }
0x6b: {  	_ =	shalt  }
0x6c: {  	_ =	shalt  }
0x6d: {  	_ =	shalt  }
0x6e: {  	_ =	shalt  }
0x6f: {  	_ =	shalt  }
0x70: {  	_ =	shalt  }
0x71: {  	_ =	shalt  }
0x72: {  	_ =	shalt  }
0x73: {  	_ =	shalt  }
0x74: {  	_ =	shalt  }
0x75: {  	_ =	shalt  }
0x76: {  	_ =	shalt  }
0x77: {  	_ =	shalt  }
0x78: {  	_ =	shalt  }
0x79: {  	_ =	shalt  }
0x7a: {  	_ =	shalt  }
0x7b: {  	_ =	shalt  }
0x7c: {  	_ =	shalt  }
0x7d: {  	_ =	shalt  }
0x7e: {  	_ =	shalt  }
0x7f: {  	_ =	shalt  }
0x80: {  	_ =	shalt  }
0x81: {  	_ =	shalt  }
0x82: {  	_ =	shalt  }
0x83: {  	_ =	shalt  }
0x84: {  	_ =	shalt  }
0x85: {  	_ =	shalt  }
0x86: {  	_ =	shalt  }
0x87: {  	_ =	shalt  }
.Lfunc_end0:
.L_simem_size_0:
called_computation_lowered:
.L_overlay_start_0:
0x88: {  	s2 =	sld [smem:$0x3FD9]  }
0x89: {  	s3 =	sld [smem:$0x3FFE];
	_ =	sdelay $0x1  }
0x8a: {  	s1 =	srdreg.scid  }
0x8b: {  	s0 =	sand.u32 $0x1, s1  }
0x8c: {  	s16 =	sshll.u32 s0, $0xA;
	s2 =	sadd.s32 s3, s2  }
0x8d: {  	s2 =	sadd.s32 s2, s16  }
0x8e: {  	[smem:$0x3FC5] =	sst s2  }
0x8f: {  	_ = 	snop  }
0x90: {  	(tm) =	ssettm $0x1  }
0x91: {  	s17 =	sld [smem:$0x3FFB];
	_ =	sdelay $0x3  }
0x92: {  	_ =	strace s17  }
0x93: {  	s2 =	sld [smem:$0x3FFC];
	_ =	sdelay $0x3  }
0x94: {  	_ =	strace s2  }
0x95: {  	s2 =	sld [smem:$0x3FFD];
	_ =	sdelay $0x3  }
0x96: {  	_ =	strace s2  }
0x97: {  	_ =	strace $0x8FFFFFFF  }
0x98: {  	s18 =	sld [smem:$0x3FDB];
	_ =	sdelay $0x1  }
0x99: {  	s19 =	simm.s32 $_scs_section_size  }
0x9a: {  	s4 =	simm.s32 $_size__tile_overlayer_lowered;
	s5 =	simm.s32 $_tile_overlayer_lowered  }
0x9b: {  	s22 =	simm.s32 $0x1BFF;
	s21 =	sshll.u32 s5, $0x1;
	s2 =	sadd.s32 s19, s18  }
0x9c: {  	s6 =	simm.s32 $0x0;
	s20 =	sshll.u32 s4, $0x1;
	s4 =	sadd.s32 s21, s2  }
0x9d: {  	[timem:s6], [sflag:s22] =	dma.local [hbm:s4], s20  }
0x9e: {  	_ =	swait.ge [sflag:s22], s20  }
0x9f: {  	s3 =	ssub.s32 $0x0, s20;
	[sflag:s22] =	ssyncset.done $0x0  }
0xa0: {  	[sflag:s22] =	ssyncadd.s32 s3;
	_ =	sdelay $0x1  }
0xa1: {  	s23 =	simm.s32 $0x1B8B  }
0xa2: {  	_ =	swait.ge [sflag:s23], $0x1  }
0xa3: {  	[sflag:s23] =	ssyncset.done $0x0  }
0xa4: {  	s25 =	simm.s32 $0x1B8E;
	s24 =	sld [smem:$0x3FFE];
	[sflag:s23] =	ssyncadd.s32 $0xFFFFFFFF  }
0xa5: {  	s26 =	simm.s32 $execute0_lowered;
	[smem:$0x3FD2] =	sst s25  }
0xa6: {  	s4 =	sshll.u32 s26, $0x1;
	_ =	strace $0x80000046;
	[dreg:$0x1] =	wrdreg $0xFFFFFFFF  }
0xa7: {  	s28 =	simm.s32 $_size_execute0_lowered;
	s2 =	sadd.s32 s2, s4;
	[dreg:$0x0] =	wrdreg $0x0  }
0xa8: {  	s4 =	sshll.u32 s28, $0x1;
	[dreg:$0x2] =	wrdreg s2  }
0xa9: {  	[dreg:$0x3] =	wrdreg s4  }
0xaa: {  	[dreg:$0x4] =	wrdreg $0xC0  }
0xab: {  	_ =	task [dreg:s6], $0x5FFFF  }
0xac: {  	[dreg:$0x1] =	wrdreg $0xFFFFFFFF  }
0xad: {  	[dreg:$0x0] =	wrdreg $0x60  }
0xae: {  	[dreg:$0x2] =	wrdreg s24  }
0xaf: {  	[dreg:$0x3] =	wrdreg $0x9  }
0xb0: {  	_ =	task.clear_ibuf [dreg:s6], $0x4FFFF;
	_ =	strace $0x90000046  }
0xb1: {  	s29 =	simm.s32 $0x9;
	_ =	strace $0x80000048  }
0xb2: {  	_ =	swait.ge [sflag:s29], $0x1  }
0xb3: {  	[sflag:s29] =	ssyncadd.s32 $0xFFFFFFFF  }
0xb4: {  	_ =	strace $0x90000048  }
0xb5: {  	_ =	sfence  }
0xb6: {  	s30 =	sld [smem:$0x0];
	_ =	sdelay $0x2  }
0xb7: {  	s31 =	sshll.u32 s1, $0xD;
	s1 =	sshrl.u32 s1, $0x2  }
0xb8: {  	s3 =	sand.u32 $0x4000, s31;
	s1 =	sadd.s32 s1, s30  }
0xb9: {  	s0 =	sor.u32 s3, s0;
	s1 =	sshll.u32 s1, $0x11  }
0xba: {  	s0 =	sor.u32 s1, s0  }
0xbb: {  	s0 =	sadd.s32 $0x8F2B, s0  }
0xbc: {  	[sflag:s0] =	ssyncadd.remote.s32 $0x1  }
0xbd: {  	_ =	sfence.sel $0xFFFF  }
0xbe: {  	[dreg:$0x0] =	wrdreg $0xFFFFFFFF;
	(pc) =	sbr.abs _section_cstart, $3  }
0xbf: {  	[dreg:$0x1] =	wrdreg $0xFFFFFFFF  }
0xc0: {  	_ =	task.clear_ibuf [dreg:s6], $0x2FFFF;
	_ =	strace $0x9FFFFFFF  }
0xc1: {  	(tm) =	ssettm $0x7FFFFFFF  }
tec
execute0_lowered:
.L_overlay_start_1:
0x0: {  	(tag) =	ssettag $0x1  }
0x1: {  	s0 =	srdreg.scid  }
0x2: {  	s1 =	stileid.u32;
	s3 =	rddreg [dreg:$0x0]  }
0x3: {  	s2 =	simm.s32 $0x0;
	s0 =	sand.u32 $0x1, s0;
	s1 =	sshll.u32 s1, $0x1  }
0x4: {  	[smem:$0x7FF] =	sst s2;
	s1 =	sor.u32 s0, s1;
	s0 =	ssub.s32 $0x2, s0  }
0x5: {  	_ =	strace $0x80000047;
	s4 =	sshll.u32 s1, $0x10;
	s1 =	sshll.u32 s1, $0x7  }
0x6: {  	s5 =	sshrl.u32 s0, $0x1;
	s1 =	sor.u32 s1, s4;
	s4 =	sadd.s32 s4, s3  }
0x7: {  	s0 =	ssub.s32 s0, s5;
	s1 =	sand.u32 $0x180380, s1;
	s30 =	sadd.s32 $0x600, s4  }
0x8: {  	s31 =	sadd.s32 $0x1600, s4;
	s1 =	sshrl.u32 s1, $0x3;
	[smem:$0x7FA] =	sst s30  }
0x9: {  	s0 =	smax.u32 s0, $0x1;
	[smem:$0x7FB] =	sst s31;
	s1 =	sadd.s32 s1, s3  }
0xa: {  	v1 =	vlaneseq.u32;
	[smem:$0x7FD] =	sst s0;
	s1 =	sadd.s32 $0x200800, s1  }
0xb: {  	v0 =	vimm.s32 $0x0;
	v2 =	vimm.s32 $0x1;
	v1 =	vand.u32 $0x7, v1;
	s3 =	simm.s32 $0x0;
	[smem:$0x7FC] =	sst s1  }
.LBB2_1:
0xc: {  	s0 =	simm.s32 $0x40;
	s1 =	simm.s32 $0x0  }
.LBB2_2:
0xd: {  	p0 =	sne.s32 s0, $0x3FFC0;
	[tilespmem:s1+$0x0] =	vst v0;
	s1 =	smov.u32 s0;
	s0 =	sadd.s32 $0x40, s0  }
.Ltmp0:
0xe: {  	(pc) =	sbr.rel @p0 .LBB2_2-.Ltmp0, $2  }
0xf: {  	_ =	sdelay $0x2  }
0x10: {  	s1 =	sshra.s32 s1, $0x2  }
0x11: {  	s0 =	sld [smem:$0x7FA];
	_ =	sdelay $0x1  }
0x12: {  	[tilespmem:s1+$0x0] =	vst v0;
	s30 =	simm.s32 $0x0;
	s31 =	simm.s32 $0x10000  }
0x13: {  	[tilespmem:s31], [sflag:$0x1] =	stream.linear.gather [hbm4b:s0+s30], $0x4000, $0x38;
	[tilespmem:$0x18000] =	vst v63  }
0x14: {  	[smem:$0x7F9] =	sst s3;
	s0 =	simm.s32 $0x0  }
.LBB2_4:
0x15: {  	s15 =	sld [smem:$0x7FA];
	_ =	sdelay $0x1  }
0x16: {  	[smem:$0x7F4] =	sst s0;
	s1 =	sshll.u32 s0, $0xC  }
0x17: {  	s16 =	simm.s32 $0x14000;
	s4 =	simm.s32 $0x0;
	s0 =	sadd.s32 s1, s15  }
0x18: {  	s3 =	simm.s32 $0x1;
	[smem:$0x7F5] =	sst s1;
	s0 =	sadd.s32 $0x800, s0  }
0x19: {  	[tilespmem:s16], [sflag:$0x2] =	stream.linear.gather [hbm4b:s0+s4], $0x4000, $0x38;
	[tilespmem:$0x18000] =	vst v63  }
0x1a: {  	_ =	swait.ge [sflag:s3], $0x4000  }
0x1b: {  	s17 =	sand.u32 $0x3000, s4;
	s18 =	sand.u32 $0x200, s4;
	[sflag:s3] =	ssyncset.done $0x0  }
0x1c: {  	s0 =	sor.u32 s18, s17;
	[sflag:s3] =	ssyncadd.s32 $0xFFFFC000  }
0x1d: {  	v3 =	vld [tilespmem:s0+$0x10180];
	_ =	sdelay $0x4  }
0x1e: {  	v3 =	vshrl.u32 v3, $0x10  }
0x1f: {  	v3 =	vand.u32 $0xFFF8, v3  }
0x20: {  	v3 =	vor.u32 v1, v3;
	_ =	sdelay $0x4  }
0x21: {  	[tilespmem:v3+s2+$0x0] =	vst.idx.add.s32.msk $0xffff, v2  }
0x22: {  	v3 =	vld [tilespmem:s0+$0x10190];
	_ =	sdelay $0x3  }
0x23: {  	v5 =	vld [tilespmem:s0+$0x10080]  }
0x24: {  	v3 =	vshrl.u32 v3, $0x10  }
0x25: {  	v6 =	vld [tilespmem:s0+$0x10100];
	v3 =	vand.u32 $0xFFF8, v3  }
0x26: {  	v3 =	vor.u32 v1, v3;
	_ =	sdelay $0x1  }
0x27: {  	v4 =	vld [tilespmem:s0+$0x10000];
	v5 =	vshrl.u32 v5, $0x10  }
0x28: {  	v5 =	vand.u32 $0xFFF8, v5  }
0x29: {  	v6 =	vshrl.u32 v6, $0x10;
	v5 =	vor.u32 v1, v5  }
0x2a: {  	v6 =	vand.u32 $0xFFF8, v6;
	[tilespmem:v3+s2+$0x0] =	vst.idx.add.s32.msk $0xffff, v2  }
0x2b: {  	v3 =	vor.u32 v1, v6;
	v6 =	vld [tilespmem:s0+$0x101A0]  }
0x2c: {  	v4 =	vshrl.u32 v4, $0x10  }
0x2d: {  	v4 =	vand.u32 $0xFFF8, v4  }
0x2e: {  	v4 =	vor.u32 v1, v4;
	[tilespmem:v5+s2+$0x0] =	vst.idx.add.s32.msk $0xffff, v2  }
0x2f: {  	v5 =	vld [tilespmem:s0+$0x10090]  }
0x30: {  	[tilespmem:v3+s2+$0x0] =	vst.idx.add.s32.msk $0xffff, v2;
	v3 =	vshrl.u32 v6, $0x10  }
0x31: {  	v6 =	vld [tilespmem:s0+$0x10110];
	v3 =	vand.u32 $0xFFF8, v3  }
0x32: {  	v3 =	vor.u32 v1, v3  }
0x33: {  	[tilespmem:v4+s2+$0x0] =	vst.idx.add.s32.msk $0xffff, v2  }
0x34: {  	v4 =	vld [tilespmem:s0+$0x10010];
	v5 =	vshrl.u32 v5, $0x10  }
0x35: {  	v5 =	vand.u32 $0xFFF8, v5  }
0x36: {  	v5 =	vor.u32 v1, v5;
	v6 =	vshrl.u32 v6, $0x10  }
0x37: {  	v6 =	vand.u32 $0xFFF8, v6;
	[tilespmem:v3+s2+$0x0] =	vst.idx.add.s32.msk $0xffff, v2  }
0x38: {  	v3 =	vor.u32 v1, v6;
	v6 =	vld [tilespmem:s0+$0x101B0]  }
0x39: {  	v4 =	vshrl.u32 v4, $0x10  }
0x3a: {  	v4 =	vand.u32 $0xFFF8, v4  }
0x3b: {  	v4 =	vor.u32 v1, v4;
	[tilespmem:v5+s2+$0x0] =	vst.idx.add.s32.msk $0xffff, v2  }
0x3c: {  	v5 =	vld [tilespmem:s0+$0x100A0]  }
0x3d: {  	[tilespmem:v3+s2+$0x0] =	vst.idx.add.s32.msk $0xffff, v2;
	v3 =	vshrl.u32 v6, $0x10  }
0x3e: {  	v6 =	vld [tilespmem:s0+$0x10120];
	v3 =	vand.u32 $0xFFF8, v3  }
0x3f: {  	v3 =	vor.u32 v1, v3  }
0x40: {  	[tilespmem:v4+s2+$0x0] =	vst.idx.add.s32.msk $0xffff, v2  }
0x41: {  	v4 =	vld [tilespmem:s0+$0x10020];
	v5 =	vshrl.u32 v5, $0x10  }
0x42: {  	v5 =	vand.u32 $0xFFF8, v5  }
0x43: {  	v5 =	vor.u32 v1, v5;
	v6 =	vshrl.u32 v6, $0x10  }
0x44: {  	v6 =	vand.u32 $0xFFF8, v6;
	[tilespmem:v3+s2+$0x0] =	vst.idx.add.s32.msk $0xffff, v2  }
0x45: {  	v3 =	vor.u32 v1, v6;
	v6 =	vld [tilespmem:s0+$0x101C0]  }
0x46: {  	v4 =	vshrl.u32 v4, $0x10  }
0x47: {  	v4 =	vand.u32 $0xFFF8, v4  }
0x48: {  	v4 =	vor.u32 v1, v4;
	[tilespmem:v5+s2+$0x0] =	vst.idx.add.s32.msk $0xffff, v2  }
0x49: {  	v5 =	vld [tilespmem:s0+$0x100B0]  }
0x4a: {  	[tilespmem:v3+s2+$0x0] =	vst.idx.add.s32.msk $0xffff, v2;
	v3 =	vshrl.u32 v6, $0x10  }
0x4b: {  	v6 =	vld [tilespmem:s0+$0x10130];
	v3 =	vand.u32 $0xFFF8, v3  }
0x4c: {  	v3 =	vor.u32 v1, v3  }
0x4d: {  	[tilespmem:v4+s2+$0x0] =	vst.idx.add.s32.msk $0xffff, v2  }
0x4e: {  	v4 =	vld [tilespmem:s0+$0x10030];
	v5 =	vshrl.u32 v5, $0x10  }
0x4f: {  	v5 =	vand.u32 $0xFFF8, v5  }
0x50: {  	v5 =	vor.u32 v1, v5;
	v6 =	vshrl.u32 v6, $0x10  }
0x51: {  	v6 =	vand.u32 $0xFFF8, v6;
	[tilespmem:v3+s2+$0x0] =	vst.idx.add.s32.msk $0xffff, v2  }
0x52: {  	v3 =	vor.u32 v1, v6;
	v6 =	vld [tilespmem:s0+$0x101D0]  }
0x53: {  	v4 =	vshrl.u32 v4, $0x10  }
0x54: {  	v4 =	vand.u32 $0xFFF8, v4  }
0x55: {  	v4 =	vor.u32 v1, v4;
	[tilespmem:v5+s2+$0x0] =	vst.idx.add.s32.msk $0xffff, v2  }
0x56: {  	v5 =	vld [tilespmem:s0+$0x100C0]  }
0x57: {  	[tilespmem:v3+s2+$0x0] =	vst.idx.add.s32.msk $0xffff, v2;
	v3 =	vshrl.u32 v6, $0x10  }
0x58: {  	v6 =	vld [tilespmem:s0+$0x10140];
	v3 =	vand.u32 $0xFFF8, v3  }
0x59: {  	v3 =	vor.u32 v1, v3  }
0x5a: {  	[tilespmem:v4+s2+$0x0] =	vst.idx.add.s32.msk $0xffff, v2  }
0x5b: {  	v4 =	vld [tilespmem:s0+$0x10040];
	v5 =	vshrl.u32 v5, $0x10  }
0x5c: {  	v5 =	vand.u32 $0xFFF8, v5  }
0x5d: {  	v5 =	vor.u32 v1, v5;
	v6 =	vshrl.u32 v6, $0x10  }
0x5e: {  	v6 =	vand.u32 $0xFFF8, v6;
	[tilespmem:v3+s2+$0x0] =	vst.idx.add.s32.msk $0xffff, v2  }
0x5f: {  	v3 =	vor.u32 v1, v6;
	v6 =	vld [tilespmem:s0+$0x101E0]  }
0x60: {  	v4 =	vshrl.u32 v4, $0x10  }
0x61: {  	v4 =	vand.u32 $0xFFF8, v4  }
0x62: {  	v4 =	vor.u32 v1, v4;
	[tilespmem:v5+s2+$0x0] =	vst.idx.add.s32.msk $0xffff, v2  }
0x63: {  	v5 =	vld [tilespmem:s0+$0x100D0]  }
0x64: {  	[tilespmem:v3+s2+$0x0] =	vst.idx.add.s32.msk $0xffff, v2;
	v3 =	vshrl.u32 v6, $0x10  }
0x65: {  	v6 =	vld [tilespmem:s0+$0x10150];
	v3 =	vand.u32 $0xFFF8, v3  }
0x66: {  	v3 =	vor.u32 v1, v3  }
0x67: {  	[tilespmem:v4+s2+$0x0] =	vst.idx.add.s32.msk $0xffff, v2  }
0x68: {  	v4 =	vld [tilespmem:s0+$0x10050];
	v5 =	vshrl.u32 v5, $0x10  }
0x69: {  	v5 =	vand.u32 $0xFFF8, v5  }
0x6a: {  	v5 =	vor.u32 v1, v5;
	v6 =	vshrl.u32 v6, $0x10  }
0x6b: {  	v6 =	vand.u32 $0xFFF8, v6;
	[tilespmem:v3+s2+$0x0] =	vst.idx.add.s32.msk $0xffff, v2  }
0x6c: {  	v3 =	vor.u32 v1, v6;
	v6 =	vld [tilespmem:s0+$0x101F0]  }
0x6d: {  	v4 =	vshrl.u32 v4, $0x10  }
0x6e: {  	v4 =	vand.u32 $0xFFF8, v4  }
0x6f: {  	v4 =	vor.u32 v1, v4;
	[tilespmem:v5+s2+$0x0] =	vst.idx.add.s32.msk $0xffff, v2  }
0x70: {  	v5 =	vld [tilespmem:s0+$0x100E0]  }
0x71: {  	[tilespmem:v3+s2+$0x0] =	vst.idx.add.s32.msk $0xffff, v2;
	v3 =	vshrl.u32 v6, $0x10  }
0x72: {  	v6 =	vld [tilespmem:s0+$0x10160];
	v3 =	vand.u32 $0xFFF8, v3  }
0x73: {  	v3 =	vor.u32 v1, v3  }
0x74: {  	[tilespmem:v4+s2+$0x0] =	vst.idx.add.s32.msk $0xffff, v2  }
0x75: {  	v4 =	vld [tilespmem:s0+$0x10060];
	v5 =	vshrl.u32 v5, $0x10  }
0x76: {  	v5 =	vand.u32 $0xFFF8, v5  }
0x77: {  	v5 =	vor.u32 v1, v5;
	v6 =	vshrl.u32 v6, $0x10  }
0x78: {  	v6 =	vand.u32 $0xFFF8, v6;
	[tilespmem:v3+s2+$0x0] =	vst.idx.add.s32.msk $0xffff, v2  }
0x79: {  	v3 =	vor.u32 v1, v6;
	v6 =	vld [tilespmem:s0+$0x10580]  }
0x7a: {  	v4 =	vshrl.u32 v4, $0x10  }
0x7b: {  	v4 =	vand.u32 $0xFFF8, v4  }
0x7c: {  	v4 =	vor.u32 v1, v4;
	[tilespmem:v5+s2+$0x0] =	vst.idx.add.s32.msk $0xffff, v2  }
0x7d: {  	v5 =	vld [tilespmem:s0+$0x100F0]  }
0x7e: {  	[tilespmem:v3+s2+$0x0] =	vst.idx.add.s32.msk $0xffff, v2;
	v3 =	vshrl.u32 v6, $0x10  }
0x7f: {  	v6 =	vld [tilespmem:s0+$0x10170];
	v3 =	vand.u32 $0xFFF8, v3  }
0x80: {  	v3 =	vor.u32 v1, v3  }
0x81: {  	[tilespmem:v4+s2+$0x0] =	vst.idx.add.s32.msk $0xffff, v2  }
0x82: {  	v4 =	vld [tilespmem:s0+$0x10070];
	v5 =	vshrl.u32 v5, $0x10  }
0x83: {  	v5 =	vand.u32 $0xFFF8, v5  }
0x84: {  	v5 =	vor.u32 v1, v5;
	v6 =	vshrl.u32 v6, $0x10  }
0x85: {  	v6 =	vand.u32 $0xFFF8, v6;
	[tilespmem:v3+s2+$0x0] =	vst.idx.add.s32.msk $0xffff, v2  }
0x86: {  	v3 =	vor.u32 v1, v6;
	v6 =	vld [tilespmem:s0+$0x10590]  }
0x87: {  	v4 =	vshrl.u32 v4, $0x10  }
0x88: {  	v4 =	vand.u32 $0xFFF8, v4  }
0x89: {  	v4 =	vor.u32 v1, v4;
	[tilespmem:v5+s2+$0x0] =	vst.idx.add.s32.msk $0xffff, v2  }
0x8a: {  	v5 =	vld [tilespmem:s0+$0x10480]  }
0x8b: {  	[tilespmem:v3+s2+$0x0] =	vst.idx.add.s32.msk $0xffff, v2;
	v3 =	vshrl.u32 v6, $0x10  }
0x8c: {  	v6 =	vld [tilespmem:s0+$0x10500];
	v3 =	vand.u32 $0xFFF8, v3  }
0x8d: {  	v3 =	vor.u32 v1, v3  }
0x8e: {  	[tilespmem:v4+s2+$0x0] =	vst.idx.add.s32.msk $0xffff, v2  }
0x8f: {  	v4 =	vld [tilespmem:s0+$0x10400];
	v5 =	vshrl.u32 v5, $0x10  }
0x90: {  	v5 =	vand.u32 $0xFFF8, v5  }
0x91: {  	v5 =	vor.u32 v1, v5;
	v6 =	vshrl.u32 v6, $0x10  }
0x92: {  	v6 =	vand.u32 $0xFFF8, v6;
	[tilespmem:v3+s2+$0x0] =	vst.idx.add.s32.msk $0xffff, v2  }
0x93: {  	v3 =	vor.u32 v1, v6;
	v6 =	vld [tilespmem:s0+$0x105A0]  }
0x94: {  	v4 =	vshrl.u32 v4, $0x10  }
0x95: {  	v4 =	vand.u32 $0xFFF8, v4  }
0x96: {  	v4 =	vor.u32 v1, v4;
	[tilespmem:v5+s2+$0x0] =	vst.idx.add.s32.msk $0xffff, v2  }
0x97: {  	v5 =	vld [tilespmem:s0+$0x10490]  }
0x98: {  	[tilespmem:v3+s2+$0x0] =	vst.idx.add.s32.msk $0xffff, v2;
	v3 =	vshrl.u32 v6, $0x10  }
0x99: {  	v6 =	vld [tilespmem:s0+$0x10510];
	v3 =	vand.u32 $0xFFF8, v3  }
0x9a: {  	v3 =	vor.u32 v1, v3  }
0x9b: {  	[tilespmem:v4+s2+$0x0] =	vst.idx.add.s32.msk $0xffff, v2  }
0x9c: {  	v4 =	vld [tilespmem:s0+$0x10410];
	v5 =	vshrl.u32 v5, $0x10  }
0x9d: {  	v5 =	vand.u32 $0xFFF8, v5  }
0x9e: {  	v5 =	vor.u32 v1, v5;
	v6 =	vshrl.u32 v6, $0x10  }
0x9f: {  	v6 =	vand.u32 $0xFFF8, v6;
	[tilespmem:v3+s2+$0x0] =	vst.idx.add.s32.msk $0xffff, v2  }
0xa0: {  	v3 =	vor.u32 v1, v6;
	v6 =	vld [tilespmem:s0+$0x105B0]  }
0xa1: {  	v4 =	vshrl.u32 v4, $0x10  }
0xa2: {  	v4 =	vand.u32 $0xFFF8, v4  }
0xa3: {  	v4 =	vor.u32 v1, v4;
	[tilespmem:v5+s2+$0x0] =	vst.idx.add.s32.msk $0xffff, v2  }
0xa4: {  	v5 =	vld [tilespmem:s0+$0x104A0]  }
0xa5: {  	[tilespmem:v3+s2+$0x0] =	vst.idx.add.s32.msk $0xffff, v2;
	v3 =	vshrl.u32 v6, $0x10  }
0xa6: {  	v6 =	vld [tilespmem:s0+$0x10520];
	v3 =	vand.u32 $0xFFF8, v3  }
0xa7: {  	v3 =	vor.u32 v1, v3  }
0xa8: {  	[tilespmem:v4+s2+$0x0] =	vst.idx.add.s32.msk $0xffff, v2  }
0xa9: {  	v4 =	vld [tilespmem:s0+$0x10420];
	v5 =	vshrl.u32 v5, $0x10  }
0xaa: {  	v5 =	vand.u32 $0xFFF8, v5  }
0xab: {  	v5 =	vor.u32 v1, v5;
	v6 =	vshrl.u32 v6, $0x10  }
0xac: {  	v6 =	vand.u32 $0xFFF8, v6;
	[tilespmem:v3+s2+$0x0] =	vst.idx.add.s32.msk $0xffff, v2  }
0xad: {  	v3 =	vor.u32 v1, v6;
	v6 =	vld [tilespmem:s0+$0x105C0]  }
0xae: {  	v4 =	vshrl.u32 v4, $0x10  }
0xaf: {  	v4 =	vand.u32 $0xFFF8, v4  }
0xb0: {  	v4 =	vor.u32 v1, v4;
	[tilespmem:v5+s2+$0x0] =	vst.idx.add.s32.msk $0xffff, v2  }
0xb1: {  	v5 =	vld [tilespmem:s0+$0x104B0]  }
0xb2: {  	[tilespmem:v3+s2+$0x0] =	vst.idx.add.s32.msk $0xffff, v2;
	v3 =	vshrl.u32 v6, $0x10  }
0xb3: {  	v6 =	vld [tilespmem:s0+$0x10530];
	v3 =	vand.u32 $0xFFF8, v3  }
0xb4: {  	v3 =	vor.u32 v1, v3  }
0xb5: {  	[tilespmem:v4+s2+$0x0] =	vst.idx.add.s32.msk $0xffff, v2  }
0xb6: {  	v4 =	vld [tilespmem:s0+$0x10430];
	v5 =	vshrl.u32 v5, $0x10  }
0xb7: {  	v5 =	vand.u32 $0xFFF8, v5  }
0xb8: {  	v5 =	vor.u32 v1, v5;
	v6 =	vshrl.u32 v6, $0x10  }
0xb9: {  	v6 =	vand.u32 $0xFFF8, v6;
	[tilespmem:v3+s2+$0x0] =	vst.idx.add.s32.msk $0xffff, v2  }
0xba: {  	v3 =	vor.u32 v1, v6;
	v6 =	vld [tilespmem:s0+$0x105D0]  }
0xbb: {  	v4 =	vshrl.u32 v4, $0x10  }
0xbc: {  	v4 =	vand.u32 $0xFFF8, v4  }
0xbd: {  	v4 =	vor.u32 v1, v4;
	[tilespmem:v5+s2+$0x0] =	vst.idx.add.s32.msk $0xffff, v2  }
0xbe: {  	v5 =	vld [tilespmem:s0+$0x104C0]  }
0xbf: {  	[tilespmem:v3+s2+$0x0] =	vst.idx.add.s32.msk $0xffff, v2;
	v3 =	vshrl.u32 v6, $0x10  }
0xc0: {  	v6 =	vld [tilespmem:s0+$0x10540];
	v3 =	vand.u32 $0xFFF8, v3  }
0xc1: {  	v3 =	vor.u32 v1, v3  }
0xc2: {  	[tilespmem:v4+s2+$0x0] =	vst.idx.add.s32.msk $0xffff, v2  }
0xc3: {  	v4 =	vld [tilespmem:s0+$0x10440];
	v5 =	vshrl.u32 v5, $0x10  }
0xc4: {  	v5 =	vand.u32 $0xFFF8, v5  }
0xc5: {  	v5 =	vor.u32 v1, v5;
	v6 =	vshrl.u32 v6, $0x10  }
0xc6: {  	v6 =	vand.u32 $0xFFF8, v6;
	[tilespmem:v3+s2+$0x0] =	vst.idx.add.s32.msk $0xffff, v2  }
0xc7: {  	v3 =	vor.u32 v1, v6;
	v6 =	vld [tilespmem:s0+$0x105E0]  }
0xc8: {  	v4 =	vshrl.u32 v4, $0x10  }
0xc9: {  	v4 =	vand.u32 $0xFFF8, v4  }
0xca: {  	v4 =	vor.u32 v1, v4;
	[tilespmem:v5+s2+$0x0] =	vst.idx.add.s32.msk $0xffff, v2  }
0xcb: {  	v5 =	vld [tilespmem:s0+$0x104D0]  }
0xcc: {  	[tilespmem:v3+s2+$0x0] =	vst.idx.add.s32.msk $0xffff, v2;
	v3 =	vshrl.u32 v6, $0x10  }
0xcd: {  	v6 =	vld [tilespmem:s0+$0x10550];
	v3 =	vand.u32 $0xFFF8, v3  }
0xce: {  	v3 =	vor.u32 v1, v3  }
0xcf: {  	[tilespmem:v4+s2+$0x0] =	vst.idx.add.s32.msk $0xffff, v2  }
0xd0: {  	v4 =	vld [tilespmem:s0+$0x10450];
	v5 =	vshrl.u32 v5, $0x10  }
0xd1: {  	v5 =	vand.u32 $0xFFF8, v5  }
0xd2: {  	v5 =	vor.u32 v1, v5;
	v6 =	vshrl.u32 v6, $0x10  }
0xd3: {  	v6 =	vand.u32 $0xFFF8, v6;
	[tilespmem:v3+s2+$0x0] =	vst.idx.add.s32.msk $0xffff, v2  }
0xd4: {  	v3 =	vor.u32 v1, v6;
	v6 =	vld [tilespmem:s0+$0x105F0]  }
0xd5: {  	v4 =	vshrl.u32 v4, $0x10  }
0xd6: {  	v4 =	vand.u32 $0xFFF8, v4  }
0xd7: {  	v4 =	vor.u32 v1, v4;
	[tilespmem:v5+s2+$0x0] =	vst.idx.add.s32.msk $0xffff, v2  }
0xd8: {  	v5 =	vld [tilespmem:s0+$0x104E0]  }
0xd9: {  	[tilespmem:v3+s2+$0x0] =	vst.idx.add.s32.msk $0xffff, v2;
	v3 =	vshrl.u32 v6, $0x10  }
0xda: {  	v6 =	vld [tilespmem:s0+$0x10560];
	v3 =	vand.u32 $0xFFF8, v3  }
0xdb: {  	p0 =	por $0x0, $0x0;
	s1 =	simm.s32 $0x1;
	v3 =	vor.u32 v1, v3  }
0xdc: {  	s1 =	simm.s32 @!p0 $0x0;
	[tilespmem:v4+s2+$0x0] =	vst.idx.add.s32.msk $0xffff, v2  }
0xdd: {  	s1 =	sshll.u32 s1, $0x9;
	v4 =	vld [tilespmem:s0+$0x10460];
	v5 =	vshrl.u32 v5, $0x10  }
0xde: {  	s4 =	sadd.s32 $0x0, s1;
	v5 =	vand.u32 $0xFFF8, v5  }
0xdf: {  	s7 =	sadd.s32 $0x180, s4;
	v5 =	vor.u32 v1, v5;
	v6 =	vshrl.u32 v6, $0x10  }
0xe0: {  	s19 =	sor.u32 $0x800, s7;
	v6 =	vand.u32 $0xFFF8, v6;
	[tilespmem:v3+s2+$0x0] =	vst.idx.add.s32.msk $0xffff, v2  }
0xe1: {  	v3 =	vor.u32 v1, v6;
	v6 =	vld [tilespmem:s19+$0x10000]  }
0xe2: {  	v4 =	vshrl.u32 v4, $0x10  }
0xe3: {  	v4 =	vand.u32 $0xFFF8, v4  }
0xe4: {  	v4 =	vor.u32 v1, v4;
	[tilespmem:v5+s2+$0x0] =	vst.idx.add.s32.msk $0xffff, v2  }
0xe5: {  	v5 =	vld [tilespmem:s0+$0x104F0]  }
0xe6: {  	[tilespmem:v3+s2+$0x0] =	vst.idx.add.s32.msk $0xffff, v2;
	v3 =	vshrl.u32 v6, $0x10  }
0xe7: {  	v6 =	vld [tilespmem:s0+$0x10570];
	v3 =	vand.u32 $0xFFF8, v3  }
0xe8: {  	v3 =	vor.u32 v1, v3  }
0xe9: {  	[tilespmem:v4+s2+$0x0] =	vst.idx.add.s32.msk $0xffff, v2  }
0xea: {  	v4 =	vld [tilespmem:s0+$0x10470];
	v5 =	vshrl.u32 v5, $0x10  }
0xeb: {  	v5 =	vand.u32 $0xFFF8, v5  }
0xec: {  	v5 =	vor.u32 v1, v5;
	v6 =	vshrl.u32 v6, $0x10  }
0xed: {  	s20 =	sor.u32 $0x810, s7;
	v6 =	vand.u32 $0xFFF8, v6;
	[tilespmem:v3+s2+$0x0] =	vst.idx.add.s32.msk $0xffff, v2  }
0xee: {  	v3 =	vor.u32 v1, v6;
	v6 =	vld [tilespmem:s20+$0x10000]  }
0xef: {  	v4 =	vshrl.u32 v4, $0x10  }
0xf0: {  	s6 =	sadd.s32 $0x80, s4;
	v4 =	vand.u32 $0xFFF8, v4  }
0xf1: {  	s22 =	sor.u32 $0x800, s6;
	v4 =	vor.u32 v1, v4;
	[tilespmem:v5+s2+$0x0] =	vst.idx.add.s32.msk $0xffff, v2  }
0xf2: {  	s5 =	sadd.s32 $0x100, s4;
	v5 =	vld [tilespmem:s22+$0x10000]  }
0xf3: {  	s23 =	sor.u32 $0x800, s5;
	[tilespmem:v3+s2+$0x0] =	vst.idx.add.s32.msk $0xffff, v2;
	v3 =	vshrl.u32 v6, $0x10  }
0xf4: {  	v6 =	vld [tilespmem:s23+$0x10000];
	v3 =	vand.u32 $0xFFF8, v3  }
0xf5: {  	v3 =	vor.u32 v1, v3  }
0xf6: {  	s21 =	sor.u32 $0x800, s4;
	[tilespmem:v4+s2+$0x0] =	vst.idx.add.s32.msk $0xffff, v2  }
0xf7: {  	v4 =	vld [tilespmem:s21+$0x10000];
	v5 =	vshrl.u32 v5, $0x10  }
0xf8: {  	v5 =	vand.u32 $0xFFF8, v5  }
0xf9: {  	v5 =	vor.u32 v1, v5;
	v6 =	vshrl.u32 v6, $0x10  }
0xfa: {  	s24 =	sor.u32 $0x820, s7;
	v6 =	vand.u32 $0xFFF8, v6;
	[tilespmem:v3+s2+$0x0] =	vst.idx.add.s32.msk $0xffff, v2  }
0xfb: {  	v3 =	vor.u32 v1, v6;
	v6 =	vld [tilespmem:s24+$0x10000]  }
0xfc: {  	v4 =	vshrl.u32 v4, $0x10  }
0xfd: {  	v4 =	vand.u32 $0xFFF8, v4  }
0xfe: {  	s26 =	sor.u32 $0x810, s6;
	v4 =	vor.u32 v1, v4;
	[tilespmem:v5+s2+$0x0] =	vst.idx.add.s32.msk $0xffff, v2  }
0xff: {  	v5 =	vld [tilespmem:s26+$0x10000]  }
0x100: {  	s1 =	sor.u32 $0x810, s5;
	[tilespmem:v3+s2+$0x0] =	vst.idx.add.s32.msk $0xffff, v2;
	v3 =	vshrl.u32 v6, $0x10  }
0x101: {  	v6 =	vld [tilespmem:s1+$0x10000];
	v3 =	vand.u32 $0xFFF8, v3  }
0x102: {  	v3 =	vor.u32 v1, v3  }
0x103: {  	s25 =	sor.u32 $0x810, s4;
	[tilespmem:v4+s2+$0x0] =	vst.idx.add.s32.msk $0xffff, v2  }
0x104: {  	v4 =	vld [tilespmem:s25+$0x10000];
	v5 =	vshrl.u32 v5, $0x10  }
0x105: {  	v5 =	vand.u32 $0xFFF8, v5  }
0x106: {  	v5 =	vor.u32 v1, v5;
	v6 =	vshrl.u32 v6, $0x10  }
0x107: {  	s3 =	sor.u32 $0x830, s7;
	v6 =	vand.u32 $0xFFF8, v6;
	[tilespmem:v3+s2+$0x0] =	vst.idx.add.s32.msk $0xffff, v2  }
0x108: {  	v3 =	vor.u32 v1, v6;
	v6 =	vld [tilespmem:s3+$0x10000]  }
0x109: {  	v4 =	vshrl.u32 v4, $0x10  }
0x10a: {  	v4 =	vand.u32 $0xFFF8, v4  }
0x10b: {  	s9 =	sor.u32 $0x820, s6;
	v4 =	vor.u32 v1, v4;
	[tilespmem:v5+s2+$0x0] =	vst.idx.add.s32.msk $0xffff, v2  }
0x10c: {  	s10 =	simm.s32 $0x200;
	s11 =	simm.s32 $0x800;
	v5 =	vld [tilespmem:s9+$0x10000]  }
0x10d: {  	s12 =	sor.u32 $0x820, s5;
	s0 =	sand.u32 $0x200, s10;
	s1 =	sand.u32 $0x3000, s11;
	[tilespmem:v3+s2+$0x0] =	vst.idx.add.s32.msk $0xffff, v2;
	v3 =	vshrl.u32 v6, $0x10  }
0x10e: {  	s1 =	sor.u32 s0, s1;
	v6 =	vld [tilespmem:s12+$0x10000];
	v3 =	vand.u32 $0xFFF8, v3  }
0x10f: {  	v7 =	vld [tilespmem:s1+$0x10180];
	v3 =	vor.u32 v1, v3  }
0x110: {  	s8 =	sor.u32 $0x820, s4;
	[tilespmem:v4+s2+$0x0] =	vst.idx.add.s32.msk $0xffff, v2  }
0x111: {  	v4 =	vld [tilespmem:s8+$0x10000]  }
0x112: {  	v5 =	vshrl.u32 v5, $0x10  }
0x113: {  	v5 =	vand.u32 $0xFFF8, v5;
	v6 =	vshrl.u32 v6, $0x10  }
0x114: {  	v5 =	vor.u32 v1, v5;
	v6 =	vand.u32 $0xFFF8, v6;
	[tilespmem:v3+s2+$0x0] =	vst.idx.add.s32.msk $0xffff, v2;
	v3 =	vshrl.u32 v7, $0x10  }
0x115: {  	v8 =	vld [tilespmem:s1+$0x10000];
	v6 =	vor.u32 v1, v6;
	v3 =	vand.u32 $0xFFF8, v3  }
0x116: {  	s13 =	sor.u32 $0x840, s7;
	v4 =	vshrl.u32 v4, $0x10;
	v9 =	vld [tilespmem:s1+$0x10080];
	v3 =	vor.u32 v1, v3  }
0x117: {  	v4 =	vand.u32 $0xFFF8, v4;
	v7 =	vld [tilespmem:s13+$0x10000]  }
0x118: {  	v4 =	vor.u32 v1, v4;
	v10 =	vld [tilespmem:s1+$0x10100]  }
0x119: {  	[tilespmem:v5+s2+$0x0] =	vst.idx.add.s32.msk $0xffff, v2  }
0x11a: {  	v5 =	vshrl.u32 v8, $0x10;
	[tilespmem:v6+s2+$0x0] =	vst.idx.add.s32.msk $0xffff, v2  }
0x11b: {  	v5 =	vand.u32 $0xFFF8, v5;
	v6 =	vshrl.u32 v9, $0x10;
	[tilespmem:v3+s2+$0x0] =	vst.idx.add.s32.msk $0xffff, v2  }
0x11c: {  	v3 =	vor.u32 v1, v5;
	v5 =	vand.u32 $0xFFF8, v6;
	v6 =	vshrl.u32 v7, $0x10;
	v7 =	vld [tilespmem:s1+$0x10190]  }
0x11d: {  	s14 =	sor.u32 $0x830, s4;
	[tilespmem:v4+s2+$0x0] =	vst.idx.add.s32.msk $0xffff, v2;
	v5 =	vor.u32 v1, v5;
	v6 =	vand.u32 $0xFFF8, v6  }
0x11e: {  	s15 =	sor.u32 $0x830, s6;
	v8 =	vshrl.u32 v10, $0x10;
	v4 =	vld [tilespmem:s14+$0x10000];
	v6 =	vor.u32 v1, v6  }
0x11f: {  	s16 =	sor.u32 $0x830, s5;
	v8 =	vand.u32 $0xFFF8, v8;
	v9 =	vld [tilespmem:s15+$0x10000]  }
0x120: {  	v8 =	vor.u32 v1, v8;
	v10 =	vld [tilespmem:s16+$0x10000]  }
0x121: {  	[tilespmem:v3+s2+$0x0] =	vst.idx.add.s32.msk $0xffff, v2;
	v3 =	vshrl.u32 v7, $0x10  }
0x122: {  	[tilespmem:v5+s2+$0x0] =	vst.idx.add.s32.msk $0xffff, v2;
	v3 =	vand.u32 $0xFFF8, v3  }
0x123: {  	s17 =	sor.u32 $0x850, s7;
	[tilespmem:v6+s2+$0x0] =	vst.idx.add.s32.msk $0xffff, v2;
	v3 =	vor.u32 v1, v3  }
0x124: {  	v4 =	vshrl.u32 v4, $0x10;
	v5 =	vld [tilespmem:s17+$0x10000]  }
0x125: {  	v4 =	vand.u32 $0xFFF8, v4;
	[tilespmem:v8+s2+$0x0] =	vst.idx.add.s32.msk $0xffff, v2;
	v6 =	vshrl.u32 v9, $0x10  }
0x126: {  	v4 =	vor.u32 v1, v4;
	v7 =	vshrl.u32 v10, $0x10;
	v8 =	vld [tilespmem:s1+$0x10010];
	v6 =	vand.u32 $0xFFF8, v6  }
0x127: {  	v7 =	vand.u32 $0xFFF8, v7;
	v9 =	vld [tilespmem:s1+$0x10090];
	v6 =	vor.u32 v1, v6  }
0x128: {  	v7 =	vor.u32 v1, v7;
	[tilespmem:v3+s2+$0x0] =	vst.idx.add.s32.msk $0xffff, v2  }
0x129: {  	v3 =	vshrl.u32 v5, $0x10;
	v5 =	vld [tilespmem:s1+$0x101A0]  }
0x12a: {  	v10 =	vld [tilespmem:s1+$0x10110];
	v3 =	vand.u32 $0xFFF8, v3  }
0x12b: {  	[tilespmem:v4+s2+$0x0] =	vst.idx.add.s32.msk $0xffff, v2;
	v4 =	vshrl.u32 v8, $0x10;
	v3 =	vor.u32 v1, v3  }
0x12c: {  	[tilespmem:v6+s2+$0x0] =	vst.idx.add.s32.msk $0xffff, v2;
	v6 =	vshrl.u32 v9, $0x10;
	v4 =	vand.u32 $0xFFF8, v4  }
0x12d: {  	s18 =	sor.u32 $0x840, s4;
	[tilespmem:v7+s2+$0x0] =	vst.idx.add.s32.msk $0xffff, v2;
	v6 =	vand.u32 $0xFFF8, v6;
	v4 =	vor.u32 v1, v4  }
0x12e: {  	s19 =	sor.u32 $0x840, s6;
	v7 =	vld [tilespmem:s18+$0x10000];
	v6 =	vor.u32 v1, v6;
	v5 =	vshrl.u32 v5, $0x10  }
0x12f: {  	v8 =	vld [tilespmem:s19+$0x10000];
	v5 =	vand.u32 $0xFFF8, v5  }
0x130: {  	s20 =	sor.u32 $0x860, s7;
	v9 =	vshrl.u32 v10, $0x10;
	[tilespmem:v3+s2+$0x0] =	vst.idx.add.s32.msk $0xffff, v2;
	v3 =	vor.u32 v1, v5  }
0x131: {  	v5 =	vand.u32 $0xFFF8, v9;
	v9 =	vld [tilespmem:s20+$0x10000]  }
0x132: {  	[tilespmem:v4+s2+$0x0] =	vst.idx.add.s32.msk $0xffff, v2;
	v5 =	vor.u32 v1, v5  }
0x133: {  	[tilespmem:v6+s2+$0x0] =	vst.idx.add.s32.msk $0xffff, v2  }
0x134: {  	v4 =	vshrl.u32 v7, $0x10;
	v6 =	vld [tilespmem:s1+$0x10020]  }
0x135: {  	v7 =	vshrl.u32 v8, $0x10;
	v4 =	vand.u32 $0xFFF8, v4;
	[tilespmem:v3+s2+$0x0] =	vst.idx.add.s32.msk $0xffff, v2  }
0x136: {  	v3 =	vor.u32 v1, v4;
	v4 =	vand.u32 $0xFFF8, v7;
	v7 =	vshrl.u32 v9, $0x10;
	v8 =	vld [tilespmem:s1+$0x101B0]  }
0x137: {  	[tilespmem:v5+s2+$0x0] =	vst.idx.add.s32.msk $0xffff, v2;
	v4 =	vor.u32 v1, v4;
	v5 =	vand.u32 $0xFFF8, v7  }
0x138: {  	v7 =	vld [tilespmem:s1+$0x100A0];
	v5 =	vor.u32 v1, v5  }
0x139: {  	s21 =	sor.u32 $0x840, s5;
	v9 =	vld [tilespmem:s1+$0x10120]  }
0x13a: {  	v10 =	vld [tilespmem:s21+$0x10000];
	v6 =	vshrl.u32 v6, $0x10  }
0x13b: {  	v6 =	vand.u32 $0xFFF8, v6;
	[tilespmem:v3+s2+$0x0] =	vst.idx.add.s32.msk $0xffff, v2;
	v3 =	vshrl.u32 v8, $0x10  }
0x13c: {  	v6 =	vor.u32 v1, v6;
	[tilespmem:v4+s2+$0x0] =	vst.idx.add.s32.msk $0xffff, v2;
	v3 =	vand.u32 $0xFFF8, v3  }
0x13d: {  	s24 =	sor.u32 $0x850, s6;
	v4 =	vshrl.u32 v7, $0x10;
	[tilespmem:v5+s2+$0x0] =	vst.idx.add.s32.msk $0xffff, v2;
	v3 =	vor.u32 v1, v3  }
0x13e: {  	s22 =	sor.u32 $0x870, s7;
	v4 =	vand.u32 $0xFFF8, v4;
	v7 =	vshrl.u32 v9, $0x10;
	v9 =	vld [tilespmem:s24+$0x10000]  }
0x13f: {  	s23 =	sor.u32 $0x850, s4;
	v5 =	vld [tilespmem:s22+$0x10000];
	v4 =	vor.u32 v1, v4  }
0x140: {  	v8 =	vld [tilespmem:s23+$0x10000];
	v7 =	vand.u32 $0xFFF8, v7  }
0x141: {  	[tilespmem:v6+s2+$0x0] =	vst.idx.add.s32.msk $0xffff, v2;
	v7 =	vor.u32 v1, v7  }
0x142: {  	v6 =	vshrl.u32 v10, $0x10;
	[tilespmem:v3+s2+$0x0] =	vst.idx.add.s32.msk $0xffff, v2  }
0x143: {  	v9 =	vshrl.u32 v9, $0x10;
	v3 =	vand.u32 $0xFFF8, v6;
	v6 =	vld [tilespmem:s1+$0x101C0]  }
0x144: {  	v5 =	vshrl.u32 v5, $0x10;
	[tilespmem:v4+s2+$0x0] =	vst.idx.add.s32.msk $0xffff, v2;
	v9 =	vand.u32 $0xFFF8, v9;
	v3 =	vor.u32 v1, v3  }
0x145: {  	v4 =	vand.u32 $0xFFF8, v5;
	v5 =	vld [tilespmem:s1+$0x10030];
	v9 =	vor.u32 v1, v9  }
0x146: {  	[tilespmem:v7+s2+$0x0] =	vst.idx.add.s32.msk $0xffff, v2;
	v4 =	vor.u32 v1, v4  }
0x147: {  	v7 =	vshrl.u32 v8, $0x10;
	v8 =	vld [tilespmem:s1+$0x100B0]  }
0x148: {  	v7 =	vand.u32 $0xFFF8, v7;
	v10 =	vld [tilespmem:s1+$0x10130];
	v6 =	vshrl.u32 v6, $0x10  }
0x149: {  	v7 =	vor.u32 v1, v7;
	[tilespmem:v3+s2+$0x0] =	vst.idx.add.s32.msk $0xffff, v2;
	v3 =	vand.u32 $0xFFF8, v6  }
0x14a: {  	v5 =	vshrl.u32 v5, $0x10;
	[tilespmem:v9+s2+$0x0] =	vst.idx.add.s32.msk $0xffff, v2;
	v3 =	vor.u32 v1, v3  }
0x14b: {  	s25 =	sor.u32 $0xC00, s7;
	[tilespmem:v4+s2+$0x0] =	vst.idx.add.s32.msk $0xffff, v2;
	v4 =	vand.u32 $0xFFF8, v5  }
0x14c: {  	s26 =	sor.u32 $0x850, s5;
	v6 =	vshrl.u32 v8, $0x10;
	v5 =	vld [tilespmem:s25+$0x10000];
	v4 =	vor.u32 v1, v4  }
0x14d: {  	v8 =	vld [tilespmem:s26+$0x10000];
	v6 =	vand.u32 $0xFFF8, v6  }
0x14e: {  	[tilespmem:v7+s2+$0x0] =	vst.idx.add.s32.msk $0xffff, v2;
	v7 =	vshrl.u32 v10, $0x10;
	v6 =	vor.u32 v1, v6  }
0x14f: {  	v7 =	vand.u32 $0xFFF8, v7;
	[tilespmem:v3+s2+$0x0] =	vst.idx.add.s32.msk $0xffff, v2  }
0x150: {  	v3 =	vor.u32 v1, v7;
	v7 =	vld [tilespmem:s1+$0x101D0]  }
0x151: {  	[tilespmem:v4+s2+$0x0] =	vst.idx.add.s32.msk $0xffff, v2;
	v4 =	vshrl.u32 v5, $0x10  }
0x152: {  	v4 =	vand.u32 $0xFFF8, v4;
	v5 =	vld [tilespmem:s1+$0x10040]  }
0x153: {  	[tilespmem:v6+s2+$0x0] =	vst.idx.add.s32.msk $0xffff, v2;
	v6 =	vshrl.u32 v8, $0x10;
	v4 =	vor.u32 v1, v4  }
0x154: {  	v6 =	vand.u32 $0xFFF8, v6;
	v8 =	vld [tilespmem:s1+$0x100C0]  }
0x155: {  	v6 =	vor.u32 v1, v6;
	[tilespmem:v3+s2+$0x0] =	vst.idx.add.s32.msk $0xffff, v2;
	v3 =	vshrl.u32 v7, $0x10  }
0x156: {  	s3 =	sor.u32 $0x860, s4;
	v7 =	vld [tilespmem:s1+$0x10140];
	v3 =	vand.u32 $0xFFF8, v3  }
0x157: {  	v9 =	vld [tilespmem:s3+$0x10000];
	v5 =	vshrl.u32 v5, $0x10;
	v3 =	vor.u32 v1, v3  }
0x158: {  	s8 =	sor.u32 $0xC10, s7;
	[tilespmem:v4+s2+$0x0] =	vst.idx.add.s32.msk $0xffff, v2;
	v4 =	vand.u32 $0xFFF8, v5  }
0x159: {  	v8 =	vshrl.u32 v8, $0x10;
	v5 =	vld [tilespmem:s8+$0x10000];
	v4 =	vor.u32 v1, v4  }
0x15a: {  	s9 =	sor.u32 $0x860, s6;
	[tilespmem:v6+s2+$0x0] =	vst.idx.add.s32.msk $0xffff, v2;
	v6 =	vand.u32 $0xFFF8, v8  }
0x15b: {  	v8 =	vld [tilespmem:s9+$0x10000];
	v6 =	vor.u32 v1, v6;
	v7 =	vshrl.u32 v7, $0x10  }
0x15c: {  	v7 =	vand.u32 $0xFFF8, v7;
	[tilespmem:v3+s2+$0x0] =	vst.idx.add.s32.msk $0xffff, v2  }
0x15d: {  	v3 =	vor.u32 v1, v7;
	v7 =	vld [tilespmem:s1+$0x101E0]  }
0x15e: {  	v9 =	vshrl.u32 v9, $0x10;
	[tilespmem:v4+s2+$0x0] =	vst.idx.add.s32.msk $0xffff, v2  }
0x15f: {  	v4 =	vand.u32 $0xFFF8, v9;
	v5 =	vshrl.u32 v5, $0x10;
	v9 =	vld [tilespmem:s1+$0x10050]  }
0x160: {  	v4 =	vor.u32 v1, v4;
	v5 =	vand.u32 $0xFFF8, v5;
	[tilespmem:v6+s2+$0x0] =	vst.idx.add.s32.msk $0xffff, v2  }
0x161: {  	v6 =	vshrl.u32 v8, $0x10;
	v5 =	vor.u32 v1, v5;
	v8 =	vld [tilespmem:s1+$0x100D0]  }
0x162: {  	v6 =	vand.u32 $0xFFF8, v6;
	[tilespmem:v3+s2+$0x0] =	vst.idx.add.s32.msk $0xffff, v2;
	v3 =	vshrl.u32 v7, $0x10  }
0x163: {  	s10 =	sor.u32 $0x860, s5;
	v6 =	vor.u32 v1, v6;
	v7 =	vld [tilespmem:s1+$0x10150];
	v3 =	vand.u32 $0xFFF8, v3  }
0x164: {  	v10 =	vld [tilespmem:s10+$0x10000];
	v9 =	vshrl.u32 v9, $0x10;
	v3 =	vor.u32 v1, v3  }
0x165: {  	[tilespmem:v4+s2+$0x0] =	vst.idx.add.s32.msk $0xffff, v2;
	v4 =	vand.u32 $0xFFF8, v9  }
0x166: {  	s11 =	sor.u32 $0xC20, s7;
	[tilespmem:v5+s2+$0x0] =	vst.idx.add.s32.msk $0xffff, v2;
	v5 =	vshrl.u32 v8, $0x10;
	v4 =	vor.u32 v1, v4  }
0x167: {  	v8 =	vld [tilespmem:s11+$0x10000];
	v5 =	vand.u32 $0xFFF8, v5  }
0x168: {  	[tilespmem:v6+s2+$0x0] =	vst.idx.add.s32.msk $0xffff, v2;
	v5 =	vor.u32 v1, v5;
	v6 =	vshrl.u32 v7, $0x10  }
0x169: {  	v6 =	vand.u32 $0xFFF8, v6;
	[tilespmem:v3+s2+$0x0] =	vst.idx.add.s32.msk $0xffff, v2  }
0x16a: {  	v3 =	vshrl.u32 v10, $0x10;
	v6 =	vor.u32 v1, v6;
	v7 =	vld [tilespmem:s1+$0x101F0]  }
0x16b: {  	[tilespmem:v4+s2+$0x0] =	vst.idx.add.s32.msk $0xffff, v2;
	v3 =	vand.u32 $0xFFF8, v3  }
0x16c: {  	v4 =	vshrl.u32 v8, $0x10;
	v8 =	vld [tilespmem:s1+$0x10060];
	v3 =	vor.u32 v1, v3  }
0x16d: {  	v4 =	vand.u32 $0xFFF8, v4;
	[tilespmem:v5+s2+$0x0] =	vst.idx.add.s32.msk $0xffff, v2  }
0x16e: {  	v4 =	vor.u32 v1, v4;
	v5 =	vld [tilespmem:s1+$0x100E0]  }
0x16f: {  	[tilespmem:v6+s2+$0x0] =	vst.idx.add.s32.msk $0xffff, v2;
	v6 =	vshrl.u32 v7, $0x10  }
0x170: {  	v7 =	vld [tilespmem:s1+$0x10160];
	v6 =	vand.u32 $0xFFF8, v6  }
0x171: {  	s12 =	sor.u32 $0x870, s4;
	[tilespmem:v3+s2+$0x0] =	vst.idx.add.s32.msk $0xffff, v2;
	v3 =	vshrl.u32 v8, $0x10;
	v6 =	vor.u32 v1, v6  }
0x172: {  	v8 =	vld [tilespmem:s12+$0x10000];
	v3 =	vand.u32 $0xFFF8, v3  }
0x173: {  	s13 =	sor.u32 $0xC30, s7;
	[tilespmem:v4+s2+$0x0] =	vst.idx.add.s32.msk $0xffff, v2;
	v4 =	vshrl.u32 v5, $0x10;
	v3 =	vor.u32 v1, v3  }
0x174: {  	s14 =	sor.u32 $0x870, s6;
	v5 =	vld [tilespmem:s13+$0x10000];
	v4 =	vand.u32 $0xFFF8, v4  }
0x175: {  	v9 =	vld [tilespmem:s14+$0x10000];
	v4 =	vor.u32 v1, v4;
	v7 =	vshrl.u32 v7, $0x10  }
0x176: {  	v7 =	vand.u32 $0xFFF8, v7;
	[tilespmem:v6+s2+$0x0] =	vst.idx.add.s32.msk $0xffff, v2  }
0x177: {  	v6 =	vor.u32 v1, v7;
	v7 =	vld [tilespmem:s1+$0x10580]  }
0x178: {  	v8 =	vshrl.u32 v8, $0x10;
	[tilespmem:v3+s2+$0x0] =	vst.idx.add.s32.msk $0xffff, v2  }
0x179: {  	v5 =	vshrl.u32 v5, $0x10;
	v3 =	vand.u32 $0xFFF8, v8;
	v8 =	vld [tilespmem:s1+$0x10070]  }
0x17a: {  	v5 =	vand.u32 $0xFFF8, v5;
	[tilespmem:v4+s2+$0x0] =	vst.idx.add.s32.msk $0xffff, v2;
	v3 =	vor.u32 v1, v3  }
0x17b: {  	v4 =	vor.u32 v1, v5;
	v5 =	vshrl.u32 v9, $0x10;
	v9 =	vld [tilespmem:s1+$0x100F0]  }
0x17c: {  	v5 =	vand.u32 $0xFFF8, v5;
	[tilespmem:v6+s2+$0x0] =	vst.idx.add.s32.msk $0xffff, v2;
	v6 =	vshrl.u32 v7, $0x10  }
0x17d: {  	s15 =	sor.u32 $0x870, s5;
	v5 =	vor.u32 v1, v5;
	v7 =	vld [tilespmem:s1+$0x10170];
	v6 =	vand.u32 $0xFFF8, v6  }
0x17e: {  	v10 =	vld [tilespmem:s15+$0x10000];
	v8 =	vshrl.u32 v8, $0x10;
	v6 =	vor.u32 v1, v6  }
0x17f: {  	[tilespmem:v3+s2+$0x0] =	vst.idx.add.s32.msk $0xffff, v2;
	v3 =	vand.u32 $0xFFF8, v8  }
0x180: {  	s16 =	sor.u32 $0xC40, s7;
	[tilespmem:v4+s2+$0x0] =	vst.idx.add.s32.msk $0xffff, v2;
	v4 =	vshrl.u32 v9, $0x10;
	v3 =	vor.u32 v1, v3  }
0x181: {  	v8 =	vld [tilespmem:s16+$0x10000];
	v4 =	vand.u32 $0xFFF8, v4  }
0x182: {  	[tilespmem:v5+s2+$0x0] =	vst.idx.add.s32.msk $0xffff, v2;
	v4 =	vor.u32 v1, v4;
	v5 =	vshrl.u32 v7, $0x10  }
0x183: {  	v5 =	vand.u32 $0xFFF8, v5;
	[tilespmem:v6+s2+$0x0] =	vst.idx.add.s32.msk $0xffff, v2  }
0x184: {  	v6 =	vshrl.u32 v10, $0x10;
	v5 =	vor.u32 v1, v5;
	v7 =	vld [tilespmem:s1+$0x10590]  }
0x185: {  	v6 =	vand.u32 $0xFFF8, v6;
	[tilespmem:v3+s2+$0x0] =	vst.idx.add.s32.msk $0xffff, v2  }
0x186: {  	v3 =	vor.u32 v1, v6;
	v6 =	vshrl.u32 v8, $0x10;
	v8 =	vld [tilespmem:s1+$0x10400]  }
0x187: {  	[tilespmem:v4+s2+$0x0] =	vst.idx.add.s32.msk $0xffff, v2;
	v6 =	vand.u32 $0xFFF8, v6  }
0x188: {  	v4 =	vor.u32 v1, v6;
	v6 =	vld [tilespmem:s1+$0x10480]  }
0x189: {  	[tilespmem:v5+s2+$0x0] =	vst.idx.add.s32.msk $0xffff, v2;
	v5 =	vshrl.u32 v7, $0x10  }
0x18a: {  	v7 =	vld [tilespmem:s1+$0x10500];
	v5 =	vand.u32 $0xFFF8, v5  }
0x18b: {  	s17 =	sor.u32 $0xC00, s4;
	[tilespmem:v3+s2+$0x0] =	vst.idx.add.s32.msk $0xffff, v2;
	v3 =	vshrl.u32 v8, $0x10;
	v5 =	vor.u32 v1, v5  }
0x18c: {  	v8 =	vld [tilespmem:s17+$0x10000];
	v3 =	vand.u32 $0xFFF8, v3  }
0x18d: {  	s18 =	sor.u32 $0xC50, s7;
	[tilespmem:v4+s2+$0x0] =	vst.idx.add.s32.msk $0xffff, v2;
	v3 =	vor.u32 v1, v3;
	v4 =	vshrl.u32 v6, $0x10  }
0x18e: {  	s19 =	sor.u32 $0xC00, s6;
	v6 =	vld [tilespmem:s18+$0x10000];
	v4 =	vand.u32 $0xFFF8, v4  }
0x18f: {  	v9 =	vld [tilespmem:s19+$0x10000];
	v4 =	vor.u32 v1, v4;
	v7 =	vshrl.u32 v7, $0x10  }
0x190: {  	v7 =	vand.u32 $0xFFF8, v7;
	[tilespmem:v5+s2+$0x0] =	vst.idx.add.s32.msk $0xffff, v2  }
0x191: {  	v5 =	vor.u32 v1, v7;
	v7 =	vld [tilespmem:s1+$0x105A0]  }
0x192: {  	v8 =	vshrl.u32 v8, $0x10;
	[tilespmem:v3+s2+$0x0] =	vst.idx.add.s32.msk $0xffff, v2  }
0x193: {  	v3 =	vand.u32 $0xFFF8, v8;
	v6 =	vshrl.u32 v6, $0x10;
	v8 =	vld [tilespmem:s1+$0x10410]  }
0x194: {  	v3 =	vor.u32 v1, v3;
	v6 =	vand.u32 $0xFFF8, v6;
	[tilespmem:v4+s2+$0x0] =	vst.idx.add.s32.msk $0xffff, v2  }
0x195: {  	v4 =	vor.u32 v1, v6;
	v6 =	vshrl.u32 v9, $0x10;
	v9 =	vld [tilespmem:s1+$0x10490]  }
0x196: {  	v6 =	vand.u32 $0xFFF8, v6;
	[tilespmem:v5+s2+$0x0] =	vst.idx.add.s32.msk $0xffff, v2;
	v5 =	vshrl.u32 v7, $0x10  }
0x197: {  	s20 =	sor.u32 $0xC00, s5;
	v6 =	vor.u32 v1, v6;
	v7 =	vld [tilespmem:s1+$0x10510];
	v5 =	vand.u32 $0xFFF8, v5  }
0x198: {  	v10 =	vld [tilespmem:s20+$0x10000];
	v8 =	vshrl.u32 v8, $0x10;
	v5 =	vor.u32 v1, v5  }
0x199: {  	[tilespmem:v3+s2+$0x0] =	vst.idx.add.s32.msk $0xffff, v2;
	v3 =	vand.u32 $0xFFF8, v8  }
0x19a: {  	s21 =	sor.u32 $0xC60, s7;
	[tilespmem:v4+s2+$0x0] =	vst.idx.add.s32.msk $0xffff, v2;
	v3 =	vor.u32 v1, v3;
	v4 =	vshrl.u32 v9, $0x10  }
0x19b: {  	v8 =	vld [tilespmem:s21+$0x10000];
	v4 =	vand.u32 $0xFFF8, v4  }
0x19c: {  	[tilespmem:v6+s2+$0x0] =	vst.idx.add.s32.msk $0xffff, v2;
	v4 =	vor.u32 v1, v4;
	v6 =	vshrl.u32 v7, $0x10  }
0x19d: {  	v6 =	vand.u32 $0xFFF8, v6;
	[tilespmem:v5+s2+$0x0] =	vst.idx.add.s32.msk $0xffff, v2  }
0x19e: {  	v5 =	vshrl.u32 v10, $0x10;
	v6 =	vor.u32 v1, v6;
	v7 =	vld [tilespmem:s1+$0x105B0]  }
0x19f: {  	v5 =	vand.u32 $0xFFF8, v5;
	[tilespmem:v3+s2+$0x0] =	vst.idx.add.s32.msk $0xffff, v2  }
0x1a0: {  	v3 =	vor.u32 v1, v5;
	v5 =	vshrl.u32 v8, $0x10;
	v8 =	vld [tilespmem:s1+$0x10420]  }
0x1a1: {  	v5 =	vand.u32 $0xFFF8, v5;
	[tilespmem:v4+s2+$0x0] =	vst.idx.add.s32.msk $0xffff, v2  }
0x1a2: {  	v4 =	vor.u32 v1, v5;
	v5 =	vld [tilespmem:s1+$0x104A0]  }
0x1a3: {  	[tilespmem:v6+s2+$0x0] =	vst.idx.add.s32.msk $0xffff, v2;
	v6 =	vshrl.u32 v7, $0x10  }
0x1a4: {  	v7 =	vld [tilespmem:s1+$0x10520];
	v6 =	vand.u32 $0xFFF8, v6  }
0x1a5: {  	s22 =	sor.u32 $0xC10, s4;
	[tilespmem:v3+s2+$0x0] =	vst.idx.add.s32.msk $0xffff, v2;
	v3 =	vshrl.u32 v8, $0x10;
	v6 =	vor.u32 v1, v6  }
0x1a6: {  	v8 =	vld [tilespmem:s22+$0x10000];
	v3 =	vand.u32 $0xFFF8, v3  }
0x1a7: {  	s23 =	sor.u32 $0xC10, s6;
	[tilespmem:v4+s2+$0x0] =	vst.idx.add.s32.msk $0xffff, v2;
	v3 =	vor.u32 v1, v3;
	v4 =	vshrl.u32 v5, $0x10  }
0x1a8: {  	s24 =	sor.u32 $0xC10, s5;
	v5 =	vld [tilespmem:s23+$0x10000];
	v4 =	vand.u32 $0xFFF8, v4  }
0x1a9: {  	v9 =	vld [tilespmem:s24+$0x10000];
	v4 =	vor.u32 v1, v4;
	v7 =	vshrl.u32 v7, $0x10  }
0x1aa: {  	v7 =	vand.u32 $0xFFF8, v7;
	[tilespmem:v6+s2+$0x0] =	vst.idx.add.s32.msk $0xffff, v2  }
0x1ab: {  	v6 =	vshrl.u32 v8, $0x10;
	v7 =	vor.u32 v1, v7;
	v8 =	vld [tilespmem:s1+$0x105C0]  }
0x1ac: {  	v6 =	vand.u32 $0xFFF8, v6;
	[tilespmem:v3+s2+$0x0] =	vst.idx.add.s32.msk $0xffff, v2  }
0x1ad: {  	v5 =	vshrl.u32 v5, $0x10;
	v3 =	vor.u32 v1, v6;
	v6 =	vld [tilespmem:s1+$0x10430]  }
0x1ae: {  	v9 =	vshrl.u32 v9, $0x10;
	v5 =	vand.u32 $0xFFF8, v5;
	[tilespmem:v4+s2+$0x0] =	vst.idx.add.s32.msk $0xffff, v2  }
0x1af: {  	v4 =	vor.u32 v1, v5;
	v5 =	vand.u32 $0xFFF8, v9;
	v9 =	vld [tilespmem:s1+$0x104B0]  }
0x1b0: {  	v5 =	vor.u32 v1, v5;
	[tilespmem:v7+s2+$0x0] =	vst.idx.add.s32.msk $0xffff, v2;
	v7 =	vshrl.u32 v8, $0x10  }
0x1b1: {  	v8 =	vld [tilespmem:s1+$0x10530];
	v7 =	vand.u32 $0xFFF8, v7  }
0x1b2: {  	s25 =	sor.u32 $0xC20, s4;
	[tilespmem:v3+s2+$0x0] =	vst.idx.add.s32.msk $0xffff, v2;
	v3 =	vshrl.u32 v6, $0x10;
	v6 =	vor.u32 v1, v7  }
0x1b3: {  	v3 =	vand.u32 $0xFFF8, v3;
	v7 =	vld [tilespmem:s25+$0x10000]  }
0x1b4: {  	[tilespmem:v4+s2+$0x0] =	vst.idx.add.s32.msk $0xffff, v2;
	v3 =	vor.u32 v1, v3;
	v9 =	vshrl.u32 v9, $0x10  }
0x1b5: {  	s26 =	sor.u32 $0xC20, s6;
	[tilespmem:v5+s2+$0x0] =	vst.idx.add.s32.msk $0xffff, v2;
	v4 =	vand.u32 $0xFFF8, v9  }
0x1b6: {  	v5 =	vld [tilespmem:s26+$0x10000];
	v4 =	vor.u32 v1, v4;
	v8 =	vshrl.u32 v8, $0x10  }
0x1b7: {  	v8 =	vand.u32 $0xFFF8, v8;
	[tilespmem:v6+s2+$0x0] =	vst.idx.add.s32.msk $0xffff, v2  }
0x1b8: {  	v6 =	vor.u32 v1, v8;
	v8 =	vld [tilespmem:s1+$0x105D0]  }
0x1b9: {  	v7 =	vshrl.u32 v7, $0x10;
	[tilespmem:v3+s2+$0x0] =	vst.idx.add.s32.msk $0xffff, v2  }
0x1ba: {  	v3 =	vand.u32 $0xFFF8, v7;
	v7 =	vld [tilespmem:s1+$0x10440]  }
0x1bb: {  	v3 =	vor.u32 v1, v3;
	[tilespmem:v4+s2+$0x0] =	vst.idx.add.s32.msk $0xffff, v2;
	v4 =	vshrl.u32 v5, $0x10  }
0x1bc: {  	v5 =	vld [tilespmem:s1+$0x104C0];
	v4 =	vand.u32 $0xFFF8, v4  }
0x1bd: {  	v4 =	vor.u32 v1, v4;
	[tilespmem:v6+s2+$0x0] =	vst.idx.add.s32.msk $0xffff, v2;
	v6 =	vshrl.u32 v8, $0x10  }
0x1be: {  	s3 =	sor.u32 $0xC20, s5;
	v8 =	vld [tilespmem:s1+$0x10540];
	v6 =	vand.u32 $0xFFF8, v6  }
0x1bf: {  	v9 =	vld [tilespmem:s3+$0x10000];
	v7 =	vshrl.u32 v7, $0x10;
	v6 =	vor.u32 v1, v6  }
0x1c0: {  	s8 =	sor.u32 $0xC30, s4;
	[tilespmem:v3+s2+$0x0] =	vst.idx.add.s32.msk $0xffff, v2;
	v7 =	vand.u32 $0xFFF8, v7  }
0x1c1: {  	v3 =	vor.u32 v1, v7;
	v5 =	vshrl.u32 v5, $0x10;
	v7 =	vld [tilespmem:s8+$0x10000]  }
0x1c2: {  	s9 =	sor.u32 $0xC30, s6;
	v5 =	vand.u32 $0xFFF8, v5;
	[tilespmem:v4+s2+$0x0] =	vst.idx.add.s32.msk $0xffff, v2  }
0x1c3: {  	v4 =	vor.u32 v1, v5;
	v5 =	vld [tilespmem:s9+$0x10000];
	v8 =	vshrl.u32 v8, $0x10  }
0x1c4: {  	v8 =	vand.u32 $0xFFF8, v8;
	[tilespmem:v6+s2+$0x0] =	vst.idx.add.s32.msk $0xffff, v2  }
0x1c5: {  	v6 =	vshrl.u32 v9, $0x10;
	v8 =	vor.u32 v1, v8;
	v9 =	vld [tilespmem:s1+$0x105E0]  }
0x1c6: {  	v6 =	vand.u32 $0xFFF8, v6;
	[tilespmem:v3+s2+$0x0] =	vst.idx.add.s32.msk $0xffff, v2  }
0x1c7: {  	v7 =	vshrl.u32 v7, $0x10;
	v3 =	vor.u32 v1, v6;
	v6 =	vld [tilespmem:s1+$0x10450]  }
0x1c8: {  	v7 =	vand.u32 $0xFFF8, v7;
	[tilespmem:v4+s2+$0x0] =	vst.idx.add.s32.msk $0xffff, v2;
	v4 =	vshrl.u32 v5, $0x10  }
0x1c9: {  	v5 =	vor.u32 v1, v7;
	v7 =	vld [tilespmem:s1+$0x104D0];
	v4 =	vand.u32 $0xFFF8, v4  }
0x1ca: {  	v4 =	vor.u32 v1, v4;
	[tilespmem:v8+s2+$0x0] =	vst.idx.add.s32.msk $0xffff, v2;
	v8 =	vshrl.u32 v9, $0x10  }
0x1cb: {  	v9 =	vld [tilespmem:s1+$0x10550];
	v8 =	vand.u32 $0xFFF8, v8  }
0x1cc: {  	s10 =	sor.u32 $0xC30, s5;
	v6 =	vshrl.u32 v6, $0x10;
	[tilespmem:v3+s2+$0x0] =	vst.idx.add.s32.msk $0xffff, v2;
	v3 =	vor.u32 v1, v8  }
0x1cd: {  	v6 =	vand.u32 $0xFFF8, v6;
	v8 =	vld [tilespmem:s10+$0x10000]  }
0x1ce: {  	[tilespmem:v5+s2+$0x0] =	vst.idx.add.s32.msk $0xffff, v2;
	v6 =	vor.u32 v1, v6;
	v7 =	vshrl.u32 v7, $0x10  }
0x1cf: {  	s11 =	sor.u32 $0xC40, s4;
	v5 =	vand.u32 $0xFFF8, v7;
	[tilespmem:v4+s2+$0x0] =	vst.idx.add.s32.msk $0xffff, v2  }
0x1d0: {  	v4 =	vor.u32 v1, v5;
	v5 =	vld [tilespmem:s11+$0x10000];
	v7 =	vshrl.u32 v9, $0x10  }
0x1d1: {  	v7 =	vand.u32 $0xFFF8, v7;
	[tilespmem:v3+s2+$0x0] =	vst.idx.add.s32.msk $0xffff, v2  }
0x1d2: {  	v3 =	vshrl.u32 v8, $0x10;
	v7 =	vor.u32 v1, v7;
	v8 =	vld [tilespmem:s1+$0x105F0]  }
0x1d3: {  	[tilespmem:v6+s2+$0x0] =	vst.idx.add.s32.msk $0xffff, v2;
	v3 =	vand.u32 $0xFFF8, v3  }
0x1d4: {  	v6 =	vld [tilespmem:s1+$0x10460];
	v3 =	vor.u32 v1, v3  }
0x1d5: {  	[tilespmem:v4+s2+$0x0] =	vst.idx.add.s32.msk $0xffff, v2;
	v4 =	vshrl.u32 v5, $0x10  }
0x1d6: {  	v5 =	vld [tilespmem:s1+$0x104E0];
	v4 =	vand.u32 $0xFFF8, v4  }
0x1d7: {  	v4 =	vor.u32 v1, v4;
	[tilespmem:v7+s2+$0x0] =	vst.idx.add.s32.msk $0xffff, v2;
	v7 =	vshrl.u32 v8, $0x10  }
0x1d8: {  	v8 =	vld [tilespmem:s1+$0x10560];
	v7 =	vand.u32 $0xFFF8, v7  }
0x1d9: {  	p0 =	por !p0, !p0;
	s12 =	sor.u32 $0xC40, s6;
	s3 =	simm.s32 $0x1;
	v6 =	vshrl.u32 v6, $0x10;
	[tilespmem:v3+s2+$0x0] =	vst.idx.add.s32.msk $0xffff, v2;
	v3 =	vor.u32 v1, v7  }
0x1da: {  	s3 =	simm.s32 @!p0 $0x0;
	s8 =	sor.u32 $0xC40, s5;
	v6 =	vand.u32 $0xFFF8, v6;
	v7 =	vld [tilespmem:s12+$0x10000]  }
0x1db: {  	s13 =	sshll.u32 s3, $0x9;
	v9 =	vld [tilespmem:s8+$0x10000];
	v6 =	vor.u32 v1, v6;
	v5 =	vshrl.u32 v5, $0x10  }
0x1dc: {  	s14 =	sor.u32 $0xC50, s4;
	s0 =	sadd.s32 $0x800, s13;
	v5 =	vand.u32 $0xFFF8, v5;
	[tilespmem:v4+s2+$0x0] =	vst.idx.add.s32.msk $0xffff, v2  }
0x1dd: {  	s8 =	sadd.s32 $0x180, s0;
	v4 =	vor.u32 v1, v5;
	v5 =	vld [tilespmem:s14+$0x10000];
	v8 =	vshrl.u32 v8, $0x10  }
0x1de: {  	s15 =	sor.u32 $0x800, s8;
	v8 =	vand.u32 $0xFFF8, v8;
	[tilespmem:v3+s2+$0x0] =	vst.idx.add.s32.msk $0xffff, v2  }
0x1df: {  	v3 =	vshrl.u32 v7, $0x10;
	v7 =	vor.u32 v1, v8;
	v8 =	vld [tilespmem:s15+$0x10000]  }
0x1e0: {  	[tilespmem:v6+s2+$0x0] =	vst.idx.add.s32.msk $0xffff, v2;
	v3 =	vand.u32 $0xFFF8, v3  }
0x1e1: {  	v9 =	vshrl.u32 v9, $0x10;
	v6 =	vld [tilespmem:s1+$0x10470];
	v3 =	vor.u32 v1, v3  }
0x1e2: {  	v9 =	vand.u32 $0xFFF8, v9;
	[tilespmem:v4+s2+$0x0] =	vst.idx.add.s32.msk $0xffff, v2  }
0x1e3: {  	v4 =	vshrl.u32 v5, $0x10;
	v5 =	vor.u32 v1, v9;
	v9 =	vld [tilespmem:s1+$0x104F0]  }
0x1e4: {  	v4 =	vand.u32 $0xFFF8, v4;
	[tilespmem:v7+s2+$0x0] =	vst.idx.add.s32.msk $0xffff, v2;
	v7 =	vshrl.u32 v8, $0x10  }
0x1e5: {  	v4 =	vor.u32 v1, v4;
	v8 =	vld [tilespmem:s1+$0x10570];
	v7 =	vand.u32 $0xFFF8, v7  }
0x1e6: {  	s16 =	sor.u32 $0xC50, s6;
	v6 =	vshrl.u32 v6, $0x10;
	[tilespmem:v3+s2+$0x0] =	vst.idx.add.s32.msk $0xffff, v2;
	v3 =	vor.u32 v1, v7  }
0x1e7: {  	v6 =	vand.u32 $0xFFF8, v6;
	v7 =	vld [tilespmem:s16+$0x10000]  }
0x1e8: {  	s17 =	sor.u32 $0xC50, s5;
	[tilespmem:v5+s2+$0x0] =	vst.idx.add.s32.msk $0xffff, v2;
	v6 =	vor.u32 v1, v6;
	v9 =	vshrl.u32 v9, $0x10  }
0x1e9: {  	v5 =	vand.u32 $0xFFF8, v9;
	v9 =	vld [tilespmem:s17+$0x10000]  }
0x1ea: {  	[tilespmem:v4+s2+$0x0] =	vst.idx.add.s32.msk $0xffff, v2;
	v5 =	vor.u32 v1, v5;
	v4 =	vshrl.u32 v8, $0x10  }
0x1eb: {  	s18 =	sor.u32 $0x810, s8;
	v4 =	vand.u32 $0xFFF8, v4;
	[tilespmem:v3+s2+$0x0] =	vst.idx.add.s32.msk $0xffff, v2  }
0x1ec: {  	v3 =	vshrl.u32 v7, $0x10;
	v4 =	vor.u32 v1, v4;
	v7 =	vld [tilespmem:s18+$0x10000]  }
0x1ed: {  	s19 =	sor.u32 $0x800, s0;
	[tilespmem:v6+s2+$0x0] =	vst.idx.add.s32.msk $0xffff, v2;
	v3 =	vand.u32 $0xFFF8, v3  }
0x1ee: {  	s1 =	sadd.s32 $0x80, s0;
	v6 =	vld [tilespmem:s19+$0x10000];
	v3 =	vor.u32 v1, v3;
	v8 =	vshrl.u32 v9, $0x10  }
0x1ef: {  	s9 =	sor.u32 $0x800, s1;
	[tilespmem:v5+s2+$0x0] =	vst.idx.add.s32.msk $0xffff, v2;
	v5 =	vand.u32 $0xFFF8, v8  }
0x1f0: {  	s3 =	sadd.s32 $0x100, s0;
	v8 =	vld [tilespmem:s9+$0x10000];
	v5 =	vor.u32 v1, v5  }
0x1f1: {  	s20 =	sor.u32 $0x800, s3;
	[tilespmem:v4+s2+$0x0] =	vst.idx.add.s32.msk $0xffff, v2;
	v4 =	vshrl.u32 v7, $0x10  }
0x1f2: {  	v7 =	vld [tilespmem:s20+$0x10000];
	v4 =	vand.u32 $0xFFF8, v4  }
0x1f3: {  	s21 =	sor.u32 $0xC60, s4;
	v6 =	vshrl.u32 v6, $0x10;
	[tilespmem:v3+s2+$0x0] =	vst.idx.add.s32.msk $0xffff, v2;
	v3 =	vor.u32 v1, v4  }
0x1f4: {  	v4 =	vand.u32 $0xFFF8, v6;
	v6 =	vld [tilespmem:s21+$0x10000]  }
0x1f5: {  	s22 =	sor.u32 $0xC60, s6;
	v4 =	vor.u32 v1, v4;
	v8 =	vshrl.u32 v8, $0x10;
	[tilespmem:v5+s2+$0x0] =	vst.idx.add.s32.msk $0xffff, v2  }
0x1f6: {  	s10 =	sor.u32 $0xC60, s5;
	v5 =	vand.u32 $0xFFF8, v8;
	v8 =	vld [tilespmem:s22+$0x10000]  }
0x1f7: {  	v9 =	vld [tilespmem:s10+$0x10000];
	v5 =	vor.u32 v1, v5;
	v7 =	vshrl.u32 v7, $0x10  }
0x1f8: {  	s23 =	sor.u32 $0x820, s8;
	v7 =	vand.u32 $0xFFF8, v7;
	[tilespmem:v3+s2+$0x0] =	vst.idx.add.s32.msk $0xffff, v2  }
0x1f9: {  	v3 =	vor.u32 v1, v7;
	v7 =	vld [tilespmem:s23+$0x10000]  }
0x1fa: {  	s24 =	sor.u32 $0x810, s0;
	v6 =	vshrl.u32 v6, $0x10;
	[tilespmem:v4+s2+$0x0] =	vst.idx.add.s32.msk $0xffff, v2  }
0x1fb: {  	v4 =	vand.u32 $0xFFF8, v6;
	v6 =	vld [tilespmem:s24+$0x10000]  }
0x1fc: {  	s25 =	sor.u32 $0x810, s1;
	v8 =	vshrl.u32 v8, $0x10;
	[tilespmem:v5+s2+$0x0] =	vst.idx.add.s32.msk $0xffff, v2  }
0x1fd: {  	v4 =	vor.u32 v1, v4;
	v5 =	vand.u32 $0xFFF8, v8;
	v8 =	vshrl.u32 v9, $0x10;
	v9 =	vld [tilespmem:s25+$0x10000]  }
0x1fe: {  	s26 =	sor.u32 $0x810, s3;
	v10 =	vor.u32 v1, v5;
	v5 =	vand.u32 $0xFFF8, v8;
	[tilespmem:v3+s2+$0x0] =	vst.idx.add.s32.msk $0xffff, v2;
	v3 =	vshrl.u32 v7, $0x10  }
0x1ff: {  	v7 =	vor.u32 v1, v5;
	v8 =	vld [tilespmem:s26+$0x10000];
	v3 =	vand.u32 $0xFFF8, v3  }
0x200: {  	s7 =	sor.u32 $0xC70, s7;
	v6 =	vshrl.u32 v6, $0x10;
	v3 =	vor.u32 v1, v3  }
0x201: {  	v5 =	vld [tilespmem:s7+$0x10000];
	v6 =	vand.u32 $0xFFF8, v6  }
0x202: {  	s4 =	sor.u32 $0xC70, s4;
	[tilespmem:v4+s2+$0x0] =	vst.idx.add.s32.msk $0xffff, v2;
	v6 =	vor.u32 v1, v6;
	v9 =	vshrl.u32 v9, $0x10  }
0x203: {  	v4 =	vld [tilespmem:s4+$0x10000];
	v9 =	vand.u32 $0xFFF8, v9  }
0x204: {  	[tilespmem:v7+s2+$0x0] =	vst.idx.add.s32.msk $0xffff, v2;
	v7 =	vor.u32 v1, v9;
	v8 =	vshrl.u32 v8, $0x10  }
0x205: {  	s9 =	sor.u32 $0x830, s8;
	v8 =	vand.u32 $0xFFF8, v8;
	[tilespmem:v3+s2+$0x0] =	vst.idx.add.s32.msk $0xffff, v2  }
0x206: {  	v3 =	vor.u32 v1, v8;
	v8 =	vld [tilespmem:s9+$0x10000]  }
0x207: {  	s10 =	sor.u32 $0x820, s0;
	[tilespmem:v6+s2+$0x0] =	vst.idx.add.s32.msk $0xffff, v2  }
0x208: {  	v9 =	vld [tilespmem:s10+$0x10000]  }
0x209: {  	s11 =	sor.u32 $0x820, s1;
	[tilespmem:v7+s2+$0x0] =	vst.idx.add.s32.msk $0xffff, v2  }
0x20a: {  	v7 =	vld [tilespmem:s11+$0x10000]  }
0x20b: {  	s13 =	simm.s32 $0x400;
	s12 =	sor.u32 $0x820, s3;
	s14 =	simm.s32 $0x1000;
	[tilespmem:v3+s2+$0x0] =	vst.idx.add.s32.msk $0xffff, v2  }
0x20c: {  	s15 =	sand.u32 $0x3000, s14;
	s7 =	sand.u32 $0x200, s13;
	v3 =	vshrl.u32 v8, $0x10;
	v8 =	vld [tilespmem:s12+$0x10000]  }
0x20d: {  	s4 =	sor.u32 s7, s15;
	[tilespmem:v10+s2+$0x0] =	vst.idx.add.s32.msk $0xffff, v2;
	v3 =	vand.u32 $0xFFF8, v3  }
0x20e: {  	v11 =	vld [tilespmem:s4+$0x10180];
	v9 =	vshrl.u32 v9, $0x10;
	v10 =	vor.u32 v1, v3  }
0x20f: {  	v9 =	vand.u32 $0xFFF8, v9  }
0x210: {  	v12 =	vld [tilespmem:s4+$0x10000];
	v7 =	vshrl.u32 v7, $0x10;
	v9 =	vor.u32 v1, v9  }
0x211: {  	v13 =	vld [tilespmem:s4+$0x10080];
	v7 =	vand.u32 $0xFFF8, v7;
	v8 =	vshrl.u32 v8, $0x10  }
0x212: {  	v14 =	vld [tilespmem:s4+$0x10100];
	v7 =	vor.u32 v1, v7;
	v8 =	vand.u32 $0xFFF8, v8  }
0x213: {  	s16 =	sor.u32 $0x840, s8;
	v11 =	vshrl.u32 v11, $0x10;
	[tilespmem:v10+s2+$0x0] =	vst.idx.add.s32.msk $0xffff, v2;
	v8 =	vor.u32 v1, v8  }
0x214: {  	v11 =	vand.u32 $0xFFF8, v11;
	v10 =	vld [tilespmem:s16+$0x10000]  }
0x215: {  	s17 =	sor.u32 $0x830, s0;
	[tilespmem:v9+s2+$0x0] =	vst.idx.add.s32.msk $0xffff, v2;
	v9 =	vor.u32 v1, v11  }
0x216: {  	v11 =	vshrl.u32 v12, $0x10;
	v22 =	vld [tilespmem:s17+$0x10000]  }
0x217: {  	[tilespmem:v7+s2+$0x0] =	vst.idx.add.s32.msk $0xffff, v2;
	v7 =	vand.u32 $0xFFF8, v11;
	v11 =	vshrl.u32 v13, $0x10  }
0x218: {  	s18 =	sor.u32 $0x830, s1;
	v7 =	vor.u32 v1, v7;
	v11 =	vand.u32 $0xFFF8, v11;
	[tilespmem:v8+s2+$0x0] =	vst.idx.add.s32.msk $0xffff, v2  }
0x219: {  	v8 =	vshrl.u32 v10, $0x10;
	v10 =	vor.u32 v1, v11;
	v11 =	vld [tilespmem:s18+$0x10000]  }
0x21a: {  	s19 =	sor.u32 $0x830, s3;
	[tilespmem:v9+s2+$0x0] =	vst.idx.add.s32.msk $0xffff, v2;
	v8 =	vand.u32 $0xFFF8, v8  }
0x21b: {  	v23 =	vshrl.u32 v14, $0x10;
	v25 =	vld [tilespmem:s19+$0x10000];
	v8 =	vor.u32 v1, v8  }
0x21c: {  	v9 =	vand.u32 $0xFFF8, v23;
	v24 =	vld [tilespmem:s4+$0x10190]  }
0x21d: {  	v9 =	vor.u32 v1, v9;
	[tilespmem:v7+s2+$0x0] =	vst.idx.add.s32.msk $0xffff, v2  }
0x21e: {  	v26 =	vld [tilespmem:s4+$0x10010]  }
0x21f: {  	v7 =	vshrl.u32 v22, $0x10;
	[tilespmem:v10+s2+$0x0] =	vst.idx.add.s32.msk $0xffff, v2  }
0x220: {  	s20 =	sor.u32 $0x850, s8;
	v7 =	vand.u32 $0xFFF8, v7;
	v10 =	vshrl.u32 v11, $0x10;
	[tilespmem:v8+s2+$0x0] =	vst.idx.add.s32.msk $0xffff, v2  }
0x221: {  	v7 =	vor.u32 v1, v7;
	v11 =	vshrl.u32 v24, $0x10;
	v8 =	vand.u32 $0xFFF8, v10;
	v10 =	vld [tilespmem:s20+$0x10000]  }
0x222: {  	[tilespmem:v9+s2+$0x0] =	vst.idx.add.s32.msk $0xffff, v2;
	v9 =	vand.u32 $0xFFF8, v11;
	v8 =	vor.u32 v1, v8  }
0x223: {  	v11 =	vshrl.u32 v25, $0x10;
	v9 =	vor.u32 v1, v9  }
0x224: {  	v27 =	vld [tilespmem:s4+$0x10090];
	v11 =	vand.u32 $0xFFF8, v11  }
0x225: {  	v28 =	vld [tilespmem:s4+$0x10110];
	v11 =	vor.u32 v1, v11  }
0x226: {  	[tilespmem:v7+s2+$0x0] =	vst.idx.add.s32.msk $0xffff, v2;
	v7 =	vshrl.u32 v10, $0x10  }
0x227: {  	[tilespmem:v8+s2+$0x0] =	vst.idx.add.s32.msk $0xffff, v2;
	v8 =	vshrl.u32 v26, $0x10;
	v7 =	vand.u32 $0xFFF8, v7  }
0x228: {  	[tilespmem:v9+s2+$0x0] =	vst.idx.add.s32.msk $0xffff, v2;
	v8 =	vand.u32 $0xFFF8, v8;
	v7 =	vor.u32 v1, v7  }
0x229: {  	v9 =	vshrl.u32 v27, $0x10;
	v10 =	vld [tilespmem:s4+$0x101A0];
	v8 =	vor.u32 v1, v8  }
0x22a: {  	s21 =	sor.u32 $0x840, s0;
	[tilespmem:v11+s2+$0x0] =	vst.idx.add.s32.msk $0xffff, v2;
	v9 =	vand.u32 $0xFFF8, v9;
	v11 =	vshrl.u32 v28, $0x10  }
0x22b: {  	s22 =	sor.u32 $0x840, s1;
	v29 =	vld [tilespmem:s21+$0x10000];
	v9 =	vor.u32 v1, v9;
	v11 =	vand.u32 $0xFFF8, v11  }
0x22c: {  	v30 =	vld [tilespmem:s22+$0x10000];
	v11 =	vor.u32 v1, v11  }
0x22d: {  	[tilespmem:v7+s2+$0x0] =	vst.idx.add.s32.msk $0xffff, v2  }
0x22e: {  	s23 =	sor.u32 $0x860, s8;
	v10 =	vshrl.u32 v10, $0x10;
	[tilespmem:v8+s2+$0x0] =	vst.idx.add.s32.msk $0xffff, v2  }
0x22f: {  	v8 =	vand.u32 $0xFFF8, v10;
	v7 =	vld [tilespmem:s23+$0x10000]  }
0x230: {  	[tilespmem:v9+s2+$0x0] =	vst.idx.add.s32.msk $0xffff, v2;
	v8 =	vor.u32 v1, v8  }
0x231: {  	v9 =	vshrl.u32 v29, $0x10;
	[tilespmem:v11+s2+$0x0] =	vst.idx.add.s32.msk $0xffff, v2  }
0x232: {  	v10 =	vshrl.u32 v30, $0x10;
	v9 =	vand.u32 $0xFFF8, v9;
	v11 =	vld [tilespmem:s4+$0x10020]  }
0x233: {  	v10 =	vand.u32 $0xFFF8, v10;
	v31 =	vld [tilespmem:s4+$0x100A0];
	v9 =	vor.u32 v1, v9  }
0x234: {  	v10 =	vor.u32 v1, v10;
	v32 =	vld [tilespmem:s4+$0x10120];
	v7 =	vshrl.u32 v7, $0x10  }
0x235: {  	[tilespmem:v8+s2+$0x0] =	vst.idx.add.s32.msk $0xffff, v2;
	v7 =	vand.u32 $0xFFF8, v7  }
0x236: {  	s24 =	sor.u32 $0x840, s3;
	v8 =	vld [tilespmem:s4+$0x101B0];
	v7 =	vor.u32 v1, v7  }
0x237: {  	v33 =	vld [tilespmem:s24+$0x10000];
	v11 =	vshrl.u32 v11, $0x10  }
0x238: {  	v12 =	vshrl.u32 v31, $0x10;
	v11 =	vand.u32 $0xFFF8, v11;
	[tilespmem:v9+s2+$0x0] =	vst.idx.add.s32.msk $0xffff, v2  }
0x239: {  	s26 =	sor.u32 $0x850, s0;
	[tilespmem:v10+s2+$0x0] =	vst.idx.add.s32.msk $0xffff, v2;
	v9 =	vor.u32 v1, v11;
	v11 =	vand.u32 $0xFFF8, v12  }
0x23a: {  	v34 =	vshrl.u32 v32, $0x10;
	v35 =	vld [tilespmem:s26+$0x10000];
	v10 =	vor.u32 v1, v11  }
0x23b: {  	s25 =	sor.u32 $0x870, s8;
	v11 =	vand.u32 $0xFFF8, v34;
	v8 =	vshrl.u32 v8, $0x10;
	[tilespmem:v7+s2+$0x0] =	vst.idx.add.s32.msk $0xffff, v2  }
0x23c: {  	s7 =	sor.u32 $0x850, s1;
	v7 =	vor.u32 v1, v11;
	v8 =	vand.u32 $0xFFF8, v8;
	v11 =	vld [tilespmem:s25+$0x10000]  }
0x23d: {  	v36 =	vld [tilespmem:s7+$0x10000];
	v8 =	vor.u32 v1, v8  }
0x23e: {  	[tilespmem:v9+s2+$0x0] =	vst.idx.add.s32.msk $0xffff, v2  }
0x23f: {  	[tilespmem:v10+s2+$0x0] =	vst.idx.add.s32.msk $0xffff, v2  }
0x240: {  	v9 =	vshrl.u32 v33, $0x10;
	v10 =	vld [tilespmem:s4+$0x10030]  }
0x241: {  	v9 =	vand.u32 $0xFFF8, v9;
	[tilespmem:v7+s2+$0x0] =	vst.idx.add.s32.msk $0xffff, v2;
	v7 =	vshrl.u32 v11, $0x10  }
0x242: {  	v9 =	vor.u32 v1, v9;
	[tilespmem:v8+s2+$0x0] =	vst.idx.add.s32.msk $0xffff, v2;
	v7 =	vand.u32 $0xFFF8, v7  }
0x243: {  	v8 =	vshrl.u32 v35, $0x10;
	v11 =	vld [tilespmem:s4+$0x101C0];
	v7 =	vor.u32 v1, v7  }
0x244: {  	v8 =	vand.u32 $0xFFF8, v8  }
0x245: {  	v13 =	vshrl.u32 v36, $0x10;
	v37 =	vld [tilespmem:s4+$0x100B0];
	v8 =	vor.u32 v1, v8  }
0x246: {  	v13 =	vand.u32 $0xFFF8, v13;
	v38 =	vld [tilespmem:s4+$0x10130];
	v10 =	vshrl.u32 v10, $0x10  }
0x247: {  	v13 =	vor.u32 v1, v13;
	[tilespmem:v9+s2+$0x0] =	vst.idx.add.s32.msk $0xffff, v2;
	v9 =	vand.u32 $0xFFF8, v10  }
0x248: {  	s9 =	sor.u32 $0xC00, s8;
	v10 =	vshrl.u32 v11, $0x10;
	[tilespmem:v7+s2+$0x0] =	vst.idx.add.s32.msk $0xffff, v2;
	v7 =	vor.u32 v1, v9  }
0x249: {  	v10 =	vand.u32 $0xFFF8, v10;
	v9 =	vld [tilespmem:s9+$0x10000]  }
0x24a: {  	s10 =	sor.u32 $0x850, s3;
	v12 =	vshrl.u32 v37, $0x10;
	[tilespmem:v8+s2+$0x0] =	vst.idx.add.s32.msk $0xffff, v2;
	v8 =	vor.u32 v1, v10  }
0x24b: {  	v11 =	vld [tilespmem:s10+$0x10000];
	v10 =	vand.u32 $0xFFF8, v12  }
0x24c: {  	[tilespmem:v13+s2+$0x0] =	vst.idx.add.s32.msk $0xffff, v2;
	v10 =	vor.u32 v1, v10  }
0x24d: {  	v39 =	vshrl.u32 v38, $0x10;
	[tilespmem:v7+s2+$0x0] =	vst.idx.add.s32.msk $0xffff, v2  }
0x24e: {  	v12 =	vand.u32 $0xFFF8, v39;
	v7 =	vshrl.u32 v9, $0x10;
	v41 =	vld [tilespmem:s4+$0x10040]  }
0x24f: {  	v9 =	vor.u32 v1, v12;
	[tilespmem:v8+s2+$0x0] =	vst.idx.add.s32.msk $0xffff, v2;
	v7 =	vand.u32 $0xFFF8, v7  }
0x250: {  	v8 =	vshrl.u32 v11, $0x10;
	v11 =	vld [tilespmem:s4+$0x101D0];
	v7 =	vor.u32 v1, v7  }
0x251: {  	[tilespmem:v10+s2+$0x0] =	vst.idx.add.s32.msk $0xffff, v2;
	v8 =	vand.u32 $0xFFF8, v8  }
0x252: {  	s11 =	sor.u32 $0x860, s0;
	v8 =	vor.u32 v1, v8;
	v10 =	vld [tilespmem:s4+$0x100C0]  }
0x253: {  	v40 =	vld [tilespmem:s11+$0x10000]  }
0x254: {  	[tilespmem:v9+s2+$0x0] =	vst.idx.add.s32.msk $0xffff, v2;
	v9 =	vshrl.u32 v41, $0x10  }
0x255: {  	v11 =	vshrl.u32 v11, $0x10;
	[tilespmem:v7+s2+$0x0] =	vst.idx.add.s32.msk $0xffff, v2;
	v7 =	vand.u32 $0xFFF8, v9  }
0x256: {  	v9 =	vld [tilespmem:s4+$0x10140];
	v11 =	vand.u32 $0xFFF8, v11;
	v7 =	vor.u32 v1, v7  }
0x257: {  	s12 =	sor.u32 $0xC10, s8;
	[tilespmem:v8+s2+$0x0] =	vst.idx.add.s32.msk $0xffff, v2;
	v8 =	vshrl.u32 v10, $0x10;
	v10 =	vor.u32 v1, v11  }
0x258: {  	s13 =	sor.u32 $0x860, s1;
	v42 =	vld [tilespmem:s12+$0x10000];
	v8 =	vand.u32 $0xFFF8, v8  }
0x259: {  	s14 =	sor.u32 $0x860, s3;
	v11 =	vld [tilespmem:s13+$0x10000];
	v8 =	vor.u32 v1, v8  }
0x25a: {  	v43 =	vld [tilespmem:s14+$0x10000]  }
0x25b: {  	v13 =	vshrl.u32 v40, $0x10;
	[tilespmem:v7+s2+$0x0] =	vst.idx.add.s32.msk $0xffff, v2  }
0x25c: {  	v13 =	vand.u32 $0xFFF8, v13;
	v7 =	vshrl.u32 v9, $0x10;
	[tilespmem:v10+s2+$0x0] =	vst.idx.add.s32.msk $0xffff, v2  }
0x25d: {  	v9 =	vor.u32 v1, v13;
	v12 =	vshrl.u32 v42, $0x10;
	v44 =	vld [tilespmem:s4+$0x10050];
	v7 =	vand.u32 $0xFFF8, v7  }
0x25e: {  	v11 =	vshrl.u32 v11, $0x10;
	v10 =	vand.u32 $0xFFF8, v12;
	[tilespmem:v8+s2+$0x0] =	vst.idx.add.s32.msk $0xffff, v2;
	v7 =	vor.u32 v1, v7  }
0x25f: {  	v8 =	vand.u32 $0xFFF8, v11;
	v10 =	vor.u32 v1, v10;
	v46 =	vld [tilespmem:s4+$0x100D0]  }
0x260: {  	v45 =	vld [tilespmem:s4+$0x101E0];
	v8 =	vor.u32 v1, v8  }
0x261: {  	v11 =	vshrl.u32 v43, $0x10  }
0x262: {  	[tilespmem:v9+s2+$0x0] =	vst.idx.add.s32.msk $0xffff, v2;
	v9 =	vand.u32 $0xFFF8, v11;
	v11 =	vshrl.u32 v44, $0x10  }
0x263: {  	v9 =	vor.u32 v1, v9;
	v11 =	vand.u32 $0xFFF8, v11;
	[tilespmem:v7+s2+$0x0] =	vst.idx.add.s32.msk $0xffff, v2  }
0x264: {  	[tilespmem:v10+s2+$0x0] =	vst.idx.add.s32.msk $0xffff, v2;
	v48 =	vshrl.u32 v46, $0x10;
	v7 =	vor.u32 v1, v11  }
0x265: {  	[tilespmem:v8+s2+$0x0] =	vst.idx.add.s32.msk $0xffff, v2;
	v11 =	vshrl.u32 v45, $0x10;
	v8 =	vand.u32 $0xFFF8, v48  }
0x266: {  	s15 =	sor.u32 $0xC20, s8;
	v47 =	vld [tilespmem:s4+$0x10150];
	v10 =	vand.u32 $0xFFF8, v11;
	v8 =	vor.u32 v1, v8  }
0x267: {  	v11 =	vld [tilespmem:s15+$0x10000];
	v10 =	vor.u32 v1, v10  }
0x268: {  	[tilespmem:v9+s2+$0x0] =	vst.idx.add.s32.msk $0xffff, v2  }
0x269: {  	[tilespmem:v7+s2+$0x0] =	vst.idx.add.s32.msk $0xffff, v2  }
0x26a: {  	v9 =	vld [tilespmem:s4+$0x10060]  }
0x26b: {  	v7 =	vshrl.u32 v47, $0x10;
	[tilespmem:v8+s2+$0x0] =	vst.idx.add.s32.msk $0xffff, v2  }
0x26c: {  	v7 =	vand.u32 $0xFFF8, v7;
	[tilespmem:v10+s2+$0x0] =	vst.idx.add.s32.msk $0xffff, v2  }
0x26d: {  	v11 =	vshrl.u32 v11, $0x10;
	v7 =	vor.u32 v1, v7;
	v8 =	vld [tilespmem:s4+$0x100E0]  }
0x26e: {  	v10 =	vand.u32 $0xFFF8, v11;
	v11 =	vld [tilespmem:s4+$0x101F0]  }
0x26f: {  	s16 =	sor.u32 $0x870, s0  }
0x270: {  	s18 =	sor.u32 $0x870, s1;
	v49 =	vld [tilespmem:s16+$0x10000];
	v10 =	vor.u32 v1, v10;
	v9 =	vshrl.u32 v9, $0x10  }
0x271: {  	v50 =	vld [tilespmem:s18+$0x10000];
	v9 =	vand.u32 $0xFFF8, v9  }
0x272: {  	[tilespmem:v7+s2+$0x0] =	vst.idx.add.s32.msk $0xffff, v2;
	v8 =	vshrl.u32 v8, $0x10;
	v7 =	vor.u32 v1, v9  }
0x273: {  	s19 =	sor.u32 $0x870, s3;
	v9 =	vshrl.u32 v11, $0x10;
	v11 =	vld [tilespmem:s4+$0x10160];
	v8 =	vand.u32 $0xFFF8, v8  }
0x274: {  	v51 =	vld [tilespmem:s19+$0x10000];
	v9 =	vand.u32 $0xFFF8, v9;
	v8 =	vor.u32 v1, v8  }
0x275: {  	s17 =	sor.u32 $0xC30, s8;
	[tilespmem:v10+s2+$0x0] =	vst.idx.add.s32.msk $0xffff, v2;
	v9 =	vor.u32 v1, v9  }
0x276: {  	v10 =	vld [tilespmem:s17+$0x10000]  }
0x277: {  	v12 =	vshrl.u32 v49, $0x10;
	[tilespmem:v7+s2+$0x0] =	vst.idx.add.s32.msk $0xffff, v2  }
0x278: {  	v12 =	vand.u32 $0xFFF8, v12;
	v7 =	vshrl.u32 v11, $0x10;
	v52 =	vld [tilespmem:s4+$0x10070]  }
0x279: {  	v13 =	vshrl.u32 v50, $0x10;
	v11 =	vor.u32 v1, v12;
	v7 =	vand.u32 $0xFFF8, v7;
	[tilespmem:v8+s2+$0x0] =	vst.idx.add.s32.msk $0xffff, v2  }
0x27a: {  	v8 =	vand.u32 $0xFFF8, v13;
	[tilespmem:v9+s2+$0x0] =	vst.idx.add.s32.msk $0xffff, v2;
	v7 =	vor.u32 v1, v7  }
0x27b: {  	v10 =	vshrl.u32 v10, $0x10;
	v54 =	vld [tilespmem:s4+$0x100F0];
	v8 =	vor.u32 v1, v8  }
0x27c: {  	v9 =	vand.u32 $0xFFF8, v10;
	v10 =	vld [tilespmem:s4+$0x10580]  }
0x27d: {  	v53 =	vshrl.u32 v51, $0x10;
	v9 =	vor.u32 v1, v9  }
0x27e: {  	[tilespmem:v11+s2+$0x0] =	vst.idx.add.s32.msk $0xffff, v2;
	v11 =	vand.u32 $0xFFF8, v53;
	v12 =	vshrl.u32 v52, $0x10  }
0x27f: {  	v11 =	vor.u32 v1, v11;
	v12 =	vand.u32 $0xFFF8, v12;
	[tilespmem:v7+s2+$0x0] =	vst.idx.add.s32.msk $0xffff, v2  }
0x280: {  	v56 =	vshrl.u32 v54, $0x10;
	[tilespmem:v8+s2+$0x0] =	vst.idx.add.s32.msk $0xffff, v2;
	v7 =	vor.u32 v1, v12  }
0x281: {  	v10 =	vshrl.u32 v10, $0x10;
	v55 =	vld [tilespmem:s4+$0x10170];
	v8 =	vand.u32 $0xFFF8, v56  }
0x282: {  	s20 =	sor.u32 $0xC40, s8;
	[tilespmem:v9+s2+$0x0] =	vst.idx.add.s32.msk $0xffff, v2;
	v9 =	vand.u32 $0xFFF8, v10;
	v8 =	vor.u32 v1, v8  }
0x283: {  	v10 =	vld [tilespmem:s20+$0x10000];
	v9 =	vor.u32 v1, v9  }
0x284: {  	[tilespmem:v11+s2+$0x0] =	vst.idx.add.s32.msk $0xffff, v2  }
0x285: {  	[tilespmem:v7+s2+$0x0] =	vst.idx.add.s32.msk $0xffff, v2  }
0x286: {  	v11 =	vld [tilespmem:s4+$0x10400]  }
0x287: {  	v7 =	vshrl.u32 v55, $0x10;
	[tilespmem:v8+s2+$0x0] =	vst.idx.add.s32.msk $0xffff, v2  }
0x288: {  	v7 =	vand.u32 $0xFFF8, v7;
	[tilespmem:v9+s2+$0x0] =	vst.idx.add.s32.msk $0xffff, v2  }
0x289: {  	v10 =	vshrl.u32 v10, $0x10;
	v7 =	vor.u32 v1, v7;
	v8 =	vld [tilespmem:s4+$0x10480]  }
0x28a: {  	v9 =	vand.u32 $0xFFF8, v10;
	v10 =	vld [tilespmem:s4+$0x10590]  }
0x28b: {  	s21 =	sor.u32 $0xC00, s0;
	v9 =	vor.u32 v1, v9  }
0x28c: {  	s23 =	sor.u32 $0xC00, s1;
	v57 =	vld [tilespmem:s21+$0x10000];
	v11 =	vshrl.u32 v11, $0x10  }
0x28d: {  	v58 =	vld [tilespmem:s23+$0x10000];
	v11 =	vand.u32 $0xFFF8, v11  }
0x28e: {  	[tilespmem:v7+s2+$0x0] =	vst.idx.add.s32.msk $0xffff, v2;
	v8 =	vshrl.u32 v8, $0x10;
	v7 =	vor.u32 v1, v11  }
0x28f: {  	v10 =	vshrl.u32 v10, $0x10;
	v11 =	vld [tilespmem:s4+$0x10500];
	v8 =	vand.u32 $0xFFF8, v8  }
0x290: {  	s24 =	sor.u32 $0xC00, s3;
	[tilespmem:v9+s2+$0x0] =	vst.idx.add.s32.msk $0xffff, v2;
	v9 =	vand.u32 $0xFFF8, v10;
	v8 =	vor.u32 v1, v8  }
0x291: {  	s22 =	sor.u32 $0xC50, s8;
	v59 =	vld [tilespmem:s24+$0x10000];
	v9 =	vor.u32 v1, v9  }
0x292: {  	v10 =	vld [tilespmem:s22+$0x10000]  }
0x293: {  	v12 =	vshrl.u32 v57, $0x10;
	[tilespmem:v7+s2+$0x0] =	vst.idx.add.s32.msk $0xffff, v2  }
0x294: {  	v12 =	vand.u32 $0xFFF8, v12;
	v7 =	vshrl.u32 v11, $0x10;
	v60 =	vld [tilespmem:s4+$0x10410]  }
0x295: {  	v13 =	vshrl.u32 v58, $0x10;
	v11 =	vor.u32 v1, v12;
	v7 =	vand.u32 $0xFFF8, v7;
	[tilespmem:v8+s2+$0x0] =	vst.idx.add.s32.msk $0xffff, v2  }
0x296: {  	v8 =	vand.u32 $0xFFF8, v13;
	[tilespmem:v9+s2+$0x0] =	vst.idx.add.s32.msk $0xffff, v2;
	v7 =	vor.u32 v1, v7  }
0x297: {  	v10 =	vshrl.u32 v10, $0x10;
	v62 =	vld [tilespmem:s4+$0x10490];
	v8 =	vor.u32 v1, v8  }
0x298: {  	v9 =	vand.u32 $0xFFF8, v10;
	v10 =	vld [tilespmem:s4+$0x105A0]  }
0x299: {  	v61 =	vshrl.u32 v59, $0x10;
	v9 =	vor.u32 v1, v9  }
0x29a: {  	[tilespmem:v11+s2+$0x0] =	vst.idx.add.s32.msk $0xffff, v2;
	v11 =	vand.u32 $0xFFF8, v61;
	v12 =	vshrl.u32 v60, $0x10  }
0x29b: {  	v11 =	vor.u32 v1, v11;
	v12 =	vand.u32 $0xFFF8, v12;
	[tilespmem:v7+s2+$0x0] =	vst.idx.add.s32.msk $0xffff, v2  }
0x29c: {  	v16 =	vshrl.u32 v62, $0x10;
	[tilespmem:v8+s2+$0x0] =	vst.idx.add.s32.msk $0xffff, v2;
	v7 =	vor.u32 v1, v12  }
0x29d: {  	v10 =	vshrl.u32 v10, $0x10;
	v63 =	vld [tilespmem:s4+$0x10510];
	v8 =	vand.u32 $0xFFF8, v16  }
0x29e: {  	s25 =	sor.u32 $0xC60, s8;
	[tilespmem:v9+s2+$0x0] =	vst.idx.add.s32.msk $0xffff, v2;
	v9 =	vand.u32 $0xFFF8, v10;
	v8 =	vor.u32 v1, v8  }
0x29f: {  	v10 =	vld [tilespmem:s25+$0x10000];
	v9 =	vor.u32 v1, v9  }
0x2a0: {  	[tilespmem:v11+s2+$0x0] =	vst.idx.add.s32.msk $0xffff, v2  }
0x2a1: {  	[tilespmem:v7+s2+$0x0] =	vst.idx.add.s32.msk $0xffff, v2  }
0x2a2: {  	v11 =	vld [tilespmem:s4+$0x10420]  }
0x2a3: {  	v7 =	vshrl.u32 v63, $0x10;
	[tilespmem:v8+s2+$0x0] =	vst.idx.add.s32.msk $0xffff, v2  }
0x2a4: {  	v7 =	vand.u32 $0xFFF8, v7;
	[tilespmem:v9+s2+$0x0] =	vst.idx.add.s32.msk $0xffff, v2  }
0x2a5: {  	v10 =	vshrl.u32 v10, $0x10;
	v7 =	vor.u32 v1, v7;
	v8 =	vld [tilespmem:s4+$0x104A0]  }
0x2a6: {  	v9 =	vand.u32 $0xFFF8, v10;
	v10 =	vld [tilespmem:s4+$0x105B0]  }
0x2a7: {  	s6 =	sor.u32 $0xC70, s6;
	v9 =	vor.u32 v1, v9  }
0x2a8: {  	v6 =	vld [tilespmem:s6+$0x10000];
	s26 =	sor.u32 $0xC10, s0;
	v11 =	vshrl.u32 v11, $0x10  }
0x2a9: {  	v17 =	vld [tilespmem:s26+$0x10000];
	v11 =	vand.u32 $0xFFF8, v11  }
0x2aa: {  	[tilespmem:v7+s2+$0x0] =	vst.idx.add.s32.msk $0xffff, v2;
	v8 =	vshrl.u32 v8, $0x10;
	v11 =	vor.u32 v1, v11  }
0x2ab: {  	v7 =	vshrl.u32 v10, $0x10;
	v10 =	vld [tilespmem:s4+$0x10520];
	v8 =	vand.u32 $0xFFF8, v8  }
0x2ac: {  	s7 =	sor.u32 $0xC10, s1;
	[tilespmem:v9+s2+$0x0] =	vst.idx.add.s32.msk $0xffff, v2;
	v9 =	vand.u32 $0xFFF8, v7;
	v8 =	vor.u32 v1, v8  }
0x2ad: {  	s6 =	sor.u32 $0xC70, s8;
	s8 =	sor.u32 $0xC10, s3;
	v18 =	vld [tilespmem:s7+$0x10000];
	v9 =	vor.u32 v1, v9  }
0x2ae: {  	v19 =	vld [tilespmem:s8+$0x10000]  }
0x2af: {  	v12 =	vshrl.u32 v17, $0x10;
	[tilespmem:v11+s2+$0x0] =	vst.idx.add.s32.msk $0xffff, v2  }
0x2b0: {  	v12 =	vand.u32 $0xFFF8, v12;
	v20 =	vld [tilespmem:s4+$0x10430]  }
0x2b1: {  	v10 =	vshrl.u32 v10, $0x10;
	v11 =	vor.u32 v1, v12;
	[tilespmem:v8+s2+$0x0] =	vst.idx.add.s32.msk $0xffff, v2  }
0x2b2: {  	v10 =	vand.u32 $0xFFF8, v10;
	[tilespmem:v9+s2+$0x0] =	vst.idx.add.s32.msk $0xffff, v2  }
0x2b3: {  	v9 =	vor.u32 v1, v10;
	v10 =	vshrl.u32 v18, $0x10;
	v21 =	vld [tilespmem:s4+$0x105C0]  }
0x2b4: {  	v14 =	vshrl.u32 v19, $0x10;
	v22 =	vld [tilespmem:s4+$0x104B0];
	v10 =	vand.u32 $0xFFF8, v10  }
0x2b5: {  	v8 =	vor.u32 v1, v10;
	v10 =	vand.u32 $0xFFF8, v14  }
0x2b6: {  	s9 =	sor.u32 $0xC20, s0;
	[tilespmem:v11+s2+$0x0] =	vst.idx.add.s32.msk $0xffff, v2;
	v10 =	vor.u32 v1, v10;
	v11 =	vshrl.u32 v20, $0x10  }
0x2b7: {  	v24 =	vld [tilespmem:s9+$0x10000];
	v11 =	vand.u32 $0xFFF8, v11  }
0x2b8: {  	[tilespmem:v9+s2+$0x0] =	vst.idx.add.s32.msk $0xffff, v2;
	v9 =	vor.u32 v1, v11;
	v11 =	vshrl.u32 v21, $0x10  }
0x2b9: {  	v14 =	vshrl.u32 v22, $0x10;
	v23 =	vld [tilespmem:s4+$0x10530];
	v11 =	vand.u32 $0xFFF8, v11  }
0x2ba: {  	[tilespmem:v8+s2+$0x0] =	vst.idx.add.s32.msk $0xffff, v2;
	v8 =	vand.u32 $0xFFF8, v14;
	v11 =	vor.u32 v1, v11  }
0x2bb: {  	s10 =	sor.u32 $0xC20, s1;
	[tilespmem:v10+s2+$0x0] =	vst.idx.add.s32.msk $0xffff, v2;
	v8 =	vor.u32 v1, v8  }
0x2bc: {  	v10 =	vld [tilespmem:s10+$0x10000]  }
0x2bd: {  	[tilespmem:v9+s2+$0x0] =	vst.idx.add.s32.msk $0xffff, v2  }
0x2be: {  	v9 =	vshrl.u32 v23, $0x10;
	v25 =	vld [tilespmem:s4+$0x10440]  }
0x2bf: {  	v9 =	vand.u32 $0xFFF8, v9;
	[tilespmem:v11+s2+$0x0] =	vst.idx.add.s32.msk $0xffff, v2  }
0x2c0: {  	v13 =	vshrl.u32 v24, $0x10;
	v9 =	vor.u32 v1, v9;
	[tilespmem:v8+s2+$0x0] =	vst.idx.add.s32.msk $0xffff, v2  }
0x2c1: {  	v11 =	vand.u32 $0xFFF8, v13;
	v26 =	vld [tilespmem:s4+$0x105D0]  }
0x2c2: {  	v8 =	vshrl.u32 v10, $0x10;
	v11 =	vor.u32 v1, v11;
	v10 =	vld [tilespmem:s4+$0x104C0]  }
0x2c3: {  	s11 =	sor.u32 $0xC20, s3;
	v8 =	vand.u32 $0xFFF8, v8  }
0x2c4: {  	v27 =	vld [tilespmem:s11+$0x10000];
	v8 =	vor.u32 v1, v8;
	v12 =	vshrl.u32 v25, $0x10  }
0x2c5: {  	v12 =	vand.u32 $0xFFF8, v12;
	[tilespmem:v9+s2+$0x0] =	vst.idx.add.s32.msk $0xffff, v2  }
0x2c6: {  	v9 =	vor.u32 v1, v12;
	v28 =	vshrl.u32 v26, $0x10;
	v29 =	vld [tilespmem:s4+$0x10540]  }
0x2c7: {  	s12 =	sor.u32 $0xC30, s0;
	[tilespmem:v11+s2+$0x0] =	vst.idx.add.s32.msk $0xffff, v2;
	v10 =	vshrl.u32 v10, $0x10;
	v11 =	vand.u32 $0xFFF8, v28  }
0x2c8: {  	v30 =	vld [tilespmem:s12+$0x10000];
	v10 =	vand.u32 $0xFFF8, v10;
	v11 =	vor.u32 v1, v11  }
0x2c9: {  	s13 =	sor.u32 $0xC30, s1;
	[tilespmem:v8+s2+$0x0] =	vst.idx.add.s32.msk $0xffff, v2;
	v10 =	vor.u32 v1, v10  }
0x2ca: {  	v31 =	vld [tilespmem:s13+$0x10000]  }
0x2cb: {  	v8 =	vshrl.u32 v27, $0x10;
	[tilespmem:v9+s2+$0x0] =	vst.idx.add.s32.msk $0xffff, v2  }
0x2cc: {  	v8 =	vand.u32 $0xFFF8, v8;
	v32 =	vld [tilespmem:s4+$0x10450]  }
0x2cd: {  	v8 =	vor.u32 v1, v8;
	v9 =	vshrl.u32 v29, $0x10;
	[tilespmem:v11+s2+$0x0] =	vst.idx.add.s32.msk $0xffff, v2  }
0x2ce: {  	v9 =	vand.u32 $0xFFF8, v9;
	[tilespmem:v10+s2+$0x0] =	vst.idx.add.s32.msk $0xffff, v2  }
0x2cf: {  	v9 =	vor.u32 v1, v9;
	v11 =	vshrl.u32 v30, $0x10;
	v33 =	vld [tilespmem:s4+$0x105E0]  }
0x2d0: {  	v10 =	vshrl.u32 v31, $0x10;
	v11 =	vand.u32 $0xFFF8, v11;
	v34 =	vld [tilespmem:s4+$0x104D0]  }
0x2d1: {  	v10 =	vand.u32 $0xFFF8, v10;
	v11 =	vor.u32 v1, v11  }
0x2d2: {  	s14 =	sor.u32 $0xC30, s3;
	[tilespmem:v8+s2+$0x0] =	vst.idx.add.s32.msk $0xffff, v2;
	v10 =	vor.u32 v1, v10;
	v13 =	vshrl.u32 v32, $0x10  }
0x2d3: {  	v36 =	vld [tilespmem:s14+$0x10000];
	v8 =	vand.u32 $0xFFF8, v13  }
0x2d4: {  	[tilespmem:v9+s2+$0x0] =	vst.idx.add.s32.msk $0xffff, v2;
	v8 =	vor.u32 v1, v8;
	v9 =	vshrl.u32 v33, $0x10  }
0x2d5: {  	v35 =	vld [tilespmem:s4+$0x10550];
	v14 =	vshrl.u32 v34, $0x10;
	v9 =	vand.u32 $0xFFF8, v9  }
0x2d6: {  	[tilespmem:v11+s2+$0x0] =	vst.idx.add.s32.msk $0xffff, v2;
	v11 =	vand.u32 $0xFFF8, v14;
	v9 =	vor.u32 v1, v9  }
0x2d7: {  	s15 =	sor.u32 $0xC40, s0;
	[tilespmem:v10+s2+$0x0] =	vst.idx.add.s32.msk $0xffff, v2;
	v10 =	vor.u32 v1, v11  }
0x2d8: {  	v11 =	vld [tilespmem:s15+$0x10000]  }
0x2d9: {  	[tilespmem:v8+s2+$0x0] =	vst.idx.add.s32.msk $0xffff, v2  }
0x2da: {  	v8 =	vshrl.u32 v35, $0x10;
	v37 =	vld [tilespmem:s4+$0x10460]  }
0x2db: {  	v8 =	vand.u32 $0xFFF8, v8;
	[tilespmem:v9+s2+$0x0] =	vst.idx.add.s32.msk $0xffff, v2  }
0x2dc: {  	v13 =	vshrl.u32 v36, $0x10;
	v8 =	vor.u32 v1, v8;
	[tilespmem:v10+s2+$0x0] =	vst.idx.add.s32.msk $0xffff, v2  }
0x2dd: {  	v9 =	vand.u32 $0xFFF8, v13;
	v38 =	vld [tilespmem:s4+$0x105F0]  }
0x2de: {  	s5 =	sor.u32 $0xC70, s5;
	v10 =	vshrl.u32 v11, $0x10;
	v9 =	vor.u32 v1, v9;
	v11 =	vld [tilespmem:s4+$0x104E0]  }
0x2df: {  	v3 =	vld [tilespmem:s5+$0x10000];
	s16 =	sor.u32 $0xC40, s1;
	v10 =	vand.u32 $0xFFF8, v10  }
0x2e0: {  	v39 =	vld [tilespmem:s16+$0x10000];
	v10 =	vor.u32 v1, v10;
	v12 =	vshrl.u32 v37, $0x10  }
0x2e1: {  	v12 =	vand.u32 $0xFFF8, v12;
	[tilespmem:v8+s2+$0x0] =	vst.idx.add.s32.msk $0xffff, v2  }
0x2e2: {  	v8 =	vor.u32 v1, v12;
	v40 =	vshrl.u32 v38, $0x10;
	v41 =	vld [tilespmem:s4+$0x10560]  }
0x2e3: {  	s17 =	sor.u32 $0xC40, s3;
	[tilespmem:v9+s2+$0x0] =	vst.idx.add.s32.msk $0xffff, v2;
	v11 =	vshrl.u32 v11, $0x10;
	v9 =	vand.u32 $0xFFF8, v40  }
0x2e4: {  	v42 =	vld [tilespmem:s17+$0x10000];
	v11 =	vand.u32 $0xFFF8, v11;
	v9 =	vor.u32 v1, v9  }
0x2e5: {  	p0 =	por !p0, !p0;
	s5 =	simm.s32 $0x1;
	s18 =	sor.u32 $0xC50, s0;
	[tilespmem:v10+s2+$0x0] =	vst.idx.add.s32.msk $0xffff, v2;
	v10 =	vor.u32 v1, v11  }
0x2e6: {  	s5 =	simm.s32 @!p0 $0x0;
	v11 =	vld [tilespmem:s18+$0x10000]  }
0x2e7: {  	s5 =	sshll.u32 s5, $0x9;
	v14 =	vshrl.u32 v39, $0x10;
	[tilespmem:v8+s2+$0x0] =	vst.idx.add.s32.msk $0xffff, v2  }
0x2e8: {  	s5 =	sadd.s32 $0x1000, s5;
	v8 =	vand.u32 $0xFFF8, v14;
	v13 =	vshrl.u32 v41, $0x10;
	v43 =	vld [tilespmem:s4+$0x10470]  }
0x2e9: {  	s24 =	sadd.s32 $0x180, s5;
	v8 =	vor.u32 v1, v8;
	v13 =	vand.u32 $0xFFF8, v13;
	[tilespmem:v9+s2+$0x0] =	vst.idx.add.s32.msk $0xffff, v2  }
0x2ea: {  	s19 =	sor.u32 $0x800, s24;
	v9 =	vor.u32 v1, v13;
	[tilespmem:v10+s2+$0x0] =	vst.idx.add.s32.msk $0xffff, v2  }
0x2eb: {  	v12 =	vshrl.u32 v42, $0x10;
	v44 =	vld [tilespmem:s19+$0x10000]  }
0x2ec: {  	v12 =	vand.u32 $0xFFF8, v12;
	v45 =	vld [tilespmem:s4+$0x104F0]  }
0x2ed: {  	v10 =	vshrl.u32 v11, $0x10;
	v11 =	vor.u32 v1, v12  }
0x2ee: {  	v10 =	vand.u32 $0xFFF8, v10;
	v14 =	vshrl.u32 v43, $0x10;
	[tilespmem:v8+s2+$0x0] =	vst.idx.add.s32.msk $0xffff, v2  }
0x2ef: {  	v8 =	vor.u32 v1, v10;
	v10 =	vand.u32 $0xFFF8, v14;
	[tilespmem:v9+s2+$0x0] =	vst.idx.add.s32.msk $0xffff, v2  }
0x2f0: {  	s20 =	sor.u32 $0xC50, s1;
	v9 =	vor.u32 v1, v10;
	v10 =	vshrl.u32 v44, $0x10;
	v46 =	vld [tilespmem:s4+$0x10570]  }
0x2f1: {  	v47 =	vld [tilespmem:s20+$0x10000];
	v12 =	vshrl.u32 v45, $0x10;
	v10 =	vand.u32 $0xFFF8, v10  }
0x2f2: {  	s21 =	sor.u32 $0xC50, s3;
	[tilespmem:v11+s2+$0x0] =	vst.idx.add.s32.msk $0xffff, v2;
	v11 =	vand.u32 $0xFFF8, v12;
	v10 =	vor.u32 v1, v10  }
0x2f3: {  	v48 =	vld [tilespmem:s21+$0x10000];
	v11 =	vor.u32 v1, v11  }
0x2f4: {  	[tilespmem:v8+s2+$0x0] =	vst.idx.add.s32.msk $0xffff, v2  }
0x2f5: {  	s22 =	sor.u32 $0x800, s5;
	[tilespmem:v9+s2+$0x0] =	vst.idx.add.s32.msk $0xffff, v2;
	v8 =	vshrl.u32 v46, $0x10  }
0x2f6: {  	v9 =	vld [tilespmem:s22+$0x10000];
	v8 =	vand.u32 $0xFFF8, v8  }
0x2f7: {  	v49 =	vshrl.u32 v47, $0x10;
	[tilespmem:v10+s2+$0x0] =	vst.idx.add.s32.msk $0xffff, v2;
	v8 =	vor.u32 v1, v8  }
0x2f8: {  	s23 =	sor.u32 $0x810, s24;
	s4 =	sadd.s32 $0x80, s5;
	v12 =	vshrl.u32 v48, $0x10;
	v10 =	vand.u32 $0xFFF8, v49;
	[tilespmem:v11+s2+$0x0] =	vst.idx.add.s32.msk $0xffff, v2  }
0x2f9: {  	s25 =	sor.u32 $0x800, s4;
	v11 =	vand.u32 $0xFFF8, v12;
	v50 =	vld [tilespmem:s23+$0x10000];
	v10 =	vor.u32 v1, v10  }
0x2fa: {  	s26 =	sor.u32 $0xC60, s0;
	v51 =	vld [tilespmem:s25+$0x10000];
	v11 =	vor.u32 v1, v11  }
0x2fb: {  	s10 =	sadd.s32 $0x100, s5;
	v52 =	vld [tilespmem:s26+$0x10000];
	v9 =	vshrl.u32 v9, $0x10  }
0x2fc: {  	s8 =	sor.u32 $0x800, s10;
	v9 =	vand.u32 $0xFFF8, v9;
	[tilespmem:v8+s2+$0x0] =	vst.idx.add.s32.msk $0xffff, v2  }
0x2fd: {  	v8 =	vor.u32 v1, v9;
	v53 =	vld [tilespmem:s8+$0x10000]  }
0x2fe: {  	v9 =	vshrl.u32 v50, $0x10;
	[tilespmem:v10+s2+$0x0] =	vst.idx.add.s32.msk $0xffff, v2  }
0x2ff: {  	s9 =	sor.u32 $0xC60, s1;
	v10 =	vshrl.u32 v51, $0x10;
	[tilespmem:v11+s2+$0x0] =	vst.idx.add.s32.msk $0xffff, v2;
	v9 =	vand.u32 $0xFFF8, v9  }
0x300: {  	s11 =	sor.u32 $0xC60, s3;
	v10 =	vand.u32 $0xFFF8, v10;
	v11 =	vld [tilespmem:s9+$0x10000];
	v9 =	vor.u32 v1, v9  }
0x301: {  	v54 =	vshrl.u32 v52, $0x10;
	v55 =	vld [tilespmem:s11+$0x10000];
	v10 =	vor.u32 v1, v10  }
0x302: {  	[tilespmem:v8+s2+$0x0] =	vst.idx.add.s32.msk $0xffff, v2;
	v8 =	vand.u32 $0xFFF8, v54  }
0x303: {  	v7 =	vld [tilespmem:s6+$0x10000];
	s12 =	sor.u32 $0x810, s5;
	v56 =	vshrl.u32 v53, $0x10;
	v8 =	vor.u32 v1, v8  }
0x304: {  	v57 =	vld [tilespmem:s12+$0x10000];
	v12 =	vand.u32 $0xFFF8, v56  }
0x305: {  	v11 =	vshrl.u32 v11, $0x10;
	[tilespmem:v9+s2+$0x0] =	vst.idx.add.s32.msk $0xffff, v2;
	v9 =	vor.u32 v1, v12  }
0x306: {  	s14 =	sor.u32 $0x810, s4;
	[tilespmem:v10+s2+$0x0] =	vst.idx.add.s32.msk $0xffff, v2;
	v10 =	vand.u32 $0xFFF8, v11;
	v11 =	vshrl.u32 v55, $0x10  }
0x307: {  	v59 =	vld [tilespmem:s14+$0x10000];
	v10 =	vor.u32 v1, v10;
	v11 =	vand.u32 $0xFFF8, v11  }
0x308: {  	s13 =	sor.u32 $0x820, s24;
	[tilespmem:v8+s2+$0x0] =	vst.idx.add.s32.msk $0xffff, v2;
	v8 =	vor.u32 v1, v11  }
0x309: {  	v58 =	vld [tilespmem:s13+$0x10000]  }
0x30a: {  	s0 =	sor.u32 $0xC70, s0;
	[tilespmem:v9+s2+$0x0] =	vst.idx.add.s32.msk $0xffff, v2  }
0x30b: {  	v13 =	vshrl.u32 v57, $0x10;
	v61 =	vld [tilespmem:s0+$0x10000]  }
0x30c: {  	v11 =	vand.u32 $0xFFF8, v13;
	[tilespmem:v10+s2+$0x0] =	vst.idx.add.s32.msk $0xffff, v2  }
0x30d: {  	s15 =	sor.u32 $0x810, s10;
	s21 =	sor.u32 $0x830, s4;
	v9 =	vor.u32 v1, v11;
	v14 =	vshrl.u32 v59, $0x10;
	[tilespmem:v8+s2+$0x0] =	vst.idx.add.s32.msk $0xffff, v2  }
0x30e: {  	s16 =	sor.u32 $0xC70, s1;
	s22 =	sor.u32 $0x830, s5;
	v60 =	vld [tilespmem:s15+$0x10000];
	v10 =	vand.u32 $0xFFF8, v14;
	[smem:$0x7F6] =	sst s21  }
0x30f: {  	s23 =	sor.u32 $0x840, s4;
	v8 =	vor.u32 v1, v10;
	v10 =	vld [tilespmem:s16+$0x10000];
	[smem:$0x7F7] =	sst s22  }
0x310: {  	s25 =	sor.u32 $0x840, s5;
	v11 =	vshrl.u32 v58, $0x10;
	[dreg:$0x1b] =	wrdreg s23  }
0x311: {  	v11 =	vand.u32 $0xFFF8, v11;
	[dreg:$0x1d] =	wrdreg s25  }
0x312: {  	s26 =	sor.u32 $0x850, s4;
	v11 =	vor.u32 v1, v11;
	[tilespmem:v9+s2+$0x0] =	vst.idx.add.s32.msk $0xffff, v2  }
0x313: {  	s1 =	sor.u32 $0x850, s5;
	[dreg:$0x15] =	wrdreg s26  }
0x314: {  	s6 =	sor.u32 $0x860, s4;
	[dreg:$0x19] =	wrdreg s1  }
0x315: {  	s20 =	sor.u32 $0x820, s5;
	s11 =	sor.u32 $0x860, s5;
	[dreg:$0xf] =	wrdreg s6  }
0x316: {  	v9 =	vshrl.u32 v60, $0x10;
	v62 =	vld [tilespmem:s20+$0x10000];
	[dreg:$0x13] =	wrdreg s11  }
0x317: {  	s13 =	sor.u32 $0x870, s5;
	v9 =	vand.u32 $0xFFF8, v9;
	[tilespmem:v11+s2+$0x0] =	vst.idx.add.s32.msk $0xffff, v2  }
0x318: {  	v5 =	vshrl.u32 v5, $0x10;
	s12 =	sor.u32 $0x830, s24;
	v9 =	vor.u32 v1, v9;
	[dreg:$0xd] =	wrdreg s13  }
0x319: {  	v5 =	vand.u32 $0xFFF8, v5;
	v4 =	vshrl.u32 v4, $0x10;
	v11 =	vld [tilespmem:s12+$0x10000]  }
0x31a: {  	v5 =	vor.u32 v1, v5;
	v4 =	vand.u32 $0xFFF8, v4;
	v6 =	vshrl.u32 v6, $0x10;
	s28 =	sor.u32 $0xC00, s5;
	s17 =	sor.u32 $0x820, s4;
	[tilespmem:v8+s2+$0x0] =	vst.idx.add.s32.msk $0xffff, v2  }
0x31b: {  	s31 =	sor.u32 $0xC70, s5;
	s7 =	sor.u32 $0xC50, s5;
	s3 =	sor.u32 $0xC70, s3;
	v8 =	vor.u32 v1, v4;
	v4 =	vand.u32 $0xFFF8, v6;
	v6 =	vld [tilespmem:s17+$0x10000]  }
0x31c: {  	v7 =	vshrl.u32 v7, $0x10;
	s18 =	sor.u32 $0x820, s10;
	s30 =	sor.u32 $0x870, s4;
	s29 =	sor.u32 $0xC00, s4;
	v63 =	vor.u32 v1, v4;
	v4 =	vld [tilespmem:s3+$0x10000]  }
0x31d: {  	v7 =	vand.u32 $0xFFF8, v7;
	s19 =	sor.u32 $0xC50, s4;
	s8 =	sor.u32 $0xC00, s10;
	s14 =	sor.u32 $0x830, s10;
	[tilespmem:v9+s2+$0x0] =	vst.idx.add.s32.msk $0xffff, v2  }
0x31e: {  	v15 =	vor.u32 v1, v7;
	s9 =	sor.u32 $0xC40, s4;
	s15 =	sor.u32 $0xC60, s4;
	v7 =	vld [tilespmem:s18+$0x10000];
	[smem:$0x7F8] =	sst s14  }
0x31f: {  	s21 =	sor.u32 $0xC20, s4;
	s23 =	sor.u32 $0xC10, s4;
	s18 =	sor.u32 $0x840, s10;
	[tilespmem:v5+s2+$0x0] =	vst.idx.add.s32.msk $0xffff, v2  }
0x320: {  	v13 =	vshrl.u32 v61, $0x10;
	s16 =	sor.u32 $0xC60, s5;
	s20 =	sor.u32 $0x850, s10;
	[dreg:$0x1f] =	wrdreg s18  }
0x321: {  	v13 =	vand.u32 $0xFFF8, v13;
	s22 =	sor.u32 $0x860, s10;
	s25 =	sor.u32 $0x870, s10;
	[dreg:$0x17] =	wrdreg s20  }
0x322: {  	s26 =	sor.u32 $0xC10, s5;
	s1 =	sor.u32 $0xC20, s5;
	v9 =	vor.u32 v1, v13;
	[dreg:$0x11] =	wrdreg s22  }
0x323: {  	v3 =	vshrl.u32 v3, $0x10;
	s6 =	simm.s32 $0x600;
	s11 =	sor.u32 $0xC60, s10;
	s13 =	sor.u32 $0xC30, s4;
	[tilespmem:v8+s2+$0x0] =	vst.idx.add.s32.msk $0xffff, v2  }
0x324: {  	v3 =	vand.u32 $0xFFF8, v3;
	s4 =	sor.u32 $0xC70, s4;
	s12 =	sor.u32 $0xC40, s5;
	[dreg:$0xc] =	wrdreg s25  }
0x325: {  	v3 =	vor.u32 v1, v3;
	s17 =	sor.u32 $0xC30, s5;
	s5 =	sor.u32 $0xC40, s10;
	s3 =	sor.u32 $0xC70, s10;
	v5 =	vshrl.u32 v10, $0x10;
	v8 =	vshrl.u32 v62, $0x10;
	[tilespmem:v63+s2+$0x0] =	vst.idx.add.s32.msk $0xffff, v2  }
0x326: {  	s14 =	sor.u32 $0xC30, s10;
	s22 =	sor.u32 $0xC20, s10;
	s20 =	sor.u32 $0xC50, s10;
	v5 =	vand.u32 $0xFFF8, v5;
	v10 =	vshrl.u32 v11, $0x10;
	v8 =	vand.u32 $0xFFF8, v8;
	[tilespmem:v15+s2+$0x0] =	vst.idx.add.s32.msk $0xffff, v2  }
0x327: {  	s18 =	simm.s32 $0x8;
	v5 =	vor.u32 v1, v5;
	s25 =	sor.u32 $0xC10, s10;
	s10 =	simm.s32 $0x1800;
	[tilespmem:v9+s2+$0x0] =	vst.idx.add.s32.msk $0xffff, v2;
	v8 =	vor.u32 v1, v8;
	v9 =	vand.u32 $0xFFF8, v10  }
.LBB2_5:
0x328: {  	_ =	sdelay $0x2  }
0x329: {  	[smem:$0x7E9] =	sst s15;
	v9 =	vor.u32 v1, v9  }
0x32a: {  	[smem:$0x7EA] =	sst s11;
	s11 =	sand.u32 $0x3000, s10;
	s15 =	sand.u32 $0x200, s6;
	[tilespmem:v3+s2+$0x0] =	vst.idx.add.s32.msk $0xffff, v2  }
0x32b: {  	[dreg:$0x2] =	wrdreg s10;
	[tilespmem:v5+s2+$0x0] =	vst.idx.add.s32.msk $0xffff, v2;
	s10 =	sor.u32 s15, s11  }
0x32c: {  	v5 =	vld [tilespmem:s10+$0x10180];
	v6 =	vshrl.u32 v6, $0x10  }
0x32d: {  	v10 =	vld [tilespmem:s10+$0x10080];
	v3 =	vand.u32 $0xFFF8, v6  }
0x32e: {  	v4 =	vshrl.u32 v4, $0x10;
	v7 =	vshrl.u32 v7, $0x10;
	[tilespmem:v9+s2+$0x0] =	vst.idx.add.s32.msk $0xffff, v2;
	v6 =	vor.u32 v1, v3  }
0x32f: {  	s0 =	sor.u32 $0x840, s24;
	v7 =	vand.u32 $0xFFF8, v7;
	v3 =	vand.u32 $0xFFF8, v4;
	v4 =	vld [tilespmem:s10+$0x10000]  }
0x330: {  	[dreg:$0x7] =	wrdreg s4;
	v7 =	vor.u32 v1, v7;
	v9 =	vld [tilespmem:s0+$0x10000]  }
0x331: {  	v11 =	vld [tilespmem:s10+$0x10100];
	s0 =	sld [smem:$0x7F7];
	v5 =	vshrl.u32 v5, $0x10  }
0x332: {  	[dreg:$0x4] =	wrdreg s3;
	[tilespmem:v8+s2+$0x0] =	vst.idx.add.s32.msk $0xffff, v2;
	v5 =	vand.u32 $0xFFF8, v5  }
0x333: {  	s3 =	sld [smem:$0x7F6];
	v8 =	vshrl.u32 v10, $0x10;
	v5 =	vor.u32 v1, v5;
	[tilespmem:v6+s2+$0x0] =	vst.idx.add.s32.msk $0xffff, v2  }
0x334: {  	s4 =	sld [smem:$0x7F8];
	v4 =	vshrl.u32 v4, $0x10;
	v6 =	vand.u32 $0xFFF8, v8;
	v8 =	vld [tilespmem:s0+$0x10000]  }
0x335: {  	[tilespmem:v7+s2+$0x0] =	vst.idx.add.s32.msk $0xffff, v2;
	v7 =	vshrl.u32 v9, $0x10;
	v4 =	vand.u32 $0xFFF8, v4;
	v6 =	vor.u32 v1, v6  }
0x336: {  	v10 =	vld [tilespmem:s3+$0x10000];
	v7 =	vand.u32 $0xFFF8, v7;
	v4 =	vor.u32 v1, v4  }
0x337: {  	v9 =	vshrl.u32 v11, $0x10;
	v11 =	vld [tilespmem:s4+$0x10000];
	v7 =	vor.u32 v1, v7  }
0x338: {  	v9 =	vand.u32 $0xFFF8, v9;
	[tilespmem:v5+s2+$0x0] =	vst.idx.add.s32.msk $0xffff, v2  }
0x339: {  	v9 =	vor.u32 v1, v9;
	v5 =	vld [tilespmem:s10+$0x10190]  }
0x33a: {  	[tilespmem:v6+s2+$0x0] =	vst.idx.add.s32.msk $0xffff, v2  }
0x33b: {  	v8 =	vshrl.u32 v8, $0x10;
	[tilespmem:v4+s2+$0x0] =	vst.idx.add.s32.msk $0xffff, v2  }
0x33c: {  	s11 =	sor.u32 $0x850, s24;
	v6 =	vshrl.u32 v10, $0x10;
	v4 =	vand.u32 $0xFFF8, v8;
	v8 =	vshrl.u32 v11, $0x10;
	[tilespmem:v7+s2+$0x0] =	vst.idx.add.s32.msk $0xffff, v2  }
0x33d: {  	v6 =	vand.u32 $0xFFF8, v6;
	v4 =	vor.u32 v1, v4;
	v7 =	vand.u32 $0xFFF8, v8;
	v8 =	vld [tilespmem:s11+$0x10000]  }
0x33e: {  	[tilespmem:v9+s2+$0x0] =	vst.idx.add.s32.msk $0xffff, v2;
	v6 =	vor.u32 v1, v6;
	v5 =	vshrl.u32 v5, $0x10  }
0x33f: {  	v9 =	vld [tilespmem:s10+$0x10010];
	v7 =	vor.u32 v1, v7;
	v5 =	vand.u32 $0xFFF8, v5  }
0x340: {  	v10 =	vld [tilespmem:s10+$0x10090];
	v5 =	vor.u32 v1, v5  }
0x341: {  	v11 =	vld [tilespmem:s10+$0x10110]  }
0x342: {  	[tilespmem:v4+s2+$0x0] =	vst.idx.add.s32.msk $0xffff, v2;
	v4 =	vshrl.u32 v8, $0x10  }
0x343: {  	[tilespmem:v6+s2+$0x0] =	vst.idx.add.s32.msk $0xffff, v2;
	v4 =	vand.u32 $0xFFF8, v4  }
0x344: {  	v6 =	vshrl.u32 v9, $0x10;
	[tilespmem:v7+s2+$0x0] =	vst.idx.add.s32.msk $0xffff, v2;
	v4 =	vor.u32 v1, v4  }
0x345: {  	v6 =	vand.u32 $0xFFF8, v6;
	v7 =	vshrl.u32 v10, $0x10;
	[tilespmem:v5+s2+$0x0] =	vst.idx.add.s32.msk $0xffff, v2  }
0x346: {  	s15 =	rddreg [dreg:$0x1d];
	v5 =	vor.u32 v1, v6;
	v6 =	vand.u32 $0xFFF8, v7;
	v8 =	vld [tilespmem:s10+$0x101A0]  }
0x347: {  	s3 =	rddreg [dreg:$0x1b];
	v9 =	vld [tilespmem:s15+$0x10000];
	v7 =	vshrl.u32 v11, $0x10;
	v6 =	vor.u32 v1, v6  }
0x348: {  	v10 =	vld [tilespmem:s3+$0x10000];
	v7 =	vand.u32 $0xFFF8, v7  }
0x349: {  	s4 =	sor.u32 $0x860, s24;
	v7 =	vor.u32 v1, v7;
	[tilespmem:v4+s2+$0x0] =	vst.idx.add.s32.msk $0xffff, v2  }
0x34a: {  	v4 =	vld [tilespmem:s4+$0x10000]  }
0x34b: {  	[tilespmem:v5+s2+$0x0] =	vst.idx.add.s32.msk $0xffff, v2;
	v5 =	vshrl.u32 v8, $0x10  }
0x34c: {  	[tilespmem:v6+s2+$0x0] =	vst.idx.add.s32.msk $0xffff, v2;
	v5 =	vand.u32 $0xFFF8, v5  }
0x34d: {  	v6 =	vshrl.u32 v9, $0x10;
	v8 =	vld [tilespmem:s10+$0x10020];
	v5 =	vor.u32 v1, v5  }
0x34e: {  	[tilespmem:v7+s2+$0x0] =	vst.idx.add.s32.msk $0xffff, v2;
	v6 =	vand.u32 $0xFFF8, v6;
	v7 =	vshrl.u32 v10, $0x10  }
0x34f: {  	v9 =	vld [tilespmem:s10+$0x100A0];
	v6 =	vor.u32 v1, v6;
	v7 =	vand.u32 $0xFFF8, v7;
	v4 =	vshrl.u32 v4, $0x10  }
0x350: {  	s11 =	rddreg [dreg:$0x1f];
	v10 =	vld [tilespmem:s10+$0x10120];
	v7 =	vor.u32 v1, v7;
	v4 =	vand.u32 $0xFFF8, v4  }
0x351: {  	v11 =	vld [tilespmem:s11+$0x10000];
	v4 =	vor.u32 v1, v4  }
0x352: {  	[tilespmem:v5+s2+$0x0] =	vst.idx.add.s32.msk $0xffff, v2  }
0x353: {  	v5 =	vshrl.u32 v8, $0x10;
	v8 =	vld [tilespmem:s10+$0x101B0]  }
0x354: {  	v9 =	vshrl.u32 v9, $0x10;
	[tilespmem:v6+s2+$0x0] =	vst.idx.add.s32.msk $0xffff, v2;
	v5 =	vand.u32 $0xFFF8, v5  }
0x355: {  	v6 =	vand.u32 $0xFFF8, v9;
	v9 =	vshrl.u32 v10, $0x10;
	[tilespmem:v7+s2+$0x0] =	vst.idx.add.s32.msk $0xffff, v2;
	v5 =	vor.u32 v1, v5  }
0x356: {  	s15 =	sor.u32 $0x870, s24;
	v6 =	vor.u32 v1, v6;
	v7 =	vand.u32 $0xFFF8, v9;
	v9 =	vshrl.u32 v11, $0x10;
	[tilespmem:v4+s2+$0x0] =	vst.idx.add.s32.msk $0xffff, v2  }
0x357: {  	s3 =	rddreg [dreg:$0x19];
	v4 =	vor.u32 v1, v7;
	v7 =	vand.u32 $0xFFF8, v9;
	v9 =	vld [tilespmem:s15+$0x10000]  }
0x358: {  	s4 =	rddreg [dreg:$0x15];
	v10 =	vld [tilespmem:s3+$0x10000];
	v8 =	vshrl.u32 v8, $0x10  }
0x359: {  	v11 =	vld [tilespmem:s4+$0x10000];
	v8 =	vand.u32 $0xFFF8, v8  }
0x35a: {  	[tilespmem:v5+s2+$0x0] =	vst.idx.add.s32.msk $0xffff, v2;
	v5 =	vor.u32 v1, v8  }
0x35b: {  	[tilespmem:v6+s2+$0x0] =	vst.idx.add.s32.msk $0xffff, v2  }
0x35c: {  	[tilespmem:v4+s2+$0x0] =	vst.idx.add.s32.msk $0xffff, v2;
	v4 =	vshrl.u32 v9, $0x10  }
0x35d: {  	v7 =	vor.u32 v1, v7;
	v6 =	vld [tilespmem:s10+$0x10030];
	v4 =	vand.u32 $0xFFF8, v4  }
0x35e: {  	v8 =	vshrl.u32 v10, $0x10;
	v9 =	vld [tilespmem:s10+$0x100B0];
	v4 =	vor.u32 v1, v4  }
0x35f: {  	v10 =	vshrl.u32 v11, $0x10;
	v8 =	vand.u32 $0xFFF8, v8;
	[tilespmem:v5+s2+$0x0] =	vst.idx.add.s32.msk $0xffff, v2  }
0x360: {  	v5 =	vor.u32 v1, v8;
	v8 =	vand.u32 $0xFFF8, v10;
	v10 =	vld [tilespmem:s10+$0x101C0]  }
0x361: {  	v11 =	vld [tilespmem:s10+$0x10130]  }
0x362: {  	[tilespmem:v7+s2+$0x0] =	vst.idx.add.s32.msk $0xffff, v2;
	v6 =	vshrl.u32 v6, $0x10;
	v8 =	vor.u32 v1, v8  }
0x363: {  	s11 =	sor.u32 $0xC00, s24;
	v6 =	vand.u32 $0xFFF8, v6;
	v7 =	vshrl.u32 v9, $0x10;
	[tilespmem:v4+s2+$0x0] =	vst.idx.add.s32.msk $0xffff, v2  }
0x364: {  	v4 =	vor.u32 v1, v6;
	v6 =	vand.u32 $0xFFF8, v7;
	v7 =	vld [tilespmem:s11+$0x10000]  }
0x365: {  	s15 =	rddreg [dreg:$0x17];
	v6 =	vor.u32 v1, v6;
	[tilespmem:v5+s2+$0x0] =	vst.idx.add.s32.msk $0xffff, v2;
	v9 =	vshrl.u32 v10, $0x10  }
0x366: {  	v10 =	vld [tilespmem:s15+$0x10000];
	v9 =	vand.u32 $0xFFF8, v9  }
0x367: {  	s3 =	rddreg [dreg:$0x13];
	v11 =	vshrl.u32 v11, $0x10;
	[tilespmem:v8+s2+$0x0] =	vst.idx.add.s32.msk $0xffff, v2;
	v9 =	vor.u32 v1, v9  }
0x368: {  	v5 =	vand.u32 $0xFFF8, v11;
	v8 =	vld [tilespmem:s3+$0x10000]  }
0x369: {  	v5 =	vor.u32 v1, v5;
	[tilespmem:v4+s2+$0x0] =	vst.idx.add.s32.msk $0xffff, v2;
	v4 =	vshrl.u32 v7, $0x10  }
0x36a: {  	[tilespmem:v6+s2+$0x0] =	vst.idx.add.s32.msk $0xffff, v2;
	v4 =	vand.u32 $0xFFF8, v4  }
0x36b: {  	v7 =	vld [tilespmem:s10+$0x10040];
	v4 =	vor.u32 v1, v4  }
0x36c: {  	v6 =	vshrl.u32 v10, $0x10;
	[tilespmem:v9+s2+$0x0] =	vst.idx.add.s32.msk $0xffff, v2  }
0x36d: {  	v8 =	vshrl.u32 v8, $0x10;
	v6 =	vand.u32 $0xFFF8, v6;
	v9 =	vld [tilespmem:s10+$0x101D0]  }
0x36e: {  	[tilespmem:v5+s2+$0x0] =	vst.idx.add.s32.msk $0xffff, v2;
	v5 =	vand.u32 $0xFFF8, v8;
	v6 =	vor.u32 v1, v6  }
0x36f: {  	v8 =	vld [tilespmem:s10+$0x100C0];
	v5 =	vor.u32 v1, v5  }
0x370: {  	s4 =	sor.u32 $0xC10, s24;
	v7 =	vshrl.u32 v7, $0x10;
	[tilespmem:v4+s2+$0x0] =	vst.idx.add.s32.msk $0xffff, v2  }
0x371: {  	v4 =	vand.u32 $0xFFF8, v7;
	v7 =	vld [tilespmem:s4+$0x10000]  }
0x372: {  	v10 =	vld [tilespmem:s10+$0x10140];
	v4 =	vor.u32 v1, v4;
	v9 =	vshrl.u32 v9, $0x10  }
0x373: {  	[tilespmem:v6+s2+$0x0] =	vst.idx.add.s32.msk $0xffff, v2;
	v9 =	vand.u32 $0xFFF8, v9  }
0x374: {  	s11 =	rddreg [dreg:$0xf];
	v6 =	vshrl.u32 v8, $0x10;
	[tilespmem:v5+s2+$0x0] =	vst.idx.add.s32.msk $0xffff, v2;
	v8 =	vor.u32 v1, v9  }
0x375: {  	s15 =	rddreg [dreg:$0x11];
	v6 =	vand.u32 $0xFFF8, v6;
	v9 =	vld [tilespmem:s11+$0x10000]  }
0x376: {  	v11 =	vld [tilespmem:s15+$0x10000];
	v6 =	vor.u32 v1, v6;
	v5 =	vshrl.u32 v7, $0x10  }
0x377: {  	[tilespmem:v4+s2+$0x0] =	vst.idx.add.s32.msk $0xffff, v2;
	v5 =	vand.u32 $0xFFF8, v5  }
0x378: {  	v4 =	vshrl.u32 v10, $0x10;
	v7 =	vld [tilespmem:s10+$0x10050];
	v5 =	vor.u32 v1, v5  }
0x379: {  	v4 =	vand.u32 $0xFFF8, v4;
	[tilespmem:v8+s2+$0x0] =	vst.idx.add.s32.msk $0xffff, v2  }
0x37a: {  	v4 =	vor.u32 v1, v4;
	v8 =	vshrl.u32 v9, $0x10;
	v9 =	vld [tilespmem:s10+$0x101E0]  }
0x37b: {  	v10 =	vshrl.u32 v11, $0x10;
	[tilespmem:v6+s2+$0x0] =	vst.idx.add.s32.msk $0xffff, v2;
	v8 =	vand.u32 $0xFFF8, v8  }
0x37c: {  	v6 =	vor.u32 v1, v8;
	v8 =	vand.u32 $0xFFF8, v10;
	v10 =	vld [tilespmem:s10+$0x100D0]  }
0x37d: {  	s3 =	sor.u32 $0xC20, s24;
	v8 =	vor.u32 v1, v8;
	v7 =	vshrl.u32 v7, $0x10;
	[tilespmem:v5+s2+$0x0] =	vst.idx.add.s32.msk $0xffff, v2  }
0x37e: {  	v5 =	vand.u32 $0xFFF8, v7;
	v7 =	vld [tilespmem:s3+$0x10000]  }
0x37f: {  	[tilespmem:v4+s2+$0x0] =	vst.idx.add.s32.msk $0xffff, v2;
	v5 =	vor.u32 v1, v5;
	v4 =	vshrl.u32 v9, $0x10  }
0x380: {  	v9 =	vld [tilespmem:s10+$0x10150];
	v4 =	vand.u32 $0xFFF8, v4  }
0x381: {  	v10 =	vshrl.u32 v10, $0x10;
	[tilespmem:v6+s2+$0x0] =	vst.idx.add.s32.msk $0xffff, v2;
	v4 =	vor.u32 v1, v4  }
0x382: {  	s4 =	rddreg [dreg:$0xd];
	v6 =	vand.u32 $0xFFF8, v10;
	[tilespmem:v8+s2+$0x0] =	vst.idx.add.s32.msk $0xffff, v2  }
0x383: {  	v8 =	vld [tilespmem:s4+$0x10000];
	v6 =	vor.u32 v1, v6;
	v7 =	vshrl.u32 v7, $0x10  }
0x384: {  	[tilespmem:v5+s2+$0x0] =	vst.idx.add.s32.msk $0xffff, v2;
	v5 =	vand.u32 $0xFFF8, v7  }
0x385: {  	v7 =	vld [tilespmem:s10+$0x10060];
	v9 =	vshrl.u32 v9, $0x10;
	v5 =	vor.u32 v1, v5  }
0x386: {  	v9 =	vand.u32 $0xFFF8, v9;
	[tilespmem:v4+s2+$0x0] =	vst.idx.add.s32.msk $0xffff, v2  }
0x387: {  	v4 =	vor.u32 v1, v9;
	v9 =	vld [tilespmem:s10+$0x101F0]  }
0x388: {  	[tilespmem:v6+s2+$0x0] =	vst.idx.add.s32.msk $0xffff, v2  }
0x389: {  	v6 =	vshrl.u32 v8, $0x10;
	v8 =	vld [tilespmem:s10+$0x100E0]  }
0x38a: {  	s11 =	sor.u32 $0xC30, s24;
	v6 =	vand.u32 $0xFFF8, v6;
	v7 =	vshrl.u32 v7, $0x10;
	[tilespmem:v5+s2+$0x0] =	vst.idx.add.s32.msk $0xffff, v2  }
0x38b: {  	v6 =	vor.u32 v1, v6;
	v5 =	vand.u32 $0xFFF8, v7;
	v7 =	vld [tilespmem:s11+$0x10000]  }
0x38c: {  	v5 =	vor.u32 v1, v5;
	[tilespmem:v4+s2+$0x0] =	vst.idx.add.s32.msk $0xffff, v2;
	v4 =	vshrl.u32 v9, $0x10  }
0x38d: {  	v9 =	vld [tilespmem:s10+$0x10160];
	v4 =	vand.u32 $0xFFF8, v4  }
0x38e: {  	s15 =	rddreg [dreg:$0xc];
	v10 =	vld [tilespmem:s30+$0x10000];
	v8 =	vshrl.u32 v8, $0x10;
	v4 =	vor.u32 v1, v4  }
0x38f: {  	v11 =	vld [tilespmem:s15+$0x10000];
	v8 =	vand.u32 $0xFFF8, v8  }
0x390: {  	[tilespmem:v6+s2+$0x0] =	vst.idx.add.s32.msk $0xffff, v2;
	v8 =	vor.u32 v1, v8;
	v6 =	vshrl.u32 v7, $0x10  }
0x391: {  	[tilespmem:v5+s2+$0x0] =	vst.idx.add.s32.msk $0xffff, v2;
	v5 =	vand.u32 $0xFFF8, v6  }
0x392: {  	v6 =	vld [tilespmem:s10+$0x10070];
	v7 =	vshrl.u32 v9, $0x10;
	v5 =	vor.u32 v1, v5  }
0x393: {  	v7 =	vand.u32 $0xFFF8, v7;
	[tilespmem:v4+s2+$0x0] =	vst.idx.add.s32.msk $0xffff, v2  }
0x394: {  	v4 =	vshrl.u32 v10, $0x10;
	v7 =	vor.u32 v1, v7;
	v9 =	vld [tilespmem:s10+$0x10580]  }
0x395: {  	v10 =	vshrl.u32 v11, $0x10;
	v4 =	vand.u32 $0xFFF8, v4;
	[tilespmem:v8+s2+$0x0] =	vst.idx.add.s32.msk $0xffff, v2  }
0x396: {  	v8 =	vand.u32 $0xFFF8, v10;
	v4 =	vor.u32 v1, v4;
	v10 =	vld [tilespmem:s10+$0x100F0]  }
0x397: {  	s3 =	sor.u32 $0xC40, s24;
	v8 =	vor.u32 v1, v8;
	v6 =	vshrl.u32 v6, $0x10;
	[tilespmem:v5+s2+$0x0] =	vst.idx.add.s32.msk $0xffff, v2  }
0x398: {  	v5 =	vand.u32 $0xFFF8, v6;
	v6 =	vld [tilespmem:s3+$0x10000]  }
0x399: {  	v5 =	vor.u32 v1, v5;
	[tilespmem:v7+s2+$0x0] =	vst.idx.add.s32.msk $0xffff, v2;
	v7 =	vshrl.u32 v9, $0x10  }
0x39a: {  	v9 =	vld [tilespmem:s10+$0x10170];
	v7 =	vand.u32 $0xFFF8, v7  }
0x39b: {  	v10 =	vshrl.u32 v10, $0x10;
	[tilespmem:v4+s2+$0x0] =	vst.idx.add.s32.msk $0xffff, v2;
	v7 =	vor.u32 v1, v7  }
0x39c: {  	[tilespmem:v8+s2+$0x0] =	vst.idx.add.s32.msk $0xffff, v2;
	v4 =	vand.u32 $0xFFF8, v10  }
0x39d: {  	v8 =	vld [tilespmem:s28+$0x10000];
	v4 =	vor.u32 v1, v4;
	v6 =	vshrl.u32 v6, $0x10  }
0x39e: {  	[tilespmem:v5+s2+$0x0] =	vst.idx.add.s32.msk $0xffff, v2;
	v5 =	vand.u32 $0xFFF8, v6  }
0x39f: {  	v6 =	vld [tilespmem:s10+$0x10400];
	v9 =	vshrl.u32 v9, $0x10;
	v5 =	vor.u32 v1, v5  }
0x3a0: {  	v9 =	vand.u32 $0xFFF8, v9;
	[tilespmem:v7+s2+$0x0] =	vst.idx.add.s32.msk $0xffff, v2  }
0x3a1: {  	v7 =	vor.u32 v1, v9;
	v9 =	vld [tilespmem:s10+$0x10590]  }
0x3a2: {  	[tilespmem:v4+s2+$0x0] =	vst.idx.add.s32.msk $0xffff, v2  }
0x3a3: {  	v4 =	vshrl.u32 v8, $0x10;
	v8 =	vld [tilespmem:s10+$0x10480]  }
0x3a4: {  	s4 =	sor.u32 $0xC50, s24;
	v4 =	vand.u32 $0xFFF8, v4;
	v6 =	vshrl.u32 v6, $0x10;
	[tilespmem:v5+s2+$0x0] =	vst.idx.add.s32.msk $0xffff, v2  }
0x3a5: {  	v4 =	vor.u32 v1, v4;
	v5 =	vand.u32 $0xFFF8, v6;
	v6 =	vld [tilespmem:s4+$0x10000]  }
0x3a6: {  	v5 =	vor.u32 v1, v5;
	[tilespmem:v7+s2+$0x0] =	vst.idx.add.s32.msk $0xffff, v2;
	v7 =	vshrl.u32 v9, $0x10  }
0x3a7: {  	v9 =	vld [tilespmem:s10+$0x10500];
	v7 =	vand.u32 $0xFFF8, v7  }
0x3a8: {  	v10 =	vld [tilespmem:s29+$0x10000];
	v8 =	vshrl.u32 v8, $0x10;
	v7 =	vor.u32 v1, v7  }
0x3a9: {  	v11 =	vld [tilespmem:s8+$0x10000];
	v8 =	vand.u32 $0xFFF8, v8  }
0x3aa: {  	[tilespmem:v4+s2+$0x0] =	vst.idx.add.s32.msk $0xffff, v2;
	v8 =	vor.u32 v1, v8;
	v4 =	vshrl.u32 v6, $0x10  }
0x3ab: {  	[tilespmem:v5+s2+$0x0] =	vst.idx.add.s32.msk $0xffff, v2;
	v4 =	vand.u32 $0xFFF8, v4  }
0x3ac: {  	v5 =	vld [tilespmem:s10+$0x10410];
	v6 =	vshrl.u32 v9, $0x10;
	v4 =	vor.u32 v1, v4  }
0x3ad: {  	v6 =	vand.u32 $0xFFF8, v6;
	[tilespmem:v7+s2+$0x0] =	vst.idx.add.s32.msk $0xffff, v2  }
0x3ae: {  	v7 =	vshrl.u32 v10, $0x10;
	v6 =	vor.u32 v1, v6;
	v9 =	vld [tilespmem:s10+$0x105A0]  }
0x3af: {  	v10 =	vshrl.u32 v11, $0x10;
	v7 =	vand.u32 $0xFFF8, v7;
	[tilespmem:v8+s2+$0x0] =	vst.idx.add.s32.msk $0xffff, v2  }
0x3b0: {  	v8 =	vand.u32 $0xFFF8, v10;
	v7 =	vor.u32 v1, v7;
	v10 =	vld [tilespmem:s10+$0x10490]  }
0x3b1: {  	s11 =	sor.u32 $0xC60, s24;
	v8 =	vor.u32 v1, v8;
	v5 =	vshrl.u32 v5, $0x10;
	[tilespmem:v4+s2+$0x0] =	vst.idx.add.s32.msk $0xffff, v2  }
0x3b2: {  	v4 =	vand.u32 $0xFFF8, v5;
	v5 =	vld [tilespmem:s11+$0x10000]  }
0x3b3: {  	v4 =	vor.u32 v1, v4;
	[tilespmem:v6+s2+$0x0] =	vst.idx.add.s32.msk $0xffff, v2;
	v6 =	vshrl.u32 v9, $0x10  }
0x3b4: {  	v9 =	vld [tilespmem:s10+$0x10510];
	v6 =	vand.u32 $0xFFF8, v6  }
0x3b5: {  	v10 =	vshrl.u32 v10, $0x10;
	[tilespmem:v7+s2+$0x0] =	vst.idx.add.s32.msk $0xffff, v2;
	v6 =	vor.u32 v1, v6  }
0x3b6: {  	[tilespmem:v8+s2+$0x0] =	vst.idx.add.s32.msk $0xffff, v2;
	v7 =	vand.u32 $0xFFF8, v10  }
0x3b7: {  	v8 =	vld [tilespmem:s26+$0x10000];
	v7 =	vor.u32 v1, v7;
	v5 =	vshrl.u32 v5, $0x10  }
0x3b8: {  	[tilespmem:v4+s2+$0x0] =	vst.idx.add.s32.msk $0xffff, v2;
	v4 =	vand.u32 $0xFFF8, v5  }
0x3b9: {  	v5 =	vld [tilespmem:s10+$0x10420];
	v9 =	vshrl.u32 v9, $0x10;
	v4 =	vor.u32 v1, v4  }
0x3ba: {  	v9 =	vand.u32 $0xFFF8, v9;
	[tilespmem:v6+s2+$0x0] =	vst.idx.add.s32.msk $0xffff, v2  }
0x3bb: {  	v6 =	vor.u32 v1, v9;
	v9 =	vld [tilespmem:s10+$0x105B0]  }
0x3bc: {  	[tilespmem:v7+s2+$0x0] =	vst.idx.add.s32.msk $0xffff, v2  }
0x3bd: {  	v7 =	vshrl.u32 v8, $0x10;
	v8 =	vld [tilespmem:s10+$0x104A0]  }
0x3be: {  	s15 =	sor.u32 $0xC70, s24;
	v7 =	vand.u32 $0xFFF8, v7;
	v5 =	vshrl.u32 v5, $0x10;
	[tilespmem:v4+s2+$0x0] =	vst.idx.add.s32.msk $0xffff, v2  }
0x3bf: {  	v7 =	vor.u32 v1, v7;
	v4 =	vand.u32 $0xFFF8, v5;
	v5 =	vld [tilespmem:s15+$0x10000]  }
0x3c0: {  	v4 =	vor.u32 v1, v4;
	[tilespmem:v6+s2+$0x0] =	vst.idx.add.s32.msk $0xffff, v2;
	v6 =	vshrl.u32 v9, $0x10  }
0x3c1: {  	v9 =	vld [tilespmem:s10+$0x10520];
	v6 =	vand.u32 $0xFFF8, v6  }
0x3c2: {  	v10 =	vld [tilespmem:s23+$0x10000];
	v8 =	vshrl.u32 v8, $0x10;
	v6 =	vor.u32 v1, v6  }
0x3c3: {  	v11 =	vld [tilespmem:s25+$0x10000];
	v8 =	vand.u32 $0xFFF8, v8  }
0x3c4: {  	[tilespmem:v7+s2+$0x0] =	vst.idx.add.s32.msk $0xffff, v2;
	v8 =	vor.u32 v1, v8;
	v5 =	vshrl.u32 v5, $0x10  }
0x3c5: {  	[tilespmem:v4+s2+$0x0] =	vst.idx.add.s32.msk $0xffff, v2;
	v4 =	vand.u32 $0xFFF8, v5  }
0x3c6: {  	v5 =	vld [tilespmem:s10+$0x10430];
	v7 =	vshrl.u32 v9, $0x10;
	v4 =	vor.u32 v1, v4  }
0x3c7: {  	v7 =	vand.u32 $0xFFF8, v7;
	[tilespmem:v6+s2+$0x0] =	vst.idx.add.s32.msk $0xffff, v2  }
0x3c8: {  	v6 =	vshrl.u32 v10, $0x10;
	v7 =	vor.u32 v1, v7;
	v9 =	vld [tilespmem:s10+$0x105C0]  }
0x3c9: {  	v10 =	vshrl.u32 v11, $0x10;
	v6 =	vand.u32 $0xFFF8, v6;
	[tilespmem:v8+s2+$0x0] =	vst.idx.add.s32.msk $0xffff, v2  }
0x3ca: {  	v8 =	vand.u32 $0xFFF8, v10;
	v6 =	vor.u32 v1, v6;
	v10 =	vld [tilespmem:s10+$0x104B0]  }
0x3cb: {  	v8 =	vor.u32 v1, v8;
	v5 =	vshrl.u32 v5, $0x10;
	[tilespmem:v4+s2+$0x0] =	vst.idx.add.s32.msk $0xffff, v2  }
0x3cc: {  	v4 =	vand.u32 $0xFFF8, v5;
	v5 =	vld [tilespmem:s1+$0x10000]  }
0x3cd: {  	v4 =	vor.u32 v1, v4;
	[tilespmem:v7+s2+$0x0] =	vst.idx.add.s32.msk $0xffff, v2;
	v7 =	vshrl.u32 v9, $0x10  }
0x3ce: {  	v9 =	vld [tilespmem:s10+$0x10530];
	v7 =	vand.u32 $0xFFF8, v7  }
0x3cf: {  	v10 =	vshrl.u32 v10, $0x10;
	[tilespmem:v6+s2+$0x0] =	vst.idx.add.s32.msk $0xffff, v2;
	v7 =	vor.u32 v1, v7  }
0x3d0: {  	[tilespmem:v8+s2+$0x0] =	vst.idx.add.s32.msk $0xffff, v2;
	v6 =	vand.u32 $0xFFF8, v10  }
0x3d1: {  	v8 =	vld [tilespmem:s21+$0x10000];
	v6 =	vor.u32 v1, v6  }
0x3d2: {  	v5 =	vshrl.u32 v5, $0x10;
	[tilespmem:v4+s2+$0x0] =	vst.idx.add.s32.msk $0xffff, v2  }
0x3d3: {  	v4 =	vand.u32 $0xFFF8, v5;
	v5 =	vld [tilespmem:s10+$0x10440];
	v9 =	vshrl.u32 v9, $0x10  }
0x3d4: {  	v4 =	vor.u32 v1, v4;
	v9 =	vand.u32 $0xFFF8, v9;
	[tilespmem:v7+s2+$0x0] =	vst.idx.add.s32.msk $0xffff, v2  }
0x3d5: {  	v7 =	vor.u32 v1, v9;
	v9 =	vld [tilespmem:s10+$0x105D0]  }
0x3d6: {  	[tilespmem:v6+s2+$0x0] =	vst.idx.add.s32.msk $0xffff, v2;
	v6 =	vshrl.u32 v8, $0x10  }
0x3d7: {  	v8 =	vld [tilespmem:s10+$0x104C0];
	v6 =	vand.u32 $0xFFF8, v6  }
0x3d8: {  	v10 =	vld [tilespmem:s22+$0x10000];
	v5 =	vshrl.u32 v5, $0x10;
	v6 =	vor.u32 v1, v6  }
0x3d9: {  	[tilespmem:v4+s2+$0x0] =	vst.idx.add.s32.msk $0xffff, v2;
	v5 =	vand.u32 $0xFFF8, v5  }
0x3da: {  	v4 =	vor.u32 v1, v5;
	[tilespmem:v7+s2+$0x0] =	vst.idx.add.s32.msk $0xffff, v2;
	v5 =	vshrl.u32 v9, $0x10  }
0x3db: {  	v7 =	vld [tilespmem:s10+$0x10540];
	v5 =	vand.u32 $0xFFF8, v5  }
0x3dc: {  	v9 =	vld [tilespmem:s17+$0x10000];
	v8 =	vshrl.u32 v8, $0x10;
	v5 =	vor.u32 v1, v5  }
0x3dd: {  	v8 =	vand.u32 $0xFFF8, v8;
	[tilespmem:v6+s2+$0x0] =	vst.idx.add.s32.msk $0xffff, v2  }
0x3de: {  	v6 =	vshrl.u32 v10, $0x10;
	v8 =	vor.u32 v1, v8;
	v10 =	vld [tilespmem:s13+$0x10000]  }
0x3df: {  	v6 =	vand.u32 $0xFFF8, v6;
	[tilespmem:v4+s2+$0x0] =	vst.idx.add.s32.msk $0xffff, v2  }
0x3e0: {  	v4 =	vor.u32 v1, v6;
	v6 =	vld [tilespmem:s10+$0x10450];
	v7 =	vshrl.u32 v7, $0x10  }
0x3e1: {  	v7 =	vand.u32 $0xFFF8, v7;
	[tilespmem:v5+s2+$0x0] =	vst.idx.add.s32.msk $0xffff, v2  }
0x3e2: {  	v5 =	vshrl.u32 v9, $0x10;
	v7 =	vor.u32 v1, v7;
	v9 =	vld [tilespmem:s10+$0x105E0]  }
0x3e3: {  	v5 =	vand.u32 $0xFFF8, v5;
	[tilespmem:v8+s2+$0x0] =	vst.idx.add.s32.msk $0xffff, v2;
	v8 =	vshrl.u32 v10, $0x10  }
0x3e4: {  	v5 =	vor.u32 v1, v5;
	v10 =	vld [tilespmem:s10+$0x104D0];
	v8 =	vand.u32 $0xFFF8, v8  }
0x3e5: {  	[tilespmem:v4+s2+$0x0] =	vst.idx.add.s32.msk $0xffff, v2;
	v6 =	vshrl.u32 v6, $0x10;
	v8 =	vor.u32 v1, v8  }
0x3e6: {  	v4 =	vand.u32 $0xFFF8, v6;
	v6 =	vld [tilespmem:s14+$0x10000]  }
0x3e7: {  	v4 =	vor.u32 v1, v4;
	[tilespmem:v7+s2+$0x0] =	vst.idx.add.s32.msk $0xffff, v2;
	v7 =	vshrl.u32 v9, $0x10  }
0x3e8: {  	v9 =	vld [tilespmem:s10+$0x10550];
	v7 =	vand.u32 $0xFFF8, v7  }
0x3e9: {  	v10 =	vshrl.u32 v10, $0x10;
	[tilespmem:v5+s2+$0x0] =	vst.idx.add.s32.msk $0xffff, v2;
	v7 =	vor.u32 v1, v7  }
0x3ea: {  	v5 =	vand.u32 $0xFFF8, v10;
	[tilespmem:v8+s2+$0x0] =	vst.idx.add.s32.msk $0xffff, v2  }
0x3eb: {  	v8 =	vld [tilespmem:s12+$0x10000];
	v5 =	vor.u32 v1, v5;
	v6 =	vshrl.u32 v6, $0x10  }
0x3ec: {  	[tilespmem:v4+s2+$0x0] =	vst.idx.add.s32.msk $0xffff, v2;
	v4 =	vand.u32 $0xFFF8, v6  }
0x3ed: {  	v6 =	vld [tilespmem:s10+$0x10460];
	v9 =	vshrl.u32 v9, $0x10;
	v4 =	vor.u32 v1, v4  }
0x3ee: {  	v9 =	vand.u32 $0xFFF8, v9;
	[tilespmem:v7+s2+$0x0] =	vst.idx.add.s32.msk $0xffff, v2  }
0x3ef: {  	v7 =	vor.u32 v1, v9;
	v9 =	vld [tilespmem:s10+$0x105F0]  }
0x3f0: {  	[tilespmem:v5+s2+$0x0] =	vst.idx.add.s32.msk $0xffff, v2;
	v5 =	vshrl.u32 v8, $0x10  }
0x3f1: {  	v8 =	vld [tilespmem:s10+$0x104E0];
	v5 =	vand.u32 $0xFFF8, v5  }
0x3f2: {  	v6 =	vshrl.u32 v6, $0x10;
	v5 =	vor.u32 v1, v5;
	[tilespmem:v4+s2+$0x0] =	vst.idx.add.s32.msk $0xffff, v2  }
0x3f3: {  	v4 =	vand.u32 $0xFFF8, v6;
	v6 =	vld [tilespmem:s9+$0x10000]  }
0x3f4: {  	v4 =	vor.u32 v1, v4;
	[tilespmem:v7+s2+$0x0] =	vst.idx.add.s32.msk $0xffff, v2;
	v7 =	vshrl.u32 v9, $0x10  }
0x3f5: {  	v9 =	vld [tilespmem:s10+$0x10560];
	v7 =	vand.u32 $0xFFF8, v7  }
0x3f6: {  	p0 =	por !p0, !p0;
	s0 =	simm.s32 $0x1;
	v10 =	vld [tilespmem:s5+$0x10000];
	v8 =	vshrl.u32 v8, $0x10;
	v7 =	vor.u32 v1, v7  }
0x3f7: {  	s0 =	simm.s32 @!p0 $0x0;
	v8 =	vand.u32 $0xFFF8, v8;
	[tilespmem:v5+s2+$0x0] =	vst.idx.add.s32.msk $0xffff, v2  }
0x3f8: {  	s0 =	sshll.u32 s0, $0x9;
	s22 =	rddreg [dreg:$0x2];
	v5 =	vor.u32 v1, v8;
	v8 =	vld [tilespmem:s7+$0x10000];
	v6 =	vshrl.u32 v6, $0x10  }
0x3f9: {  	s9 =	sadd.s32 s0, s22;
	[tilespmem:v4+s2+$0x0] =	vst.idx.add.s32.msk $0xffff, v2;
	v4 =	vand.u32 $0xFFF8, v6  }
0x3fa: {  	s24 =	sadd.s32 $0x180, s9;
	v6 =	vld [tilespmem:s10+$0x10470];
	v9 =	vshrl.u32 v9, $0x10;
	v4 =	vor.u32 v1, v4  }
0x3fb: {  	s23 =	sor.u32 $0x800, s24;
	v9 =	vand.u32 $0xFFF8, v9;
	[tilespmem:v7+s2+$0x0] =	vst.idx.add.s32.msk $0xffff, v2  }
0x3fc: {  	v7 =	vshrl.u32 v10, $0x10;
	v9 =	vor.u32 v1, v9;
	v10 =	vld [tilespmem:s23+$0x10000]  }
0x3fd: {  	v7 =	vand.u32 $0xFFF8, v7;
	[tilespmem:v5+s2+$0x0] =	vst.idx.add.s32.msk $0xffff, v2  }
0x3fe: {  	v5 =	vshrl.u32 v8, $0x10;
	v7 =	vor.u32 v1, v7;
	v8 =	vld [tilespmem:s10+$0x104F0]  }
0x3ff: {  	v5 =	vand.u32 $0xFFF8, v5;
	v6 =	vshrl.u32 v6, $0x10;
	[tilespmem:v4+s2+$0x0] =	vst.idx.add.s32.msk $0xffff, v2  }
0x400: {  	v5 =	vor.u32 v1, v5;
	v4 =	vand.u32 $0xFFF8, v6;
	v6 =	vld [tilespmem:s19+$0x10000]  }
0x401: {  	s18 =	sadd.s32 $0x4, s18;
	v4 =	vor.u32 v1, v4;
	[tilespmem:v9+s2+$0x0] =	vst.idx.add.s32.msk $0xffff, v2;
	v9 =	vshrl.u32 v10, $0x10  }
0x402: {  	[smem:$0x7EC] =	sst s31;
	p1 =	slt.u32 s18, $0x1C;
	v10 =	vld [tilespmem:s10+$0x10570];
	v9 =	vand.u32 $0xFFF8, v9  }
0x403: {  	s29 =	smov.u32 s6;
	s6 =	smov.u32 s18;
	s13 =	sor.u32 $0x830, s9;
	v8 =	vshrl.u32 v8, $0x10;
	[tilespmem:v7+s2+$0x0] =	vst.idx.add.s32.msk $0xffff, v2;
	v9 =	vor.u32 v1, v9  }
0x404: {  	s17 =	sadd.s32 $0x80, s9;
	s22 =	sor.u32 $0x840, s9;
	[smem:$0x7F7] =	sst s13;
	v7 =	vand.u32 $0xFFF8, v8;
	v8 =	vld [tilespmem:s20+$0x10000]  }
0x405: {  	s15 =	sadd.s32 $0x100, s9;
	s25 =	sor.u32 $0x810, s17;
	[dreg:$0x1d] =	wrdreg s22;
	[tilespmem:v5+s2+$0x0] =	vst.idx.add.s32.msk $0xffff, v2;
	v7 =	vor.u32 v1, v7;
	v5 =	vshrl.u32 v6, $0x10  }
0x406: {  	s18 =	sor.u32 $0x800, s9;
	s26 =	sor.u32 $0x810, s15;
	[smem:$0x7EB] =	sst s25;
	[tilespmem:v4+s2+$0x0] =	vst.idx.add.s32.msk $0xffff, v2;
	v4 =	vand.u32 $0xFFF8, v5  }
0x407: {  	s1 =	sor.u32 $0x820, s17;
	[smem:$0x7ED] =	sst s26;
	v5 =	vld [tilespmem:s18+$0x10000];
	v6 =	vshrl.u32 v10, $0x10;
	v4 =	vor.u32 v1, v4  }
0x408: {  	s4 =	sor.u32 $0x820, s15;
	[smem:$0x7EF] =	sst s1;
	s20 =	sor.u32 $0x810, s24;
	v6 =	vand.u32 $0xFFF8, v6;
	[tilespmem:v9+s2+$0x0] =	vst.idx.add.s32.msk $0xffff, v2  }
0x409: {  	s11 =	smov.u32 s16;
	s8 =	sor.u32 $0x830, s17;
	[smem:$0x7F3] =	sst s4;
	v6 =	vor.u32 v1, v6;
	v9 =	vld [tilespmem:s20+$0x10000]  }
0x40a: {  	s16 =	sor.u32 $0x800, s17;
	s12 =	sor.u32 $0x830, s15;
	[smem:$0x7F6] =	sst s8;
	v8 =	vshrl.u32 v8, $0x10;
	[tilespmem:v7+s2+$0x0] =	vst.idx.add.s32.msk $0xffff, v2  }
0x40b: {  	s14 =	sor.u32 $0x840, s17;
	[smem:$0x7F8] =	sst s12;
	v7 =	vand.u32 $0xFFF8, v8;
	v8 =	vld [tilespmem:s16+$0x10000]  }
0x40c: {  	s21 =	sor.u32 $0x840, s15;
	[dreg:$0x1b] =	wrdreg s14;
	v7 =	vor.u32 v1, v7;
	v5 =	vshrl.u32 v5, $0x10;
	[tilespmem:v4+s2+$0x0] =	vst.idx.add.s32.msk $0xffff, v2  }
0x40d: {  	s13 =	sor.u32 $0x870, s9;
	[dreg:$0x1f] =	wrdreg s21;
	v4 =	vand.u32 $0xFFF8, v5;
	v5 =	vld [tilespmem:s11+$0x10000]  }
0x40e: {  	s3 =	sor.u32 $0x800, s15;
	[dreg:$0xd] =	wrdreg s13;
	[tilespmem:v6+s2+$0x0] =	vst.idx.add.s32.msk $0xffff, v2  }
0x40f: {  	s31 =	sor.u32 $0xC30, s9;
	s5 =	sor.u32 $0x810, s9;
	v4 =	vor.u32 v1, v4;
	v6 =	vshrl.u32 v9, $0x10;
	v9 =	vld [tilespmem:s3+$0x10000];
	s3 =	sld [smem:$0x7E9]  }
0x410: {  	s0 =	sor.u32 $0xC10, s17;
	s25 =	sor.u32 $0x850, s15;
	s11 =	sld [smem:$0x7EA];
	v6 =	vand.u32 $0xFFF8, v6  }
0x411: {  	s30 =	sor.u32 $0xC40, s17;
	s26 =	sor.u32 $0x850, s9;
	[dreg:$0x17] =	wrdreg s25;
	v8 =	vshrl.u32 v8, $0x10;
	[tilespmem:v7+s2+$0x0] =	vst.idx.add.s32.msk $0xffff, v2;
	v6 =	vor.u32 v1, v6  }
0x412: {  	s1 =	sor.u32 $0x860, s17;
	[dreg:$0x19] =	wrdreg s26;
	s23 =	sor.u32 $0x850, s17;
	v7 =	vand.u32 $0xFFF8, v8;
	v8 =	vld [tilespmem:s3+$0x10000]  }
0x413: {  	s4 =	sor.u32 $0x860, s15;
	[dreg:$0x15] =	wrdreg s23;
	s19 =	sor.u32 $0xC00, s9;
	v10 =	vld [tilespmem:s11+$0x10000];
	v7 =	vor.u32 v1, v7;
	v5 =	vshrl.u32 v5, $0x10  }
0x414: {  	s23 =	sor.u32 $0xC50, s17;
	[smem:$0x7F2] =	sst s19;
	s19 =	sor.u32 $0xC60, s9;
	[tilespmem:v4+s2+$0x0] =	vst.idx.add.s32.msk $0xffff, v2;
	v4 =	vand.u32 $0xFFF8, v5  }
0x415: {  	[dreg:$0xf] =	wrdreg s1;
	s16 =	smov.u32 s19;
	s19 =	smov.u32 s23;
	v5 =	vld [tilespmem:s5+$0x10000];
	v9 =	vshrl.u32 v9, $0x10;
	v4 =	vor.u32 v1, v4  }
0x416: {  	s23 =	smov.u32 s0;
	s0 =	sor.u32 $0x820, s24;
	s3 =	sld [smem:$0x7EB];
	v9 =	vand.u32 $0xFFF8, v9;
	[tilespmem:v6+s2+$0x0] =	vst.idx.add.s32.msk $0xffff, v2  }
0x417: {  	s8 =	sor.u32 $0x870, s17;
	s14 =	sor.u32 $0xC00, s17;
	[dreg:$0x11] =	wrdreg s4;
	v6 =	vor.u32 v1, v9;
	v9 =	vld [tilespmem:s0+$0x10000];
	v8 =	vshrl.u32 v8, $0x10  }
0x418: {  	s21 =	sor.u32 $0xC20, s17;
	s13 =	sor.u32 $0xC30, s17;
	s5 =	sld [smem:$0x7EC];
	[tilespmem:v7+s2+$0x0] =	vst.idx.add.s32.msk $0xffff, v2;
	v7 =	vand.u32 $0xFFF8, v8;
	v8 =	vshrl.u32 v10, $0x10  }
0x419: {  	[smem:$0x7F0] =	sst s8;
	s4 =	sor.u32 $0xC00, s15;
	s8 =	sor.u32 $0xC10, s15;
	v10 =	vld [tilespmem:s3+$0x10000];
	v7 =	vor.u32 v1, v7;
	v8 =	vand.u32 $0xFFF8, v8  }
0x41a: {  	s25 =	sor.u32 $0xC50, s15;
	s7 =	sor.u32 $0x820, s9;
	s3 =	sld [smem:$0x7ED];
	v5 =	vshrl.u32 v5, $0x10;
	[tilespmem:v4+s2+$0x0] =	vst.idx.add.s32.msk $0xffff, v2;
	v4 =	vor.u32 v1, v8  }
0x41b: {  	s10 =	sor.u32 $0xC70, s17;
	s18 =	sor.u32 $0xC60, s17;
	s17 =	sor.u32 $0xC60, s15;
	v5 =	vand.u32 $0xFFF8, v5;
	v8 =	vld [tilespmem:s5+$0x10000]  }
0x41c: {  	[smem:$0x7EE] =	sst s7;
	s20 =	sor.u32 $0xC70, s9;
	s11 =	smov.u32 s17;
	v5 =	vor.u32 v1, v5;
	[tilespmem:v6+s2+$0x0] =	vst.idx.add.s32.msk $0xffff, v2;
	v6 =	vshrl.u32 v9, $0x10  }
0x41d: {  	s17 =	smov.u32 s31;
	s31 =	smov.u32 s20;
	s20 =	smov.u32 s25;
	v9 =	vld [tilespmem:s3+$0x10000];
	v6 =	vand.u32 $0xFFF8, v6  }
0x41e: {  	s25 =	smov.u32 s8;
	s8 =	smov.u32 s4;
	s4 =	rddreg [dreg:$0x7];
	v10 =	vshrl.u32 v10, $0x10;
	v6 =	vor.u32 v1, v6;
	[tilespmem:v7+s2+$0x0] =	vst.idx.add.s32.msk $0xffff, v2  }
0x41f: {  	s12 =	sor.u32 $0x870, s15;
	s5 =	sld [smem:$0x7EE];
	v7 =	vand.u32 $0xFFF8, v10;
	[tilespmem:v4+s2+$0x0] =	vst.idx.add.s32.msk $0xffff, v2  }
0x420: {  	s22 =	sor.u32 $0xC20, s15;
	s28 =	sor.u32 $0xC40, s15;
	[dreg:$0xc] =	wrdreg s12;
	v4 =	vor.u32 v1, v7;
	v7 =	vshrl.u32 v8, $0x10;
	v8 =	vld [tilespmem:s4+$0x10000]  }
0x421: {  	[smem:$0x7F1] =	sst s14;
	s26 =	sor.u32 $0xC10, s9;
	s7 =	sor.u32 $0x860, s9;
	[tilespmem:v5+s2+$0x0] =	vst.idx.add.s32.msk $0xffff, v2  }
0x422: {  	s1 =	sor.u32 $0xC20, s9;
	s14 =	sor.u32 $0xC30, s15;
	[dreg:$0x13] =	wrdreg s7;
	v5 =	vand.u32 $0xFFF8, v7;
	v7 =	vld [tilespmem:s5+$0x10000];
	v9 =	vshrl.u32 v9, $0x10  }
0x423: {  	s12 =	sor.u32 $0xC40, s9;
	s0 =	sor.u32 $0x830, s24;
	s3 =	sld [smem:$0x7EF];
	v10 =	vor.u32 v1, v5;
	v5 =	vand.u32 $0xFFF8, v9;
	[tilespmem:v6+s2+$0x0] =	vst.idx.add.s32.msk $0xffff, v2  }
0x424: {  	s7 =	sor.u32 $0xC50, s9;
	s9 =	sor.u32 $0xC70, s15;
	s15 =	smov.u32 s18;
	v9 =	vor.u32 v1, v5;
	v11 =	vld [tilespmem:s0+$0x10000]  }
0x425: {  	s18 =	smov.u32 s6;
	s6 =	smov.u32 s29;
	s29 =	sld [smem:$0x7F1];
	[tilespmem:v4+s2+$0x0] =	vst.idx.add.s32.msk $0xffff, v2;
	v4 =	vshrl.u32 v8, $0x10  }
.Ltmp1:
0x426: {  	s5 =	rddreg [dreg:$0x4];
	v6 =	vld [tilespmem:s3+$0x10000];
	v4 =	vand.u32 $0xFFF8, v4;
	(pc) =	sbr.rel @p1 .LBB2_5-.Ltmp1, $4  }
0x427: {  	s0 =	sld [smem:$0x7F3];
	v5 =	vor.u32 v1, v4;
	v4 =	vld [tilespmem:s5+$0x10000]  }
0x428: {  	s6 =	sadd.s32 $0x200, s6;
	s4 =	smov.u32 s10;
	s10 =	rddreg [dreg:$0x2];
	v7 =	vshrl.u32 v7, $0x10;
	[tilespmem:v10+s2+$0x0] =	vst.idx.add.s32.msk $0xffff, v2  }
0x429: {  	s3 =	smov.u32 s9;
	s9 =	smov.u32 s30;
	s30 =	sld [smem:$0x7F0];
	v7 =	vand.u32 $0xFFF8, v7;
	[tilespmem:v9+s2+$0x0] =	vst.idx.add.s32.msk $0xffff, v2;
	v9 =	vshrl.u32 v11, $0x10  }
0x42a: {  	v3 =	vor.u32 v1, v3;
	s10 =	sadd.s32 $0x800, s10;
	s5 =	smov.u32 s28;
	s28 =	sld [smem:$0x7F2];
	v8 =	vor.u32 v1, v7;
	v7 =	vld [tilespmem:s0+$0x10000];
	v9 =	vand.u32 $0xFFF8, v9  }
0x42b: {  	_ =	sdelay $0x1  }
0x42c: {  	v6 =	vshrl.u32 v6, $0x10  }
0x42d: {  	v6 =	vand.u32 $0xFFF8, v6  }
0x42e: {  	[tilespmem:v8+s2+$0x0] =	vst.idx.add.s32.msk $0xffff, v2;
	v6 =	vor.u32 v1, v6  }
0x42f: {  	s0 =	sld [smem:$0x7F7];
	v7 =	vshrl.u32 v7, $0x10  }
0x430: {  	v7 =	vand.u32 $0xFFF8, v7  }
0x431: {  	v7 =	vor.u32 v1, v7  }
0x432: {  	v8 =	vld [tilespmem:s0+$0x10000]  }
0x433: {  	[tilespmem:v6+s2+$0x0] =	vst.idx.add.s32.msk $0xffff, v2  }
0x434: {  	s18 =	sld [smem:$0x7F6];
	_ =	sdelay $0x1  }
0x435: {  	[tilespmem:v7+s2+$0x0] =	vst.idx.add.s32.msk $0xffff, v2  }
0x436: {  	v8 =	vshrl.u32 v8, $0x10;
	v6 =	vld [tilespmem:s18+$0x10000];
	s6 =	sld [smem:$0x7F8]  }
0x437: {  	v9 =	vor.u32 v1, v9;
	v8 =	vand.u32 $0xFFF8, v8  }
0x438: {  	v8 =	vor.u32 v1, v8  }
0x439: {  	v7 =	vld [tilespmem:s6+$0x10000];
	_ =	sdelay $0x1  }
0x43a: {  	v6 =	vshrl.u32 v6, $0x10  }
0x43b: {  	[tilespmem:v9+s2+$0x0] =	vst.idx.add.s32.msk $0xffff, v2;
	v6 =	vand.u32 $0xFFF8, v6  }
0x43c: {  	s10 =	sor.u32 $0x840, s24;
	[tilespmem:v8+s2+$0x0] =	vst.idx.add.s32.msk $0xffff, v2;
	v6 =	vor.u32 v1, v6  }
0x43d: {  	v9 =	vld [tilespmem:s10+$0x10000];
	s18 =	rddreg [dreg:$0x1d];
	v7 =	vshrl.u32 v7, $0x10  }
0x43e: {  	v8 =	vld [tilespmem:s18+$0x10000];
	v7 =	vand.u32 $0xFFF8, v7  }
0x43f: {  	v7 =	vor.u32 v1, v7;
	_ =	sdelay $0x1  }
0x440: {  	[tilespmem:v6+s2+$0x0] =	vst.idx.add.s32.msk $0xffff, v2  }
0x441: {  	v9 =	vshrl.u32 v9, $0x10;
	s6 =	rddreg [dreg:$0x1b]  }
0x442: {  	v9 =	vand.u32 $0xFFF8, v9;
	v8 =	vshrl.u32 v8, $0x10;
	v6 =	vld [tilespmem:s6+$0x10000]  }
0x443: {  	v9 =	vor.u32 v1, v9;
	v8 =	vand.u32 $0xFFF8, v8;
	[tilespmem:v7+s2+$0x0] =	vst.idx.add.s32.msk $0xffff, v2  }
0x444: {  	v8 =	vor.u32 v1, v8;
	s10 =	rddreg [dreg:$0x1f]  }
0x445: {  	v7 =	vld [tilespmem:s10+$0x10000];
	_ =	sdelay $0x1  }
0x446: {  	v6 =	vshrl.u32 v6, $0x10  }
0x447: {  	[tilespmem:v9+s2+$0x0] =	vst.idx.add.s32.msk $0xffff, v2;
	v6 =	vand.u32 $0xFFF8, v6  }
0x448: {  	s18 =	sor.u32 $0x850, s24;
	[tilespmem:v8+s2+$0x0] =	vst.idx.add.s32.msk $0xffff, v2;
	v6 =	vor.u32 v1, v6  }
0x449: {  	v9 =	vld [tilespmem:s18+$0x10000];
	s6 =	rddreg [dreg:$0x19];
	v7 =	vshrl.u32 v7, $0x10  }
0x44a: {  	v8 =	vld [tilespmem:s6+$0x10000];
	v7 =	vand.u32 $0xFFF8, v7  }
0x44b: {  	v7 =	vor.u32 v1, v7;
	_ =	sdelay $0x1  }
0x44c: {  	[tilespmem:v6+s2+$0x0] =	vst.idx.add.s32.msk $0xffff, v2  }
0x44d: {  	v9 =	vshrl.u32 v9, $0x10;
	s10 =	rddreg [dreg:$0x15]  }
0x44e: {  	v9 =	vand.u32 $0xFFF8, v9;
	v8 =	vshrl.u32 v8, $0x10;
	v6 =	vld [tilespmem:s10+$0x10000]  }
0x44f: {  	v9 =	vor.u32 v1, v9;
	v8 =	vand.u32 $0xFFF8, v8;
	[tilespmem:v7+s2+$0x0] =	vst.idx.add.s32.msk $0xffff, v2  }
0x450: {  	v8 =	vor.u32 v1, v8;
	s18 =	rddreg [dreg:$0x17]  }
0x451: {  	v7 =	vld [tilespmem:s18+$0x10000];
	_ =	sdelay $0x1  }
0x452: {  	v6 =	vshrl.u32 v6, $0x10  }
0x453: {  	[tilespmem:v9+s2+$0x0] =	vst.idx.add.s32.msk $0xffff, v2;
	v6 =	vand.u32 $0xFFF8, v6  }
0x454: {  	s6 =	sor.u32 $0x860, s24;
	[tilespmem:v8+s2+$0x0] =	vst.idx.add.s32.msk $0xffff, v2;
	v6 =	vor.u32 v1, v6  }
0x455: {  	v9 =	vld [tilespmem:s6+$0x10000];
	s10 =	rddreg [dreg:$0x13];
	v7 =	vshrl.u32 v7, $0x10  }
0x456: {  	v8 =	vld [tilespmem:s10+$0x10000];
	v7 =	vand.u32 $0xFFF8, v7  }
0x457: {  	v7 =	vor.u32 v1, v7;
	_ =	sdelay $0x1  }
0x458: {  	[tilespmem:v6+s2+$0x0] =	vst.idx.add.s32.msk $0xffff, v2  }
0x459: {  	v9 =	vshrl.u32 v9, $0x10;
	s18 =	rddreg [dreg:$0xf]  }
0x45a: {  	v9 =	vand.u32 $0xFFF8, v9;
	v8 =	vshrl.u32 v8, $0x10;
	v6 =	vld [tilespmem:s18+$0x10000]  }
0x45b: {  	v9 =	vor.u32 v1, v9;
	v8 =	vand.u32 $0xFFF8, v8;
	[tilespmem:v7+s2+$0x0] =	vst.idx.add.s32.msk $0xffff, v2  }
0x45c: {  	v8 =	vor.u32 v1, v8;
	s6 =	rddreg [dreg:$0x11]  }
0x45d: {  	v7 =	vld [tilespmem:s6+$0x10000];
	_ =	sdelay $0x2  }
0x45e: {  	[tilespmem:v9+s2+$0x0] =	vst.idx.add.s32.msk $0xffff, v2;
	v6 =	vshrl.u32 v6, $0x10  }
0x45f: {  	[tilespmem:v8+s2+$0x0] =	vst.idx.add.s32.msk $0xffff, v2;
	v6 =	vand.u32 $0xFFF8, v6  }
0x460: {  	s18 =	rddreg [dreg:$0xd];
	v6 =	vor.u32 v1, v6;
	v7 =	vshrl.u32 v7, $0x10  }
0x461: {  	v8 =	vld [tilespmem:s18+$0x10000];
	v7 =	vand.u32 $0xFFF8, v7  }
0x462: {  	s10 =	sor.u32 $0x870, s24;
	v7 =	vor.u32 v1, v7  }
0x463: {  	v9 =	vld [tilespmem:s10+$0x10000];
	_ =	sdelay $0x1  }
0x464: {  	[tilespmem:v6+s2+$0x0] =	vst.idx.add.s32.msk $0xffff, v2  }
0x465: {  	v8 =	vshrl.u32 v8, $0x10;
	v6 =	vld [tilespmem:s30+$0x10000]  }
0x466: {  	v8 =	vand.u32 $0xFFF8, v8;
	[tilespmem:v7+s2+$0x0] =	vst.idx.add.s32.msk $0xffff, v2  }
0x467: {  	v9 =	vshrl.u32 v9, $0x10;
	v8 =	vor.u32 v1, v8;
	s6 =	rddreg [dreg:$0xc]  }
0x468: {  	v9 =	vand.u32 $0xFFF8, v9;
	v7 =	vld [tilespmem:s6+$0x10000]  }
0x469: {  	v9 =	vor.u32 v1, v9  }
0x46a: {  	v6 =	vshrl.u32 v6, $0x10  }
0x46b: {  	v6 =	vand.u32 $0xFFF8, v6  }
0x46c: {  	[tilespmem:v8+s2+$0x0] =	vst.idx.add.s32.msk $0xffff, v2;
	v6 =	vor.u32 v1, v6  }
0x46d: {  	v8 =	vld [tilespmem:s28+$0x10000];
	v7 =	vshrl.u32 v7, $0x10  }
0x46e: {  	s10 =	sor.u32 $0xC00, s24;
	[tilespmem:v9+s2+$0x0] =	vst.idx.add.s32.msk $0xffff, v2;
	v7 =	vand.u32 $0xFFF8, v7  }
0x46f: {  	v9 =	vld [tilespmem:s10+$0x10000];
	v7 =	vor.u32 v1, v7;
	_ =	sdelay $0x1  }
0x470: {  	[tilespmem:v6+s2+$0x0] =	vst.idx.add.s32.msk $0xffff, v2  }
0x471: {  	v8 =	vshrl.u32 v8, $0x10;
	v6 =	vld [tilespmem:s29+$0x10000]  }
0x472: {  	v8 =	vand.u32 $0xFFF8, v8  }
0x473: {  	v9 =	vshrl.u32 v9, $0x10;
	v8 =	vor.u32 v1, v8;
	[tilespmem:v7+s2+$0x0] =	vst.idx.add.s32.msk $0xffff, v2  }
0x474: {  	v7 =	vand.u32 $0xFFF8, v9;
	v9 =	vld [tilespmem:s8+$0x10000]  }
0x475: {  	v7 =	vor.u32 v1, v7  }
0x476: {  	v6 =	vshrl.u32 v6, $0x10  }
0x477: {  	v6 =	vand.u32 $0xFFF8, v6  }
0x478: {  	[tilespmem:v8+s2+$0x0] =	vst.idx.add.s32.msk $0xffff, v2;
	v6 =	vor.u32 v1, v6  }
0x479: {  	v8 =	vld [tilespmem:s26+$0x10000];
	v9 =	vshrl.u32 v9, $0x10  }
0x47a: {  	s18 =	sor.u32 $0xC10, s24;
	[tilespmem:v7+s2+$0x0] =	vst.idx.add.s32.msk $0xffff, v2;
	v7 =	vand.u32 $0xFFF8, v9  }
0x47b: {  	v9 =	vld [tilespmem:s18+$0x10000];
	v7 =	vor.u32 v1, v7;
	_ =	sdelay $0x1  }
0x47c: {  	[tilespmem:v6+s2+$0x0] =	vst.idx.add.s32.msk $0xffff, v2  }
0x47d: {  	v8 =	vshrl.u32 v8, $0x10;
	v6 =	vld [tilespmem:s23+$0x10000]  }
0x47e: {  	v8 =	vand.u32 $0xFFF8, v8  }
0x47f: {  	v8 =	vor.u32 v1, v8;
	v9 =	vshrl.u32 v9, $0x10;
	[tilespmem:v7+s2+$0x0] =	vst.idx.add.s32.msk $0xffff, v2  }
0x480: {  	v7 =	vand.u32 $0xFFF8, v9;
	v9 =	vld [tilespmem:s25+$0x10000]  }
0x481: {  	v7 =	vor.u32 v1, v7  }
0x482: {  	v6 =	vshrl.u32 v6, $0x10  }
0x483: {  	v6 =	vand.u32 $0xFFF8, v6  }
0x484: {  	[tilespmem:v8+s2+$0x0] =	vst.idx.add.s32.msk $0xffff, v2;
	v6 =	vor.u32 v1, v6  }
0x485: {  	v8 =	vld [tilespmem:s1+$0x10000];
	v9 =	vshrl.u32 v9, $0x10  }
0x486: {  	s6 =	sor.u32 $0xC20, s24;
	[tilespmem:v7+s2+$0x0] =	vst.idx.add.s32.msk $0xffff, v2;
	v7 =	vand.u32 $0xFFF8, v9  }
0x487: {  	v9 =	vld [tilespmem:s6+$0x10000];
	v7 =	vor.u32 v1, v7;
	_ =	sdelay $0x1  }
0x488: {  	[tilespmem:v6+s2+$0x0] =	vst.idx.add.s32.msk $0xffff, v2  }
0x489: {  	v8 =	vshrl.u32 v8, $0x10;
	v6 =	vld [tilespmem:s21+$0x10000]  }
0x48a: {  	v8 =	vand.u32 $0xFFF8, v8  }
0x48b: {  	v8 =	vor.u32 v1, v8;
	v9 =	vshrl.u32 v9, $0x10;
	[tilespmem:v7+s2+$0x0] =	vst.idx.add.s32.msk $0xffff, v2  }
0x48c: {  	v7 =	vand.u32 $0xFFF8, v9;
	v9 =	vld [tilespmem:s22+$0x10000]  }
0x48d: {  	v7 =	vor.u32 v1, v7  }
0x48e: {  	v6 =	vshrl.u32 v6, $0x10  }
0x48f: {  	v6 =	vand.u32 $0xFFF8, v6  }
0x490: {  	[tilespmem:v8+s2+$0x0] =	vst.idx.add.s32.msk $0xffff, v2;
	v6 =	vor.u32 v1, v6  }
0x491: {  	v8 =	vld [tilespmem:s17+$0x10000];
	v9 =	vshrl.u32 v9, $0x10  }
0x492: {  	s8 =	sor.u32 $0xC30, s24;
	[tilespmem:v7+s2+$0x0] =	vst.idx.add.s32.msk $0xffff, v2;
	v7 =	vand.u32 $0xFFF8, v9  }
0x493: {  	v9 =	vld [tilespmem:s8+$0x10000];
	v7 =	vor.u32 v1, v7;
	_ =	sdelay $0x1  }
0x494: {  	[tilespmem:v6+s2+$0x0] =	vst.idx.add.s32.msk $0xffff, v2  }
0x495: {  	v8 =	vshrl.u32 v8, $0x10;
	v6 =	vld [tilespmem:s13+$0x10000]  }
0x496: {  	v8 =	vand.u32 $0xFFF8, v8  }
0x497: {  	v8 =	vor.u32 v1, v8;
	v9 =	vshrl.u32 v9, $0x10;
	[tilespmem:v7+s2+$0x0] =	vst.idx.add.s32.msk $0xffff, v2  }
0x498: {  	v7 =	vand.u32 $0xFFF8, v9;
	v9 =	vld [tilespmem:s14+$0x10000]  }
0x499: {  	v7 =	vor.u32 v1, v7  }
0x49a: {  	v6 =	vshrl.u32 v6, $0x10  }
0x49b: {  	v6 =	vand.u32 $0xFFF8, v6  }
0x49c: {  	[tilespmem:v8+s2+$0x0] =	vst.idx.add.s32.msk $0xffff, v2;
	v6 =	vor.u32 v1, v6  }
0x49d: {  	v8 =	vld [tilespmem:s12+$0x10000];
	v9 =	vshrl.u32 v9, $0x10  }
0x49e: {  	s10 =	sor.u32 $0xC40, s24;
	[tilespmem:v7+s2+$0x0] =	vst.idx.add.s32.msk $0xffff, v2;
	v7 =	vand.u32 $0xFFF8, v9  }
0x49f: {  	v9 =	vld [tilespmem:s10+$0x10000];
	v7 =	vor.u32 v1, v7;
	_ =	sdelay $0x1  }
0x4a0: {  	[tilespmem:v6+s2+$0x0] =	vst.idx.add.s32.msk $0xffff, v2  }
0x4a1: {  	v6 =	vld [tilespmem:s9+$0x10000]  }
0x4a2: {  	v8 =	vshrl.u32 v8, $0x10  }
0x4a3: {  	v8 =	vand.u32 $0xFFF8, v8;
	v9 =	vshrl.u32 v9, $0x10;
	[tilespmem:v7+s2+$0x0] =	vst.idx.add.s32.msk $0xffff, v2  }
0x4a4: {  	v8 =	vor.u32 v1, v8;
	v7 =	vand.u32 $0xFFF8, v9;
	v9 =	vld [tilespmem:s5+$0x10000]  }
0x4a5: {  	v7 =	vor.u32 v1, v7  }
0x4a6: {  	v6 =	vshrl.u32 v6, $0x10  }
0x4a7: {  	v6 =	vand.u32 $0xFFF8, v6  }
0x4a8: {  	v6 =	vor.u32 v1, v6  }
0x4a9: {  	[tilespmem:v8+s2+$0x0] =	vst.idx.add.s32.msk $0xffff, v2;
	v9 =	vshrl.u32 v9, $0x10  }
0x4aa: {  	[tilespmem:v7+s2+$0x0] =	vst.idx.add.s32.msk $0xffff, v2;
	v7 =	vand.u32 $0xFFF8, v9  }
0x4ab: {  	s12 =	sor.u32 $0xC50, s24;
	v8 =	vld [tilespmem:s7+$0x10000];
	v7 =	vor.u32 v1, v7  }
0x4ac: {  	v9 =	vld [tilespmem:s12+$0x10000]  }
0x4ad: {  	[tilespmem:v6+s2+$0x0] =	vst.idx.add.s32.msk $0xffff, v2  }
0x4ae: {  	v6 =	vld [tilespmem:s19+$0x10000];
	_ =	sdelay $0x1  }
0x4af: {  	v8 =	vshrl.u32 v8, $0x10;
	[tilespmem:v7+s2+$0x0] =	vst.idx.add.s32.msk $0xffff, v2  }
0x4b0: {  	v8 =	vand.u32 $0xFFF8, v8;
	v7 =	vshrl.u32 v9, $0x10;
	v9 =	vld [tilespmem:s20+$0x10000]  }
0x4b1: {  	v8 =	vor.u32 v1, v8;
	v7 =	vand.u32 $0xFFF8, v7  }
0x4b2: {  	v6 =	vshrl.u32 v6, $0x10;
	v7 =	vor.u32 v1, v7  }
0x4b3: {  	v6 =	vand.u32 $0xFFF8, v6  }
0x4b4: {  	v6 =	vor.u32 v1, v6  }
0x4b5: {  	v9 =	vshrl.u32 v9, $0x10  }
0x4b6: {  	[tilespmem:v8+s2+$0x0] =	vst.idx.add.s32.msk $0xffff, v2;
	v9 =	vand.u32 $0xFFF8, v9  }
0x4b7: {  	s13 =	sor.u32 $0xC60, s24;
	[tilespmem:v7+s2+$0x0] =	vst.idx.add.s32.msk $0xffff, v2;
	v7 =	vor.u32 v1, v9  }
0x4b8: {  	v9 =	vld [tilespmem:s13+$0x10000]  }
0x4b9: {  	[tilespmem:v6+s2+$0x0] =	vst.idx.add.s32.msk $0xffff, v2  }
0x4ba: {  	v6 =	vld [tilespmem:s16+$0x10000];
	_ =	sdelay $0x1  }
0x4bb: {  	[tilespmem:v7+s2+$0x0] =	vst.idx.add.s32.msk $0xffff, v2  }
0x4bc: {  	v7 =	vld [tilespmem:s15+$0x10000]  }
0x4bd: {  	v8 =	vshrl.u32 v9, $0x10;
	v9 =	vld [tilespmem:s11+$0x10000]  }
0x4be: {  	v6 =	vshrl.u32 v6, $0x10;
	v8 =	vand.u32 $0xFFF8, v8  }
0x4bf: {  	v6 =	vand.u32 $0xFFF8, v6;
	v8 =	vor.u32 v1, v8  }
0x4c0: {  	v6 =	vor.u32 v1, v6  }
0x4c1: {  	v7 =	vshrl.u32 v7, $0x10  }
0x4c2: {  	v7 =	vand.u32 $0xFFF8, v7;
	v9 =	vshrl.u32 v9, $0x10  }
0x4c3: {  	v7 =	vor.u32 v1, v7;
	v9 =	vand.u32 $0xFFF8, v9  }
0x4c4: {  	[tilespmem:v8+s2+$0x0] =	vst.idx.add.s32.msk $0xffff, v2;
	v8 =	vor.u32 v1, v9  }
0x4c5: {  	s14 =	sor.u32 $0xC70, s24;
	[tilespmem:v6+s2+$0x0] =	vst.idx.add.s32.msk $0xffff, v2  }
0x4c6: {  	v9 =	vld [tilespmem:s14+$0x10000]  }
0x4c7: {  	v6 =	vld [tilespmem:s31+$0x10000]  }
0x4c8: {  	[tilespmem:v7+s2+$0x0] =	vst.idx.add.s32.msk $0xffff, v2  }
0x4c9: {  	[tilespmem:v8+s2+$0x0] =	vst.idx.add.s32.msk $0xffff, v2  }
0x4ca: {  	v7 =	vld [tilespmem:s4+$0x10000]  }
0x4cb: {  	v8 =	vld [tilespmem:s3+$0x10000]  }
0x4cc: {  	v4 =	vshrl.u32 v4, $0x10  }
0x4cd: {  	v4 =	vand.u32 $0xFFF8, v4;
	v9 =	vshrl.u32 v9, $0x10  }
0x4ce: {  	v4 =	vor.u32 v1, v4;
	v6 =	vshrl.u32 v6, $0x10;
	v9 =	vand.u32 $0xFFF8, v9  }
0x4cf: {  	v6 =	vand.u32 $0xFFF8, v6;
	v9 =	vor.u32 v1, v9;
	v7 =	vshrl.u32 v7, $0x10  }
0x4d0: {  	v6 =	vor.u32 v1, v6;
	v7 =	vand.u32 $0xFFF8, v7;
	v8 =	vshrl.u32 v8, $0x10  }
0x4d1: {  	[tilespmem:v3+s2+$0x0] =	vst.idx.add.s32.msk $0xffff, v2;
	v3 =	vor.u32 v1, v7;
	v7 =	vand.u32 $0xFFF8, v8  }
0x4d2: {  	[tilespmem:v5+s2+$0x0] =	vst.idx.add.s32.msk $0xffff, v2;
	v5 =	vor.u32 v1, v7  }
0x4d3: {  	[tilespmem:v4+s2+$0x0] =	vst.idx.add.s32.msk $0xffff, v2  }
0x4d4: {  	[tilespmem:v9+s2+$0x0] =	vst.idx.add.s32.msk $0xffff, v2  }
0x4d5: {  	[tilespmem:v6+s2+$0x0] =	vst.idx.add.s32.msk $0xffff, v2  }
0x4d6: {  	[tilespmem:v3+s2+$0x0] =	vst.idx.add.s32.msk $0xffff, v2  }
0x4d7: {  	s15 =	sld [smem:$0x7F4];
	[tilespmem:v5+s2+$0x0] =	vst.idx.add.s32.msk $0xffff, v2  }
0x4d8: {  	s0 =	sld [smem:$0x7FB]  }
0x4d9: {  	s1 =	sld [smem:$0x7F5];
	_ =	sdelay $0x1  }
0x4da: {  	s16 =	simm.s32 $0x2;
	p0 =	seq.s32 s15, $0xF  }
0x4db: {  	s0 =	sadd.s32 @!p0 s1, s0;
	s1 =	simm.s32 @!p0 $0x0;
	s3 =	simm.s32 @!p0 $0x10000  }
0x4dc: {  	[tilespmem:s3], [sflag:$0x1] =	stream.linear.gather @!p0 [hbm4b:s0+s1], $0x4000, $0x38;
	[tilespmem:$0x18000] =	vst v63  }
0x4dd: {  	s17 =	simm.s32 $0x0;
	_ =	swait.ge [sflag:s16], $0x4000  }
0x4de: {  	s18 =	sand.u32 $0x3000, s17;
	s0 =	sand.u32 $0x200, s17;
	[sflag:s16] =	ssyncset.done $0x0  }
0x4df: {  	s0 =	sor.u32 s0, s18;
	[sflag:s16] =	ssyncadd.s32 $0xFFFFC000  }
0x4e0: {  	v3 =	vld [tilespmem:s0+$0x14180];
	_ =	sdelay $0x4  }
0x4e1: {  	v3 =	vshrl.u32 v3, $0x10  }
0x4e2: {  	v3 =	vand.u32 $0xFFF8, v3  }
0x4e3: {  	v3 =	vor.u32 v1, v3;
	_ =	sdelay $0x4  }
0x4e4: {  	[tilespmem:v3+s2+$0x0] =	vst.idx.add.s32.msk $0xffff, v2  }
0x4e5: {  	v3 =	vld [tilespmem:s0+$0x14190];
	_ =	sdelay $0x3  }
0x4e6: {  	v5 =	vld [tilespmem:s0+$0x14080]  }
0x4e7: {  	v3 =	vshrl.u32 v3, $0x10  }
0x4e8: {  	v6 =	vld [tilespmem:s0+$0x14100];
	v3 =	vand.u32 $0xFFF8, v3  }
0x4e9: {  	v3 =	vor.u32 v1, v3;
	_ =	sdelay $0x1  }
0x4ea: {  	v4 =	vld [tilespmem:s0+$0x14000];
	v5 =	vshrl.u32 v5, $0x10  }
0x4eb: {  	v5 =	vand.u32 $0xFFF8, v5  }
0x4ec: {  	v6 =	vshrl.u32 v6, $0x10;
	v5 =	vor.u32 v1, v5  }
0x4ed: {  	v6 =	vand.u32 $0xFFF8, v6;
	[tilespmem:v3+s2+$0x0] =	vst.idx.add.s32.msk $0xffff, v2  }
0x4ee: {  	v3 =	vor.u32 v1, v6;
	v6 =	vld [tilespmem:s0+$0x141A0]  }
0x4ef: {  	v4 =	vshrl.u32 v4, $0x10  }
0x4f0: {  	v4 =	vand.u32 $0xFFF8, v4  }
0x4f1: {  	v4 =	vor.u32 v1, v4;
	[tilespmem:v5+s2+$0x0] =	vst.idx.add.s32.msk $0xffff, v2  }
0x4f2: {  	v5 =	vld [tilespmem:s0+$0x14090]  }
0x4f3: {  	[tilespmem:v3+s2+$0x0] =	vst.idx.add.s32.msk $0xffff, v2;
	v3 =	vshrl.u32 v6, $0x10  }
0x4f4: {  	v6 =	vld [tilespmem:s0+$0x14110];
	v3 =	vand.u32 $0xFFF8, v3  }
0x4f5: {  	v3 =	vor.u32 v1, v3  }
0x4f6: {  	[tilespmem:v4+s2+$0x0] =	vst.idx.add.s32.msk $0xffff, v2  }
0x4f7: {  	v4 =	vld [tilespmem:s0+$0x14010];
	v5 =	vshrl.u32 v5, $0x10  }
0x4f8: {  	v5 =	vand.u32 $0xFFF8, v5  }
0x4f9: {  	v5 =	vor.u32 v1, v5;
	v6 =	vshrl.u32 v6, $0x10  }
0x4fa: {  	v6 =	vand.u32 $0xFFF8, v6;
	[tilespmem:v3+s2+$0x0] =	vst.idx.add.s32.msk $0xffff, v2  }
0x4fb: {  	v3 =	vor.u32 v1, v6;
	v6 =	vld [tilespmem:s0+$0x141B0]  }
0x4fc: {  	v4 =	vshrl.u32 v4, $0x10  }
0x4fd: {  	v4 =	vand.u32 $0xFFF8, v4  }
0x4fe: {  	v4 =	vor.u32 v1, v4;
	[tilespmem:v5+s2+$0x0] =	vst.idx.add.s32.msk $0xffff, v2  }
0x4ff: {  	v5 =	vld [tilespmem:s0+$0x140A0]  }
0x500: {  	[tilespmem:v3+s2+$0x0] =	vst.idx.add.s32.msk $0xffff, v2;
	v3 =	vshrl.u32 v6, $0x10  }
0x501: {  	v6 =	vld [tilespmem:s0+$0x14120];
	v3 =	vand.u32 $0xFFF8, v3  }
0x502: {  	v3 =	vor.u32 v1, v3  }
0x503: {  	[tilespmem:v4+s2+$0x0] =	vst.idx.add.s32.msk $0xffff, v2  }
0x504: {  	v4 =	vld [tilespmem:s0+$0x14020];
	v5 =	vshrl.u32 v5, $0x10  }
0x505: {  	v5 =	vand.u32 $0xFFF8, v5  }
0x506: {  	v5 =	vor.u32 v1, v5;
	v6 =	vshrl.u32 v6, $0x10  }
0x507: {  	v6 =	vand.u32 $0xFFF8, v6;
	[tilespmem:v3+s2+$0x0] =	vst.idx.add.s32.msk $0xffff, v2  }
0x508: {  	v3 =	vor.u32 v1, v6;
	v6 =	vld [tilespmem:s0+$0x141C0]  }
0x509: {  	v4 =	vshrl.u32 v4, $0x10  }
0x50a: {  	v4 =	vand.u32 $0xFFF8, v4  }
0x50b: {  	v4 =	vor.u32 v1, v4;
	[tilespmem:v5+s2+$0x0] =	vst.idx.add.s32.msk $0xffff, v2  }
0x50c: {  	v5 =	vld [tilespmem:s0+$0x140B0]  }
0x50d: {  	[tilespmem:v3+s2+$0x0] =	vst.idx.add.s32.msk $0xffff, v2;
	v3 =	vshrl.u32 v6, $0x10  }
0x50e: {  	v6 =	vld [tilespmem:s0+$0x14130];
	v3 =	vand.u32 $0xFFF8, v3  }
0x50f: {  	v3 =	vor.u32 v1, v3  }
0x510: {  	[tilespmem:v4+s2+$0x0] =	vst.idx.add.s32.msk $0xffff, v2  }
0x511: {  	v4 =	vld [tilespmem:s0+$0x14030];
	v5 =	vshrl.u32 v5, $0x10  }
0x512: {  	v5 =	vand.u32 $0xFFF8, v5  }
0x513: {  	v5 =	vor.u32 v1, v5;
	v6 =	vshrl.u32 v6, $0x10  }
0x514: {  	v6 =	vand.u32 $0xFFF8, v6;
	[tilespmem:v3+s2+$0x0] =	vst.idx.add.s32.msk $0xffff, v2  }
0x515: {  	v3 =	vor.u32 v1, v6;
	v6 =	vld [tilespmem:s0+$0x141D0]  }
0x516: {  	v4 =	vshrl.u32 v4, $0x10  }
0x517: {  	v4 =	vand.u32 $0xFFF8, v4  }
0x518: {  	v4 =	vor.u32 v1, v4;
	[tilespmem:v5+s2+$0x0] =	vst.idx.add.s32.msk $0xffff, v2  }
0x519: {  	v5 =	vld [tilespmem:s0+$0x140C0]  }
0x51a: {  	[tilespmem:v3+s2+$0x0] =	vst.idx.add.s32.msk $0xffff, v2;
	v3 =	vshrl.u32 v6, $0x10  }
0x51b: {  	v6 =	vld [tilespmem:s0+$0x14140];
	v3 =	vand.u32 $0xFFF8, v3  }
0x51c: {  	v3 =	vor.u32 v1, v3  }
0x51d: {  	[tilespmem:v4+s2+$0x0] =	vst.idx.add.s32.msk $0xffff, v2  }
0x51e: {  	v4 =	vld [tilespmem:s0+$0x14040];
	v5 =	vshrl.u32 v5, $0x10  }
0x51f: {  	v5 =	vand.u32 $0xFFF8, v5  }
0x520: {  	v5 =	vor.u32 v1, v5;
	v6 =	vshrl.u32 v6, $0x10  }
0x521: {  	v6 =	vand.u32 $0xFFF8, v6;
	[tilespmem:v3+s2+$0x0] =	vst.idx.add.s32.msk $0xffff, v2  }
0x522: {  	v3 =	vor.u32 v1, v6;
	v6 =	vld [tilespmem:s0+$0x141E0]  }
0x523: {  	v4 =	vshrl.u32 v4, $0x10  }
0x524: {  	v4 =	vand.u32 $0xFFF8, v4  }
0x525: {  	v4 =	vor.u32 v1, v4;
	[tilespmem:v5+s2+$0x0] =	vst.idx.add.s32.msk $0xffff, v2  }
0x526: {  	v5 =	vld [tilespmem:s0+$0x140D0]  }
0x527: {  	[tilespmem:v3+s2+$0x0] =	vst.idx.add.s32.msk $0xffff, v2;
	v3 =	vshrl.u32 v6, $0x10  }
0x528: {  	v6 =	vld [tilespmem:s0+$0x14150];
	v3 =	vand.u32 $0xFFF8, v3  }
0x529: {  	v3 =	vor.u32 v1, v3  }
0x52a: {  	[tilespmem:v4+s2+$0x0] =	vst.idx.add.s32.msk $0xffff, v2  }
0x52b: {  	v4 =	vld [tilespmem:s0+$0x14050];
	v5 =	vshrl.u32 v5, $0x10  }
0x52c: {  	v5 =	vand.u32 $0xFFF8, v5  }
0x52d: {  	v5 =	vor.u32 v1, v5;
	v6 =	vshrl.u32 v6, $0x10  }
0x52e: {  	v6 =	vand.u32 $0xFFF8, v6;
	[tilespmem:v3+s2+$0x0] =	vst.idx.add.s32.msk $0xffff, v2  }
0x52f: {  	v3 =	vor.u32 v1, v6;
	v6 =	vld [tilespmem:s0+$0x141F0]  }
0x530: {  	v4 =	vshrl.u32 v4, $0x10  }
0x531: {  	v4 =	vand.u32 $0xFFF8, v4  }
0x532: {  	v4 =	vor.u32 v1, v4;
	[tilespmem:v5+s2+$0x0] =	vst.idx.add.s32.msk $0xffff, v2  }
0x533: {  	v5 =	vld [tilespmem:s0+$0x140E0]  }
0x534: {  	[tilespmem:v3+s2+$0x0] =	vst.idx.add.s32.msk $0xffff, v2;
	v3 =	vshrl.u32 v6, $0x10  }
0x535: {  	v6 =	vld [tilespmem:s0+$0x14160];
	v3 =	vand.u32 $0xFFF8, v3  }
0x536: {  	v3 =	vor.u32 v1, v3  }
0x537: {  	[tilespmem:v4+s2+$0x0] =	vst.idx.add.s32.msk $0xffff, v2  }
0x538: {  	v4 =	vld [tilespmem:s0+$0x14060];
	v5 =	vshrl.u32 v5, $0x10  }
0x539: {  	v5 =	vand.u32 $0xFFF8, v5  }
0x53a: {  	v5 =	vor.u32 v1, v5;
	v6 =	vshrl.u32 v6, $0x10  }
0x53b: {  	v6 =	vand.u32 $0xFFF8, v6;
	[tilespmem:v3+s2+$0x0] =	vst.idx.add.s32.msk $0xffff, v2  }
0x53c: {  	v3 =	vor.u32 v1, v6;
	v6 =	vld [tilespmem:s0+$0x14580]  }
0x53d: {  	v4 =	vshrl.u32 v4, $0x10  }
0x53e: {  	v4 =	vand.u32 $0xFFF8, v4  }
0x53f: {  	v4 =	vor.u32 v1, v4;
	[tilespmem:v5+s2+$0x0] =	vst.idx.add.s32.msk $0xffff, v2  }
0x540: {  	v5 =	vld [tilespmem:s0+$0x140F0]  }
0x541: {  	[tilespmem:v3+s2+$0x0] =	vst.idx.add.s32.msk $0xffff, v2;
	v3 =	vshrl.u32 v6, $0x10  }
0x542: {  	v6 =	vld [tilespmem:s0+$0x14170];
	v3 =	vand.u32 $0xFFF8, v3  }
0x543: {  	v3 =	vor.u32 v1, v3  }
0x544: {  	[tilespmem:v4+s2+$0x0] =	vst.idx.add.s32.msk $0xffff, v2  }
0x545: {  	v4 =	vld [tilespmem:s0+$0x14070];
	v5 =	vshrl.u32 v5, $0x10  }
0x546: {  	v5 =	vand.u32 $0xFFF8, v5  }
0x547: {  	v5 =	vor.u32 v1, v5;
	v6 =	vshrl.u32 v6, $0x10  }
0x548: {  	v6 =	vand.u32 $0xFFF8, v6;
	[tilespmem:v3+s2+$0x0] =	vst.idx.add.s32.msk $0xffff, v2  }
0x549: {  	v3 =	vor.u32 v1, v6;
	v6 =	vld [tilespmem:s0+$0x14590]  }
0x54a: {  	v4 =	vshrl.u32 v4, $0x10  }
0x54b: {  	v4 =	vand.u32 $0xFFF8, v4  }
0x54c: {  	v4 =	vor.u32 v1, v4;
	[tilespmem:v5+s2+$0x0] =	vst.idx.add.s32.msk $0xffff, v2  }
0x54d: {  	v5 =	vld [tilespmem:s0+$0x14480]  }
0x54e: {  	[tilespmem:v3+s2+$0x0] =	vst.idx.add.s32.msk $0xffff, v2;
	v3 =	vshrl.u32 v6, $0x10  }
0x54f: {  	v6 =	vld [tilespmem:s0+$0x14500];
	v3 =	vand.u32 $0xFFF8, v3  }
0x550: {  	v3 =	vor.u32 v1, v3  }
0x551: {  	[tilespmem:v4+s2+$0x0] =	vst.idx.add.s32.msk $0xffff, v2  }
0x552: {  	v4 =	vld [tilespmem:s0+$0x14400];
	v5 =	vshrl.u32 v5, $0x10  }
0x553: {  	v5 =	vand.u32 $0xFFF8, v5  }
0x554: {  	v5 =	vor.u32 v1, v5;
	v6 =	vshrl.u32 v6, $0x10  }
0x555: {  	v6 =	vand.u32 $0xFFF8, v6;
	[tilespmem:v3+s2+$0x0] =	vst.idx.add.s32.msk $0xffff, v2  }
0x556: {  	v3 =	vor.u32 v1, v6;
	v6 =	vld [tilespmem:s0+$0x145A0]  }
0x557: {  	v4 =	vshrl.u32 v4, $0x10  }
0x558: {  	v4 =	vand.u32 $0xFFF8, v4  }
0x559: {  	v4 =	vor.u32 v1, v4;
	[tilespmem:v5+s2+$0x0] =	vst.idx.add.s32.msk $0xffff, v2  }
0x55a: {  	v5 =	vld [tilespmem:s0+$0x14490]  }
0x55b: {  	[tilespmem:v3+s2+$0x0] =	vst.idx.add.s32.msk $0xffff, v2;
	v3 =	vshrl.u32 v6, $0x10  }
0x55c: {  	v6 =	vld [tilespmem:s0+$0x14510];
	v3 =	vand.u32 $0xFFF8, v3  }
0x55d: {  	v3 =	vor.u32 v1, v3  }
0x55e: {  	[tilespmem:v4+s2+$0x0] =	vst.idx.add.s32.msk $0xffff, v2  }
0x55f: {  	v4 =	vld [tilespmem:s0+$0x14410];
	v5 =	vshrl.u32 v5, $0x10  }
0x560: {  	v5 =	vand.u32 $0xFFF8, v5  }
0x561: {  	v5 =	vor.u32 v1, v5;
	v6 =	vshrl.u32 v6, $0x10  }
0x562: {  	v6 =	vand.u32 $0xFFF8, v6;
	[tilespmem:v3+s2+$0x0] =	vst.idx.add.s32.msk $0xffff, v2  }
0x563: {  	v3 =	vor.u32 v1, v6;
	v6 =	vld [tilespmem:s0+$0x145B0]  }
0x564: {  	v4 =	vshrl.u32 v4, $0x10  }
0x565: {  	v4 =	vand.u32 $0xFFF8, v4  }
0x566: {  	v4 =	vor.u32 v1, v4;
	[tilespmem:v5+s2+$0x0] =	vst.idx.add.s32.msk $0xffff, v2  }
0x567: {  	v5 =	vld [tilespmem:s0+$0x144A0]  }
0x568: {  	[tilespmem:v3+s2+$0x0] =	vst.idx.add.s32.msk $0xffff, v2;
	v3 =	vshrl.u32 v6, $0x10  }
0x569: {  	v6 =	vld [tilespmem:s0+$0x14520];
	v3 =	vand.u32 $0xFFF8, v3  }
0x56a: {  	v3 =	vor.u32 v1, v3  }
0x56b: {  	[tilespmem:v4+s2+$0x0] =	vst.idx.add.s32.msk $0xffff, v2  }
0x56c: {  	v4 =	vld [tilespmem:s0+$0x14420];
	v5 =	vshrl.u32 v5, $0x10  }
0x56d: {  	v5 =	vand.u32 $0xFFF8, v5  }
0x56e: {  	v5 =	vor.u32 v1, v5;
	v6 =	vshrl.u32 v6, $0x10  }
0x56f: {  	v6 =	vand.u32 $0xFFF8, v6;
	[tilespmem:v3+s2+$0x0] =	vst.idx.add.s32.msk $0xffff, v2  }
0x570: {  	v3 =	vor.u32 v1, v6;
	v6 =	vld [tilespmem:s0+$0x145C0]  }
0x571: {  	v4 =	vshrl.u32 v4, $0x10  }
0x572: {  	v4 =	vand.u32 $0xFFF8, v4  }
0x573: {  	v4 =	vor.u32 v1, v4;
	[tilespmem:v5+s2+$0x0] =	vst.idx.add.s32.msk $0xffff, v2  }
0x574: {  	v5 =	vld [tilespmem:s0+$0x144B0]  }
0x575: {  	[tilespmem:v3+s2+$0x0] =	vst.idx.add.s32.msk $0xffff, v2;
	v3 =	vshrl.u32 v6, $0x10  }
0x576: {  	v6 =	vld [tilespmem:s0+$0x14530];
	v3 =	vand.u32 $0xFFF8, v3  }
0x577: {  	v3 =	vor.u32 v1, v3  }
0x578: {  	[tilespmem:v4+s2+$0x0] =	vst.idx.add.s32.msk $0xffff, v2  }
0x579: {  	v4 =	vld [tilespmem:s0+$0x14430];
	v5 =	vshrl.u32 v5, $0x10  }
0x57a: {  	v5 =	vand.u32 $0xFFF8, v5  }
0x57b: {  	v5 =	vor.u32 v1, v5;
	v6 =	vshrl.u32 v6, $0x10  }
0x57c: {  	v6 =	vand.u32 $0xFFF8, v6;
	[tilespmem:v3+s2+$0x0] =	vst.idx.add.s32.msk $0xffff, v2  }
0x57d: {  	v3 =	vor.u32 v1, v6;
	v6 =	vld [tilespmem:s0+$0x145D0]  }
0x57e: {  	v4 =	vshrl.u32 v4, $0x10  }
0x57f: {  	v4 =	vand.u32 $0xFFF8, v4  }
0x580: {  	v4 =	vor.u32 v1, v4;
	[tilespmem:v5+s2+$0x0] =	vst.idx.add.s32.msk $0xffff, v2  }
0x581: {  	v5 =	vld [tilespmem:s0+$0x144C0]  }
0x582: {  	[tilespmem:v3+s2+$0x0] =	vst.idx.add.s32.msk $0xffff, v2;
	v3 =	vshrl.u32 v6, $0x10  }
0x583: {  	v6 =	vld [tilespmem:s0+$0x14540];
	v3 =	vand.u32 $0xFFF8, v3  }
0x584: {  	v3 =	vor.u32 v1, v3  }
0x585: {  	[tilespmem:v4+s2+$0x0] =	vst.idx.add.s32.msk $0xffff, v2  }
0x586: {  	v4 =	vld [tilespmem:s0+$0x14440];
	v5 =	vshrl.u32 v5, $0x10  }
0x587: {  	v5 =	vand.u32 $0xFFF8, v5  }
0x588: {  	v5 =	vor.u32 v1, v5;
	v6 =	vshrl.u32 v6, $0x10  }
0x589: {  	v6 =	vand.u32 $0xFFF8, v6;
	[tilespmem:v3+s2+$0x0] =	vst.idx.add.s32.msk $0xffff, v2  }
0x58a: {  	v3 =	vor.u32 v1, v6;
	v6 =	vld [tilespmem:s0+$0x145E0]  }
0x58b: {  	v4 =	vshrl.u32 v4, $0x10  }
0x58c: {  	v4 =	vand.u32 $0xFFF8, v4  }
0x58d: {  	v4 =	vor.u32 v1, v4;
	[tilespmem:v5+s2+$0x0] =	vst.idx.add.s32.msk $0xffff, v2  }
0x58e: {  	v5 =	vld [tilespmem:s0+$0x144D0]  }
0x58f: {  	[tilespmem:v3+s2+$0x0] =	vst.idx.add.s32.msk $0xffff, v2;
	v3 =	vshrl.u32 v6, $0x10  }
0x590: {  	v6 =	vld [tilespmem:s0+$0x14550];
	v3 =	vand.u32 $0xFFF8, v3  }
0x591: {  	v3 =	vor.u32 v1, v3  }
0x592: {  	[tilespmem:v4+s2+$0x0] =	vst.idx.add.s32.msk $0xffff, v2  }
0x593: {  	v4 =	vld [tilespmem:s0+$0x14450];
	v5 =	vshrl.u32 v5, $0x10  }
0x594: {  	v5 =	vand.u32 $0xFFF8, v5  }
0x595: {  	v5 =	vor.u32 v1, v5;
	v6 =	vshrl.u32 v6, $0x10  }
0x596: {  	v6 =	vand.u32 $0xFFF8, v6;
	[tilespmem:v3+s2+$0x0] =	vst.idx.add.s32.msk $0xffff, v2  }
0x597: {  	v3 =	vor.u32 v1, v6;
	v6 =	vld [tilespmem:s0+$0x145F0]  }
0x598: {  	v4 =	vshrl.u32 v4, $0x10  }
0x599: {  	v4 =	vand.u32 $0xFFF8, v4  }
0x59a: {  	v4 =	vor.u32 v1, v4;
	[tilespmem:v5+s2+$0x0] =	vst.idx.add.s32.msk $0xffff, v2  }
0x59b: {  	v5 =	vld [tilespmem:s0+$0x144E0]  }
0x59c: {  	[tilespmem:v3+s2+$0x0] =	vst.idx.add.s32.msk $0xffff, v2;
	v3 =	vshrl.u32 v6, $0x10  }
0x59d: {  	v6 =	vld [tilespmem:s0+$0x14560];
	v3 =	vand.u32 $0xFFF8, v3  }
0x59e: {  	p0 =	por $0x0, $0x0;
	s1 =	simm.s32 $0x1;
	v3 =	vor.u32 v1, v3  }
0x59f: {  	s1 =	simm.s32 @!p0 $0x0;
	[tilespmem:v4+s2+$0x0] =	vst.idx.add.s32.msk $0xffff, v2  }
0x5a0: {  	s1 =	sshll.u32 s1, $0x9;
	v4 =	vld [tilespmem:s0+$0x14460];
	v5 =	vshrl.u32 v5, $0x10  }
0x5a1: {  	s4 =	sadd.s32 $0x0, s1;
	v5 =	vand.u32 $0xFFF8, v5  }
0x5a2: {  	s7 =	sadd.s32 $0x180, s4;
	v5 =	vor.u32 v1, v5;
	v6 =	vshrl.u32 v6, $0x10  }
0x5a3: {  	s19 =	sor.u32 $0x800, s7;
	v6 =	vand.u32 $0xFFF8, v6;
	[tilespmem:v3+s2+$0x0] =	vst.idx.add.s32.msk $0xffff, v2  }
0x5a4: {  	v3 =	vor.u32 v1, v6;
	v6 =	vld [tilespmem:s19+$0x14000]  }
0x5a5: {  	v4 =	vshrl.u32 v4, $0x10  }
0x5a6: {  	v4 =	vand.u32 $0xFFF8, v4  }
0x5a7: {  	v4 =	vor.u32 v1, v4;
	[tilespmem:v5+s2+$0x0] =	vst.idx.add.s32.msk $0xffff, v2  }
0x5a8: {  	v5 =	vld [tilespmem:s0+$0x144F0]  }
0x5a9: {  	[tilespmem:v3+s2+$0x0] =	vst.idx.add.s32.msk $0xffff, v2;
	v3 =	vshrl.u32 v6, $0x10  }
0x5aa: {  	v6 =	vld [tilespmem:s0+$0x14570];
	v3 =	vand.u32 $0xFFF8, v3  }
0x5ab: {  	v3 =	vor.u32 v1, v3  }
0x5ac: {  	[tilespmem:v4+s2+$0x0] =	vst.idx.add.s32.msk $0xffff, v2  }
0x5ad: {  	v4 =	vld [tilespmem:s0+$0x14470];
	v5 =	vshrl.u32 v5, $0x10  }
0x5ae: {  	v5 =	vand.u32 $0xFFF8, v5  }
0x5af: {  	v5 =	vor.u32 v1, v5;
	v6 =	vshrl.u32 v6, $0x10  }
0x5b0: {  	s20 =	sor.u32 $0x810, s7;
	v6 =	vand.u32 $0xFFF8, v6;
	[tilespmem:v3+s2+$0x0] =	vst.idx.add.s32.msk $0xffff, v2  }
0x5b1: {  	v3 =	vor.u32 v1, v6;
	v6 =	vld [tilespmem:s20+$0x14000]  }
0x5b2: {  	v4 =	vshrl.u32 v4, $0x10  }
0x5b3: {  	s6 =	sadd.s32 $0x80, s4;
	v4 =	vand.u32 $0xFFF8, v4  }
0x5b4: {  	s22 =	sor.u32 $0x800, s6;
	v4 =	vor.u32 v1, v4;
	[tilespmem:v5+s2+$0x0] =	vst.idx.add.s32.msk $0xffff, v2  }
0x5b5: {  	s5 =	sadd.s32 $0x100, s4;
	v5 =	vld [tilespmem:s22+$0x14000]  }
0x5b6: {  	s23 =	sor.u32 $0x800, s5;
	[tilespmem:v3+s2+$0x0] =	vst.idx.add.s32.msk $0xffff, v2;
	v3 =	vshrl.u32 v6, $0x10  }
0x5b7: {  	v6 =	vld [tilespmem:s23+$0x14000];
	v3 =	vand.u32 $0xFFF8, v3  }
0x5b8: {  	v3 =	vor.u32 v1, v3  }
0x5b9: {  	s21 =	sor.u32 $0x800, s4;
	[tilespmem:v4+s2+$0x0] =	vst.idx.add.s32.msk $0xffff, v2  }
0x5ba: {  	v4 =	vld [tilespmem:s21+$0x14000];
	v5 =	vshrl.u32 v5, $0x10  }
0x5bb: {  	v5 =	vand.u32 $0xFFF8, v5  }
0x5bc: {  	v5 =	vor.u32 v1, v5;
	v6 =	vshrl.u32 v6, $0x10  }
0x5bd: {  	s24 =	sor.u32 $0x820, s7;
	v6 =	vand.u32 $0xFFF8, v6;
	[tilespmem:v3+s2+$0x0] =	vst.idx.add.s32.msk $0xffff, v2  }
0x5be: {  	v3 =	vor.u32 v1, v6;
	v6 =	vld [tilespmem:s24+$0x14000]  }
0x5bf: {  	v4 =	vshrl.u32 v4, $0x10  }
0x5c0: {  	v4 =	vand.u32 $0xFFF8, v4  }
0x5c1: {  	s26 =	sor.u32 $0x810, s6;
	v4 =	vor.u32 v1, v4;
	[tilespmem:v5+s2+$0x0] =	vst.idx.add.s32.msk $0xffff, v2  }
0x5c2: {  	v5 =	vld [tilespmem:s26+$0x14000]  }
0x5c3: {  	s1 =	sor.u32 $0x810, s5;
	[tilespmem:v3+s2+$0x0] =	vst.idx.add.s32.msk $0xffff, v2;
	v3 =	vshrl.u32 v6, $0x10  }
0x5c4: {  	v6 =	vld [tilespmem:s1+$0x14000];
	v3 =	vand.u32 $0xFFF8, v3  }
0x5c5: {  	v3 =	vor.u32 v1, v3  }
0x5c6: {  	s25 =	sor.u32 $0x810, s4;
	[tilespmem:v4+s2+$0x0] =	vst.idx.add.s32.msk $0xffff, v2  }
0x5c7: {  	v4 =	vld [tilespmem:s25+$0x14000];
	v5 =	vshrl.u32 v5, $0x10  }
0x5c8: {  	v5 =	vand.u32 $0xFFF8, v5  }
0x5c9: {  	v5 =	vor.u32 v1, v5;
	v6 =	vshrl.u32 v6, $0x10  }
0x5ca: {  	s3 =	sor.u32 $0x830, s7;
	v6 =	vand.u32 $0xFFF8, v6;
	[tilespmem:v3+s2+$0x0] =	vst.idx.add.s32.msk $0xffff, v2  }
0x5cb: {  	v3 =	vor.u32 v1, v6;
	v6 =	vld [tilespmem:s3+$0x14000]  }
0x5cc: {  	v4 =	vshrl.u32 v4, $0x10  }
0x5cd: {  	v4 =	vand.u32 $0xFFF8, v4  }
0x5ce: {  	s9 =	sor.u32 $0x820, s6;
	v4 =	vor.u32 v1, v4;
	[tilespmem:v5+s2+$0x0] =	vst.idx.add.s32.msk $0xffff, v2  }
0x5cf: {  	s10 =	simm.s32 $0x200;
	s11 =	simm.s32 $0x800;
	v5 =	vld [tilespmem:s9+$0x14000]  }
0x5d0: {  	s12 =	sor.u32 $0x820, s5;
	s0 =	sand.u32 $0x200, s10;
	s1 =	sand.u32 $0x3000, s11;
	[tilespmem:v3+s2+$0x0] =	vst.idx.add.s32.msk $0xffff, v2;
	v3 =	vshrl.u32 v6, $0x10  }
0x5d1: {  	s1 =	sor.u32 s0, s1;
	v6 =	vld [tilespmem:s12+$0x14000];
	v3 =	vand.u32 $0xFFF8, v3  }
0x5d2: {  	v7 =	vld [tilespmem:s1+$0x14180];
	v3 =	vor.u32 v1, v3  }
0x5d3: {  	s8 =	sor.u32 $0x820, s4;
	[tilespmem:v4+s2+$0x0] =	vst.idx.add.s32.msk $0xffff, v2  }
0x5d4: {  	v4 =	vld [tilespmem:s8+$0x14000]  }
0x5d5: {  	v5 =	vshrl.u32 v5, $0x10  }
0x5d6: {  	v5 =	vand.u32 $0xFFF8, v5;
	v6 =	vshrl.u32 v6, $0x10  }
0x5d7: {  	v5 =	vor.u32 v1, v5;
	v6 =	vand.u32 $0xFFF8, v6;
	[tilespmem:v3+s2+$0x0] =	vst.idx.add.s32.msk $0xffff, v2;
	v3 =	vshrl.u32 v7, $0x10  }
0x5d8: {  	v8 =	vld [tilespmem:s1+$0x14000];
	v6 =	vor.u32 v1, v6;
	v3 =	vand.u32 $0xFFF8, v3  }
0x5d9: {  	s13 =	sor.u32 $0x840, s7;
	v4 =	vshrl.u32 v4, $0x10;
	v9 =	vld [tilespmem:s1+$0x14080];
	v3 =	vor.u32 v1, v3  }
0x5da: {  	v4 =	vand.u32 $0xFFF8, v4;
	v7 =	vld [tilespmem:s13+$0x14000]  }
0x5db: {  	v4 =	vor.u32 v1, v4;
	v10 =	vld [tilespmem:s1+$0x14100]  }
0x5dc: {  	[tilespmem:v5+s2+$0x0] =	vst.idx.add.s32.msk $0xffff, v2  }
0x5dd: {  	v5 =	vshrl.u32 v8, $0x10;
	[tilespmem:v6+s2+$0x0] =	vst.idx.add.s32.msk $0xffff, v2  }
0x5de: {  	v5 =	vand.u32 $0xFFF8, v5;
	v6 =	vshrl.u32 v9, $0x10;
	[tilespmem:v3+s2+$0x0] =	vst.idx.add.s32.msk $0xffff, v2  }
0x5df: {  	v3 =	vor.u32 v1, v5;
	v5 =	vand.u32 $0xFFF8, v6;
	v6 =	vshrl.u32 v7, $0x10;
	v7 =	vld [tilespmem:s1+$0x14190]  }
0x5e0: {  	s14 =	sor.u32 $0x830, s4;
	[tilespmem:v4+s2+$0x0] =	vst.idx.add.s32.msk $0xffff, v2;
	v5 =	vor.u32 v1, v5;
	v6 =	vand.u32 $0xFFF8, v6  }
0x5e1: {  	s15 =	sor.u32 $0x830, s6;
	v8 =	vshrl.u32 v10, $0x10;
	v4 =	vld [tilespmem:s14+$0x14000];
	v6 =	vor.u32 v1, v6  }
0x5e2: {  	s16 =	sor.u32 $0x830, s5;
	v8 =	vand.u32 $0xFFF8, v8;
	v9 =	vld [tilespmem:s15+$0x14000]  }
0x5e3: {  	v8 =	vor.u32 v1, v8;
	v10 =	vld [tilespmem:s16+$0x14000]  }
0x5e4: {  	[tilespmem:v3+s2+$0x0] =	vst.idx.add.s32.msk $0xffff, v2;
	v3 =	vshrl.u32 v7, $0x10  }
0x5e5: {  	[tilespmem:v5+s2+$0x0] =	vst.idx.add.s32.msk $0xffff, v2;
	v3 =	vand.u32 $0xFFF8, v3  }
0x5e6: {  	s17 =	sor.u32 $0x850, s7;
	[tilespmem:v6+s2+$0x0] =	vst.idx.add.s32.msk $0xffff, v2;
	v3 =	vor.u32 v1, v3  }
0x5e7: {  	v4 =	vshrl.u32 v4, $0x10;
	v5 =	vld [tilespmem:s17+$0x14000]  }
0x5e8: {  	v4 =	vand.u32 $0xFFF8, v4;
	[tilespmem:v8+s2+$0x0] =	vst.idx.add.s32.msk $0xffff, v2;
	v6 =	vshrl.u32 v9, $0x10  }
0x5e9: {  	v4 =	vor.u32 v1, v4;
	v7 =	vshrl.u32 v10, $0x10;
	v8 =	vld [tilespmem:s1+$0x14010];
	v6 =	vand.u32 $0xFFF8, v6  }
0x5ea: {  	v7 =	vand.u32 $0xFFF8, v7;
	v9 =	vld [tilespmem:s1+$0x14090];
	v6 =	vor.u32 v1, v6  }
0x5eb: {  	v7 =	vor.u32 v1, v7;
	[tilespmem:v3+s2+$0x0] =	vst.idx.add.s32.msk $0xffff, v2  }
0x5ec: {  	v3 =	vshrl.u32 v5, $0x10;
	v5 =	vld [tilespmem:s1+$0x141A0]  }
0x5ed: {  	v10 =	vld [tilespmem:s1+$0x14110];
	v3 =	vand.u32 $0xFFF8, v3  }
0x5ee: {  	[tilespmem:v4+s2+$0x0] =	vst.idx.add.s32.msk $0xffff, v2;
	v4 =	vshrl.u32 v8, $0x10;
	v3 =	vor.u32 v1, v3  }
0x5ef: {  	[tilespmem:v6+s2+$0x0] =	vst.idx.add.s32.msk $0xffff, v2;
	v4 =	vand.u32 $0xFFF8, v4;
	v6 =	vshrl.u32 v9, $0x10  }
0x5f0: {  	s18 =	sor.u32 $0x840, s4;
	[tilespmem:v7+s2+$0x0] =	vst.idx.add.s32.msk $0xffff, v2;
	v4 =	vor.u32 v1, v4;
	v6 =	vand.u32 $0xFFF8, v6  }
0x5f1: {  	s19 =	sor.u32 $0x840, s6;
	v7 =	vld [tilespmem:s18+$0x14000];
	v6 =	vor.u32 v1, v6;
	v5 =	vshrl.u32 v5, $0x10  }
0x5f2: {  	v8 =	vld [tilespmem:s19+$0x14000];
	v5 =	vand.u32 $0xFFF8, v5  }
0x5f3: {  	s20 =	sor.u32 $0x860, s7;
	v9 =	vshrl.u32 v10, $0x10;
	[tilespmem:v3+s2+$0x0] =	vst.idx.add.s32.msk $0xffff, v2;
	v3 =	vor.u32 v1, v5  }
0x5f4: {  	v5 =	vand.u32 $0xFFF8, v9;
	v9 =	vld [tilespmem:s20+$0x14000]  }
0x5f5: {  	[tilespmem:v4+s2+$0x0] =	vst.idx.add.s32.msk $0xffff, v2;
	v5 =	vor.u32 v1, v5  }
0x5f6: {  	[tilespmem:v6+s2+$0x0] =	vst.idx.add.s32.msk $0xffff, v2  }
0x5f7: {  	v4 =	vshrl.u32 v7, $0x10;
	v6 =	vld [tilespmem:s1+$0x14020]  }
0x5f8: {  	v7 =	vshrl.u32 v8, $0x10;
	v4 =	vand.u32 $0xFFF8, v4;
	[tilespmem:v3+s2+$0x0] =	vst.idx.add.s32.msk $0xffff, v2  }
0x5f9: {  	v3 =	vor.u32 v1, v4;
	v4 =	vand.u32 $0xFFF8, v7;
	v7 =	vshrl.u32 v9, $0x10;
	v8 =	vld [tilespmem:s1+$0x141B0]  }
0x5fa: {  	[tilespmem:v5+s2+$0x0] =	vst.idx.add.s32.msk $0xffff, v2;
	v4 =	vor.u32 v1, v4;
	v5 =	vand.u32 $0xFFF8, v7  }
0x5fb: {  	v7 =	vld [tilespmem:s1+$0x140A0];
	v5 =	vor.u32 v1, v5  }
0x5fc: {  	s21 =	sor.u32 $0x840, s5;
	v9 =	vld [tilespmem:s1+$0x14120]  }
0x5fd: {  	v10 =	vld [tilespmem:s21+$0x14000];
	v6 =	vshrl.u32 v6, $0x10  }
0x5fe: {  	v6 =	vand.u32 $0xFFF8, v6;
	[tilespmem:v3+s2+$0x0] =	vst.idx.add.s32.msk $0xffff, v2;
	v3 =	vshrl.u32 v8, $0x10  }
0x5ff: {  	v6 =	vor.u32 v1, v6;
	[tilespmem:v4+s2+$0x0] =	vst.idx.add.s32.msk $0xffff, v2;
	v3 =	vand.u32 $0xFFF8, v3  }
0x600: {  	s24 =	sor.u32 $0x850, s6;
	v4 =	vshrl.u32 v7, $0x10;
	[tilespmem:v5+s2+$0x0] =	vst.idx.add.s32.msk $0xffff, v2;
	v3 =	vor.u32 v1, v3  }
0x601: {  	s22 =	sor.u32 $0x870, s7;
	v4 =	vand.u32 $0xFFF8, v4;
	v7 =	vshrl.u32 v9, $0x10;
	v9 =	vld [tilespmem:s24+$0x14000]  }
0x602: {  	s23 =	sor.u32 $0x850, s4;
	v5 =	vld [tilespmem:s22+$0x14000];
	v4 =	vor.u32 v1, v4  }
0x603: {  	v8 =	vld [tilespmem:s23+$0x14000];
	v7 =	vand.u32 $0xFFF8, v7  }
0x604: {  	[tilespmem:v6+s2+$0x0] =	vst.idx.add.s32.msk $0xffff, v2;
	v7 =	vor.u32 v1, v7  }
0x605: {  	v6 =	vshrl.u32 v10, $0x10;
	[tilespmem:v3+s2+$0x0] =	vst.idx.add.s32.msk $0xffff, v2  }
0x606: {  	v9 =	vshrl.u32 v9, $0x10;
	v3 =	vand.u32 $0xFFF8, v6;
	v6 =	vld [tilespmem:s1+$0x141C0]  }
0x607: {  	v5 =	vshrl.u32 v5, $0x10;
	[tilespmem:v4+s2+$0x0] =	vst.idx.add.s32.msk $0xffff, v2;
	v9 =	vand.u32 $0xFFF8, v9;
	v3 =	vor.u32 v1, v3  }
0x608: {  	v4 =	vand.u32 $0xFFF8, v5;
	v5 =	vld [tilespmem:s1+$0x14030];
	v9 =	vor.u32 v1, v9  }
0x609: {  	[tilespmem:v7+s2+$0x0] =	vst.idx.add.s32.msk $0xffff, v2;
	v4 =	vor.u32 v1, v4  }
0x60a: {  	v7 =	vshrl.u32 v8, $0x10;
	v8 =	vld [tilespmem:s1+$0x140B0]  }
0x60b: {  	v7 =	vand.u32 $0xFFF8, v7;
	v10 =	vld [tilespmem:s1+$0x14130];
	v6 =	vshrl.u32 v6, $0x10  }
0x60c: {  	v7 =	vor.u32 v1, v7;
	[tilespmem:v3+s2+$0x0] =	vst.idx.add.s32.msk $0xffff, v2;
	v3 =	vand.u32 $0xFFF8, v6  }
0x60d: {  	v5 =	vshrl.u32 v5, $0x10;
	[tilespmem:v9+s2+$0x0] =	vst.idx.add.s32.msk $0xffff, v2;
	v3 =	vor.u32 v1, v3  }
0x60e: {  	s25 =	sor.u32 $0xC00, s7;
	[tilespmem:v4+s2+$0x0] =	vst.idx.add.s32.msk $0xffff, v2;
	v4 =	vand.u32 $0xFFF8, v5  }
0x60f: {  	s26 =	sor.u32 $0x850, s5;
	v6 =	vshrl.u32 v8, $0x10;
	v5 =	vld [tilespmem:s25+$0x14000];
	v4 =	vor.u32 v1, v4  }
0x610: {  	v8 =	vld [tilespmem:s26+$0x14000];
	v6 =	vand.u32 $0xFFF8, v6  }
0x611: {  	[tilespmem:v7+s2+$0x0] =	vst.idx.add.s32.msk $0xffff, v2;
	v7 =	vshrl.u32 v10, $0x10;
	v6 =	vor.u32 v1, v6  }
0x612: {  	v7 =	vand.u32 $0xFFF8, v7;
	[tilespmem:v3+s2+$0x0] =	vst.idx.add.s32.msk $0xffff, v2  }
0x613: {  	v3 =	vor.u32 v1, v7;
	v7 =	vld [tilespmem:s1+$0x141D0]  }
0x614: {  	[tilespmem:v4+s2+$0x0] =	vst.idx.add.s32.msk $0xffff, v2;
	v4 =	vshrl.u32 v5, $0x10  }
0x615: {  	v4 =	vand.u32 $0xFFF8, v4;
	v5 =	vld [tilespmem:s1+$0x14040]  }
0x616: {  	[tilespmem:v6+s2+$0x0] =	vst.idx.add.s32.msk $0xffff, v2;
	v6 =	vshrl.u32 v8, $0x10;
	v4 =	vor.u32 v1, v4  }
0x617: {  	v6 =	vand.u32 $0xFFF8, v6;
	v8 =	vld [tilespmem:s1+$0x140C0]  }
0x618: {  	v6 =	vor.u32 v1, v6;
	[tilespmem:v3+s2+$0x0] =	vst.idx.add.s32.msk $0xffff, v2;
	v3 =	vshrl.u32 v7, $0x10  }
0x619: {  	s3 =	sor.u32 $0x860, s4;
	v7 =	vld [tilespmem:s1+$0x14140];
	v3 =	vand.u32 $0xFFF8, v3  }
0x61a: {  	v9 =	vld [tilespmem:s3+$0x14000];
	v5 =	vshrl.u32 v5, $0x10;
	v3 =	vor.u32 v1, v3  }
0x61b: {  	s8 =	sor.u32 $0xC10, s7;
	[tilespmem:v4+s2+$0x0] =	vst.idx.add.s32.msk $0xffff, v2;
	v4 =	vand.u32 $0xFFF8, v5  }
0x61c: {  	v8 =	vshrl.u32 v8, $0x10;
	v5 =	vld [tilespmem:s8+$0x14000];
	v4 =	vor.u32 v1, v4  }
0x61d: {  	s9 =	sor.u32 $0x860, s6;
	[tilespmem:v6+s2+$0x0] =	vst.idx.add.s32.msk $0xffff, v2;
	v6 =	vand.u32 $0xFFF8, v8  }
0x61e: {  	v8 =	vld [tilespmem:s9+$0x14000];
	v6 =	vor.u32 v1, v6;
	v7 =	vshrl.u32 v7, $0x10  }
0x61f: {  	v7 =	vand.u32 $0xFFF8, v7;
	[tilespmem:v3+s2+$0x0] =	vst.idx.add.s32.msk $0xffff, v2  }
0x620: {  	v3 =	vor.u32 v1, v7;
	v7 =	vld [tilespmem:s1+$0x141E0]  }
0x621: {  	v9 =	vshrl.u32 v9, $0x10;
	[tilespmem:v4+s2+$0x0] =	vst.idx.add.s32.msk $0xffff, v2  }
0x622: {  	v4 =	vand.u32 $0xFFF8, v9;
	v5 =	vshrl.u32 v5, $0x10;
	v9 =	vld [tilespmem:s1+$0x14050]  }
0x623: {  	v4 =	vor.u32 v1, v4;
	v5 =	vand.u32 $0xFFF8, v5;
	[tilespmem:v6+s2+$0x0] =	vst.idx.add.s32.msk $0xffff, v2  }
0x624: {  	v6 =	vshrl.u32 v8, $0x10;
	v5 =	vor.u32 v1, v5;
	v8 =	vld [tilespmem:s1+$0x140D0]  }
0x625: {  	v6 =	vand.u32 $0xFFF8, v6;
	[tilespmem:v3+s2+$0x0] =	vst.idx.add.s32.msk $0xffff, v2;
	v3 =	vshrl.u32 v7, $0x10  }
0x626: {  	s10 =	sor.u32 $0x860, s5;
	v6 =	vor.u32 v1, v6;
	v7 =	vld [tilespmem:s1+$0x14150];
	v3 =	vand.u32 $0xFFF8, v3  }
0x627: {  	v10 =	vld [tilespmem:s10+$0x14000];
	v9 =	vshrl.u32 v9, $0x10;
	v3 =	vor.u32 v1, v3  }
0x628: {  	[tilespmem:v4+s2+$0x0] =	vst.idx.add.s32.msk $0xffff, v2;
	v4 =	vand.u32 $0xFFF8, v9  }
0x629: {  	s11 =	sor.u32 $0xC20, s7;
	[tilespmem:v5+s2+$0x0] =	vst.idx.add.s32.msk $0xffff, v2;
	v5 =	vshrl.u32 v8, $0x10;
	v4 =	vor.u32 v1, v4  }
0x62a: {  	v8 =	vld [tilespmem:s11+$0x14000];
	v5 =	vand.u32 $0xFFF8, v5  }
0x62b: {  	[tilespmem:v6+s2+$0x0] =	vst.idx.add.s32.msk $0xffff, v2;
	v5 =	vor.u32 v1, v5;
	v6 =	vshrl.u32 v7, $0x10  }
0x62c: {  	v6 =	vand.u32 $0xFFF8, v6;
	[tilespmem:v3+s2+$0x0] =	vst.idx.add.s32.msk $0xffff, v2  }
0x62d: {  	v3 =	vshrl.u32 v10, $0x10;
	v6 =	vor.u32 v1, v6;
	v7 =	vld [tilespmem:s1+$0x141F0]  }
0x62e: {  	[tilespmem:v4+s2+$0x0] =	vst.idx.add.s32.msk $0xffff, v2;
	v3 =	vand.u32 $0xFFF8, v3  }
0x62f: {  	v4 =	vshrl.u32 v8, $0x10;
	v8 =	vld [tilespmem:s1+$0x14060];
	v3 =	vor.u32 v1, v3  }
0x630: {  	v4 =	vand.u32 $0xFFF8, v4;
	[tilespmem:v5+s2+$0x0] =	vst.idx.add.s32.msk $0xffff, v2  }
0x631: {  	v4 =	vor.u32 v1, v4;
	v5 =	vld [tilespmem:s1+$0x140E0]  }
0x632: {  	[tilespmem:v6+s2+$0x0] =	vst.idx.add.s32.msk $0xffff, v2;
	v6 =	vshrl.u32 v7, $0x10  }
0x633: {  	v7 =	vld [tilespmem:s1+$0x14160];
	v6 =	vand.u32 $0xFFF8, v6  }
0x634: {  	s12 =	sor.u32 $0x870, s4;
	[tilespmem:v3+s2+$0x0] =	vst.idx.add.s32.msk $0xffff, v2;
	v3 =	vshrl.u32 v8, $0x10;
	v6 =	vor.u32 v1, v6  }
0x635: {  	v8 =	vld [tilespmem:s12+$0x14000];
	v3 =	vand.u32 $0xFFF8, v3  }
0x636: {  	s13 =	sor.u32 $0xC30, s7;
	[tilespmem:v4+s2+$0x0] =	vst.idx.add.s32.msk $0xffff, v2;
	v4 =	vshrl.u32 v5, $0x10;
	v3 =	vor.u32 v1, v3  }
0x637: {  	s14 =	sor.u32 $0x870, s6;
	v5 =	vld [tilespmem:s13+$0x14000];
	v4 =	vand.u32 $0xFFF8, v4  }
0x638: {  	v9 =	vld [tilespmem:s14+$0x14000];
	v4 =	vor.u32 v1, v4;
	v7 =	vshrl.u32 v7, $0x10  }
0x639: {  	v7 =	vand.u32 $0xFFF8, v7;
	[tilespmem:v6+s2+$0x0] =	vst.idx.add.s32.msk $0xffff, v2  }
0x63a: {  	v6 =	vor.u32 v1, v7;
	v7 =	vld [tilespmem:s1+$0x14580]  }
0x63b: {  	v8 =	vshrl.u32 v8, $0x10;
	[tilespmem:v3+s2+$0x0] =	vst.idx.add.s32.msk $0xffff, v2  }
0x63c: {  	v5 =	vshrl.u32 v5, $0x10;
	v3 =	vand.u32 $0xFFF8, v8;
	v8 =	vld [tilespmem:s1+$0x14070]  }
0x63d: {  	v5 =	vand.u32 $0xFFF8, v5;
	[tilespmem:v4+s2+$0x0] =	vst.idx.add.s32.msk $0xffff, v2;
	v3 =	vor.u32 v1, v3  }
0x63e: {  	v4 =	vor.u32 v1, v5;
	v5 =	vshrl.u32 v9, $0x10;
	v9 =	vld [tilespmem:s1+$0x140F0]  }
0x63f: {  	v5 =	vand.u32 $0xFFF8, v5;
	[tilespmem:v6+s2+$0x0] =	vst.idx.add.s32.msk $0xffff, v2;
	v6 =	vshrl.u32 v7, $0x10  }
0x640: {  	s15 =	sor.u32 $0x870, s5;
	v5 =	vor.u32 v1, v5;
	v7 =	vld [tilespmem:s1+$0x14170];
	v6 =	vand.u32 $0xFFF8, v6  }
0x641: {  	v10 =	vld [tilespmem:s15+$0x14000];
	v8 =	vshrl.u32 v8, $0x10;
	v6 =	vor.u32 v1, v6  }
0x642: {  	[tilespmem:v3+s2+$0x0] =	vst.idx.add.s32.msk $0xffff, v2;
	v3 =	vand.u32 $0xFFF8, v8  }
0x643: {  	s16 =	sor.u32 $0xC40, s7;
	[tilespmem:v4+s2+$0x0] =	vst.idx.add.s32.msk $0xffff, v2;
	v4 =	vshrl.u32 v9, $0x10;
	v3 =	vor.u32 v1, v3  }
0x644: {  	v8 =	vld [tilespmem:s16+$0x14000];
	v4 =	vand.u32 $0xFFF8, v4  }
0x645: {  	[tilespmem:v5+s2+$0x0] =	vst.idx.add.s32.msk $0xffff, v2;
	v4 =	vor.u32 v1, v4;
	v5 =	vshrl.u32 v7, $0x10  }
0x646: {  	v5 =	vand.u32 $0xFFF8, v5;
	[tilespmem:v6+s2+$0x0] =	vst.idx.add.s32.msk $0xffff, v2  }
0x647: {  	v6 =	vshrl.u32 v10, $0x10;
	v5 =	vor.u32 v1, v5;
	v7 =	vld [tilespmem:s1+$0x14590]  }
0x648: {  	v6 =	vand.u32 $0xFFF8, v6;
	[tilespmem:v3+s2+$0x0] =	vst.idx.add.s32.msk $0xffff, v2  }
0x649: {  	v3 =	vor.u32 v1, v6;
	v6 =	vshrl.u32 v8, $0x10;
	v8 =	vld [tilespmem:s1+$0x14400]  }
0x64a: {  	[tilespmem:v4+s2+$0x0] =	vst.idx.add.s32.msk $0xffff, v2;
	v6 =	vand.u32 $0xFFF8, v6  }
0x64b: {  	v4 =	vor.u32 v1, v6;
	v6 =	vld [tilespmem:s1+$0x14480]  }
0x64c: {  	[tilespmem:v5+s2+$0x0] =	vst.idx.add.s32.msk $0xffff, v2;
	v5 =	vshrl.u32 v7, $0x10  }
0x64d: {  	v7 =	vld [tilespmem:s1+$0x14500];
	v5 =	vand.u32 $0xFFF8, v5  }
0x64e: {  	s17 =	sor.u32 $0xC00, s4;
	[tilespmem:v3+s2+$0x0] =	vst.idx.add.s32.msk $0xffff, v2;
	v3 =	vshrl.u32 v8, $0x10;
	v5 =	vor.u32 v1, v5  }
0x64f: {  	v8 =	vld [tilespmem:s17+$0x14000];
	v3 =	vand.u32 $0xFFF8, v3  }
0x650: {  	s18 =	sor.u32 $0xC50, s7;
	[tilespmem:v4+s2+$0x0] =	vst.idx.add.s32.msk $0xffff, v2;
	v3 =	vor.u32 v1, v3;
	v4 =	vshrl.u32 v6, $0x10  }
0x651: {  	s19 =	sor.u32 $0xC00, s6;
	v6 =	vld [tilespmem:s18+$0x14000];
	v4 =	vand.u32 $0xFFF8, v4  }
0x652: {  	v9 =	vld [tilespmem:s19+$0x14000];
	v4 =	vor.u32 v1, v4;
	v7 =	vshrl.u32 v7, $0x10  }
0x653: {  	v7 =	vand.u32 $0xFFF8, v7;
	[tilespmem:v5+s2+$0x0] =	vst.idx.add.s32.msk $0xffff, v2  }
0x654: {  	v5 =	vor.u32 v1, v7;
	v7 =	vld [tilespmem:s1+$0x145A0]  }
0x655: {  	v8 =	vshrl.u32 v8, $0x10;
	[tilespmem:v3+s2+$0x0] =	vst.idx.add.s32.msk $0xffff, v2  }
0x656: {  	v3 =	vand.u32 $0xFFF8, v8;
	v6 =	vshrl.u32 v6, $0x10;
	v8 =	vld [tilespmem:s1+$0x14410]  }
0x657: {  	v3 =	vor.u32 v1, v3;
	v6 =	vand.u32 $0xFFF8, v6;
	[tilespmem:v4+s2+$0x0] =	vst.idx.add.s32.msk $0xffff, v2  }
0x658: {  	v4 =	vor.u32 v1, v6;
	v6 =	vshrl.u32 v9, $0x10;
	v9 =	vld [tilespmem:s1+$0x14490]  }
0x659: {  	v6 =	vand.u32 $0xFFF8, v6;
	[tilespmem:v5+s2+$0x0] =	vst.idx.add.s32.msk $0xffff, v2;
	v5 =	vshrl.u32 v7, $0x10  }
0x65a: {  	s20 =	sor.u32 $0xC00, s5;
	v6 =	vor.u32 v1, v6;
	v7 =	vld [tilespmem:s1+$0x14510];
	v5 =	vand.u32 $0xFFF8, v5  }
0x65b: {  	v10 =	vld [tilespmem:s20+$0x14000];
	v8 =	vshrl.u32 v8, $0x10;
	v5 =	vor.u32 v1, v5  }
0x65c: {  	[tilespmem:v3+s2+$0x0] =	vst.idx.add.s32.msk $0xffff, v2;
	v3 =	vand.u32 $0xFFF8, v8  }
0x65d: {  	s21 =	sor.u32 $0xC60, s7;
	[tilespmem:v4+s2+$0x0] =	vst.idx.add.s32.msk $0xffff, v2;
	v3 =	vor.u32 v1, v3;
	v4 =	vshrl.u32 v9, $0x10  }
0x65e: {  	v8 =	vld [tilespmem:s21+$0x14000];
	v4 =	vand.u32 $0xFFF8, v4  }
0x65f: {  	[tilespmem:v6+s2+$0x0] =	vst.idx.add.s32.msk $0xffff, v2;
	v4 =	vor.u32 v1, v4;
	v6 =	vshrl.u32 v7, $0x10  }
0x660: {  	v6 =	vand.u32 $0xFFF8, v6;
	[tilespmem:v5+s2+$0x0] =	vst.idx.add.s32.msk $0xffff, v2  }
0x661: {  	v5 =	vshrl.u32 v10, $0x10;
	v6 =	vor.u32 v1, v6;
	v7 =	vld [tilespmem:s1+$0x145B0]  }
0x662: {  	v5 =	vand.u32 $0xFFF8, v5;
	[tilespmem:v3+s2+$0x0] =	vst.idx.add.s32.msk $0xffff, v2  }
0x663: {  	v3 =	vor.u32 v1, v5;
	v5 =	vshrl.u32 v8, $0x10;
	v8 =	vld [tilespmem:s1+$0x14420]  }
0x664: {  	v5 =	vand.u32 $0xFFF8, v5;
	[tilespmem:v4+s2+$0x0] =	vst.idx.add.s32.msk $0xffff, v2  }
0x665: {  	v4 =	vor.u32 v1, v5;
	v5 =	vld [tilespmem:s1+$0x144A0]  }
0x666: {  	[tilespmem:v6+s2+$0x0] =	vst.idx.add.s32.msk $0xffff, v2;
	v6 =	vshrl.u32 v7, $0x10  }
0x667: {  	v7 =	vld [tilespmem:s1+$0x14520];
	v6 =	vand.u32 $0xFFF8, v6  }
0x668: {  	s22 =	sor.u32 $0xC10, s4;
	[tilespmem:v3+s2+$0x0] =	vst.idx.add.s32.msk $0xffff, v2;
	v3 =	vshrl.u32 v8, $0x10;
	v6 =	vor.u32 v1, v6  }
0x669: {  	v8 =	vld [tilespmem:s22+$0x14000];
	v3 =	vand.u32 $0xFFF8, v3  }
0x66a: {  	s23 =	sor.u32 $0xC10, s6;
	[tilespmem:v4+s2+$0x0] =	vst.idx.add.s32.msk $0xffff, v2;
	v3 =	vor.u32 v1, v3;
	v4 =	vshrl.u32 v5, $0x10  }
0x66b: {  	s24 =	sor.u32 $0xC10, s5;
	v5 =	vld [tilespmem:s23+$0x14000];
	v4 =	vand.u32 $0xFFF8, v4  }
0x66c: {  	v9 =	vld [tilespmem:s24+$0x14000];
	v4 =	vor.u32 v1, v4;
	v7 =	vshrl.u32 v7, $0x10  }
0x66d: {  	v7 =	vand.u32 $0xFFF8, v7;
	[tilespmem:v6+s2+$0x0] =	vst.idx.add.s32.msk $0xffff, v2  }
0x66e: {  	v6 =	vshrl.u32 v8, $0x10;
	v7 =	vor.u32 v1, v7;
	v8 =	vld [tilespmem:s1+$0x145C0]  }
0x66f: {  	v6 =	vand.u32 $0xFFF8, v6;
	[tilespmem:v3+s2+$0x0] =	vst.idx.add.s32.msk $0xffff, v2  }
0x670: {  	v5 =	vshrl.u32 v5, $0x10;
	v3 =	vor.u32 v1, v6;
	v6 =	vld [tilespmem:s1+$0x14430]  }
0x671: {  	v9 =	vshrl.u32 v9, $0x10;
	v5 =	vand.u32 $0xFFF8, v5;
	[tilespmem:v4+s2+$0x0] =	vst.idx.add.s32.msk $0xffff, v2  }
0x672: {  	v4 =	vor.u32 v1, v5;
	v5 =	vand.u32 $0xFFF8, v9;
	v9 =	vld [tilespmem:s1+$0x144B0]  }
0x673: {  	v5 =	vor.u32 v1, v5;
	[tilespmem:v7+s2+$0x0] =	vst.idx.add.s32.msk $0xffff, v2;
	v7 =	vshrl.u32 v8, $0x10  }
0x674: {  	v8 =	vld [tilespmem:s1+$0x14530];
	v7 =	vand.u32 $0xFFF8, v7  }
0x675: {  	s25 =	sor.u32 $0xC20, s4;
	[tilespmem:v3+s2+$0x0] =	vst.idx.add.s32.msk $0xffff, v2;
	v3 =	vshrl.u32 v6, $0x10;
	v6 =	vor.u32 v1, v7  }
0x676: {  	v3 =	vand.u32 $0xFFF8, v3;
	v7 =	vld [tilespmem:s25+$0x14000]  }
0x677: {  	[tilespmem:v4+s2+$0x0] =	vst.idx.add.s32.msk $0xffff, v2;
	v3 =	vor.u32 v1, v3;
	v9 =	vshrl.u32 v9, $0x10  }
0x678: {  	s26 =	sor.u32 $0xC20, s6;
	[tilespmem:v5+s2+$0x0] =	vst.idx.add.s32.msk $0xffff, v2;
	v4 =	vand.u32 $0xFFF8, v9  }
0x679: {  	v5 =	vld [tilespmem:s26+$0x14000];
	v4 =	vor.u32 v1, v4;
	v8 =	vshrl.u32 v8, $0x10  }
0x67a: {  	v8 =	vand.u32 $0xFFF8, v8;
	[tilespmem:v6+s2+$0x0] =	vst.idx.add.s32.msk $0xffff, v2  }
0x67b: {  	v6 =	vor.u32 v1, v8;
	v8 =	vld [tilespmem:s1+$0x145D0]  }
0x67c: {  	v7 =	vshrl.u32 v7, $0x10;
	[tilespmem:v3+s2+$0x0] =	vst.idx.add.s32.msk $0xffff, v2  }
0x67d: {  	v3 =	vand.u32 $0xFFF8, v7;
	v7 =	vld [tilespmem:s1+$0x14440]  }
0x67e: {  	v3 =	vor.u32 v1, v3;
	[tilespmem:v4+s2+$0x0] =	vst.idx.add.s32.msk $0xffff, v2;
	v4 =	vshrl.u32 v5, $0x10  }
0x67f: {  	v5 =	vld [tilespmem:s1+$0x144C0];
	v4 =	vand.u32 $0xFFF8, v4  }
0x680: {  	v4 =	vor.u32 v1, v4;
	[tilespmem:v6+s2+$0x0] =	vst.idx.add.s32.msk $0xffff, v2;
	v6 =	vshrl.u32 v8, $0x10  }
0x681: {  	s3 =	sor.u32 $0xC20, s5;
	v8 =	vld [tilespmem:s1+$0x14540];
	v6 =	vand.u32 $0xFFF8, v6  }
0x682: {  	v9 =	vld [tilespmem:s3+$0x14000];
	v7 =	vshrl.u32 v7, $0x10;
	v6 =	vor.u32 v1, v6  }
0x683: {  	s8 =	sor.u32 $0xC30, s4;
	[tilespmem:v3+s2+$0x0] =	vst.idx.add.s32.msk $0xffff, v2;
	v7 =	vand.u32 $0xFFF8, v7  }
0x684: {  	v3 =	vor.u32 v1, v7;
	v5 =	vshrl.u32 v5, $0x10;
	v7 =	vld [tilespmem:s8+$0x14000]  }
0x685: {  	s9 =	sor.u32 $0xC30, s6;
	v5 =	vand.u32 $0xFFF8, v5;
	[tilespmem:v4+s2+$0x0] =	vst.idx.add.s32.msk $0xffff, v2  }
0x686: {  	v4 =	vor.u32 v1, v5;
	v5 =	vld [tilespmem:s9+$0x14000];
	v8 =	vshrl.u32 v8, $0x10  }
0x687: {  	v8 =	vand.u32 $0xFFF8, v8;
	[tilespmem:v6+s2+$0x0] =	vst.idx.add.s32.msk $0xffff, v2  }
0x688: {  	v6 =	vshrl.u32 v9, $0x10;
	v8 =	vor.u32 v1, v8;
	v9 =	vld [tilespmem:s1+$0x145E0]  }
0x689: {  	v6 =	vand.u32 $0xFFF8, v6;
	[tilespmem:v3+s2+$0x0] =	vst.idx.add.s32.msk $0xffff, v2  }
0x68a: {  	v7 =	vshrl.u32 v7, $0x10;
	v3 =	vor.u32 v1, v6;
	v6 =	vld [tilespmem:s1+$0x14450]  }
0x68b: {  	v7 =	vand.u32 $0xFFF8, v7;
	[tilespmem:v4+s2+$0x0] =	vst.idx.add.s32.msk $0xffff, v2;
	v4 =	vshrl.u32 v5, $0x10  }
0x68c: {  	v5 =	vor.u32 v1, v7;
	v7 =	vld [tilespmem:s1+$0x144D0];
	v4 =	vand.u32 $0xFFF8, v4  }
0x68d: {  	v4 =	vor.u32 v1, v4;
	[tilespmem:v8+s2+$0x0] =	vst.idx.add.s32.msk $0xffff, v2;
	v8 =	vshrl.u32 v9, $0x10  }
0x68e: {  	v9 =	vld [tilespmem:s1+$0x14550];
	v8 =	vand.u32 $0xFFF8, v8  }
0x68f: {  	s10 =	sor.u32 $0xC30, s5;
	v6 =	vshrl.u32 v6, $0x10;
	[tilespmem:v3+s2+$0x0] =	vst.idx.add.s32.msk $0xffff, v2;
	v3 =	vor.u32 v1, v8  }
0x690: {  	v6 =	vand.u32 $0xFFF8, v6;
	v8 =	vld [tilespmem:s10+$0x14000]  }
0x691: {  	[tilespmem:v5+s2+$0x0] =	vst.idx.add.s32.msk $0xffff, v2;
	v6 =	vor.u32 v1, v6;
	v7 =	vshrl.u32 v7, $0x10  }
0x692: {  	s11 =	sor.u32 $0xC40, s4;
	v5 =	vand.u32 $0xFFF8, v7;
	[tilespmem:v4+s2+$0x0] =	vst.idx.add.s32.msk $0xffff, v2  }
0x693: {  	v4 =	vor.u32 v1, v5;
	v5 =	vld [tilespmem:s11+$0x14000];
	v7 =	vshrl.u32 v9, $0x10  }
0x694: {  	v7 =	vand.u32 $0xFFF8, v7;
	[tilespmem:v3+s2+$0x0] =	vst.idx.add.s32.msk $0xffff, v2  }
0x695: {  	v3 =	vshrl.u32 v8, $0x10;
	v7 =	vor.u32 v1, v7;
	v8 =	vld [tilespmem:s1+$0x145F0]  }
0x696: {  	[tilespmem:v6+s2+$0x0] =	vst.idx.add.s32.msk $0xffff, v2;
	v3 =	vand.u32 $0xFFF8, v3  }
0x697: {  	v6 =	vld [tilespmem:s1+$0x14460];
	v3 =	vor.u32 v1, v3  }
0x698: {  	[tilespmem:v4+s2+$0x0] =	vst.idx.add.s32.msk $0xffff, v2;
	v4 =	vshrl.u32 v5, $0x10  }
0x699: {  	v5 =	vld [tilespmem:s1+$0x144E0];
	v4 =	vand.u32 $0xFFF8, v4  }
0x69a: {  	v4 =	vor.u32 v1, v4;
	[tilespmem:v7+s2+$0x0] =	vst.idx.add.s32.msk $0xffff, v2;
	v7 =	vshrl.u32 v8, $0x10  }
0x69b: {  	v8 =	vld [tilespmem:s1+$0x14560];
	v7 =	vand.u32 $0xFFF8, v7  }
0x69c: {  	p0 =	por !p0, !p0;
	s12 =	sor.u32 $0xC40, s6;
	s3 =	simm.s32 $0x1;
	v6 =	vshrl.u32 v6, $0x10;
	[tilespmem:v3+s2+$0x0] =	vst.idx.add.s32.msk $0xffff, v2;
	v3 =	vor.u32 v1, v7  }
0x69d: {  	s13 =	sor.u32 $0xC40, s5;
	s3 =	simm.s32 @!p0 $0x0;
	v6 =	vand.u32 $0xFFF8, v6;
	v7 =	vld [tilespmem:s12+$0x14000]  }
0x69e: {  	s14 =	sshll.u32 s3, $0x9;
	v9 =	vld [tilespmem:s13+$0x14000];
	v6 =	vor.u32 v1, v6;
	v5 =	vshrl.u32 v5, $0x10  }
0x69f: {  	s15 =	sor.u32 $0xC50, s4;
	s0 =	sadd.s32 $0x800, s14;
	v5 =	vand.u32 $0xFFF8, v5;
	[tilespmem:v4+s2+$0x0] =	vst.idx.add.s32.msk $0xffff, v2  }
0x6a0: {  	s8 =	sadd.s32 $0x180, s0;
	v4 =	vor.u32 v1, v5;
	v5 =	vld [tilespmem:s15+$0x14000];
	v8 =	vshrl.u32 v8, $0x10  }
0x6a1: {  	s16 =	sor.u32 $0x800, s8;
	v8 =	vand.u32 $0xFFF8, v8;
	[tilespmem:v3+s2+$0x0] =	vst.idx.add.s32.msk $0xffff, v2  }
0x6a2: {  	v3 =	vshrl.u32 v7, $0x10;
	v7 =	vor.u32 v1, v8;
	v8 =	vld [tilespmem:s16+$0x14000]  }
0x6a3: {  	[tilespmem:v6+s2+$0x0] =	vst.idx.add.s32.msk $0xffff, v2;
	v3 =	vand.u32 $0xFFF8, v3  }
0x6a4: {  	v9 =	vshrl.u32 v9, $0x10;
	v6 =	vld [tilespmem:s1+$0x14470];
	v3 =	vor.u32 v1, v3  }
0x6a5: {  	v9 =	vand.u32 $0xFFF8, v9;
	[tilespmem:v4+s2+$0x0] =	vst.idx.add.s32.msk $0xffff, v2  }
0x6a6: {  	v4 =	vshrl.u32 v5, $0x10;
	v5 =	vor.u32 v1, v9;
	v9 =	vld [tilespmem:s1+$0x144F0]  }
0x6a7: {  	v4 =	vand.u32 $0xFFF8, v4;
	[tilespmem:v7+s2+$0x0] =	vst.idx.add.s32.msk $0xffff, v2;
	v7 =	vshrl.u32 v8, $0x10  }
0x6a8: {  	v4 =	vor.u32 v1, v4;
	v8 =	vld [tilespmem:s1+$0x14570];
	v7 =	vand.u32 $0xFFF8, v7  }
0x6a9: {  	s17 =	sor.u32 $0xC50, s6;
	v6 =	vshrl.u32 v6, $0x10;
	[tilespmem:v3+s2+$0x0] =	vst.idx.add.s32.msk $0xffff, v2;
	v3 =	vor.u32 v1, v7  }
0x6aa: {  	v6 =	vand.u32 $0xFFF8, v6;
	v7 =	vld [tilespmem:s17+$0x14000]  }
0x6ab: {  	s18 =	sor.u32 $0xC50, s5;
	[tilespmem:v5+s2+$0x0] =	vst.idx.add.s32.msk $0xffff, v2;
	v6 =	vor.u32 v1, v6;
	v9 =	vshrl.u32 v9, $0x10  }
0x6ac: {  	v5 =	vand.u32 $0xFFF8, v9;
	v9 =	vld [tilespmem:s18+$0x14000]  }
0x6ad: {  	[tilespmem:v4+s2+$0x0] =	vst.idx.add.s32.msk $0xffff, v2;
	v5 =	vor.u32 v1, v5;
	v4 =	vshrl.u32 v8, $0x10  }
0x6ae: {  	s19 =	sor.u32 $0x810, s8;
	v4 =	vand.u32 $0xFFF8, v4;
	[tilespmem:v3+s2+$0x0] =	vst.idx.add.s32.msk $0xffff, v2  }
0x6af: {  	v3 =	vshrl.u32 v7, $0x10;
	v4 =	vor.u32 v1, v4;
	v7 =	vld [tilespmem:s19+$0x14000]  }
0x6b0: {  	s20 =	sor.u32 $0x800, s0;
	[tilespmem:v6+s2+$0x0] =	vst.idx.add.s32.msk $0xffff, v2;
	v3 =	vand.u32 $0xFFF8, v3  }
0x6b1: {  	s1 =	sadd.s32 $0x80, s0;
	v6 =	vld [tilespmem:s20+$0x14000];
	v3 =	vor.u32 v1, v3;
	v8 =	vshrl.u32 v9, $0x10  }
0x6b2: {  	s21 =	sor.u32 $0x800, s1;
	[tilespmem:v5+s2+$0x0] =	vst.idx.add.s32.msk $0xffff, v2;
	v5 =	vand.u32 $0xFFF8, v8  }
0x6b3: {  	s3 =	sadd.s32 $0x100, s0;
	v8 =	vld [tilespmem:s21+$0x14000];
	v5 =	vor.u32 v1, v5  }
0x6b4: {  	s22 =	sor.u32 $0x800, s3;
	[tilespmem:v4+s2+$0x0] =	vst.idx.add.s32.msk $0xffff, v2;
	v4 =	vshrl.u32 v7, $0x10  }
0x6b5: {  	v7 =	vld [tilespmem:s22+$0x14000];
	v4 =	vand.u32 $0xFFF8, v4  }
0x6b6: {  	s23 =	sor.u32 $0xC60, s4;
	v6 =	vshrl.u32 v6, $0x10;
	[tilespmem:v3+s2+$0x0] =	vst.idx.add.s32.msk $0xffff, v2;
	v3 =	vor.u32 v1, v4  }
0x6b7: {  	v4 =	vand.u32 $0xFFF8, v6;
	v6 =	vld [tilespmem:s23+$0x14000]  }
0x6b8: {  	s24 =	sor.u32 $0xC60, s6;
	v4 =	vor.u32 v1, v4;
	v8 =	vshrl.u32 v8, $0x10;
	[tilespmem:v5+s2+$0x0] =	vst.idx.add.s32.msk $0xffff, v2  }
0x6b9: {  	s10 =	sor.u32 $0xC60, s5;
	v5 =	vand.u32 $0xFFF8, v8;
	v8 =	vld [tilespmem:s24+$0x14000]  }
0x6ba: {  	v9 =	vld [tilespmem:s10+$0x14000];
	v5 =	vor.u32 v1, v5;
	v7 =	vshrl.u32 v7, $0x10  }
0x6bb: {  	s25 =	sor.u32 $0x820, s8;
	v7 =	vand.u32 $0xFFF8, v7;
	[tilespmem:v3+s2+$0x0] =	vst.idx.add.s32.msk $0xffff, v2  }
0x6bc: {  	v3 =	vor.u32 v1, v7;
	v7 =	vld [tilespmem:s25+$0x14000]  }
0x6bd: {  	s26 =	sor.u32 $0x810, s0;
	v6 =	vshrl.u32 v6, $0x10;
	[tilespmem:v4+s2+$0x0] =	vst.idx.add.s32.msk $0xffff, v2  }
0x6be: {  	v4 =	vand.u32 $0xFFF8, v6;
	v6 =	vld [tilespmem:s26+$0x14000]  }
0x6bf: {  	s10 =	sor.u32 $0x810, s1;
	v8 =	vshrl.u32 v8, $0x10;
	[tilespmem:v5+s2+$0x0] =	vst.idx.add.s32.msk $0xffff, v2  }
0x6c0: {  	v4 =	vor.u32 v1, v4;
	v5 =	vand.u32 $0xFFF8, v8;
	v8 =	vshrl.u32 v9, $0x10;
	v9 =	vld [tilespmem:s10+$0x14000]  }
0x6c1: {  	s11 =	sor.u32 $0x810, s3;
	v10 =	vor.u32 v1, v5;
	v5 =	vand.u32 $0xFFF8, v8;
	[tilespmem:v3+s2+$0x0] =	vst.idx.add.s32.msk $0xffff, v2;
	v3 =	vshrl.u32 v7, $0x10  }
0x6c2: {  	v7 =	vor.u32 v1, v5;
	v8 =	vld [tilespmem:s11+$0x14000];
	v3 =	vand.u32 $0xFFF8, v3  }
0x6c3: {  	s7 =	sor.u32 $0xC70, s7;
	v6 =	vshrl.u32 v6, $0x10;
	v3 =	vor.u32 v1, v3  }
0x6c4: {  	v5 =	vld [tilespmem:s7+$0x14000];
	v6 =	vand.u32 $0xFFF8, v6  }
0x6c5: {  	s4 =	sor.u32 $0xC70, s4;
	[tilespmem:v4+s2+$0x0] =	vst.idx.add.s32.msk $0xffff, v2;
	v6 =	vor.u32 v1, v6;
	v9 =	vshrl.u32 v9, $0x10  }
0x6c6: {  	v4 =	vld [tilespmem:s4+$0x14000];
	v9 =	vand.u32 $0xFFF8, v9  }
0x6c7: {  	[tilespmem:v7+s2+$0x0] =	vst.idx.add.s32.msk $0xffff, v2;
	v7 =	vor.u32 v1, v9;
	v8 =	vshrl.u32 v8, $0x10  }
0x6c8: {  	s12 =	sor.u32 $0x830, s8;
	v8 =	vand.u32 $0xFFF8, v8;
	[tilespmem:v3+s2+$0x0] =	vst.idx.add.s32.msk $0xffff, v2  }
0x6c9: {  	v3 =	vor.u32 v1, v8;
	v8 =	vld [tilespmem:s12+$0x14000]  }
0x6ca: {  	s13 =	sor.u32 $0x820, s0;
	[tilespmem:v6+s2+$0x0] =	vst.idx.add.s32.msk $0xffff, v2  }
0x6cb: {  	v9 =	vld [tilespmem:s13+$0x14000]  }
0x6cc: {  	s14 =	sor.u32 $0x820, s1;
	[tilespmem:v7+s2+$0x0] =	vst.idx.add.s32.msk $0xffff, v2  }
0x6cd: {  	v7 =	vld [tilespmem:s14+$0x14000]  }
0x6ce: {  	s15 =	sor.u32 $0x820, s3;
	s16 =	simm.s32 $0x400;
	s17 =	simm.s32 $0x1000;
	[tilespmem:v3+s2+$0x0] =	vst.idx.add.s32.msk $0xffff, v2  }
0x6cf: {  	s18 =	sand.u32 $0x3000, s17;
	s7 =	sand.u32 $0x200, s16;
	v3 =	vshrl.u32 v8, $0x10;
	v8 =	vld [tilespmem:s15+$0x14000]  }
0x6d0: {  	s4 =	sor.u32 s7, s18;
	[tilespmem:v10+s2+$0x0] =	vst.idx.add.s32.msk $0xffff, v2;
	v3 =	vand.u32 $0xFFF8, v3  }
0x6d1: {  	v11 =	vld [tilespmem:s4+$0x14180];
	v9 =	vshrl.u32 v9, $0x10;
	v10 =	vor.u32 v1, v3  }
0x6d2: {  	v9 =	vand.u32 $0xFFF8, v9  }
0x6d3: {  	v12 =	vld [tilespmem:s4+$0x14000];
	v7 =	vshrl.u32 v7, $0x10;
	v9 =	vor.u32 v1, v9  }
0x6d4: {  	v13 =	vld [tilespmem:s4+$0x14080];
	v7 =	vand.u32 $0xFFF8, v7;
	v8 =	vshrl.u32 v8, $0x10  }
0x6d5: {  	v14 =	vld [tilespmem:s4+$0x14100];
	v7 =	vor.u32 v1, v7;
	v8 =	vand.u32 $0xFFF8, v8  }
0x6d6: {  	s19 =	sor.u32 $0x840, s8;
	v11 =	vshrl.u32 v11, $0x10;
	[tilespmem:v10+s2+$0x0] =	vst.idx.add.s32.msk $0xffff, v2;
	v8 =	vor.u32 v1, v8  }
0x6d7: {  	v11 =	vand.u32 $0xFFF8, v11;
	v10 =	vld [tilespmem:s19+$0x14000]  }
0x6d8: {  	s20 =	sor.u32 $0x830, s0;
	[tilespmem:v9+s2+$0x0] =	vst.idx.add.s32.msk $0xffff, v2;
	v9 =	vor.u32 v1, v11  }
0x6d9: {  	v11 =	vshrl.u32 v12, $0x10;
	v22 =	vld [tilespmem:s20+$0x14000]  }
0x6da: {  	[tilespmem:v7+s2+$0x0] =	vst.idx.add.s32.msk $0xffff, v2;
	v7 =	vand.u32 $0xFFF8, v11;
	v11 =	vshrl.u32 v13, $0x10  }
0x6db: {  	s21 =	sor.u32 $0x830, s1;
	v7 =	vor.u32 v1, v7;
	v11 =	vand.u32 $0xFFF8, v11;
	[tilespmem:v8+s2+$0x0] =	vst.idx.add.s32.msk $0xffff, v2  }
0x6dc: {  	v8 =	vshrl.u32 v10, $0x10;
	v10 =	vor.u32 v1, v11;
	v11 =	vld [tilespmem:s21+$0x14000]  }
0x6dd: {  	s22 =	sor.u32 $0x830, s3;
	[tilespmem:v9+s2+$0x0] =	vst.idx.add.s32.msk $0xffff, v2;
	v8 =	vand.u32 $0xFFF8, v8  }
0x6de: {  	v23 =	vshrl.u32 v14, $0x10;
	v25 =	vld [tilespmem:s22+$0x14000];
	v8 =	vor.u32 v1, v8  }
0x6df: {  	v9 =	vand.u32 $0xFFF8, v23;
	v24 =	vld [tilespmem:s4+$0x14190]  }
0x6e0: {  	v9 =	vor.u32 v1, v9;
	[tilespmem:v7+s2+$0x0] =	vst.idx.add.s32.msk $0xffff, v2  }
0x6e1: {  	v26 =	vld [tilespmem:s4+$0x14010]  }
0x6e2: {  	v7 =	vshrl.u32 v22, $0x10;
	[tilespmem:v10+s2+$0x0] =	vst.idx.add.s32.msk $0xffff, v2  }
0x6e3: {  	s23 =	sor.u32 $0x850, s8;
	v7 =	vand.u32 $0xFFF8, v7;
	v10 =	vshrl.u32 v11, $0x10;
	[tilespmem:v8+s2+$0x0] =	vst.idx.add.s32.msk $0xffff, v2  }
0x6e4: {  	v7 =	vor.u32 v1, v7;
	v11 =	vshrl.u32 v24, $0x10;
	v8 =	vand.u32 $0xFFF8, v10;
	v10 =	vld [tilespmem:s23+$0x14000]  }
0x6e5: {  	s6 =	sor.u32 $0xC70, s6;
	[tilespmem:v9+s2+$0x0] =	vst.idx.add.s32.msk $0xffff, v2;
	v9 =	vand.u32 $0xFFF8, v11;
	v8 =	vor.u32 v1, v8  }
0x6e6: {  	v6 =	vld [tilespmem:s6+$0x14000];
	v11 =	vshrl.u32 v25, $0x10;
	v9 =	vor.u32 v1, v9  }
0x6e7: {  	v27 =	vld [tilespmem:s4+$0x14090];
	v11 =	vand.u32 $0xFFF8, v11  }
0x6e8: {  	v28 =	vld [tilespmem:s4+$0x14110];
	v11 =	vor.u32 v1, v11  }
0x6e9: {  	[tilespmem:v7+s2+$0x0] =	vst.idx.add.s32.msk $0xffff, v2;
	v7 =	vshrl.u32 v10, $0x10  }
0x6ea: {  	[tilespmem:v8+s2+$0x0] =	vst.idx.add.s32.msk $0xffff, v2;
	v8 =	vshrl.u32 v26, $0x10;
	v7 =	vand.u32 $0xFFF8, v7  }
0x6eb: {  	[tilespmem:v9+s2+$0x0] =	vst.idx.add.s32.msk $0xffff, v2;
	v8 =	vand.u32 $0xFFF8, v8;
	v7 =	vor.u32 v1, v7  }
0x6ec: {  	v9 =	vshrl.u32 v27, $0x10;
	v10 =	vld [tilespmem:s4+$0x141A0];
	v8 =	vor.u32 v1, v8  }
0x6ed: {  	s24 =	sor.u32 $0x840, s0;
	[tilespmem:v11+s2+$0x0] =	vst.idx.add.s32.msk $0xffff, v2;
	v9 =	vand.u32 $0xFFF8, v9;
	v11 =	vshrl.u32 v28, $0x10  }
0x6ee: {  	s25 =	sor.u32 $0x840, s1;
	v29 =	vld [tilespmem:s24+$0x14000];
	v9 =	vor.u32 v1, v9;
	v11 =	vand.u32 $0xFFF8, v11  }
0x6ef: {  	v30 =	vld [tilespmem:s25+$0x14000];
	v11 =	vor.u32 v1, v11  }
0x6f0: {  	[tilespmem:v7+s2+$0x0] =	vst.idx.add.s32.msk $0xffff, v2  }
0x6f1: {  	s26 =	sor.u32 $0x860, s8;
	v10 =	vshrl.u32 v10, $0x10;
	[tilespmem:v8+s2+$0x0] =	vst.idx.add.s32.msk $0xffff, v2  }
0x6f2: {  	v8 =	vand.u32 $0xFFF8, v10;
	v7 =	vld [tilespmem:s26+$0x14000]  }
0x6f3: {  	[tilespmem:v9+s2+$0x0] =	vst.idx.add.s32.msk $0xffff, v2;
	v8 =	vor.u32 v1, v8  }
0x6f4: {  	v9 =	vshrl.u32 v29, $0x10;
	[tilespmem:v11+s2+$0x0] =	vst.idx.add.s32.msk $0xffff, v2  }
0x6f5: {  	v10 =	vshrl.u32 v30, $0x10;
	v9 =	vand.u32 $0xFFF8, v9;
	v11 =	vld [tilespmem:s4+$0x14020]  }
0x6f6: {  	v10 =	vand.u32 $0xFFF8, v10;
	v31 =	vld [tilespmem:s4+$0x140A0];
	v9 =	vor.u32 v1, v9  }
0x6f7: {  	v10 =	vor.u32 v1, v10;
	v32 =	vld [tilespmem:s4+$0x14120];
	v7 =	vshrl.u32 v7, $0x10  }
0x6f8: {  	[tilespmem:v8+s2+$0x0] =	vst.idx.add.s32.msk $0xffff, v2;
	v7 =	vand.u32 $0xFFF8, v7  }
0x6f9: {  	s6 =	sor.u32 $0x840, s3;
	v8 =	vld [tilespmem:s4+$0x141B0];
	v7 =	vor.u32 v1, v7  }
0x6fa: {  	v33 =	vld [tilespmem:s6+$0x14000];
	v11 =	vshrl.u32 v11, $0x10  }
0x6fb: {  	v12 =	vshrl.u32 v31, $0x10;
	v11 =	vand.u32 $0xFFF8, v11;
	[tilespmem:v9+s2+$0x0] =	vst.idx.add.s32.msk $0xffff, v2  }
0x6fc: {  	s9 =	sor.u32 $0x850, s0;
	[tilespmem:v10+s2+$0x0] =	vst.idx.add.s32.msk $0xffff, v2;
	v9 =	vor.u32 v1, v11;
	v11 =	vand.u32 $0xFFF8, v12  }
0x6fd: {  	v34 =	vshrl.u32 v32, $0x10;
	v35 =	vld [tilespmem:s9+$0x14000];
	v10 =	vor.u32 v1, v11  }
0x6fe: {  	s7 =	sor.u32 $0x870, s8;
	v11 =	vand.u32 $0xFFF8, v34;
	v8 =	vshrl.u32 v8, $0x10;
	[tilespmem:v7+s2+$0x0] =	vst.idx.add.s32.msk $0xffff, v2  }
0x6ff: {  	s10 =	sor.u32 $0x850, s1;
	v7 =	vor.u32 v1, v11;
	v8 =	vand.u32 $0xFFF8, v8;
	v11 =	vld [tilespmem:s7+$0x14000]  }
0x700: {  	v36 =	vld [tilespmem:s10+$0x14000];
	v8 =	vor.u32 v1, v8  }
0x701: {  	[tilespmem:v9+s2+$0x0] =	vst.idx.add.s32.msk $0xffff, v2  }
0x702: {  	[tilespmem:v10+s2+$0x0] =	vst.idx.add.s32.msk $0xffff, v2  }
0x703: {  	v9 =	vshrl.u32 v33, $0x10;
	v10 =	vld [tilespmem:s4+$0x14030]  }
0x704: {  	v9 =	vand.u32 $0xFFF8, v9;
	[tilespmem:v7+s2+$0x0] =	vst.idx.add.s32.msk $0xffff, v2;
	v7 =	vshrl.u32 v11, $0x10  }
0x705: {  	v9 =	vor.u32 v1, v9;
	[tilespmem:v8+s2+$0x0] =	vst.idx.add.s32.msk $0xffff, v2;
	v7 =	vand.u32 $0xFFF8, v7  }
0x706: {  	v8 =	vshrl.u32 v35, $0x10;
	v11 =	vld [tilespmem:s4+$0x141C0];
	v7 =	vor.u32 v1, v7  }
0x707: {  	v8 =	vand.u32 $0xFFF8, v8  }
0x708: {  	v13 =	vshrl.u32 v36, $0x10;
	v37 =	vld [tilespmem:s4+$0x140B0];
	v8 =	vor.u32 v1, v8  }
0x709: {  	v13 =	vand.u32 $0xFFF8, v13;
	v38 =	vld [tilespmem:s4+$0x14130];
	v10 =	vshrl.u32 v10, $0x10  }
0x70a: {  	v13 =	vor.u32 v1, v13;
	[tilespmem:v9+s2+$0x0] =	vst.idx.add.s32.msk $0xffff, v2;
	v9 =	vand.u32 $0xFFF8, v10  }
0x70b: {  	s11 =	sor.u32 $0xC00, s8;
	v10 =	vshrl.u32 v11, $0x10;
	[tilespmem:v7+s2+$0x0] =	vst.idx.add.s32.msk $0xffff, v2;
	v7 =	vor.u32 v1, v9  }
0x70c: {  	v10 =	vand.u32 $0xFFF8, v10;
	v9 =	vld [tilespmem:s11+$0x14000]  }
0x70d: {  	s12 =	sor.u32 $0x850, s3;
	v12 =	vshrl.u32 v37, $0x10;
	[tilespmem:v8+s2+$0x0] =	vst.idx.add.s32.msk $0xffff, v2;
	v8 =	vor.u32 v1, v10  }
0x70e: {  	v11 =	vld [tilespmem:s12+$0x14000];
	v10 =	vand.u32 $0xFFF8, v12  }
0x70f: {  	[tilespmem:v13+s2+$0x0] =	vst.idx.add.s32.msk $0xffff, v2;
	v10 =	vor.u32 v1, v10  }
0x710: {  	v39 =	vshrl.u32 v38, $0x10;
	[tilespmem:v7+s2+$0x0] =	vst.idx.add.s32.msk $0xffff, v2  }
0x711: {  	v12 =	vand.u32 $0xFFF8, v39;
	v7 =	vshrl.u32 v9, $0x10;
	v41 =	vld [tilespmem:s4+$0x14040]  }
0x712: {  	v9 =	vor.u32 v1, v12;
	[tilespmem:v8+s2+$0x0] =	vst.idx.add.s32.msk $0xffff, v2;
	v7 =	vand.u32 $0xFFF8, v7  }
0x713: {  	v8 =	vshrl.u32 v11, $0x10;
	v11 =	vld [tilespmem:s4+$0x141D0];
	v7 =	vor.u32 v1, v7  }
0x714: {  	[tilespmem:v10+s2+$0x0] =	vst.idx.add.s32.msk $0xffff, v2;
	v8 =	vand.u32 $0xFFF8, v8  }
0x715: {  	s13 =	sor.u32 $0x860, s0;
	v8 =	vor.u32 v1, v8;
	v10 =	vld [tilespmem:s4+$0x140C0]  }
0x716: {  	v40 =	vld [tilespmem:s13+$0x14000]  }
0x717: {  	[tilespmem:v9+s2+$0x0] =	vst.idx.add.s32.msk $0xffff, v2;
	v9 =	vshrl.u32 v41, $0x10  }
0x718: {  	v11 =	vshrl.u32 v11, $0x10;
	[tilespmem:v7+s2+$0x0] =	vst.idx.add.s32.msk $0xffff, v2;
	v7 =	vand.u32 $0xFFF8, v9  }
0x719: {  	v9 =	vld [tilespmem:s4+$0x14140];
	v11 =	vand.u32 $0xFFF8, v11;
	v7 =	vor.u32 v1, v7  }
0x71a: {  	s14 =	sor.u32 $0xC10, s8;
	[tilespmem:v8+s2+$0x0] =	vst.idx.add.s32.msk $0xffff, v2;
	v8 =	vshrl.u32 v10, $0x10;
	v10 =	vor.u32 v1, v11  }
0x71b: {  	s15 =	sor.u32 $0x860, s1;
	v42 =	vld [tilespmem:s14+$0x14000];
	v8 =	vand.u32 $0xFFF8, v8  }
0x71c: {  	s16 =	sor.u32 $0x860, s3;
	v11 =	vld [tilespmem:s15+$0x14000];
	v8 =	vor.u32 v1, v8  }
0x71d: {  	v43 =	vld [tilespmem:s16+$0x14000]  }
0x71e: {  	v13 =	vshrl.u32 v40, $0x10;
	[tilespmem:v7+s2+$0x0] =	vst.idx.add.s32.msk $0xffff, v2  }
0x71f: {  	v13 =	vand.u32 $0xFFF8, v13;
	v7 =	vshrl.u32 v9, $0x10;
	[tilespmem:v10+s2+$0x0] =	vst.idx.add.s32.msk $0xffff, v2  }
0x720: {  	v9 =	vor.u32 v1, v13;
	v12 =	vshrl.u32 v42, $0x10;
	v44 =	vld [tilespmem:s4+$0x14050];
	v7 =	vand.u32 $0xFFF8, v7  }
0x721: {  	v11 =	vshrl.u32 v11, $0x10;
	v10 =	vand.u32 $0xFFF8, v12;
	[tilespmem:v8+s2+$0x0] =	vst.idx.add.s32.msk $0xffff, v2;
	v7 =	vor.u32 v1, v7  }
0x722: {  	v8 =	vand.u32 $0xFFF8, v11;
	v10 =	vor.u32 v1, v10;
	v46 =	vld [tilespmem:s4+$0x140D0]  }
0x723: {  	v45 =	vld [tilespmem:s4+$0x141E0];
	v8 =	vor.u32 v1, v8  }
0x724: {  	v11 =	vshrl.u32 v43, $0x10  }
0x725: {  	[tilespmem:v9+s2+$0x0] =	vst.idx.add.s32.msk $0xffff, v2;
	v9 =	vand.u32 $0xFFF8, v11;
	v11 =	vshrl.u32 v44, $0x10  }
0x726: {  	v9 =	vor.u32 v1, v9;
	v11 =	vand.u32 $0xFFF8, v11;
	[tilespmem:v7+s2+$0x0] =	vst.idx.add.s32.msk $0xffff, v2  }
0x727: {  	[tilespmem:v10+s2+$0x0] =	vst.idx.add.s32.msk $0xffff, v2;
	v48 =	vshrl.u32 v46, $0x10;
	v7 =	vor.u32 v1, v11  }
0x728: {  	[tilespmem:v8+s2+$0x0] =	vst.idx.add.s32.msk $0xffff, v2;
	v11 =	vshrl.u32 v45, $0x10;
	v8 =	vand.u32 $0xFFF8, v48  }
0x729: {  	s17 =	sor.u32 $0xC20, s8;
	v47 =	vld [tilespmem:s4+$0x14150];
	v10 =	vand.u32 $0xFFF8, v11;
	v8 =	vor.u32 v1, v8  }
0x72a: {  	v11 =	vld [tilespmem:s17+$0x14000];
	v10 =	vor.u32 v1, v10  }
0x72b: {  	[tilespmem:v9+s2+$0x0] =	vst.idx.add.s32.msk $0xffff, v2  }
0x72c: {  	[tilespmem:v7+s2+$0x0] =	vst.idx.add.s32.msk $0xffff, v2  }
0x72d: {  	v9 =	vld [tilespmem:s4+$0x14060]  }
0x72e: {  	v7 =	vshrl.u32 v47, $0x10;
	[tilespmem:v8+s2+$0x0] =	vst.idx.add.s32.msk $0xffff, v2  }
0x72f: {  	v7 =	vand.u32 $0xFFF8, v7;
	[tilespmem:v10+s2+$0x0] =	vst.idx.add.s32.msk $0xffff, v2  }
0x730: {  	v11 =	vshrl.u32 v11, $0x10;
	v7 =	vor.u32 v1, v7;
	v8 =	vld [tilespmem:s4+$0x140E0]  }
0x731: {  	v10 =	vand.u32 $0xFFF8, v11;
	v11 =	vld [tilespmem:s4+$0x141F0]  }
0x732: {  	s18 =	sor.u32 $0x870, s0  }
0x733: {  	s20 =	sor.u32 $0x870, s1;
	v49 =	vld [tilespmem:s18+$0x14000];
	v10 =	vor.u32 v1, v10;
	v9 =	vshrl.u32 v9, $0x10  }
0x734: {  	v50 =	vld [tilespmem:s20+$0x14000];
	v9 =	vand.u32 $0xFFF8, v9  }
0x735: {  	[tilespmem:v7+s2+$0x0] =	vst.idx.add.s32.msk $0xffff, v2;
	v8 =	vshrl.u32 v8, $0x10;
	v7 =	vor.u32 v1, v9  }
0x736: {  	s21 =	sor.u32 $0x870, s3;
	v9 =	vshrl.u32 v11, $0x10;
	v11 =	vld [tilespmem:s4+$0x14160];
	v8 =	vand.u32 $0xFFF8, v8  }
0x737: {  	v51 =	vld [tilespmem:s21+$0x14000];
	v9 =	vand.u32 $0xFFF8, v9;
	v8 =	vor.u32 v1, v8  }
0x738: {  	s19 =	sor.u32 $0xC30, s8;
	[tilespmem:v10+s2+$0x0] =	vst.idx.add.s32.msk $0xffff, v2;
	v9 =	vor.u32 v1, v9  }
0x739: {  	v10 =	vld [tilespmem:s19+$0x14000]  }
0x73a: {  	v12 =	vshrl.u32 v49, $0x10;
	[tilespmem:v7+s2+$0x0] =	vst.idx.add.s32.msk $0xffff, v2  }
0x73b: {  	v12 =	vand.u32 $0xFFF8, v12;
	v7 =	vshrl.u32 v11, $0x10;
	v52 =	vld [tilespmem:s4+$0x14070]  }
0x73c: {  	v13 =	vshrl.u32 v50, $0x10;
	v11 =	vor.u32 v1, v12;
	v7 =	vand.u32 $0xFFF8, v7;
	[tilespmem:v8+s2+$0x0] =	vst.idx.add.s32.msk $0xffff, v2  }
0x73d: {  	v8 =	vand.u32 $0xFFF8, v13;
	[tilespmem:v9+s2+$0x0] =	vst.idx.add.s32.msk $0xffff, v2;
	v7 =	vor.u32 v1, v7  }
0x73e: {  	v10 =	vshrl.u32 v10, $0x10;
	v54 =	vld [tilespmem:s4+$0x140F0];
	v8 =	vor.u32 v1, v8  }
0x73f: {  	v9 =	vand.u32 $0xFFF8, v10;
	v10 =	vld [tilespmem:s4+$0x14580]  }
0x740: {  	v53 =	vshrl.u32 v51, $0x10;
	v9 =	vor.u32 v1, v9  }
0x741: {  	[tilespmem:v11+s2+$0x0] =	vst.idx.add.s32.msk $0xffff, v2;
	v11 =	vand.u32 $0xFFF8, v53;
	v12 =	vshrl.u32 v52, $0x10  }
0x742: {  	v11 =	vor.u32 v1, v11;
	v12 =	vand.u32 $0xFFF8, v12;
	[tilespmem:v7+s2+$0x0] =	vst.idx.add.s32.msk $0xffff, v2  }
0x743: {  	v56 =	vshrl.u32 v54, $0x10;
	[tilespmem:v8+s2+$0x0] =	vst.idx.add.s32.msk $0xffff, v2;
	v7 =	vor.u32 v1, v12  }
0x744: {  	v10 =	vshrl.u32 v10, $0x10;
	v55 =	vld [tilespmem:s4+$0x14170];
	v8 =	vand.u32 $0xFFF8, v56  }
0x745: {  	s22 =	sor.u32 $0xC40, s8;
	[tilespmem:v9+s2+$0x0] =	vst.idx.add.s32.msk $0xffff, v2;
	v9 =	vand.u32 $0xFFF8, v10;
	v8 =	vor.u32 v1, v8  }
0x746: {  	v10 =	vld [tilespmem:s22+$0x14000];
	v9 =	vor.u32 v1, v9  }
0x747: {  	[tilespmem:v11+s2+$0x0] =	vst.idx.add.s32.msk $0xffff, v2  }
0x748: {  	[tilespmem:v7+s2+$0x0] =	vst.idx.add.s32.msk $0xffff, v2  }
0x749: {  	v11 =	vld [tilespmem:s4+$0x14400]  }
0x74a: {  	v7 =	vshrl.u32 v55, $0x10;
	[tilespmem:v8+s2+$0x0] =	vst.idx.add.s32.msk $0xffff, v2  }
0x74b: {  	v7 =	vand.u32 $0xFFF8, v7;
	[tilespmem:v9+s2+$0x0] =	vst.idx.add.s32.msk $0xffff, v2  }
0x74c: {  	v10 =	vshrl.u32 v10, $0x10;
	v7 =	vor.u32 v1, v7;
	v8 =	vld [tilespmem:s4+$0x14480]  }
0x74d: {  	v9 =	vand.u32 $0xFFF8, v10;
	v10 =	vld [tilespmem:s4+$0x14590]  }
0x74e: {  	s23 =	sor.u32 $0xC00, s0;
	v9 =	vor.u32 v1, v9  }
0x74f: {  	s25 =	sor.u32 $0xC00, s1;
	v57 =	vld [tilespmem:s23+$0x14000];
	v11 =	vshrl.u32 v11, $0x10  }
0x750: {  	v58 =	vld [tilespmem:s25+$0x14000];
	v11 =	vand.u32 $0xFFF8, v11  }
0x751: {  	[tilespmem:v7+s2+$0x0] =	vst.idx.add.s32.msk $0xffff, v2;
	v8 =	vshrl.u32 v8, $0x10;
	v7 =	vor.u32 v1, v11  }
0x752: {  	v10 =	vshrl.u32 v10, $0x10;
	v11 =	vld [tilespmem:s4+$0x14500];
	v8 =	vand.u32 $0xFFF8, v8  }
0x753: {  	s26 =	sor.u32 $0xC00, s3;
	[tilespmem:v9+s2+$0x0] =	vst.idx.add.s32.msk $0xffff, v2;
	v9 =	vand.u32 $0xFFF8, v10;
	v8 =	vor.u32 v1, v8  }
0x754: {  	s24 =	sor.u32 $0xC50, s8;
	v59 =	vld [tilespmem:s26+$0x14000];
	v9 =	vor.u32 v1, v9  }
0x755: {  	v10 =	vld [tilespmem:s24+$0x14000]  }
0x756: {  	v12 =	vshrl.u32 v57, $0x10;
	[tilespmem:v7+s2+$0x0] =	vst.idx.add.s32.msk $0xffff, v2  }
0x757: {  	v12 =	vand.u32 $0xFFF8, v12;
	v7 =	vshrl.u32 v11, $0x10;
	v60 =	vld [tilespmem:s4+$0x14410]  }
0x758: {  	v13 =	vshrl.u32 v58, $0x10;
	v11 =	vor.u32 v1, v12;
	v7 =	vand.u32 $0xFFF8, v7;
	[tilespmem:v8+s2+$0x0] =	vst.idx.add.s32.msk $0xffff, v2  }
0x759: {  	v8 =	vand.u32 $0xFFF8, v13;
	[tilespmem:v9+s2+$0x0] =	vst.idx.add.s32.msk $0xffff, v2;
	v7 =	vor.u32 v1, v7  }
0x75a: {  	v10 =	vshrl.u32 v10, $0x10;
	v62 =	vld [tilespmem:s4+$0x14490];
	v8 =	vor.u32 v1, v8  }
0x75b: {  	v9 =	vand.u32 $0xFFF8, v10;
	v10 =	vld [tilespmem:s4+$0x145A0]  }
0x75c: {  	v61 =	vshrl.u32 v59, $0x10;
	v9 =	vor.u32 v1, v9  }
0x75d: {  	[tilespmem:v11+s2+$0x0] =	vst.idx.add.s32.msk $0xffff, v2;
	v11 =	vand.u32 $0xFFF8, v61;
	v12 =	vshrl.u32 v60, $0x10  }
0x75e: {  	v11 =	vor.u32 v1, v11;
	v12 =	vand.u32 $0xFFF8, v12;
	[tilespmem:v7+s2+$0x0] =	vst.idx.add.s32.msk $0xffff, v2  }
0x75f: {  	v16 =	vshrl.u32 v62, $0x10;
	[tilespmem:v8+s2+$0x0] =	vst.idx.add.s32.msk $0xffff, v2;
	v7 =	vor.u32 v1, v12  }
0x760: {  	v10 =	vshrl.u32 v10, $0x10;
	v63 =	vld [tilespmem:s4+$0x14510];
	v8 =	vand.u32 $0xFFF8, v16  }
0x761: {  	s6 =	sor.u32 $0xC60, s8;
	[tilespmem:v9+s2+$0x0] =	vst.idx.add.s32.msk $0xffff, v2;
	v9 =	vand.u32 $0xFFF8, v10;
	v8 =	vor.u32 v1, v8  }
0x762: {  	v10 =	vld [tilespmem:s6+$0x14000];
	v9 =	vor.u32 v1, v9  }
0x763: {  	[tilespmem:v11+s2+$0x0] =	vst.idx.add.s32.msk $0xffff, v2  }
0x764: {  	[tilespmem:v7+s2+$0x0] =	vst.idx.add.s32.msk $0xffff, v2  }
0x765: {  	v11 =	vld [tilespmem:s4+$0x14420]  }
0x766: {  	v7 =	vshrl.u32 v63, $0x10;
	[tilespmem:v8+s2+$0x0] =	vst.idx.add.s32.msk $0xffff, v2  }
0x767: {  	v7 =	vand.u32 $0xFFF8, v7;
	[tilespmem:v9+s2+$0x0] =	vst.idx.add.s32.msk $0xffff, v2  }
0x768: {  	v10 =	vshrl.u32 v10, $0x10;
	v7 =	vor.u32 v1, v7;
	v8 =	vld [tilespmem:s4+$0x144A0]  }
0x769: {  	v9 =	vand.u32 $0xFFF8, v10;
	v10 =	vld [tilespmem:s4+$0x145B0]  }
0x76a: {  	v9 =	vor.u32 v1, v9  }
0x76b: {  	s7 =	sor.u32 $0xC10, s0;
	v11 =	vshrl.u32 v11, $0x10  }
0x76c: {  	v17 =	vld [tilespmem:s7+$0x14000];
	v11 =	vand.u32 $0xFFF8, v11  }
0x76d: {  	[tilespmem:v7+s2+$0x0] =	vst.idx.add.s32.msk $0xffff, v2;
	v8 =	vshrl.u32 v8, $0x10;
	v11 =	vor.u32 v1, v11  }
0x76e: {  	v7 =	vshrl.u32 v10, $0x10;
	v10 =	vld [tilespmem:s4+$0x14520];
	v8 =	vand.u32 $0xFFF8, v8  }
0x76f: {  	s9 =	sor.u32 $0xC10, s1;
	[tilespmem:v9+s2+$0x0] =	vst.idx.add.s32.msk $0xffff, v2;
	v9 =	vand.u32 $0xFFF8, v7;
	v8 =	vor.u32 v1, v8  }
0x770: {  	s10 =	sor.u32 $0xC10, s3;
	v18 =	vld [tilespmem:s9+$0x14000];
	v9 =	vor.u32 v1, v9  }
0x771: {  	v19 =	vld [tilespmem:s10+$0x14000]  }
0x772: {  	v12 =	vshrl.u32 v17, $0x10;
	[tilespmem:v11+s2+$0x0] =	vst.idx.add.s32.msk $0xffff, v2  }
0x773: {  	v12 =	vand.u32 $0xFFF8, v12;
	v20 =	vld [tilespmem:s4+$0x14430]  }
0x774: {  	v10 =	vshrl.u32 v10, $0x10;
	v11 =	vor.u32 v1, v12;
	[tilespmem:v8+s2+$0x0] =	vst.idx.add.s32.msk $0xffff, v2  }
0x775: {  	v10 =	vand.u32 $0xFFF8, v10;
	[tilespmem:v9+s2+$0x0] =	vst.idx.add.s32.msk $0xffff, v2  }
0x776: {  	v9 =	vor.u32 v1, v10;
	v10 =	vshrl.u32 v18, $0x10;
	v21 =	vld [tilespmem:s4+$0x145C0]  }
0x777: {  	v14 =	vshrl.u32 v19, $0x10;
	v22 =	vld [tilespmem:s4+$0x144B0];
	v10 =	vand.u32 $0xFFF8, v10  }
0x778: {  	v8 =	vor.u32 v1, v10;
	v10 =	vand.u32 $0xFFF8, v14  }
0x779: {  	s11 =	sor.u32 $0xC20, s0;
	[tilespmem:v11+s2+$0x0] =	vst.idx.add.s32.msk $0xffff, v2;
	v10 =	vor.u32 v1, v10;
	v11 =	vshrl.u32 v20, $0x10  }
0x77a: {  	v24 =	vld [tilespmem:s11+$0x14000];
	v11 =	vand.u32 $0xFFF8, v11  }
0x77b: {  	[tilespmem:v9+s2+$0x0] =	vst.idx.add.s32.msk $0xffff, v2;
	v9 =	vor.u32 v1, v11;
	v11 =	vshrl.u32 v21, $0x10  }
0x77c: {  	v14 =	vshrl.u32 v22, $0x10;
	v23 =	vld [tilespmem:s4+$0x14530];
	v11 =	vand.u32 $0xFFF8, v11  }
0x77d: {  	[tilespmem:v8+s2+$0x0] =	vst.idx.add.s32.msk $0xffff, v2;
	v8 =	vand.u32 $0xFFF8, v14;
	v11 =	vor.u32 v1, v11  }
0x77e: {  	s12 =	sor.u32 $0xC20, s1;
	[tilespmem:v10+s2+$0x0] =	vst.idx.add.s32.msk $0xffff, v2;
	v8 =	vor.u32 v1, v8  }
0x77f: {  	v10 =	vld [tilespmem:s12+$0x14000]  }
0x780: {  	[tilespmem:v9+s2+$0x0] =	vst.idx.add.s32.msk $0xffff, v2  }
0x781: {  	v9 =	vshrl.u32 v23, $0x10;
	v25 =	vld [tilespmem:s4+$0x14440]  }
0x782: {  	v9 =	vand.u32 $0xFFF8, v9;
	[tilespmem:v11+s2+$0x0] =	vst.idx.add.s32.msk $0xffff, v2  }
0x783: {  	v13 =	vshrl.u32 v24, $0x10;
	v9 =	vor.u32 v1, v9;
	[tilespmem:v8+s2+$0x0] =	vst.idx.add.s32.msk $0xffff, v2  }
0x784: {  	v11 =	vand.u32 $0xFFF8, v13;
	v26 =	vld [tilespmem:s4+$0x145D0]  }
0x785: {  	v8 =	vshrl.u32 v10, $0x10;
	v11 =	vor.u32 v1, v11;
	v10 =	vld [tilespmem:s4+$0x144C0]  }
0x786: {  	s13 =	sor.u32 $0xC20, s3;
	v8 =	vand.u32 $0xFFF8, v8  }
0x787: {  	v27 =	vld [tilespmem:s13+$0x14000];
	v8 =	vor.u32 v1, v8;
	v12 =	vshrl.u32 v25, $0x10  }
0x788: {  	v12 =	vand.u32 $0xFFF8, v12;
	[tilespmem:v9+s2+$0x0] =	vst.idx.add.s32.msk $0xffff, v2  }
0x789: {  	v9 =	vor.u32 v1, v12;
	v28 =	vshrl.u32 v26, $0x10;
	v29 =	vld [tilespmem:s4+$0x14540]  }
0x78a: {  	s14 =	sor.u32 $0xC30, s0;
	[tilespmem:v11+s2+$0x0] =	vst.idx.add.s32.msk $0xffff, v2;
	v10 =	vshrl.u32 v10, $0x10;
	v11 =	vand.u32 $0xFFF8, v28  }
0x78b: {  	v30 =	vld [tilespmem:s14+$0x14000];
	v10 =	vand.u32 $0xFFF8, v10;
	v11 =	vor.u32 v1, v11  }
0x78c: {  	s15 =	sor.u32 $0xC30, s1;
	[tilespmem:v8+s2+$0x0] =	vst.idx.add.s32.msk $0xffff, v2;
	v10 =	vor.u32 v1, v10  }
0x78d: {  	v31 =	vld [tilespmem:s15+$0x14000]  }
0x78e: {  	v8 =	vshrl.u32 v27, $0x10;
	[tilespmem:v9+s2+$0x0] =	vst.idx.add.s32.msk $0xffff, v2  }
0x78f: {  	v8 =	vand.u32 $0xFFF8, v8;
	v32 =	vld [tilespmem:s4+$0x14450]  }
0x790: {  	v8 =	vor.u32 v1, v8;
	v9 =	vshrl.u32 v29, $0x10;
	[tilespmem:v11+s2+$0x0] =	vst.idx.add.s32.msk $0xffff, v2  }
0x791: {  	v9 =	vand.u32 $0xFFF8, v9;
	[tilespmem:v10+s2+$0x0] =	vst.idx.add.s32.msk $0xffff, v2  }
0x792: {  	v9 =	vor.u32 v1, v9;
	v11 =	vshrl.u32 v30, $0x10;
	v33 =	vld [tilespmem:s4+$0x145E0]  }
0x793: {  	v10 =	vshrl.u32 v31, $0x10;
	v11 =	vand.u32 $0xFFF8, v11;
	v34 =	vld [tilespmem:s4+$0x144D0]  }
0x794: {  	v10 =	vand.u32 $0xFFF8, v10;
	v11 =	vor.u32 v1, v11  }
0x795: {  	s16 =	sor.u32 $0xC30, s3;
	[tilespmem:v8+s2+$0x0] =	vst.idx.add.s32.msk $0xffff, v2;
	v10 =	vor.u32 v1, v10;
	v13 =	vshrl.u32 v32, $0x10  }
0x796: {  	v36 =	vld [tilespmem:s16+$0x14000];
	v8 =	vand.u32 $0xFFF8, v13  }
0x797: {  	[tilespmem:v9+s2+$0x0] =	vst.idx.add.s32.msk $0xffff, v2;
	v8 =	vor.u32 v1, v8;
	v9 =	vshrl.u32 v33, $0x10  }
0x798: {  	v35 =	vld [tilespmem:s4+$0x14550];
	v14 =	vshrl.u32 v34, $0x10;
	v9 =	vand.u32 $0xFFF8, v9  }
0x799: {  	[tilespmem:v11+s2+$0x0] =	vst.idx.add.s32.msk $0xffff, v2;
	v11 =	vand.u32 $0xFFF8, v14;
	v9 =	vor.u32 v1, v9  }
0x79a: {  	s17 =	sor.u32 $0xC40, s0;
	[tilespmem:v10+s2+$0x0] =	vst.idx.add.s32.msk $0xffff, v2;
	v10 =	vor.u32 v1, v11  }
0x79b: {  	v11 =	vld [tilespmem:s17+$0x14000]  }
0x79c: {  	[tilespmem:v8+s2+$0x0] =	vst.idx.add.s32.msk $0xffff, v2  }
0x79d: {  	v8 =	vshrl.u32 v35, $0x10;
	v37 =	vld [tilespmem:s4+$0x14460]  }
0x79e: {  	v8 =	vand.u32 $0xFFF8, v8;
	[tilespmem:v9+s2+$0x0] =	vst.idx.add.s32.msk $0xffff, v2  }
0x79f: {  	v13 =	vshrl.u32 v36, $0x10;
	v8 =	vor.u32 v1, v8;
	[tilespmem:v10+s2+$0x0] =	vst.idx.add.s32.msk $0xffff, v2  }
0x7a0: {  	v9 =	vand.u32 $0xFFF8, v13;
	v38 =	vld [tilespmem:s4+$0x145F0]  }
0x7a1: {  	s5 =	sor.u32 $0xC70, s5;
	v10 =	vshrl.u32 v11, $0x10;
	v9 =	vor.u32 v1, v9;
	v11 =	vld [tilespmem:s4+$0x144E0]  }
0x7a2: {  	v3 =	vld [tilespmem:s5+$0x14000];
	s18 =	sor.u32 $0xC40, s1;
	v10 =	vand.u32 $0xFFF8, v10  }
0x7a3: {  	v39 =	vld [tilespmem:s18+$0x14000];
	v10 =	vor.u32 v1, v10;
	v12 =	vshrl.u32 v37, $0x10  }
0x7a4: {  	v12 =	vand.u32 $0xFFF8, v12;
	[tilespmem:v8+s2+$0x0] =	vst.idx.add.s32.msk $0xffff, v2  }
0x7a5: {  	v8 =	vor.u32 v1, v12;
	v40 =	vshrl.u32 v38, $0x10;
	v41 =	vld [tilespmem:s4+$0x14560]  }
0x7a6: {  	s19 =	sor.u32 $0xC40, s3;
	[tilespmem:v9+s2+$0x0] =	vst.idx.add.s32.msk $0xffff, v2;
	v11 =	vshrl.u32 v11, $0x10;
	v9 =	vand.u32 $0xFFF8, v40  }
0x7a7: {  	v42 =	vld [tilespmem:s19+$0x14000];
	v11 =	vand.u32 $0xFFF8, v11;
	v9 =	vor.u32 v1, v9  }
0x7a8: {  	p0 =	por !p0, !p0;
	s5 =	simm.s32 $0x1;
	s20 =	sor.u32 $0xC50, s0;
	[tilespmem:v10+s2+$0x0] =	vst.idx.add.s32.msk $0xffff, v2;
	v10 =	vor.u32 v1, v11  }
0x7a9: {  	s5 =	simm.s32 @!p0 $0x0;
	v11 =	vld [tilespmem:s20+$0x14000]  }
0x7aa: {  	s5 =	sshll.u32 s5, $0x9;
	v14 =	vshrl.u32 v39, $0x10;
	[tilespmem:v8+s2+$0x0] =	vst.idx.add.s32.msk $0xffff, v2  }
0x7ab: {  	s5 =	sadd.s32 $0x1000, s5;
	v8 =	vand.u32 $0xFFF8, v14;
	v13 =	vshrl.u32 v41, $0x10;
	v43 =	vld [tilespmem:s4+$0x14470]  }
0x7ac: {  	s23 =	sadd.s32 $0x180, s5;
	v8 =	vor.u32 v1, v8;
	v13 =	vand.u32 $0xFFF8, v13;
	[tilespmem:v9+s2+$0x0] =	vst.idx.add.s32.msk $0xffff, v2  }
0x7ad: {  	s21 =	sor.u32 $0x800, s23;
	v9 =	vor.u32 v1, v13;
	[tilespmem:v10+s2+$0x0] =	vst.idx.add.s32.msk $0xffff, v2  }
0x7ae: {  	v12 =	vshrl.u32 v42, $0x10;
	v44 =	vld [tilespmem:s21+$0x14000]  }
0x7af: {  	s8 =	sor.u32 $0xC70, s8;
	v12 =	vand.u32 $0xFFF8, v12;
	v45 =	vld [tilespmem:s4+$0x144F0]  }
0x7b0: {  	v7 =	vld [tilespmem:s8+$0x14000];
	v10 =	vshrl.u32 v11, $0x10;
	v11 =	vor.u32 v1, v12  }
0x7b1: {  	v10 =	vand.u32 $0xFFF8, v10;
	v14 =	vshrl.u32 v43, $0x10;
	[tilespmem:v8+s2+$0x0] =	vst.idx.add.s32.msk $0xffff, v2  }
0x7b2: {  	v8 =	vor.u32 v1, v10;
	v10 =	vand.u32 $0xFFF8, v14;
	[tilespmem:v9+s2+$0x0] =	vst.idx.add.s32.msk $0xffff, v2  }
0x7b3: {  	s22 =	sor.u32 $0xC50, s1;
	v9 =	vor.u32 v1, v10;
	v10 =	vshrl.u32 v44, $0x10;
	v46 =	vld [tilespmem:s4+$0x14570]  }
0x7b4: {  	v47 =	vld [tilespmem:s22+$0x14000];
	v12 =	vshrl.u32 v45, $0x10;
	v10 =	vand.u32 $0xFFF8, v10  }
0x7b5: {  	s24 =	sor.u32 $0xC50, s3;
	[tilespmem:v11+s2+$0x0] =	vst.idx.add.s32.msk $0xffff, v2;
	v11 =	vand.u32 $0xFFF8, v12;
	v10 =	vor.u32 v1, v10  }
0x7b6: {  	v48 =	vld [tilespmem:s24+$0x14000];
	v11 =	vor.u32 v1, v11  }
0x7b7: {  	[tilespmem:v8+s2+$0x0] =	vst.idx.add.s32.msk $0xffff, v2  }
0x7b8: {  	s25 =	sor.u32 $0x800, s5;
	[tilespmem:v9+s2+$0x0] =	vst.idx.add.s32.msk $0xffff, v2;
	v8 =	vshrl.u32 v46, $0x10  }
0x7b9: {  	v9 =	vld [tilespmem:s25+$0x14000];
	v8 =	vand.u32 $0xFFF8, v8  }
0x7ba: {  	v49 =	vshrl.u32 v47, $0x10;
	[tilespmem:v10+s2+$0x0] =	vst.idx.add.s32.msk $0xffff, v2;
	v8 =	vor.u32 v1, v8  }
0x7bb: {  	s26 =	sor.u32 $0x810, s23;
	s4 =	sadd.s32 $0x80, s5;
	v12 =	vshrl.u32 v48, $0x10;
	v10 =	vand.u32 $0xFFF8, v49;
	[tilespmem:v11+s2+$0x0] =	vst.idx.add.s32.msk $0xffff, v2  }
0x7bc: {  	s7 =	sor.u32 $0x800, s4;
	v11 =	vand.u32 $0xFFF8, v12;
	v50 =	vld [tilespmem:s26+$0x14000];
	v10 =	vor.u32 v1, v10  }
0x7bd: {  	s8 =	sor.u32 $0xC60, s0;
	v51 =	vld [tilespmem:s7+$0x14000];
	v11 =	vor.u32 v1, v11  }
0x7be: {  	s10 =	sadd.s32 $0x100, s5;
	v52 =	vld [tilespmem:s8+$0x14000];
	v9 =	vshrl.u32 v9, $0x10  }
0x7bf: {  	s9 =	sor.u32 $0x800, s10;
	v9 =	vand.u32 $0xFFF8, v9;
	[tilespmem:v8+s2+$0x0] =	vst.idx.add.s32.msk $0xffff, v2  }
0x7c0: {  	v8 =	vor.u32 v1, v9;
	v53 =	vld [tilespmem:s9+$0x14000]  }
0x7c1: {  	v9 =	vshrl.u32 v50, $0x10;
	[tilespmem:v10+s2+$0x0] =	vst.idx.add.s32.msk $0xffff, v2  }
0x7c2: {  	s11 =	sor.u32 $0xC60, s1;
	v10 =	vshrl.u32 v51, $0x10;
	[tilespmem:v11+s2+$0x0] =	vst.idx.add.s32.msk $0xffff, v2;
	v9 =	vand.u32 $0xFFF8, v9  }
0x7c3: {  	s12 =	sor.u32 $0xC60, s3;
	v10 =	vand.u32 $0xFFF8, v10;
	v11 =	vld [tilespmem:s11+$0x14000];
	v9 =	vor.u32 v1, v9  }
0x7c4: {  	v54 =	vshrl.u32 v52, $0x10;
	v55 =	vld [tilespmem:s12+$0x14000];
	v10 =	vor.u32 v1, v10  }
0x7c5: {  	[tilespmem:v8+s2+$0x0] =	vst.idx.add.s32.msk $0xffff, v2;
	v8 =	vand.u32 $0xFFF8, v54  }
0x7c6: {  	s13 =	sor.u32 $0x810, s5;
	v56 =	vshrl.u32 v53, $0x10;
	v8 =	vor.u32 v1, v8  }
0x7c7: {  	v57 =	vld [tilespmem:s13+$0x14000];
	v12 =	vand.u32 $0xFFF8, v56  }
0x7c8: {  	v11 =	vshrl.u32 v11, $0x10;
	[tilespmem:v9+s2+$0x0] =	vst.idx.add.s32.msk $0xffff, v2;
	v9 =	vor.u32 v1, v12  }
0x7c9: {  	s15 =	sor.u32 $0x810, s4;
	[tilespmem:v10+s2+$0x0] =	vst.idx.add.s32.msk $0xffff, v2;
	v10 =	vand.u32 $0xFFF8, v11;
	v11 =	vshrl.u32 v55, $0x10  }
0x7ca: {  	v59 =	vld [tilespmem:s15+$0x14000];
	v10 =	vor.u32 v1, v10;
	v11 =	vand.u32 $0xFFF8, v11  }
0x7cb: {  	s14 =	sor.u32 $0x820, s23;
	[tilespmem:v8+s2+$0x0] =	vst.idx.add.s32.msk $0xffff, v2;
	v8 =	vor.u32 v1, v11  }
0x7cc: {  	v58 =	vld [tilespmem:s14+$0x14000]  }
0x7cd: {  	s0 =	sor.u32 $0xC70, s0;
	[tilespmem:v9+s2+$0x0] =	vst.idx.add.s32.msk $0xffff, v2  }
0x7ce: {  	v13 =	vshrl.u32 v57, $0x10;
	v61 =	vld [tilespmem:s0+$0x14000]  }
0x7cf: {  	v11 =	vand.u32 $0xFFF8, v13;
	[tilespmem:v10+s2+$0x0] =	vst.idx.add.s32.msk $0xffff, v2  }
0x7d0: {  	s16 =	sor.u32 $0x810, s10;
	s21 =	sor.u32 $0x830, s4;
	v9 =	vor.u32 v1, v11;
	v14 =	vshrl.u32 v59, $0x10;
	[tilespmem:v8+s2+$0x0] =	vst.idx.add.s32.msk $0xffff, v2  }
0x7d1: {  	s17 =	sor.u32 $0xC70, s1;
	s22 =	sor.u32 $0x830, s5;
	v60 =	vld [tilespmem:s16+$0x14000];
	v10 =	vand.u32 $0xFFF8, v14;
	[smem:$0x7E5] =	sst s21  }
0x7d2: {  	s24 =	sor.u32 $0x840, s4;
	v8 =	vor.u32 v1, v10;
	v10 =	vld [tilespmem:s17+$0x14000];
	[smem:$0x7E6] =	sst s22  }
0x7d3: {  	s25 =	sor.u32 $0x840, s5;
	[dreg:$0x1c] =	wrdreg s24  }
0x7d4: {  	v11 =	vshrl.u32 v58, $0x10;
	[dreg:$0x1e] =	wrdreg s25  }
0x7d5: {  	s26 =	sor.u32 $0x850, s4;
	v11 =	vand.u32 $0xFFF8, v11;
	[tilespmem:v9+s2+$0x0] =	vst.idx.add.s32.msk $0xffff, v2  }
0x7d6: {  	s1 =	sor.u32 $0x850, s5;
	v11 =	vor.u32 v1, v11;
	[dreg:$0x16] =	wrdreg s26  }
0x7d7: {  	s6 =	sor.u32 $0x860, s4;
	[dreg:$0x1a] =	wrdreg s1  }
0x7d8: {  	s20 =	sor.u32 $0x820, s5;
	s9 =	sor.u32 $0x860, s5;
	[dreg:$0x10] =	wrdreg s6  }
0x7d9: {  	s11 =	sor.u32 $0x870, s4;
	v62 =	vld [tilespmem:s20+$0x14000];
	[dreg:$0x14] =	wrdreg s9  }
0x7da: {  	[dreg:$0xb] =	wrdreg s11  }
0x7db: {  	s13 =	sor.u32 $0x870, s5;
	v9 =	vshrl.u32 v60, $0x10;
	[tilespmem:v11+s2+$0x0] =	vst.idx.add.s32.msk $0xffff, v2  }
0x7dc: {  	s14 =	sor.u32 $0xC00, s5;
	v9 =	vand.u32 $0xFFF8, v9;
	[dreg:$0xe] =	wrdreg s13  }
0x7dd: {  	v5 =	vshrl.u32 v5, $0x10;
	s12 =	sor.u32 $0x830, s23;
	v9 =	vor.u32 v1, v9;
	[dreg:$0xa] =	wrdreg s14  }
0x7de: {  	v5 =	vand.u32 $0xFFF8, v5;
	v4 =	vshrl.u32 v4, $0x10;
	v11 =	vld [tilespmem:s12+$0x14000]  }
0x7df: {  	v5 =	vor.u32 v1, v5;
	v4 =	vand.u32 $0xFFF8, v4;
	v6 =	vshrl.u32 v6, $0x10;
	s28 =	sor.u32 $0xC70, s5;
	s18 =	sor.u32 $0x820, s4;
	[tilespmem:v8+s2+$0x0] =	vst.idx.add.s32.msk $0xffff, v2  }
0x7e0: {  	s31 =	sor.u32 $0xC00, s10;
	s30 =	sor.u32 $0xC10, s10;
	s3 =	sor.u32 $0xC70, s3;
	v8 =	vor.u32 v1, v4;
	v4 =	vand.u32 $0xFFF8, v6;
	v6 =	vld [tilespmem:s18+$0x14000]  }
0x7e1: {  	v7 =	vshrl.u32 v7, $0x10;
	s19 =	sor.u32 $0x820, s10;
	s29 =	sor.u32 $0xC00, s4;
	s8 =	sor.u32 $0x870, s10;
	v63 =	vor.u32 v1, v4;
	v4 =	vld [tilespmem:s3+$0x14000]  }
0x7e2: {  	v7 =	vand.u32 $0xFFF8, v7;
	s7 =	sor.u32 $0xC60, s10;
	s15 =	sor.u32 $0x830, s10;
	s16 =	sor.u32 $0xC60, s5;
	[tilespmem:v9+s2+$0x0] =	vst.idx.add.s32.msk $0xffff, v2  }
0x7e3: {  	v15 =	vor.u32 v1, v7;
	s21 =	sor.u32 $0xC20, s4;
	s25 =	sor.u32 $0xC10, s4;
	v7 =	vld [tilespmem:s19+$0x14000];
	[smem:$0x7E7] =	sst s15  }
0x7e4: {  	v13 =	vshrl.u32 v61, $0x10;
	s24 =	sor.u32 $0xC20, s5;
	s17 =	sor.u32 $0xC30, s5;
	s19 =	sor.u32 $0x840, s10;
	[tilespmem:v5+s2+$0x0] =	vst.idx.add.s32.msk $0xffff, v2  }
0x7e5: {  	v13 =	vand.u32 $0xFFF8, v13;
	s22 =	sor.u32 $0x860, s10;
	s20 =	sor.u32 $0x850, s10;
	[smem:$0x7E8] =	sst s19  }
0x7e6: {  	s26 =	sor.u32 $0xC10, s5;
	s1 =	sor.u32 $0xC70, s10;
	v9 =	vor.u32 v1, v13;
	[dreg:$0x18] =	wrdreg s20  }
0x7e7: {  	v3 =	vshrl.u32 v3, $0x10;
	s6 =	simm.s32 $0x600;
	s11 =	sor.u32 $0xC40, s4;
	[dreg:$0x12] =	wrdreg s22  }
0x7e8: {  	v3 =	vand.u32 $0xFFF8, v3;
	s9 =	sor.u32 $0xC50, s5;
	s13 =	sor.u32 $0xC30, s4;
	s14 =	sor.u32 $0xC60, s4;
	[tilespmem:v8+s2+$0x0] =	vst.idx.add.s32.msk $0xffff, v2  }
0x7e9: {  	v3 =	vor.u32 v1, v3;
	s12 =	sor.u32 $0xC40, s5;
	s5 =	sor.u32 $0xC40, s10;
	s18 =	sor.u32 $0xC50, s4;
	v5 =	vshrl.u32 v10, $0x10;
	[tilespmem:v63+s2+$0x0] =	vst.idx.add.s32.msk $0xffff, v2;
	v8 =	vshrl.u32 v62, $0x10  }
0x7ea: {  	s4 =	sor.u32 $0xC70, s4;
	s15 =	sor.u32 $0xC30, s10;
	s22 =	sor.u32 $0xC20, s10;
	v5 =	vand.u32 $0xFFF8, v5;
	v10 =	vshrl.u32 v11, $0x10;
	[tilespmem:v15+s2+$0x0] =	vst.idx.add.s32.msk $0xffff, v2;
	v8 =	vand.u32 $0xFFF8, v8  }
0x7eb: {  	s19 =	sor.u32 $0xC50, s10;
	s20 =	simm.s32 $0x8;
	s10 =	simm.s32 $0x1800;
	v5 =	vor.u32 v1, v5;
	[tilespmem:v9+s2+$0x0] =	vst.idx.add.s32.msk $0xffff, v2;
	v9 =	vand.u32 $0xFFF8, v10;
	v8 =	vor.u32 v1, v8  }
.LBB2_7:
0x7ec: {  	_ =	sdelay $0x3  }
0x7ed: {  	[dreg:$0x3] =	wrdreg s10;
	s3 =	sand.u32 $0x3000, s10;
	s10 =	sand.u32 $0x200, s6;
	v9 =	vor.u32 v1, v9;
	[tilespmem:v3+s2+$0x0] =	vst.idx.add.s32.msk $0xffff, v2  }
0x7ee: {  	[tilespmem:v5+s2+$0x0] =	vst.idx.add.s32.msk $0xffff, v2;
	s10 =	sor.u32 s10, s3  }
0x7ef: {  	v6 =	vshrl.u32 v6, $0x10;
	v5 =	vld [tilespmem:s10+$0x14180]  }
0x7f0: {  	v3 =	vand.u32 $0xFFF8, v6;
	v10 =	vld [tilespmem:s10+$0x14080];
	v4 =	vshrl.u32 v4, $0x10  }
0x7f1: {  	v6 =	vor.u32 v1, v3;
	v3 =	vand.u32 $0xFFF8, v4;
	v4 =	vld [tilespmem:s10+$0x14000];
	v7 =	vshrl.u32 v7, $0x10  }
0x7f2: {  	s0 =	sor.u32 $0x840, s23;
	v7 =	vand.u32 $0xFFF8, v7;
	[tilespmem:v9+s2+$0x0] =	vst.idx.add.s32.msk $0xffff, v2  }
0x7f3: {  	v7 =	vor.u32 v1, v7;
	v9 =	vld [tilespmem:s0+$0x14000]  }
0x7f4: {  	v11 =	vld [tilespmem:s10+$0x14100];
	s0 =	sld [smem:$0x7E6];
	v5 =	vshrl.u32 v5, $0x10  }
0x7f5: {  	[dreg:$0x5] =	wrdreg s1;
	[tilespmem:v8+s2+$0x0] =	vst.idx.add.s32.msk $0xffff, v2;
	v5 =	vand.u32 $0xFFF8, v5  }
0x7f6: {  	s1 =	sld [smem:$0x7E5];
	v8 =	vshrl.u32 v10, $0x10;
	[tilespmem:v6+s2+$0x0] =	vst.idx.add.s32.msk $0xffff, v2;
	v5 =	vor.u32 v1, v5  }
0x7f7: {  	s3 =	sld [smem:$0x7E7];
	v6 =	vand.u32 $0xFFF8, v8;
	v4 =	vshrl.u32 v4, $0x10;
	v8 =	vld [tilespmem:s0+$0x14000]  }
0x7f8: {  	v6 =	vor.u32 v1, v6;
	v4 =	vand.u32 $0xFFF8, v4;
	[tilespmem:v7+s2+$0x0] =	vst.idx.add.s32.msk $0xffff, v2;
	v7 =	vshrl.u32 v9, $0x10  }
0x7f9: {  	v10 =	vld [tilespmem:s1+$0x14000];
	v4 =	vor.u32 v1, v4;
	v7 =	vand.u32 $0xFFF8, v7  }
0x7fa: {  	v9 =	vshrl.u32 v11, $0x10;
	v11 =	vld [tilespmem:s3+$0x14000];
	v7 =	vor.u32 v1, v7  }
0x7fb: {  	v9 =	vand.u32 $0xFFF8, v9;
	[tilespmem:v5+s2+$0x0] =	vst.idx.add.s32.msk $0xffff, v2  }
0x7fc: {  	v9 =	vor.u32 v1, v9;
	v5 =	vld [tilespmem:s10+$0x14190]  }
0x7fd: {  	[tilespmem:v6+s2+$0x0] =	vst.idx.add.s32.msk $0xffff, v2  }
0x7fe: {  	v8 =	vshrl.u32 v8, $0x10;
	[tilespmem:v4+s2+$0x0] =	vst.idx.add.s32.msk $0xffff, v2  }
0x7ff: {  	[dreg:$0x8] =	wrdreg s4;
	s4 =	sor.u32 $0x850, s23;
	v6 =	vshrl.u32 v10, $0x10;
	v4 =	vand.u32 $0xFFF8, v8;
	v8 =	vshrl.u32 v11, $0x10;
	[tilespmem:v7+s2+$0x0] =	vst.idx.add.s32.msk $0xffff, v2  }
0x800: {  	v6 =	vand.u32 $0xFFF8, v6;
	v4 =	vor.u32 v1, v4;
	v7 =	vand.u32 $0xFFF8, v8;
	v8 =	vld [tilespmem:s4+$0x14000]  }
0x801: {  	v6 =	vor.u32 v1, v6;
	[tilespmem:v9+s2+$0x0] =	vst.idx.add.s32.msk $0xffff, v2;
	v5 =	vshrl.u32 v5, $0x10  }
0x802: {  	v9 =	vld [tilespmem:s10+$0x14010];
	v7 =	vor.u32 v1, v7;
	v5 =	vand.u32 $0xFFF8, v5  }
0x803: {  	v10 =	vld [tilespmem:s10+$0x14090];
	v5 =	vor.u32 v1, v5  }
0x804: {  	v11 =	vld [tilespmem:s10+$0x14110]  }
0x805: {  	[tilespmem:v4+s2+$0x0] =	vst.idx.add.s32.msk $0xffff, v2;
	v4 =	vshrl.u32 v8, $0x10  }
0x806: {  	[tilespmem:v6+s2+$0x0] =	vst.idx.add.s32.msk $0xffff, v2;
	v4 =	vand.u32 $0xFFF8, v4  }
0x807: {  	[dreg:$0x6] =	wrdreg s6;
	v6 =	vshrl.u32 v9, $0x10;
	[tilespmem:v7+s2+$0x0] =	vst.idx.add.s32.msk $0xffff, v2;
	v4 =	vor.u32 v1, v4  }
0x808: {  	s20 =	sadd.s32 $0x4, s20;
	s6 =	rddreg [dreg:$0x1e];
	v6 =	vand.u32 $0xFFF8, v6;
	v7 =	vshrl.u32 v10, $0x10;
	[tilespmem:v5+s2+$0x0] =	vst.idx.add.s32.msk $0xffff, v2  }
0x809: {  	[dreg:$0x9] =	wrdreg s20;
	v5 =	vor.u32 v1, v6;
	v6 =	vand.u32 $0xFFF8, v7;
	v8 =	vld [tilespmem:s10+$0x141A0]  }
0x80a: {  	p1 =	slt.u32 s20, $0x1C;
	s20 =	rddreg [dreg:$0x1c];
	v9 =	vld [tilespmem:s6+$0x14000];
	v7 =	vshrl.u32 v11, $0x10;
	v6 =	vor.u32 v1, v6  }
0x80b: {  	v10 =	vld [tilespmem:s20+$0x14000];
	v7 =	vand.u32 $0xFFF8, v7  }
0x80c: {  	s1 =	sor.u32 $0x860, s23;
	v7 =	vor.u32 v1, v7;
	[tilespmem:v4+s2+$0x0] =	vst.idx.add.s32.msk $0xffff, v2  }
0x80d: {  	v4 =	vld [tilespmem:s1+$0x14000]  }
0x80e: {  	[tilespmem:v5+s2+$0x0] =	vst.idx.add.s32.msk $0xffff, v2;
	v5 =	vshrl.u32 v8, $0x10  }
0x80f: {  	[tilespmem:v6+s2+$0x0] =	vst.idx.add.s32.msk $0xffff, v2;
	v5 =	vand.u32 $0xFFF8, v5  }
0x810: {  	v6 =	vshrl.u32 v9, $0x10;
	v8 =	vld [tilespmem:s10+$0x14020];
	v5 =	vor.u32 v1, v5  }
0x811: {  	s3 =	sld [smem:$0x7E8];
	[tilespmem:v7+s2+$0x0] =	vst.idx.add.s32.msk $0xffff, v2;
	v6 =	vand.u32 $0xFFF8, v6;
	v7 =	vshrl.u32 v10, $0x10  }
0x812: {  	v9 =	vld [tilespmem:s10+$0x140A0];
	v6 =	vor.u32 v1, v6;
	v7 =	vand.u32 $0xFFF8, v7;
	v4 =	vshrl.u32 v4, $0x10  }
0x813: {  	v10 =	vld [tilespmem:s10+$0x14120];
	v7 =	vor.u32 v1, v7;
	v4 =	vand.u32 $0xFFF8, v4  }
0x814: {  	v11 =	vld [tilespmem:s3+$0x14000];
	v4 =	vor.u32 v1, v4  }
0x815: {  	[tilespmem:v5+s2+$0x0] =	vst.idx.add.s32.msk $0xffff, v2  }
0x816: {  	v5 =	vshrl.u32 v8, $0x10;
	v8 =	vld [tilespmem:s10+$0x141B0]  }
0x817: {  	v9 =	vshrl.u32 v9, $0x10;
	[tilespmem:v6+s2+$0x0] =	vst.idx.add.s32.msk $0xffff, v2;
	v5 =	vand.u32 $0xFFF8, v5  }
0x818: {  	v6 =	vand.u32 $0xFFF8, v9;
	v9 =	vshrl.u32 v10, $0x10;
	[tilespmem:v7+s2+$0x0] =	vst.idx.add.s32.msk $0xffff, v2;
	v5 =	vor.u32 v1, v5  }
0x819: {  	s4 =	sor.u32 $0x870, s23;
	v6 =	vor.u32 v1, v6;
	v7 =	vand.u32 $0xFFF8, v9;
	v9 =	vshrl.u32 v11, $0x10;
	[tilespmem:v4+s2+$0x0] =	vst.idx.add.s32.msk $0xffff, v2  }
0x81a: {  	s6 =	rddreg [dreg:$0x1a];
	v4 =	vor.u32 v1, v7;
	v7 =	vand.u32 $0xFFF8, v9;
	v9 =	vld [tilespmem:s4+$0x14000]  }
0x81b: {  	s20 =	rddreg [dreg:$0x16];
	v10 =	vld [tilespmem:s6+$0x14000];
	v8 =	vshrl.u32 v8, $0x10  }
0x81c: {  	v11 =	vld [tilespmem:s20+$0x14000];
	v8 =	vand.u32 $0xFFF8, v8  }
0x81d: {  	[tilespmem:v5+s2+$0x0] =	vst.idx.add.s32.msk $0xffff, v2;
	v5 =	vor.u32 v1, v8  }
0x81e: {  	[tilespmem:v6+s2+$0x0] =	vst.idx.add.s32.msk $0xffff, v2  }
0x81f: {  	[tilespmem:v4+s2+$0x0] =	vst.idx.add.s32.msk $0xffff, v2;
	v4 =	vshrl.u32 v9, $0x10  }
0x820: {  	v7 =	vor.u32 v1, v7;
	v6 =	vld [tilespmem:s10+$0x14030];
	v4 =	vand.u32 $0xFFF8, v4  }
0x821: {  	v8 =	vshrl.u32 v10, $0x10;
	v9 =	vld [tilespmem:s10+$0x140B0];
	v4 =	vor.u32 v1, v4  }
0x822: {  	v10 =	vshrl.u32 v11, $0x10;
	v8 =	vand.u32 $0xFFF8, v8;
	[tilespmem:v5+s2+$0x0] =	vst.idx.add.s32.msk $0xffff, v2  }
0x823: {  	v5 =	vor.u32 v1, v8;
	v8 =	vand.u32 $0xFFF8, v10;
	v10 =	vld [tilespmem:s10+$0x141C0]  }
0x824: {  	v11 =	vld [tilespmem:s10+$0x14130]  }
0x825: {  	[tilespmem:v7+s2+$0x0] =	vst.idx.add.s32.msk $0xffff, v2;
	v6 =	vshrl.u32 v6, $0x10;
	v8 =	vor.u32 v1, v8  }
0x826: {  	s1 =	sor.u32 $0xC00, s23;
	v6 =	vand.u32 $0xFFF8, v6;
	v7 =	vshrl.u32 v9, $0x10;
	[tilespmem:v4+s2+$0x0] =	vst.idx.add.s32.msk $0xffff, v2  }
0x827: {  	v4 =	vor.u32 v1, v6;
	v6 =	vand.u32 $0xFFF8, v7;
	v7 =	vld [tilespmem:s1+$0x14000]  }
0x828: {  	s3 =	rddreg [dreg:$0x18];
	v6 =	vor.u32 v1, v6;
	[tilespmem:v5+s2+$0x0] =	vst.idx.add.s32.msk $0xffff, v2;
	v9 =	vshrl.u32 v10, $0x10  }
0x829: {  	v10 =	vld [tilespmem:s3+$0x14000];
	v9 =	vand.u32 $0xFFF8, v9  }
0x82a: {  	s4 =	rddreg [dreg:$0x14];
	v11 =	vshrl.u32 v11, $0x10;
	[tilespmem:v8+s2+$0x0] =	vst.idx.add.s32.msk $0xffff, v2;
	v9 =	vor.u32 v1, v9  }
0x82b: {  	v5 =	vand.u32 $0xFFF8, v11;
	v8 =	vld [tilespmem:s4+$0x14000]  }
0x82c: {  	v5 =	vor.u32 v1, v5;
	[tilespmem:v4+s2+$0x0] =	vst.idx.add.s32.msk $0xffff, v2;
	v4 =	vshrl.u32 v7, $0x10  }
0x82d: {  	[tilespmem:v6+s2+$0x0] =	vst.idx.add.s32.msk $0xffff, v2;
	v4 =	vand.u32 $0xFFF8, v4  }
0x82e: {  	v7 =	vld [tilespmem:s10+$0x14040];
	v4 =	vor.u32 v1, v4  }
0x82f: {  	v6 =	vshrl.u32 v10, $0x10;
	[tilespmem:v9+s2+$0x0] =	vst.idx.add.s32.msk $0xffff, v2  }
0x830: {  	v8 =	vshrl.u32 v8, $0x10;
	v6 =	vand.u32 $0xFFF8, v6;
	v9 =	vld [tilespmem:s10+$0x141D0]  }
0x831: {  	[tilespmem:v5+s2+$0x0] =	vst.idx.add.s32.msk $0xffff, v2;
	v5 =	vand.u32 $0xFFF8, v8;
	v6 =	vor.u32 v1, v6  }
0x832: {  	v8 =	vld [tilespmem:s10+$0x140C0];
	v5 =	vor.u32 v1, v5  }
0x833: {  	s6 =	sor.u32 $0xC10, s23;
	v7 =	vshrl.u32 v7, $0x10;
	[tilespmem:v4+s2+$0x0] =	vst.idx.add.s32.msk $0xffff, v2  }
0x834: {  	v4 =	vand.u32 $0xFFF8, v7;
	v7 =	vld [tilespmem:s6+$0x14000]  }
0x835: {  	v10 =	vld [tilespmem:s10+$0x14140];
	v4 =	vor.u32 v1, v4;
	v9 =	vshrl.u32 v9, $0x10  }
0x836: {  	[tilespmem:v6+s2+$0x0] =	vst.idx.add.s32.msk $0xffff, v2;
	v9 =	vand.u32 $0xFFF8, v9  }
0x837: {  	s20 =	rddreg [dreg:$0x10];
	v6 =	vshrl.u32 v8, $0x10;
	[tilespmem:v5+s2+$0x0] =	vst.idx.add.s32.msk $0xffff, v2;
	v8 =	vor.u32 v1, v9  }
0x838: {  	s1 =	rddreg [dreg:$0x12];
	v6 =	vand.u32 $0xFFF8, v6;
	v9 =	vld [tilespmem:s20+$0x14000]  }
0x839: {  	v11 =	vld [tilespmem:s1+$0x14000];
	v6 =	vor.u32 v1, v6;
	v5 =	vshrl.u32 v7, $0x10  }
0x83a: {  	[tilespmem:v4+s2+$0x0] =	vst.idx.add.s32.msk $0xffff, v2;
	v5 =	vand.u32 $0xFFF8, v5  }
0x83b: {  	v4 =	vshrl.u32 v10, $0x10;
	v7 =	vld [tilespmem:s10+$0x14050];
	v5 =	vor.u32 v1, v5  }
0x83c: {  	v4 =	vand.u32 $0xFFF8, v4;
	[tilespmem:v8+s2+$0x0] =	vst.idx.add.s32.msk $0xffff, v2  }
0x83d: {  	v4 =	vor.u32 v1, v4;
	v8 =	vshrl.u32 v9, $0x10;
	v9 =	vld [tilespmem:s10+$0x141E0]  }
0x83e: {  	v10 =	vshrl.u32 v11, $0x10;
	[tilespmem:v6+s2+$0x0] =	vst.idx.add.s32.msk $0xffff, v2;
	v8 =	vand.u32 $0xFFF8, v8  }
0x83f: {  	v6 =	vor.u32 v1, v8;
	v8 =	vand.u32 $0xFFF8, v10;
	v10 =	vld [tilespmem:s10+$0x140D0]  }
0x840: {  	s3 =	sor.u32 $0xC20, s23;
	v8 =	vor.u32 v1, v8;
	v7 =	vshrl.u32 v7, $0x10;
	[tilespmem:v5+s2+$0x0] =	vst.idx.add.s32.msk $0xffff, v2  }
0x841: {  	v5 =	vand.u32 $0xFFF8, v7;
	v7 =	vld [tilespmem:s3+$0x14000]  }
0x842: {  	[tilespmem:v4+s2+$0x0] =	vst.idx.add.s32.msk $0xffff, v2;
	v5 =	vor.u32 v1, v5;
	v4 =	vshrl.u32 v9, $0x10  }
0x843: {  	v9 =	vld [tilespmem:s10+$0x14150];
	v4 =	vand.u32 $0xFFF8, v4  }
0x844: {  	v10 =	vshrl.u32 v10, $0x10;
	[tilespmem:v6+s2+$0x0] =	vst.idx.add.s32.msk $0xffff, v2;
	v4 =	vor.u32 v1, v4  }
0x845: {  	s4 =	rddreg [dreg:$0xe];
	v6 =	vand.u32 $0xFFF8, v10;
	[tilespmem:v8+s2+$0x0] =	vst.idx.add.s32.msk $0xffff, v2  }
0x846: {  	v8 =	vld [tilespmem:s4+$0x14000];
	v6 =	vor.u32 v1, v6;
	v7 =	vshrl.u32 v7, $0x10  }
0x847: {  	[tilespmem:v5+s2+$0x0] =	vst.idx.add.s32.msk $0xffff, v2;
	v5 =	vand.u32 $0xFFF8, v7  }
0x848: {  	v7 =	vld [tilespmem:s10+$0x14060];
	v9 =	vshrl.u32 v9, $0x10;
	v5 =	vor.u32 v1, v5  }
0x849: {  	v9 =	vand.u32 $0xFFF8, v9;
	[tilespmem:v4+s2+$0x0] =	vst.idx.add.s32.msk $0xffff, v2  }
0x84a: {  	v4 =	vor.u32 v1, v9;
	v9 =	vld [tilespmem:s10+$0x141F0]  }
0x84b: {  	[tilespmem:v6+s2+$0x0] =	vst.idx.add.s32.msk $0xffff, v2  }
0x84c: {  	v6 =	vshrl.u32 v8, $0x10;
	v8 =	vld [tilespmem:s10+$0x140E0]  }
0x84d: {  	s6 =	sor.u32 $0xC30, s23;
	v6 =	vand.u32 $0xFFF8, v6;
	v7 =	vshrl.u32 v7, $0x10;
	[tilespmem:v5+s2+$0x0] =	vst.idx.add.s32.msk $0xffff, v2  }
0x84e: {  	v6 =	vor.u32 v1, v6;
	v5 =	vand.u32 $0xFFF8, v7;
	v7 =	vld [tilespmem:s6+$0x14000]  }
0x84f: {  	v5 =	vor.u32 v1, v5;
	[tilespmem:v4+s2+$0x0] =	vst.idx.add.s32.msk $0xffff, v2;
	v4 =	vshrl.u32 v9, $0x10  }
0x850: {  	s20 =	rddreg [dreg:$0xb];
	v9 =	vld [tilespmem:s10+$0x14160];
	v4 =	vand.u32 $0xFFF8, v4  }
0x851: {  	v10 =	vld [tilespmem:s20+$0x14000];
	v8 =	vshrl.u32 v8, $0x10;
	v4 =	vor.u32 v1, v4  }
0x852: {  	v11 =	vld [tilespmem:s8+$0x14000];
	v8 =	vand.u32 $0xFFF8, v8  }
0x853: {  	[tilespmem:v6+s2+$0x0] =	vst.idx.add.s32.msk $0xffff, v2;
	v8 =	vor.u32 v1, v8;
	v6 =	vshrl.u32 v7, $0x10  }
0x854: {  	[tilespmem:v5+s2+$0x0] =	vst.idx.add.s32.msk $0xffff, v2;
	v5 =	vand.u32 $0xFFF8, v6  }
0x855: {  	v6 =	vld [tilespmem:s10+$0x14070];
	v7 =	vshrl.u32 v9, $0x10;
	v5 =	vor.u32 v1, v5  }
0x856: {  	v7 =	vand.u32 $0xFFF8, v7;
	[tilespmem:v4+s2+$0x0] =	vst.idx.add.s32.msk $0xffff, v2  }
0x857: {  	v4 =	vshrl.u32 v10, $0x10;
	v7 =	vor.u32 v1, v7;
	v9 =	vld [tilespmem:s10+$0x14580]  }
0x858: {  	v10 =	vshrl.u32 v11, $0x10;
	v4 =	vand.u32 $0xFFF8, v4;
	[tilespmem:v8+s2+$0x0] =	vst.idx.add.s32.msk $0xffff, v2  }
0x859: {  	v8 =	vand.u32 $0xFFF8, v10;
	v4 =	vor.u32 v1, v4;
	v10 =	vld [tilespmem:s10+$0x140F0]  }
0x85a: {  	s1 =	sor.u32 $0xC40, s23;
	v8 =	vor.u32 v1, v8;
	v6 =	vshrl.u32 v6, $0x10;
	[tilespmem:v5+s2+$0x0] =	vst.idx.add.s32.msk $0xffff, v2  }
0x85b: {  	v5 =	vand.u32 $0xFFF8, v6;
	v6 =	vld [tilespmem:s1+$0x14000]  }
0x85c: {  	v5 =	vor.u32 v1, v5;
	[tilespmem:v7+s2+$0x0] =	vst.idx.add.s32.msk $0xffff, v2;
	v7 =	vshrl.u32 v9, $0x10  }
0x85d: {  	v9 =	vld [tilespmem:s10+$0x14170];
	v7 =	vand.u32 $0xFFF8, v7  }
0x85e: {  	v10 =	vshrl.u32 v10, $0x10;
	[tilespmem:v4+s2+$0x0] =	vst.idx.add.s32.msk $0xffff, v2;
	v7 =	vor.u32 v1, v7  }
0x85f: {  	s3 =	rddreg [dreg:$0xa];
	[tilespmem:v8+s2+$0x0] =	vst.idx.add.s32.msk $0xffff, v2;
	v4 =	vand.u32 $0xFFF8, v10  }
0x860: {  	v8 =	vld [tilespmem:s3+$0x14000];
	v4 =	vor.u32 v1, v4;
	v6 =	vshrl.u32 v6, $0x10  }
0x861: {  	[tilespmem:v5+s2+$0x0] =	vst.idx.add.s32.msk $0xffff, v2;
	v5 =	vand.u32 $0xFFF8, v6  }
0x862: {  	v6 =	vld [tilespmem:s10+$0x14400];
	v9 =	vshrl.u32 v9, $0x10;
	v5 =	vor.u32 v1, v5  }
0x863: {  	v9 =	vand.u32 $0xFFF8, v9;
	[tilespmem:v7+s2+$0x0] =	vst.idx.add.s32.msk $0xffff, v2  }
0x864: {  	v7 =	vor.u32 v1, v9;
	v9 =	vld [tilespmem:s10+$0x14590]  }
0x865: {  	[tilespmem:v4+s2+$0x0] =	vst.idx.add.s32.msk $0xffff, v2  }
0x866: {  	v4 =	vshrl.u32 v8, $0x10;
	v8 =	vld [tilespmem:s10+$0x14480]  }
0x867: {  	s4 =	sor.u32 $0xC50, s23;
	v4 =	vand.u32 $0xFFF8, v4;
	v6 =	vshrl.u32 v6, $0x10;
	[tilespmem:v5+s2+$0x0] =	vst.idx.add.s32.msk $0xffff, v2  }
0x868: {  	v4 =	vor.u32 v1, v4;
	v5 =	vand.u32 $0xFFF8, v6;
	v6 =	vld [tilespmem:s4+$0x14000]  }
0x869: {  	v5 =	vor.u32 v1, v5;
	[tilespmem:v7+s2+$0x0] =	vst.idx.add.s32.msk $0xffff, v2;
	v7 =	vshrl.u32 v9, $0x10  }
0x86a: {  	v9 =	vld [tilespmem:s10+$0x14500];
	v7 =	vand.u32 $0xFFF8, v7  }
0x86b: {  	v10 =	vld [tilespmem:s29+$0x14000];
	v8 =	vshrl.u32 v8, $0x10;
	v7 =	vor.u32 v1, v7  }
0x86c: {  	v11 =	vld [tilespmem:s31+$0x14000];
	v8 =	vand.u32 $0xFFF8, v8  }
0x86d: {  	[tilespmem:v4+s2+$0x0] =	vst.idx.add.s32.msk $0xffff, v2;
	v8 =	vor.u32 v1, v8;
	v4 =	vshrl.u32 v6, $0x10  }
0x86e: {  	[tilespmem:v5+s2+$0x0] =	vst.idx.add.s32.msk $0xffff, v2;
	v4 =	vand.u32 $0xFFF8, v4  }
0x86f: {  	v5 =	vld [tilespmem:s10+$0x14410];
	v6 =	vshrl.u32 v9, $0x10;
	v4 =	vor.u32 v1, v4  }
0x870: {  	v6 =	vand.u32 $0xFFF8, v6;
	[tilespmem:v7+s2+$0x0] =	vst.idx.add.s32.msk $0xffff, v2  }
0x871: {  	v7 =	vshrl.u32 v10, $0x10;
	v6 =	vor.u32 v1, v6;
	v9 =	vld [tilespmem:s10+$0x145A0]  }
0x872: {  	v10 =	vshrl.u32 v11, $0x10;
	v7 =	vand.u32 $0xFFF8, v7;
	[tilespmem:v8+s2+$0x0] =	vst.idx.add.s32.msk $0xffff, v2  }
0x873: {  	v8 =	vand.u32 $0xFFF8, v10;
	v7 =	vor.u32 v1, v7;
	v10 =	vld [tilespmem:s10+$0x14490]  }
0x874: {  	s6 =	sor.u32 $0xC60, s23;
	v8 =	vor.u32 v1, v8;
	v5 =	vshrl.u32 v5, $0x10;
	[tilespmem:v4+s2+$0x0] =	vst.idx.add.s32.msk $0xffff, v2  }
0x875: {  	v4 =	vand.u32 $0xFFF8, v5;
	v5 =	vld [tilespmem:s6+$0x14000]  }
0x876: {  	v4 =	vor.u32 v1, v4;
	[tilespmem:v6+s2+$0x0] =	vst.idx.add.s32.msk $0xffff, v2;
	v6 =	vshrl.u32 v9, $0x10  }
0x877: {  	v9 =	vld [tilespmem:s10+$0x14510];
	v6 =	vand.u32 $0xFFF8, v6  }
0x878: {  	v10 =	vshrl.u32 v10, $0x10;
	[tilespmem:v7+s2+$0x0] =	vst.idx.add.s32.msk $0xffff, v2;
	v6 =	vor.u32 v1, v6  }
0x879: {  	[tilespmem:v8+s2+$0x0] =	vst.idx.add.s32.msk $0xffff, v2;
	v7 =	vand.u32 $0xFFF8, v10  }
0x87a: {  	v8 =	vld [tilespmem:s26+$0x14000];
	v7 =	vor.u32 v1, v7;
	v5 =	vshrl.u32 v5, $0x10  }
0x87b: {  	[tilespmem:v4+s2+$0x0] =	vst.idx.add.s32.msk $0xffff, v2;
	v4 =	vand.u32 $0xFFF8, v5  }
0x87c: {  	v5 =	vld [tilespmem:s10+$0x14420];
	v9 =	vshrl.u32 v9, $0x10;
	v4 =	vor.u32 v1, v4  }
0x87d: {  	v9 =	vand.u32 $0xFFF8, v9;
	[tilespmem:v6+s2+$0x0] =	vst.idx.add.s32.msk $0xffff, v2  }
0x87e: {  	v6 =	vor.u32 v1, v9;
	v9 =	vld [tilespmem:s10+$0x145B0]  }
0x87f: {  	[tilespmem:v7+s2+$0x0] =	vst.idx.add.s32.msk $0xffff, v2  }
0x880: {  	v7 =	vshrl.u32 v8, $0x10;
	v8 =	vld [tilespmem:s10+$0x144A0]  }
0x881: {  	s8 =	sor.u32 $0xC70, s23;
	v7 =	vand.u32 $0xFFF8, v7;
	v5 =	vshrl.u32 v5, $0x10;
	[tilespmem:v4+s2+$0x0] =	vst.idx.add.s32.msk $0xffff, v2  }
0x882: {  	v7 =	vor.u32 v1, v7;
	v4 =	vand.u32 $0xFFF8, v5;
	v5 =	vld [tilespmem:s8+$0x14000]  }
0x883: {  	v4 =	vor.u32 v1, v4;
	[tilespmem:v6+s2+$0x0] =	vst.idx.add.s32.msk $0xffff, v2;
	v6 =	vshrl.u32 v9, $0x10  }
0x884: {  	v9 =	vld [tilespmem:s10+$0x14520];
	v6 =	vand.u32 $0xFFF8, v6  }
0x885: {  	v10 =	vld [tilespmem:s25+$0x14000];
	v8 =	vshrl.u32 v8, $0x10;
	v6 =	vor.u32 v1, v6  }
0x886: {  	v11 =	vld [tilespmem:s30+$0x14000];
	v8 =	vand.u32 $0xFFF8, v8  }
0x887: {  	[tilespmem:v7+s2+$0x0] =	vst.idx.add.s32.msk $0xffff, v2;
	v8 =	vor.u32 v1, v8;
	v5 =	vshrl.u32 v5, $0x10  }
0x888: {  	[tilespmem:v4+s2+$0x0] =	vst.idx.add.s32.msk $0xffff, v2;
	v4 =	vand.u32 $0xFFF8, v5  }
0x889: {  	v5 =	vld [tilespmem:s10+$0x14430];
	v7 =	vshrl.u32 v9, $0x10;
	v4 =	vor.u32 v1, v4  }
0x88a: {  	v7 =	vand.u32 $0xFFF8, v7;
	[tilespmem:v6+s2+$0x0] =	vst.idx.add.s32.msk $0xffff, v2  }
0x88b: {  	v6 =	vshrl.u32 v10, $0x10;
	v7 =	vor.u32 v1, v7;
	v9 =	vld [tilespmem:s10+$0x145C0]  }
0x88c: {  	v10 =	vshrl.u32 v11, $0x10;
	v6 =	vand.u32 $0xFFF8, v6;
	[tilespmem:v8+s2+$0x0] =	vst.idx.add.s32.msk $0xffff, v2  }
0x88d: {  	v8 =	vand.u32 $0xFFF8, v10;
	v6 =	vor.u32 v1, v6;
	v10 =	vld [tilespmem:s10+$0x144B0]  }
0x88e: {  	v8 =	vor.u32 v1, v8;
	v5 =	vshrl.u32 v5, $0x10;
	[tilespmem:v4+s2+$0x0] =	vst.idx.add.s32.msk $0xffff, v2  }
0x88f: {  	v4 =	vand.u32 $0xFFF8, v5;
	v5 =	vld [tilespmem:s24+$0x14000]  }
0x890: {  	v4 =	vor.u32 v1, v4;
	[tilespmem:v7+s2+$0x0] =	vst.idx.add.s32.msk $0xffff, v2;
	v7 =	vshrl.u32 v9, $0x10  }
0x891: {  	v9 =	vld [tilespmem:s10+$0x14530];
	v7 =	vand.u32 $0xFFF8, v7  }
0x892: {  	v10 =	vshrl.u32 v10, $0x10;
	[tilespmem:v6+s2+$0x0] =	vst.idx.add.s32.msk $0xffff, v2;
	v7 =	vor.u32 v1, v7  }
0x893: {  	[tilespmem:v8+s2+$0x0] =	vst.idx.add.s32.msk $0xffff, v2;
	v6 =	vand.u32 $0xFFF8, v10  }
0x894: {  	v8 =	vld [tilespmem:s21+$0x14000];
	v6 =	vor.u32 v1, v6  }
0x895: {  	v5 =	vshrl.u32 v5, $0x10;
	[tilespmem:v4+s2+$0x0] =	vst.idx.add.s32.msk $0xffff, v2  }
0x896: {  	v4 =	vand.u32 $0xFFF8, v5;
	v5 =	vld [tilespmem:s10+$0x14440];
	v9 =	vshrl.u32 v9, $0x10  }
0x897: {  	v4 =	vor.u32 v1, v4;
	v9 =	vand.u32 $0xFFF8, v9;
	[tilespmem:v7+s2+$0x0] =	vst.idx.add.s32.msk $0xffff, v2  }
0x898: {  	v7 =	vor.u32 v1, v9;
	v9 =	vld [tilespmem:s10+$0x145D0]  }
0x899: {  	[tilespmem:v6+s2+$0x0] =	vst.idx.add.s32.msk $0xffff, v2;
	v6 =	vshrl.u32 v8, $0x10  }
0x89a: {  	v8 =	vld [tilespmem:s10+$0x144C0];
	v6 =	vand.u32 $0xFFF8, v6  }
0x89b: {  	v10 =	vld [tilespmem:s22+$0x14000];
	v5 =	vshrl.u32 v5, $0x10;
	v6 =	vor.u32 v1, v6  }
0x89c: {  	[tilespmem:v4+s2+$0x0] =	vst.idx.add.s32.msk $0xffff, v2;
	v5 =	vand.u32 $0xFFF8, v5  }
0x89d: {  	v4 =	vor.u32 v1, v5;
	[tilespmem:v7+s2+$0x0] =	vst.idx.add.s32.msk $0xffff, v2;
	v5 =	vshrl.u32 v9, $0x10  }
0x89e: {  	v7 =	vld [tilespmem:s10+$0x14540];
	v5 =	vand.u32 $0xFFF8, v5  }
0x89f: {  	v9 =	vld [tilespmem:s17+$0x14000];
	v8 =	vshrl.u32 v8, $0x10;
	v5 =	vor.u32 v1, v5  }
0x8a0: {  	v8 =	vand.u32 $0xFFF8, v8;
	[tilespmem:v6+s2+$0x0] =	vst.idx.add.s32.msk $0xffff, v2  }
0x8a1: {  	v6 =	vshrl.u32 v10, $0x10;
	v8 =	vor.u32 v1, v8;
	v10 =	vld [tilespmem:s13+$0x14000]  }
0x8a2: {  	v6 =	vand.u32 $0xFFF8, v6;
	[tilespmem:v4+s2+$0x0] =	vst.idx.add.s32.msk $0xffff, v2  }
0x8a3: {  	v4 =	vor.u32 v1, v6;
	v6 =	vld [tilespmem:s10+$0x14450];
	v7 =	vshrl.u32 v7, $0x10  }
0x8a4: {  	v7 =	vand.u32 $0xFFF8, v7;
	[tilespmem:v5+s2+$0x0] =	vst.idx.add.s32.msk $0xffff, v2  }
0x8a5: {  	v5 =	vshrl.u32 v9, $0x10;
	v7 =	vor.u32 v1, v7;
	v9 =	vld [tilespmem:s10+$0x145E0]  }
0x8a6: {  	v5 =	vand.u32 $0xFFF8, v5;
	[tilespmem:v8+s2+$0x0] =	vst.idx.add.s32.msk $0xffff, v2;
	v8 =	vshrl.u32 v10, $0x10  }
0x8a7: {  	v5 =	vor.u32 v1, v5;
	v10 =	vld [tilespmem:s10+$0x144D0];
	v8 =	vand.u32 $0xFFF8, v8  }
0x8a8: {  	[tilespmem:v4+s2+$0x0] =	vst.idx.add.s32.msk $0xffff, v2;
	v6 =	vshrl.u32 v6, $0x10;
	v8 =	vor.u32 v1, v8  }
0x8a9: {  	v4 =	vand.u32 $0xFFF8, v6;
	v6 =	vld [tilespmem:s15+$0x14000]  }
0x8aa: {  	v4 =	vor.u32 v1, v4;
	[tilespmem:v7+s2+$0x0] =	vst.idx.add.s32.msk $0xffff, v2;
	v7 =	vshrl.u32 v9, $0x10  }
0x8ab: {  	v9 =	vld [tilespmem:s10+$0x14550];
	v7 =	vand.u32 $0xFFF8, v7  }
0x8ac: {  	v10 =	vshrl.u32 v10, $0x10;
	[tilespmem:v5+s2+$0x0] =	vst.idx.add.s32.msk $0xffff, v2;
	v7 =	vor.u32 v1, v7  }
0x8ad: {  	v5 =	vand.u32 $0xFFF8, v10;
	[tilespmem:v8+s2+$0x0] =	vst.idx.add.s32.msk $0xffff, v2  }
0x8ae: {  	v8 =	vld [tilespmem:s12+$0x14000];
	v5 =	vor.u32 v1, v5;
	v6 =	vshrl.u32 v6, $0x10  }
0x8af: {  	[tilespmem:v4+s2+$0x0] =	vst.idx.add.s32.msk $0xffff, v2;
	v4 =	vand.u32 $0xFFF8, v6  }
0x8b0: {  	v6 =	vld [tilespmem:s10+$0x14460];
	v9 =	vshrl.u32 v9, $0x10;
	v4 =	vor.u32 v1, v4  }
0x8b1: {  	v9 =	vand.u32 $0xFFF8, v9;
	[tilespmem:v7+s2+$0x0] =	vst.idx.add.s32.msk $0xffff, v2  }
0x8b2: {  	v7 =	vor.u32 v1, v9;
	v9 =	vld [tilespmem:s10+$0x145F0]  }
0x8b3: {  	[tilespmem:v5+s2+$0x0] =	vst.idx.add.s32.msk $0xffff, v2;
	v5 =	vshrl.u32 v8, $0x10  }
0x8b4: {  	v8 =	vld [tilespmem:s10+$0x144E0];
	v5 =	vand.u32 $0xFFF8, v5  }
0x8b5: {  	v6 =	vshrl.u32 v6, $0x10;
	v5 =	vor.u32 v1, v5;
	[tilespmem:v4+s2+$0x0] =	vst.idx.add.s32.msk $0xffff, v2  }
0x8b6: {  	v4 =	vand.u32 $0xFFF8, v6;
	v6 =	vld [tilespmem:s11+$0x14000]  }
0x8b7: {  	v4 =	vor.u32 v1, v4;
	[tilespmem:v7+s2+$0x0] =	vst.idx.add.s32.msk $0xffff, v2;
	v7 =	vshrl.u32 v9, $0x10  }
0x8b8: {  	v9 =	vld [tilespmem:s10+$0x14560];
	v7 =	vand.u32 $0xFFF8, v7  }
0x8b9: {  	p0 =	por !p0, !p0;
	s0 =	simm.s32 $0x1;
	v10 =	vld [tilespmem:s5+$0x14000];
	v8 =	vshrl.u32 v8, $0x10;
	v7 =	vor.u32 v1, v7  }
0x8ba: {  	s0 =	simm.s32 @!p0 $0x0;
	v8 =	vand.u32 $0xFFF8, v8;
	[tilespmem:v5+s2+$0x0] =	vst.idx.add.s32.msk $0xffff, v2  }
0x8bb: {  	s0 =	sshll.u32 s0, $0x9;
	s20 =	rddreg [dreg:$0x3];
	v5 =	vor.u32 v1, v8;
	v8 =	vld [tilespmem:s9+$0x14000];
	v6 =	vshrl.u32 v6, $0x10  }
0x8bc: {  	s9 =	sadd.s32 s0, s20;
	[tilespmem:v4+s2+$0x0] =	vst.idx.add.s32.msk $0xffff, v2;
	v4 =	vand.u32 $0xFFF8, v6  }
0x8bd: {  	s23 =	sadd.s32 $0x180, s9;
	v6 =	vld [tilespmem:s10+$0x14470];
	v9 =	vshrl.u32 v9, $0x10;
	v4 =	vor.u32 v1, v4  }
0x8be: {  	s21 =	sor.u32 $0x800, s23;
	v9 =	vand.u32 $0xFFF8, v9;
	[tilespmem:v7+s2+$0x0] =	vst.idx.add.s32.msk $0xffff, v2  }
0x8bf: {  	v7 =	vshrl.u32 v10, $0x10;
	v9 =	vor.u32 v1, v9;
	v10 =	vld [tilespmem:s21+$0x14000]  }
0x8c0: {  	v7 =	vand.u32 $0xFFF8, v7;
	[tilespmem:v5+s2+$0x0] =	vst.idx.add.s32.msk $0xffff, v2  }
0x8c1: {  	v5 =	vshrl.u32 v8, $0x10;
	v7 =	vor.u32 v1, v7;
	v8 =	vld [tilespmem:s10+$0x144F0]  }
0x8c2: {  	v5 =	vand.u32 $0xFFF8, v5;
	v6 =	vshrl.u32 v6, $0x10;
	[tilespmem:v4+s2+$0x0] =	vst.idx.add.s32.msk $0xffff, v2  }
0x8c3: {  	v5 =	vor.u32 v1, v5;
	v4 =	vand.u32 $0xFFF8, v6;
	v6 =	vld [tilespmem:s18+$0x14000]  }
0x8c4: {  	[smem:$0x7DE] =	sst s28;
	s6 =	smov.u32 s14;
	s1 =	sor.u32 $0x820, s9;
	v4 =	vor.u32 v1, v4;
	[tilespmem:v9+s2+$0x0] =	vst.idx.add.s32.msk $0xffff, v2;
	v9 =	vshrl.u32 v10, $0x10  }
0x8c5: {  	s15 =	sadd.s32 $0x80, s9;
	s11 =	sor.u32 $0x830, s9;
	[smem:$0x7E0] =	sst s1;
	v10 =	vld [tilespmem:s10+$0x14570];
	v9 =	vand.u32 $0xFFF8, v9  }
0x8c6: {  	s14 =	sadd.s32 $0x100, s9;
	s22 =	sor.u32 $0x810, s15;
	[smem:$0x7E6] =	sst s11;
	v8 =	vshrl.u32 v8, $0x10;
	[tilespmem:v7+s2+$0x0] =	vst.idx.add.s32.msk $0xffff, v2;
	v9 =	vor.u32 v1, v9  }
0x8c7: {  	s24 =	sor.u32 $0x810, s14;
	[smem:$0x7DD] =	sst s22;
	v7 =	vand.u32 $0xFFF8, v8;
	v8 =	vld [tilespmem:s19+$0x14000]  }
0x8c8: {  	s25 =	sor.u32 $0x820, s15;
	[smem:$0x7DF] =	sst s24;
	[tilespmem:v5+s2+$0x0] =	vst.idx.add.s32.msk $0xffff, v2;
	v7 =	vor.u32 v1, v7;
	v5 =	vshrl.u32 v6, $0x10  }
0x8c9: {  	s17 =	sor.u32 $0x800, s9;
	s26 =	sor.u32 $0x820, s14;
	[smem:$0x7E1] =	sst s25;
	[tilespmem:v4+s2+$0x0] =	vst.idx.add.s32.msk $0xffff, v2;
	v4 =	vand.u32 $0xFFF8, v5  }
0x8ca: {  	s20 =	smov.u32 s7;
	s5 =	sor.u32 $0x830, s15;
	[smem:$0x7E4] =	sst s26;
	v5 =	vld [tilespmem:s17+$0x14000];
	v6 =	vshrl.u32 v10, $0x10;
	v4 =	vor.u32 v1, v4  }
0x8cb: {  	s8 =	sor.u32 $0x830, s14;
	[smem:$0x7E5] =	sst s5;
	s19 =	sor.u32 $0x810, s23;
	v6 =	vand.u32 $0xFFF8, v6;
	[tilespmem:v9+s2+$0x0] =	vst.idx.add.s32.msk $0xffff, v2  }
0x8cc: {  	s7 =	smov.u32 s16;
	s12 =	sor.u32 $0x840, s15;
	[smem:$0x7E7] =	sst s8;
	v6 =	vor.u32 v1, v6;
	v8 =	vshrl.u32 v8, $0x10;
	v9 =	vld [tilespmem:s19+$0x14000]  }
0x8cd: {  	s16 =	sor.u32 $0x800, s15;
	s13 =	sor.u32 $0x840, s14;
	[dreg:$0x1c] =	wrdreg s12;
	[tilespmem:v7+s2+$0x0] =	vst.idx.add.s32.msk $0xffff, v2;
	v7 =	vand.u32 $0xFFF8, v8  }
0x8ce: {  	s1 =	sor.u32 $0x860, s14;
	[smem:$0x7E8] =	sst s13;
	v8 =	vld [tilespmem:s16+$0x14000];
	v7 =	vor.u32 v1, v7  }
0x8cf: {  	s11 =	sor.u32 $0x870, s9;
	[dreg:$0x12] =	wrdreg s1;
	v5 =	vshrl.u32 v5, $0x10;
	[tilespmem:v4+s2+$0x0] =	vst.idx.add.s32.msk $0xffff, v2  }
0x8d0: {  	s22 =	sor.u32 $0x850, s15;
	[dreg:$0xe] =	wrdreg s11;
	v4 =	vand.u32 $0xFFF8, v5;
	v5 =	vld [tilespmem:s7+$0x14000]  }
0x8d1: {  	s3 =	sor.u32 $0x800, s14;
	s24 =	sor.u32 $0x850, s14;
	[dreg:$0x16] =	wrdreg s22;
	v4 =	vor.u32 v1, v4;
	[tilespmem:v6+s2+$0x0] =	vst.idx.add.s32.msk $0xffff, v2;
	v6 =	vshrl.u32 v9, $0x10  }
0x8d2: {  	s25 =	sor.u32 $0x850, s9;
	[dreg:$0x18] =	wrdreg s24;
	v9 =	vld [tilespmem:s3+$0x14000];
	v6 =	vand.u32 $0xFFF8, v6  }
0x8d3: {  	s4 =	sor.u32 $0x810, s9;
	s26 =	sor.u32 $0x860, s15;
	[dreg:$0x1a] =	wrdreg s25;
	v8 =	vshrl.u32 v8, $0x10;
	[tilespmem:v7+s2+$0x0] =	vst.idx.add.s32.msk $0xffff, v2;
	v6 =	vor.u32 v1, v6  }
0x8d4: {  	s31 =	sor.u32 $0xC20, s9;
	s5 =	sor.u32 $0x860, s9;
	[dreg:$0x10] =	wrdreg s26;
	v7 =	vand.u32 $0xFFF8, v8;
	v8 =	vld [tilespmem:s6+$0x14000]  }
0x8d5: {  	s30 =	sor.u32 $0xC30, s9;
	s8 =	sor.u32 $0x870, s15;
	[dreg:$0x14] =	wrdreg s5;
	v10 =	vld [tilespmem:s20+$0x14000];
	v7 =	vor.u32 v1, v7;
	v5 =	vshrl.u32 v5, $0x10  }
0x8d6: {  	s0 =	sor.u32 $0xC00, s15;
	s12 =	sor.u32 $0xC00, s9;
	[dreg:$0xb] =	wrdreg s8;
	[tilespmem:v4+s2+$0x0] =	vst.idx.add.s32.msk $0xffff, v2;
	v4 =	vand.u32 $0xFFF8, v5  }
0x8d7: {  	s28 =	sor.u32 $0xC20, s14;
	s29 =	sor.u32 $0xC30, s14;
	[dreg:$0xa] =	wrdreg s12;
	v5 =	vld [tilespmem:s4+$0x14000];
	v9 =	vshrl.u32 v9, $0x10;
	v4 =	vor.u32 v1, v4  }
0x8d8: {  	s13 =	sor.u32 $0xC10, s15;
	s6 =	sor.u32 $0x820, s23;
	s20 =	sld [smem:$0x7DD];
	v9 =	vand.u32 $0xFFF8, v9;
	[tilespmem:v6+s2+$0x0] =	vst.idx.add.s32.msk $0xffff, v2  }
0x8d9: {  	s1 =	sor.u32 $0x870, s14;
	s11 =	sor.u32 $0xC40, s15;
	[smem:$0x7E2] =	sst s13;
	v6 =	vor.u32 v1, v9;
	v8 =	vshrl.u32 v8, $0x10;
	v9 =	vld [tilespmem:s6+$0x14000]  }
0x8da: {  	s8 =	sor.u32 $0xC00, s14;
	s26 =	sor.u32 $0xC10, s9;
	s3 =	sld [smem:$0x7DE];
	[tilespmem:v7+s2+$0x0] =	vst.idx.add.s32.msk $0xffff, v2;
	v7 =	vand.u32 $0xFFF8, v8;
	v8 =	vshrl.u32 v10, $0x10  }
0x8db: {  	s13 =	sor.u32 $0xC30, s15;
	s5 =	sor.u32 $0xC40, s14;
	s12 =	sor.u32 $0xC40, s9;
	v10 =	vld [tilespmem:s20+$0x14000];
	v7 =	vor.u32 v1, v7;
	v8 =	vand.u32 $0xFFF8, v8  }
0x8dc: {  	s22 =	sor.u32 $0xC50, s15;
	s21 =	sor.u32 $0x840, s9;
	s4 =	sld [smem:$0x7DF];
	v5 =	vshrl.u32 v5, $0x10;
	[tilespmem:v4+s2+$0x0] =	vst.idx.add.s32.msk $0xffff, v2;
	v4 =	vor.u32 v1, v8  }
0x8dd: {  	[dreg:$0x1e] =	wrdreg s21;
	s21 =	sor.u32 $0xC20, s15;
	s18 =	sor.u32 $0xC10, s14;
	v5 =	vand.u32 $0xFFF8, v5;
	v8 =	vld [tilespmem:s3+$0x14000]  }
0x8de: {  	s10 =	sor.u32 $0xC70, s15;
	s17 =	sor.u32 $0xC60, s15;
	s15 =	sor.u32 $0xC60, s14;
	v5 =	vor.u32 v1, v5;
	[tilespmem:v6+s2+$0x0] =	vst.idx.add.s32.msk $0xffff, v2;
	v6 =	vshrl.u32 v9, $0x10  }
0x8df: {  	s25 =	sor.u32 $0xC50, s9;
	[smem:$0x7E3] =	sst s18;
	s7 =	smov.u32 s15;
	v9 =	vld [tilespmem:s4+$0x14000];
	v6 =	vand.u32 $0xFFF8, v6  }
0x8e0: {  	s15 =	smov.u32 s29;
	s29 =	smov.u32 s0;
	s0 =	rddreg [dreg:$0x8];
	v10 =	vshrl.u32 v10, $0x10;
	[tilespmem:v7+s2+$0x0] =	vst.idx.add.s32.msk $0xffff, v2;
	v6 =	vor.u32 v1, v6  }
0x8e1: {  	s24 =	sor.u32 $0xC50, s14;
	s18 =	sor.u32 $0xC60, s9;
	s3 =	sld [smem:$0x7E0];
	v7 =	vand.u32 $0xFFF8, v10;
	[tilespmem:v4+s2+$0x0] =	vst.idx.add.s32.msk $0xffff, v2  }
0x8e2: {  	s19 =	sor.u32 $0xC70, s9;
	s9 =	sor.u32 $0xC70, s14;
	s16 =	smov.u32 s18;
	v4 =	vor.u32 v1, v7;
	v7 =	vshrl.u32 v8, $0x10;
	v8 =	vld [tilespmem:s0+$0x14000]  }
0x8e3: {  	s18 =	smov.u32 s22;
	s22 =	smov.u32 s28;
	s28 =	smov.u32 s19;
	[tilespmem:v5+s2+$0x0] =	vst.idx.add.s32.msk $0xffff, v2  }
0x8e4: {  	s19 =	smov.u32 s24;
	s24 =	smov.u32 s31;
	s31 =	smov.u32 s8;
	v5 =	vand.u32 $0xFFF8, v7;
	v7 =	vld [tilespmem:s3+$0x14000];
	v9 =	vshrl.u32 v9, $0x10  }
0x8e5: {  	s8 =	smov.u32 s1;
	s1 =	sor.u32 $0x830, s23;
	v10 =	vor.u32 v1, v5;
	s3 =	sld [smem:$0x7E1];
	v5 =	vand.u32 $0xFFF8, v9;
	[tilespmem:v6+s2+$0x0] =	vst.idx.add.s32.msk $0xffff, v2  }
0x8e6: {  	s14 =	smov.u32 s17;
	s17 =	smov.u32 s30;
	s30 =	sld [smem:$0x7E3];
	v9 =	vor.u32 v1, v5;
	v11 =	vld [tilespmem:s1+$0x14000]  }
0x8e7: {  	s6 =	rddreg [dreg:$0x6];
	[tilespmem:v4+s2+$0x0] =	vst.idx.add.s32.msk $0xffff, v2;
	v4 =	vshrl.u32 v8, $0x10  }
.Ltmp2:
0x8e8: {  	s0 =	rddreg [dreg:$0x5];
	v6 =	vld [tilespmem:s3+$0x14000];
	v4 =	vand.u32 $0xFFF8, v4;
	(pc) =	sbr.rel @p1 .LBB2_7-.Ltmp2, $4  }
0x8e9: {  	s3 =	sld [smem:$0x7E4];
	v5 =	vor.u32 v1, v4;
	v4 =	vld [tilespmem:s0+$0x14000]  }
0x8ea: {  	s4 =	smov.u32 s10;
	s10 =	rddreg [dreg:$0x3];
	v7 =	vshrl.u32 v7, $0x10;
	[tilespmem:v10+s2+$0x0] =	vst.idx.add.s32.msk $0xffff, v2  }
0x8eb: {  	s20 =	rddreg [dreg:$0x9];
	s6 =	sadd.s32 $0x200, s6;
	s10 =	sadd.s32 $0x800, s10;
	v7 =	vand.u32 $0xFFF8, v7;
	[tilespmem:v9+s2+$0x0] =	vst.idx.add.s32.msk $0xffff, v2;
	v9 =	vshrl.u32 v11, $0x10  }
0x8ec: {  	v3 =	vor.u32 v1, v3;
	s1 =	smov.u32 s9;
	s9 =	smov.u32 s25;
	s25 =	sld [smem:$0x7E2];
	v8 =	vor.u32 v1, v7;
	v7 =	vld [tilespmem:s3+$0x14000];
	v9 =	vand.u32 $0xFFF8, v9  }
0x8ed: {  	_ =	sdelay $0x3  }
0x8ee: {  	v6 =	vshrl.u32 v6, $0x10;
	[tilespmem:v8+s2+$0x0] =	vst.idx.add.s32.msk $0xffff, v2  }
0x8ef: {  	v6 =	vand.u32 $0xFFF8, v6;
	s0 =	sld [smem:$0x7E6];
	v7 =	vshrl.u32 v7, $0x10  }
0x8f0: {  	v6 =	vor.u32 v1, v6;
	v7 =	vand.u32 $0xFFF8, v7  }
0x8f1: {  	v7 =	vor.u32 v1, v7  }
0x8f2: {  	v8 =	vld [tilespmem:s0+$0x14000];
	_ =	sdelay $0x2  }
0x8f3: {  	[tilespmem:v6+s2+$0x0] =	vst.idx.add.s32.msk $0xffff, v2  }
0x8f4: {  	s3 =	sld [smem:$0x7E5];
	[tilespmem:v7+s2+$0x0] =	vst.idx.add.s32.msk $0xffff, v2  }
0x8f5: {  	v8 =	vshrl.u32 v8, $0x10;
	s6 =	sld [smem:$0x7E7]  }
0x8f6: {  	v9 =	vor.u32 v1, v9;
	v8 =	vand.u32 $0xFFF8, v8  }
0x8f7: {  	v6 =	vld [tilespmem:s3+$0x14000];
	v8 =	vor.u32 v1, v8  }
0x8f8: {  	v7 =	vld [tilespmem:s6+$0x14000];
	_ =	sdelay $0x2  }
0x8f9: {  	[tilespmem:v9+s2+$0x0] =	vst.idx.add.s32.msk $0xffff, v2  }
0x8fa: {  	s10 =	sor.u32 $0x840, s23;
	v6 =	vshrl.u32 v6, $0x10;
	[tilespmem:v8+s2+$0x0] =	vst.idx.add.s32.msk $0xffff, v2  }
0x8fb: {  	v9 =	vld [tilespmem:s10+$0x14000];
	v6 =	vand.u32 $0xFFF8, v6;
	s20 =	rddreg [dreg:$0x1e];
	v7 =	vshrl.u32 v7, $0x10  }
0x8fc: {  	v6 =	vor.u32 v1, v6;
	v8 =	vld [tilespmem:s20+$0x14000];
	v7 =	vand.u32 $0xFFF8, v7  }
0x8fd: {  	v7 =	vor.u32 v1, v7;
	_ =	sdelay $0x2  }
0x8fe: {  	v9 =	vshrl.u32 v9, $0x10  }
0x8ff: {  	v9 =	vand.u32 $0xFFF8, v9;
	[tilespmem:v6+s2+$0x0] =	vst.idx.add.s32.msk $0xffff, v2;
	v8 =	vshrl.u32 v8, $0x10  }
0x900: {  	v9 =	vor.u32 v1, v9;
	s3 =	rddreg [dreg:$0x1c];
	v8 =	vand.u32 $0xFFF8, v8;
	[tilespmem:v7+s2+$0x0] =	vst.idx.add.s32.msk $0xffff, v2  }
0x901: {  	v6 =	vld [tilespmem:s3+$0x14000];
	v8 =	vor.u32 v1, v8;
	s6 =	sld [smem:$0x7E8];
	_ =	sdelay $0x2  }
0x902: {  	v7 =	vld [tilespmem:s6+$0x14000]  }
0x903: {  	[tilespmem:v9+s2+$0x0] =	vst.idx.add.s32.msk $0xffff, v2  }
0x904: {  	s10 =	sor.u32 $0x850, s23;
	v6 =	vshrl.u32 v6, $0x10;
	[tilespmem:v8+s2+$0x0] =	vst.idx.add.s32.msk $0xffff, v2  }
0x905: {  	v9 =	vld [tilespmem:s10+$0x14000];
	v6 =	vand.u32 $0xFFF8, v6;
	s20 =	rddreg [dreg:$0x1a]  }
0x906: {  	v6 =	vor.u32 v1, v6;
	v8 =	vld [tilespmem:s20+$0x14000]  }
0x907: {  	v7 =	vshrl.u32 v7, $0x10  }
0x908: {  	v7 =	vand.u32 $0xFFF8, v7  }
0x909: {  	v7 =	vor.u32 v1, v7  }
0x90a: {  	v9 =	vshrl.u32 v9, $0x10  }
0x90b: {  	v9 =	vand.u32 $0xFFF8, v9;
	[tilespmem:v6+s2+$0x0] =	vst.idx.add.s32.msk $0xffff, v2;
	v8 =	vshrl.u32 v8, $0x10  }
0x90c: {  	v9 =	vor.u32 v1, v9;
	s3 =	rddreg [dreg:$0x16];
	v8 =	vand.u32 $0xFFF8, v8  }
0x90d: {  	v6 =	vld [tilespmem:s3+$0x14000];
	v8 =	vor.u32 v1, v8  }
0x90e: {  	[tilespmem:v7+s2+$0x0] =	vst.idx.add.s32.msk $0xffff, v2  }
0x90f: {  	s6 =	rddreg [dreg:$0x18]  }
0x910: {  	v7 =	vld [tilespmem:s6+$0x14000]  }
0x911: {  	[tilespmem:v9+s2+$0x0] =	vst.idx.add.s32.msk $0xffff, v2  }
0x912: {  	s10 =	sor.u32 $0x860, s23;
	v6 =	vshrl.u32 v6, $0x10;
	[tilespmem:v8+s2+$0x0] =	vst.idx.add.s32.msk $0xffff, v2  }
0x913: {  	v6 =	vand.u32 $0xFFF8, v6;
	v9 =	vld [tilespmem:s10+$0x14000];
	s20 =	rddreg [dreg:$0x14]  }
0x914: {  	v6 =	vor.u32 v1, v6;
	v8 =	vld [tilespmem:s20+$0x14000]  }
0x915: {  	v7 =	vshrl.u32 v7, $0x10  }
0x916: {  	v7 =	vand.u32 $0xFFF8, v7  }
0x917: {  	v7 =	vor.u32 v1, v7  }
0x918: {  	v9 =	vshrl.u32 v9, $0x10  }
0x919: {  	[tilespmem:v6+s2+$0x0] =	vst.idx.add.s32.msk $0xffff, v2;
	v9 =	vand.u32 $0xFFF8, v9;
	v8 =	vshrl.u32 v8, $0x10  }
0x91a: {  	s3 =	rddreg [dreg:$0x10];
	v9 =	vor.u32 v1, v9;
	v8 =	vand.u32 $0xFFF8, v8  }
0x91b: {  	v6 =	vld [tilespmem:s3+$0x14000];
	v8 =	vor.u32 v1, v8  }
0x91c: {  	[tilespmem:v7+s2+$0x0] =	vst.idx.add.s32.msk $0xffff, v2  }
0x91d: {  	s6 =	rddreg [dreg:$0x12]  }
0x91e: {  	v7 =	vld [tilespmem:s6+$0x14000]  }
0x91f: {  	[tilespmem:v9+s2+$0x0] =	vst.idx.add.s32.msk $0xffff, v2  }
0x920: {  	v6 =	vshrl.u32 v6, $0x10;
	[tilespmem:v8+s2+$0x0] =	vst.idx.add.s32.msk $0xffff, v2  }
0x921: {  	v6 =	vand.u32 $0xFFF8, v6;
	s20 =	rddreg [dreg:$0xe]  }
0x922: {  	s10 =	sor.u32 $0x870, s23;
	v6 =	vor.u32 v1, v6;
	v8 =	vld [tilespmem:s20+$0x14000]  }
0x923: {  	v9 =	vld [tilespmem:s10+$0x14000];
	v7 =	vshrl.u32 v7, $0x10  }
0x924: {  	v7 =	vand.u32 $0xFFF8, v7  }
0x925: {  	v7 =	vor.u32 v1, v7;
	_ =	sdelay $0x1  }
0x926: {  	[tilespmem:v6+s2+$0x0] =	vst.idx.add.s32.msk $0xffff, v2;
	v8 =	vshrl.u32 v8, $0x10  }
0x927: {  	v9 =	vshrl.u32 v9, $0x10;
	s3 =	rddreg [dreg:$0xb];
	v8 =	vand.u32 $0xFFF8, v8  }
0x928: {  	v34 =	vand.u32 $0xFFF8, v9;
	v6 =	vld [tilespmem:s3+$0x14000];
	v8 =	vor.u32 v1, v8  }
0x929: {  	[tilespmem:v7+s2+$0x0] =	vst.idx.add.s32.msk $0xffff, v2;
	v7 =	vor.u32 v1, v34  }
0x92a: {  	v35 =	vld [tilespmem:s8+$0x14000];
	_ =	sdelay $0x2  }
0x92b: {  	v6 =	vshrl.u32 v6, $0x10;
	[tilespmem:v8+s2+$0x0] =	vst.idx.add.s32.msk $0xffff, v2  }
0x92c: {  	s6 =	sor.u32 $0xC00, s23;
	v6 =	vand.u32 $0xFFF8, v6;
	[tilespmem:v7+s2+$0x0] =	vst.idx.add.s32.msk $0xffff, v2  }
0x92d: {  	v6 =	vor.u32 v1, v6;
	v9 =	vshrl.u32 v35, $0x10;
	v37 =	vld [tilespmem:s6+$0x14000]  }
0x92e: {  	s8 =	rddreg [dreg:$0xa];
	v36 =	vand.u32 $0xFFF8, v9  }
0x92f: {  	v8 =	vld [tilespmem:s8+$0x14000];
	v7 =	vor.u32 v1, v36;
	_ =	sdelay $0x2  }
0x930: {  	[tilespmem:v6+s2+$0x0] =	vst.idx.add.s32.msk $0xffff, v2;
	v9 =	vshrl.u32 v37, $0x10  }
0x931: {  	v6 =	vld [tilespmem:s29+$0x14000];
	v38 =	vand.u32 $0xFFF8, v9  }
0x932: {  	v8 =	vshrl.u32 v8, $0x10;
	[tilespmem:v7+s2+$0x0] =	vst.idx.add.s32.msk $0xffff, v2;
	v7 =	vor.u32 v1, v38  }
0x933: {  	v8 =	vand.u32 $0xFFF8, v8;
	v39 =	vld [tilespmem:s31+$0x14000]  }
0x934: {  	v8 =	vor.u32 v1, v8;
	_ =	sdelay $0x1  }
0x935: {  	v6 =	vshrl.u32 v6, $0x10  }
0x936: {  	s10 =	sor.u32 $0xC10, s23;
	v6 =	vand.u32 $0xFFF8, v6;
	[tilespmem:v7+s2+$0x0] =	vst.idx.add.s32.msk $0xffff, v2  }
0x937: {  	v6 =	vor.u32 v1, v6;
	v9 =	vshrl.u32 v39, $0x10;
	v41 =	vld [tilespmem:s10+$0x14000]  }
0x938: {  	[tilespmem:v8+s2+$0x0] =	vst.idx.add.s32.msk $0xffff, v2;
	v40 =	vand.u32 $0xFFF8, v9  }
0x939: {  	v8 =	vld [tilespmem:s26+$0x14000];
	v7 =	vor.u32 v1, v40;
	_ =	sdelay $0x2  }
0x93a: {  	[tilespmem:v6+s2+$0x0] =	vst.idx.add.s32.msk $0xffff, v2;
	v9 =	vshrl.u32 v41, $0x10  }
0x93b: {  	v6 =	vld [tilespmem:s25+$0x14000];
	v42 =	vand.u32 $0xFFF8, v9  }
0x93c: {  	v8 =	vshrl.u32 v8, $0x10;
	[tilespmem:v7+s2+$0x0] =	vst.idx.add.s32.msk $0xffff, v2;
	v7 =	vor.u32 v1, v42  }
0x93d: {  	v8 =	vand.u32 $0xFFF8, v8;
	v43 =	vld [tilespmem:s30+$0x14000]  }
0x93e: {  	v8 =	vor.u32 v1, v8;
	_ =	sdelay $0x1  }
0x93f: {  	v6 =	vshrl.u32 v6, $0x10  }
0x940: {  	s20 =	sor.u32 $0xC20, s23;
	v6 =	vand.u32 $0xFFF8, v6;
	[tilespmem:v7+s2+$0x0] =	vst.idx.add.s32.msk $0xffff, v2  }
0x941: {  	v6 =	vor.u32 v1, v6;
	v9 =	vshrl.u32 v43, $0x10;
	v45 =	vld [tilespmem:s20+$0x14000]  }
0x942: {  	[tilespmem:v8+s2+$0x0] =	vst.idx.add.s32.msk $0xffff, v2;
	v44 =	vand.u32 $0xFFF8, v9  }
0x943: {  	v8 =	vld [tilespmem:s24+$0x14000];
	v7 =	vor.u32 v1, v44;
	_ =	sdelay $0x2  }
0x944: {  	[tilespmem:v6+s2+$0x0] =	vst.idx.add.s32.msk $0xffff, v2;
	v9 =	vshrl.u32 v45, $0x10  }
0x945: {  	v6 =	vld [tilespmem:s21+$0x14000];
	v46 =	vand.u32 $0xFFF8, v9  }
0x946: {  	v8 =	vshrl.u32 v8, $0x10;
	[tilespmem:v7+s2+$0x0] =	vst.idx.add.s32.msk $0xffff, v2;
	v7 =	vor.u32 v1, v46  }
0x947: {  	v8 =	vand.u32 $0xFFF8, v8;
	v47 =	vld [tilespmem:s22+$0x14000]  }
0x948: {  	v8 =	vor.u32 v1, v8;
	_ =	sdelay $0x1  }
0x949: {  	v6 =	vshrl.u32 v6, $0x10  }
0x94a: {  	s24 =	sor.u32 $0xC30, s23;
	v6 =	vand.u32 $0xFFF8, v6;
	[tilespmem:v7+s2+$0x0] =	vst.idx.add.s32.msk $0xffff, v2  }
0x94b: {  	v6 =	vor.u32 v1, v6;
	v9 =	vshrl.u32 v47, $0x10;
	v49 =	vld [tilespmem:s24+$0x14000]  }
0x94c: {  	[tilespmem:v8+s2+$0x0] =	vst.idx.add.s32.msk $0xffff, v2;
	v48 =	vand.u32 $0xFFF8, v9  }
0x94d: {  	v8 =	vld [tilespmem:s17+$0x14000];
	v7 =	vor.u32 v1, v48;
	_ =	sdelay $0x2  }
0x94e: {  	[tilespmem:v6+s2+$0x0] =	vst.idx.add.s32.msk $0xffff, v2;
	v9 =	vshrl.u32 v49, $0x10  }
0x94f: {  	v6 =	vld [tilespmem:s13+$0x14000];
	v50 =	vand.u32 $0xFFF8, v9  }
0x950: {  	v8 =	vshrl.u32 v8, $0x10;
	[tilespmem:v7+s2+$0x0] =	vst.idx.add.s32.msk $0xffff, v2;
	v7 =	vor.u32 v1, v50  }
0x951: {  	v8 =	vand.u32 $0xFFF8, v8;
	v51 =	vld [tilespmem:s15+$0x14000]  }
0x952: {  	v8 =	vor.u32 v1, v8;
	_ =	sdelay $0x2  }
0x953: {  	s25 =	sor.u32 $0xC40, s23;
	v6 =	vshrl.u32 v6, $0x10;
	[tilespmem:v7+s2+$0x0] =	vst.idx.add.s32.msk $0xffff, v2  }
0x954: {  	v6 =	vand.u32 $0xFFF8, v6;
	v9 =	vshrl.u32 v51, $0x10;
	v53 =	vld [tilespmem:s25+$0x14000]  }
0x955: {  	v6 =	vor.u32 v1, v6;
	[tilespmem:v8+s2+$0x0] =	vst.idx.add.s32.msk $0xffff, v2;
	v52 =	vand.u32 $0xFFF8, v9  }
0x956: {  	v8 =	vld [tilespmem:s12+$0x14000];
	v7 =	vor.u32 v1, v52;
	_ =	sdelay $0x2  }
0x957: {  	v9 =	vshrl.u32 v53, $0x10  }
0x958: {  	[tilespmem:v6+s2+$0x0] =	vst.idx.add.s32.msk $0xffff, v2;
	v54 =	vand.u32 $0xFFF8, v9  }
0x959: {  	v8 =	vshrl.u32 v8, $0x10;
	[tilespmem:v7+s2+$0x0] =	vst.idx.add.s32.msk $0xffff, v2;
	v7 =	vor.u32 v1, v54  }
0x95a: {  	v8 =	vand.u32 $0xFFF8, v8;
	v55 =	vld [tilespmem:s5+$0x14000]  }
0x95b: {  	v6 =	vld [tilespmem:s11+$0x14000];
	v8 =	vor.u32 v1, v8;
	_ =	sdelay $0x2  }
0x95c: {  	s26 =	sor.u32 $0xC50, s23;
	[tilespmem:v7+s2+$0x0] =	vst.idx.add.s32.msk $0xffff, v2  }
0x95d: {  	v9 =	vshrl.u32 v55, $0x10;
	v57 =	vld [tilespmem:s26+$0x14000]  }
0x95e: {  	v6 =	vshrl.u32 v6, $0x10;
	[tilespmem:v8+s2+$0x0] =	vst.idx.add.s32.msk $0xffff, v2;
	v56 =	vand.u32 $0xFFF8, v9  }
0x95f: {  	v6 =	vand.u32 $0xFFF8, v6;
	v8 =	vld [tilespmem:s9+$0x14000];
	v7 =	vor.u32 v1, v56  }
0x960: {  	v6 =	vor.u32 v1, v6;
	_ =	sdelay $0x1  }
0x961: {  	v9 =	vshrl.u32 v57, $0x10  }
0x962: {  	v58 =	vand.u32 $0xFFF8, v9  }
0x963: {  	v8 =	vshrl.u32 v8, $0x10;
	[tilespmem:v7+s2+$0x0] =	vst.idx.add.s32.msk $0xffff, v2;
	v7 =	vor.u32 v1, v58  }
0x964: {  	[tilespmem:v6+s2+$0x0] =	vst.idx.add.s32.msk $0xffff, v2;
	v8 =	vand.u32 $0xFFF8, v8  }
0x965: {  	v6 =	vld [tilespmem:s18+$0x14000];
	v8 =	vor.u32 v1, v8;
	_ =	sdelay $0x1  }
0x966: {  	v59 =	vld [tilespmem:s19+$0x14000]  }
0x967: {  	s29 =	sor.u32 $0xC60, s23;
	[tilespmem:v7+s2+$0x0] =	vst.idx.add.s32.msk $0xffff, v2  }
0x968: {  	v61 =	vld [tilespmem:s29+$0x14000]  }
0x969: {  	v6 =	vshrl.u32 v6, $0x10;
	[tilespmem:v8+s2+$0x0] =	vst.idx.add.s32.msk $0xffff, v2  }
0x96a: {  	v6 =	vand.u32 $0xFFF8, v6;
	v8 =	vld [tilespmem:s16+$0x14000]  }
0x96b: {  	v6 =	vor.u32 v1, v6;
	v9 =	vshrl.u32 v59, $0x10  }
0x96c: {  	v60 =	vand.u32 $0xFFF8, v9  }
0x96d: {  	v7 =	vor.u32 v1, v60;
	v9 =	vshrl.u32 v61, $0x10  }
0x96e: {  	v9 =	vand.u32 $0xFFF8, v9  }
0x96f: {  	v8 =	vshrl.u32 v8, $0x10;
	v9 =	vor.u32 v1, v9  }
0x970: {  	[tilespmem:v6+s2+$0x0] =	vst.idx.add.s32.msk $0xffff, v2;
	v8 =	vand.u32 $0xFFF8, v8  }
0x971: {  	v6 =	vld [tilespmem:s14+$0x14000];
	v8 =	vor.u32 v1, v8  }
0x972: {  	[tilespmem:v7+s2+$0x0] =	vst.idx.add.s32.msk $0xffff, v2  }
0x973: {  	v7 =	vld [tilespmem:s7+$0x14000]  }
0x974: {  	s30 =	sor.u32 $0xC70, s23;
	[tilespmem:v9+s2+$0x0] =	vst.idx.add.s32.msk $0xffff, v2  }
0x975: {  	v9 =	vld [tilespmem:s30+$0x14000]  }
0x976: {  	v4 =	vshrl.u32 v4, $0x10;
	[tilespmem:v8+s2+$0x0] =	vst.idx.add.s32.msk $0xffff, v2  }
0x977: {  	v4 =	vand.u32 $0xFFF8, v4;
	v6 =	vshrl.u32 v6, $0x10;
	v8 =	vld [tilespmem:s28+$0x14000]  }
0x978: {  	v4 =	vor.u32 v1, v4;
	v6 =	vand.u32 $0xFFF8, v6  }
0x979: {  	v6 =	vor.u32 v1, v6;
	v7 =	vshrl.u32 v7, $0x10  }
0x97a: {  	v7 =	vand.u32 $0xFFF8, v7  }
0x97b: {  	[tilespmem:v3+s2+$0x0] =	vst.idx.add.s32.msk $0xffff, v2;
	v7 =	vor.u32 v1, v7;
	v9 =	vshrl.u32 v9, $0x10  }
0x97c: {  	[tilespmem:v5+s2+$0x0] =	vst.idx.add.s32.msk $0xffff, v2;
	v9 =	vand.u32 $0xFFF8, v9;
	v8 =	vshrl.u32 v8, $0x10  }
0x97d: {  	[tilespmem:v4+s2+$0x0] =	vst.idx.add.s32.msk $0xffff, v2;
	v9 =	vor.u32 v1, v9;
	v8 =	vand.u32 $0xFFF8, v8  }
0x97e: {  	[tilespmem:v6+s2+$0x0] =	vst.idx.add.s32.msk $0xffff, v2;
	v8 =	vor.u32 v1, v8  }
0x97f: {  	v6 =	vld [tilespmem:s4+$0x14000]  }
0x980: {  	[tilespmem:v7+s2+$0x0] =	vst.idx.add.s32.msk $0xffff, v2  }
0x981: {  	v7 =	vld [tilespmem:s1+$0x14000]  }
0x982: {  	[tilespmem:v9+s2+$0x0] =	vst.idx.add.s32.msk $0xffff, v2  }
0x983: {  	[tilespmem:v8+s2+$0x0] =	vst.idx.add.s32.msk $0xffff, v2  }
0x984: {  	s31 =	sld [smem:$0x7F4]  }
0x985: {  	v6 =	vshrl.u32 v6, $0x10  }
0x986: {  	v6 =	vand.u32 $0xFFF8, v6;
	v7 =	vshrl.u32 v7, $0x10  }
0x987: {  	v3 =	vor.u32 v1, v6;
	v62 =	vand.u32 $0xFFF8, v7;
	s0 =	sadd.s32 $0x1, s31  }
0x988: {  	v63 =	vor.u32 v1, v62;
	p0 =	sne.s32 s0, $0x10  }
.Ltmp3:
0x989: {  	_ = 	snop;
	(pc) =	sbr.rel @p0 .LBB2_4-.Ltmp3, $3  }
0x98a: {  	_ =	sdelay $0x1  }
0x98b: {  	[tilespmem:v3+s2+$0x0] =	vst.idx.add.s32.msk $0xffff, v2  }
0x98c: {  	[tilespmem:v63+s2+$0x0] =	vst.idx.add.s32.msk $0xffff, v2  }
0x98d: {  	s0 =	sld [smem:$0x7FC];
	_ =	sdelay $0x1  }
0x98e: {  	s1 =	simm.s32 $0x80;
	s3 =	simm.s32 $0x400;
	s29 =	simm.s32 $0x3  }
0x98f: {  	[hbm4b:s0+s1] =	stream.strided.scatter [tilespmem:s2], [sflag:$0x3], $0x10000, s3, s1, $0x38;
	[tilespmem:$0x18000] =	vst v63  }
0x990: {  	_ =	swait.ge [sflag:s29], $0x10000  }
0x991: {  	s30 =	sld [smem:$0x7F9]  }
0x992: {  	s31 =	sld [smem:$0x7FD];
	_ =	sdelay $0x1  }
0x993: {  	s3 =	sadd.s32 $0x1, s30  }
0x994: {  	p0 =	sne.s32 s3, s31  }
.Ltmp4:
0x995: {  	_ = 	snop;
	(pc) =	sbr.rel @p0 .LBB2_1-.Ltmp4, $3  }
0x996: {  	_ =	sdelay $0x1  }
0x997: {  	[sflag:s29] =	ssyncset.done $0x0  }
0x998: {  	[sflag:s29] =	ssyncadd.s32 $0xFFFF0000  }
0x999: {  	_ =	sfence.sel $0x180000  }
0x99a: {  	[bflag:$0x0] =	sbarrier.arrive $0xFFFF  }
0x99b: {  	_ =	strace $0x90000047  }
0x99c: {  	s0 =	stileid.u32;
	[bflag:$0x2] =	sbarrier.arrive $0xFFFF  }
0x99d: {  	p0 =	sne.s32 s0, $0x0;
	s0 =	rddreg [dreg:$0x1]  }
0x99e: {  	s0 =	sadd.s32 @!p0 $0x100000, s0  }
0x99f: {  	[sflag:s0] =	ssyncadd.tile.s32 @!p0 $0x1;
	_ =	shalt  }
.Lfunc_end2:
_tile_overlayer_lowered:
.L_overlay_start_2:
0x9a0: {  	(tag) =	ssettag $0x2  }
0x9a1: {  	s0 =	rddreg [dreg:$0x0];
	s2 =	stileid.u32  }
0x9a2: {  	s1 =	rddreg [dreg:$0x1];
	p0 =	sne.s32 s2, $0x0  }
0x9a3: {  	s3 =	rddreg [dreg:$0x2];
	[bflag:$0x3] =	sbarrier.arrive $0xFFFF;
	s2 =	simm.s32 @!p0 $0x1C03  }
0x9a4: {  	[timem:s3], [sflag:s2] =	dma.local @!p0 [hbm:s0], s1  }
0x9a5: {  	s0 =	simm.s32 @!p0 $0x3  }
0x9a6: {  	_ =	swait.ge @!p0 [sflag:s0], s1  }
0x9a7: {  	s1 =	ssub.s32 @!p0 $0x0, s1;
	[sflag:s0] =	ssyncset.done @!p0 $0x0  }
0x9a8: {  	[sflag:s0] =	ssyncadd.s32 @!p0 s1  }
0x9a9: {  	[bflag:$0x3] =	sbarrier.arrive $0xFFFF  }
0x9aa: {  	_ =	shalt  }

</sc_bundles>
